<compile_context>
chip_gen: v7x
topology: tpu7x:2x2x1
jax: 0.10.2.dev20260603
libtpu: 0.0.44.dev20260713+nightly
codegen_flags: <defaults>
</compile_context>

<pallas_src>
import functools

import jax
import jax.numpy as jnp
from jax import lax
from jax.experimental import pallas as pl
from jax.experimental.pallas import tpu as pltpu
from jax.experimental.pallas import tpu_sc as plsc

NUM_WINDOWS = 320
L = 16
NC, NS = 2, 16
NWORK = NC * NS
GROUP = 128


def _worker_id():
    return lax.axis_index("s") * NC + lax.axis_index("c")


def _rank_body(n, chunk, ids_hbm, destloc_hbm, hist_hbm, ids_v, destloc_v,
               counter_v):
    wid = _worker_id()
    base = wid * chunk
    pltpu.sync_copy(ids_hbm.at[pl.ds(base, chunk)], ids_v)

    iota = lax.iota(jnp.int32, L)
    zeros = jnp.zeros((L,), jnp.int32)

    def zinit(i, _):
        counter_v[pl.ds(i * L, L)] = zeros
        return 0

    lax.fori_loop(0, NUM_WINDOWS // L, zinit, 0)

    def body(j, _):
        jb = j * L
        ids = ids_v[pl.ds(jb, L)]
        rank = jnp.zeros((L,), jnp.int32)
        fwd = jnp.zeros((L,), jnp.int32)
        for k in range(1, L):
            mb = iota >= k
            prev = plsc.load_gather(ids_v, [jnp.maximum(jb + iota - k, 0)])
            rank = rank + jnp.where(mb & (prev == ids), 1, 0)
            mf = iota < L - k
            nxt = plsc.load_gather(
                ids_v, [jnp.minimum(jb + iota + k, chunk - 1)])
            fwd = fwd + jnp.where(mf & (nxt == ids), 1, 0)
        old = plsc.load_gather(counter_v, [ids])
        destloc_v[pl.ds(jb, L)] = old + rank
        plsc.store_scatter(counter_v, [ids], old + rank + 1, mask=fwd == 0)
        return 0

    lax.fori_loop(0, chunk // L, body, 0)
    pltpu.sync_copy(destloc_v, destloc_hbm.at[pl.ds(base, chunk)])
    pltpu.sync_copy(counter_v, hist_hbm.at[pl.ds(wid * NUM_WINDOWS,
                                                 NUM_WINDOWS)])


def _permute_body(n, chunk, ws, ids_hbm, destloc_hbm, hist_hbm, x_hbm,
                  idx_out_hbm, rows_out_hbm, ids_v, destloc_v, hist_v,
                  basewin_v, dest2d_v, pos_v, row_buf0, row_buf1, lsem0,
                  lsem1, ssem0, ssem1):
    wid = _worker_id()
    base = wid * chunk
    ngc = chunk // GROUP
    pltpu.sync_copy(ids_hbm.at[pl.ds(base, chunk)], ids_v)
    pltpu.sync_copy(destloc_hbm.at[pl.ds(base, chunk)], destloc_v)
    pltpu.sync_copy(hist_hbm, hist_v)

    iota = lax.iota(jnp.int32, L)

    def wbody(v, _):
        acc = (v * L + iota) * ws

        def cbody(c, acc):
            h = hist_v[pl.ds(c * NUM_WINDOWS + v * L, L)]
            return acc + jnp.where(c < wid, h, 0)

        acc = lax.fori_loop(0, NWORK, cbody, acc)
        basewin_v[pl.ds(v * L, L)] = acc
        return 0

    lax.fori_loop(0, NUM_WINDOWS // L, wbody, 0)

    def dbody(j, _):
        jb = j * L
        ids = ids_v[pl.ds(jb, L)]
        dl = destloc_v[pl.ds(jb, L)]
        dest = plsc.load_gather(basewin_v, [ids]) + dl
        row = j // (GROUP // L)
        col = (j % (GROUP // L)) * L + iota
        rowv = jnp.full((L,), 0, jnp.int32) + row
        plsc.store_scatter(dest2d_v, [rowv, col], dest)
        plsc.store_scatter(dest2d_v, [rowv + ngc, col], dest + n)
        pos_v[pl.ds(jb, L)] = base + jb + iota
        return 0

    lax.fori_loop(0, chunk // L, dbody, 0)

    def ibody(g, _):
        pltpu.sync_copy(pos_v.at[pl.ds(g * GROUP, GROUP)],
                        idx_out_hbm.at[dest2d_v.at[g]])
        return 0

    lax.fori_loop(0, ngc, ibody, 0)

    bufs = (row_buf0, row_buf1)
    lsems = (lsem0, lsem1)
    ssems = (ssem0, ssem1)
    store_descs = [None, None]
    for t in range(2 * ngc):
        buf = t % 2
        b, g = divmod(t, ngc)
        if store_descs[buf] is not None:
            store_descs[buf].wait()
        pltpu.async_copy(
            x_hbm.at[b, pl.ds(base + g * GROUP, GROUP)], bufs[buf],
            lsems[buf]).wait()
        store_descs[buf] = pltpu.async_copy(
            bufs[buf], rows_out_hbm.at[dest2d_v.at[t]], ssems[buf])
    store_descs[0].wait()
    store_descs[1].wait()


def kernel(x, window_ids):
    b, n, c = x.shape
    ws = n // NUM_WINDOWS
    chunk = n // NWORK
    mesh = plsc.VectorSubcoreMesh(core_axis_name="c", subcore_axis_name="s")

    params = pltpu.CompilerParams(needs_layout_passes=False,
                                  use_tc_tiling_on_sc=False)
    rank_call = pl.kernel(
        functools.partial(_rank_body, n, chunk),
        out_type=(
            jax.ShapeDtypeStruct((n,), jnp.int32),
            jax.ShapeDtypeStruct((NWORK * NUM_WINDOWS,), jnp.int32),
        ),
        mesh=mesh,
        compiler_params=params,
        scratch_types=[
            pltpu.VMEM((chunk,), jnp.int32),
            pltpu.VMEM((chunk,), jnp.int32),
            pltpu.VMEM((NUM_WINDOWS,), jnp.int32),
        ],
    )
    destloc, hist = rank_call(window_ids)

    ngc = chunk // GROUP
    permute_call = pl.kernel(
        functools.partial(_permute_body, n, chunk, ws),
        out_type=(
            jax.ShapeDtypeStruct((n,), jnp.int32),
            jax.ShapeDtypeStruct((b * n, c), jnp.float32),
        ),
        mesh=mesh,
        compiler_params=params,
        scratch_types=[
            pltpu.VMEM((chunk,), jnp.int32),
            pltpu.VMEM((chunk,), jnp.int32),
            pltpu.VMEM((NWORK * NUM_WINDOWS,), jnp.int32),
            pltpu.VMEM((NUM_WINDOWS,), jnp.int32),
            pltpu.VMEM((2 * ngc, GROUP), jnp.int32),
            pltpu.VMEM((chunk,), jnp.int32),
            pltpu.VMEM((GROUP, c), jnp.float32),
            pltpu.VMEM((GROUP, c), jnp.float32),
            pltpu.SemaphoreType.DMA,
            pltpu.SemaphoreType.DMA,
            pltpu.SemaphoreType.DMA,
            pltpu.SemaphoreType.DMA,
        ],
    )
    indices, out_flat = permute_call(window_ids, destloc, hist, x)

    windows = out_flat.reshape(b * NUM_WINDOWS, ws, c)
    return (windows, jnp.asarray(NUM_WINDOWS, jnp.int32), indices)

# --- scband reference (transcript-rebuilt; emitter-appended) ---
"""Pipeline reference for scband-geodesic-window-partition-627065225600 (READ-ONLY COPY).

The authoritative reference and input builder live on the scoring server;
editing this copy changes nothing except your own understanding.
"""

import jax, jax.numpy as jnp
import numpy as np

HIGH_ORDER = 6
WINDOW_ORDER = 2
N = 20 * (4 ** HIGH_ORDER)          # 81920 icosphere faces at order 6
NUM_WINDOWS = 20 * (4 ** WINDOW_ORDER)  # 320 windows at order 2
B = 2
C = 192


def _get_mapping():
    # Deterministic stand-in for ico.get_mapping(high_order, window_order):
    # assigns each of the N fine faces to one of NUM_WINDOWS coarse faces,
    # with exactly N // NUM_WINDOWS faces per window, in scrambled order.
    rng = np.random.default_rng(0)
    mapping = np.repeat(np.arange(NUM_WINDOWS), N // NUM_WINDOWS)
    rng.shuffle(mapping)
    return mapping


def setup_inputs(seed: int = 0) -> dict:
    key = jax.random.key(seed)
    x = jax.random.normal(key, (B, N, C), dtype=jnp.float32)
    window_ids = jnp.asarray(_get_mapping(), dtype=jnp.int32)  # registered buffer
    return {"x": x, "window_ids": window_ids}


def reference(x, window_ids):
    Bb, Nn, Cc = x.shape
    num_windows = NUM_WINDOWS
    indices = jnp.argsort(window_ids)
    x_grouped = jnp.take(x, indices, axis=1)
    window_size = Nn // num_windows
    windows = x_grouped.reshape(Bb * num_windows, window_size, Cc)
    return (windows, jnp.asarray(num_windows, dtype=jnp.int32), indices)

if __name__ == "__main__":
    import jax
    _d = setup_inputs()
    print(jax.jit(kernel)(*tuple(_d.values())))

</pallas_src>

<mosaic_0001>
#map = affine_map<(d0, d1) -> (0)>
module attributes {stable_mosaic.version = 14 : i64} {
  func.func @_rank_body(%arg0: i32, %arg1: i32, %arg2: memref<81920xi32, #tpu.memory_space<hbm>>, %arg3: memref<81920xi32, #tpu.memory_space<hbm>>, %arg4: memref<10240xi32, #tpu.memory_space<hbm>>, %arg5: memref<2560xi32, #tpu.memory_space<vmem>>, %arg6: memref<2560xi32, #tpu.memory_space<vmem>>, %arg7: memref<320xi32, #tpu.memory_space<vmem>>) attributes {dimension_semantics = [#tpu.dimension_semantics<core_parallel>, #tpu.dimension_semantics<subcore_parallel>], iteration_bounds = array<i64: 2, 16>, scalar_prefetch = 0 : i64, scratch_operands = 3 : i64, tpu.core_type = #tpu.core_type<sc_vector_subcore>, window_params = [{transform_indices = #map}, {transform_indices = #map}, {transform_indices = #map}]} {
    %mul3A = arith.constant 2 : i32
    %mul3A_0 = arith.muli %arg1, %mul3A : i32
    %add3A = arith.addi %mul3A_0, %arg0 : i32
    %mul3A_1 = arith.constant 2560 : i32
    %mul3A_2 = arith.muli %add3A, %mul3A_1 : i32
    "tpu.region"() ({
      %run_scoped3A = tpu.sem_alloc : memref<!tpu.dma_semaphore, #tpu.memory_space<semaphore_mem>>
      %dma_start3A = tpu.memref_slice %arg2[%mul3A_2] : memref<81920xi32, #tpu.memory_space<hbm>> -> memref<2560xi32, #tpu.memory_space<hbm>>
      %dma_start3A_19 = tpu.memref_slice %arg2[%mul3A_2] : memref<81920xi32, #tpu.memory_space<hbm>> -> memref<2560xi32, #tpu.memory_space<hbm>>
      tpu.enqueue_dma source(%dma_start3A_19 : memref<2560xi32, #tpu.memory_space<hbm>>) target(%arg5 : memref<2560xi32, #tpu.memory_space<vmem>>) target_semaphore(%run_scoped3A : memref<!tpu.dma_semaphore, #tpu.memory_space<semaphore_mem>>)
      %dma_wait3A = tpu.memref_slice %arg2[%mul3A_2] : memref<81920xi32, #tpu.memory_space<hbm>> -> memref<2560xi32, #tpu.memory_space<hbm>>
      %dma_wait3A_20 = tpu.memref_slice %arg2[%mul3A_2] : memref<81920xi32, #tpu.memory_space<hbm>> -> memref<2560xi32, #tpu.memory_space<hbm>>
      tpu.wait_dma2 semaphore(%run_scoped3A : memref<!tpu.dma_semaphore, #tpu.memory_space<semaphore_mem>>) src(%dma_wait3A_20 : memref<2560xi32, #tpu.memory_space<hbm>>) dst(%arg5 : memref<2560xi32, #tpu.memory_space<vmem>>)
      tpu.yield
    }) : () -> ()
    %iota3A = tpu.iota {dimensions = array<i32: 0>} : vector<16xi32>
    %broadcast_in_dim3A = arith.constant 0 : i32
    %broadcast_in_dim3A_3 = vector.broadcast %broadcast_in_dim3A : i32 to vector<16xi32>
    %scan3A = arith.constant 0 : i32
    %scan3A_4 = arith.constant 0 : i32
    %scan3A_5 = arith.constant 20 : i32
    %scan3A_6 = arith.addi %scan3A_4, %scan3A_5 : i32
    %scan3A_7 = arith.constant 1 : i32
    %scan3A_8 = scf.for %scan3A_19 = %scan3A_4 to %scan3A_6 step %scan3A_7 iter_args(%scan3A_20 = %scan3A) -> (i32)  : i32 {
      %mul3A_21 = arith.constant 16 : i32
      %mul3A_22 = arith.muli %scan3A_19, %mul3A_21 : i32
      %swap3A = arith.index_cast %mul3A_22 : i32 to index
      %swap3A_23 = tpu.vector_load %arg7[%swap3A] {strides = array<i32>} : memref<320xi32, #tpu.memory_space<vmem>>, vector<16xi32>,
      tpu.vector_store %arg7[%swap3A], %broadcast_in_dim3A_3 {strides = array<i32>} : memref<320xi32, #tpu.memory_space<vmem>>, vector<16xi32>,
      %scan3A_24 = arith.constant 0 : i32
      scf.yield %scan3A_24 : i32
    }
    %scan3A_9 = arith.constant 20 : i32
    %scan3A_10 = arith.constant 0 : i32
    %scan3A_11 = arith.constant 0 : i32
    %scan3A_12 = arith.constant 160 : i32
    %scan3A_13 = arith.addi %scan3A_11, %scan3A_12 : i32
    %scan3A_14 = arith.constant 1 : i32
    %scan3A_15 = scf.for %scan3A_19 = %scan3A_11 to %scan3A_13 step %scan3A_14 iter_args(%scan3A_20 = %scan3A_10) -> (i32)  : i32 {
      %mul3A_21 = arith.constant 16 : i32
      %mul3A_22 = arith.muli %scan3A_19, %mul3A_21 : i32
      %get3A = arith.index_cast %mul3A_22 : i32 to index
      %get3A_23 = tpu.vector_load %arg5[%get3A] {strides = array<i32>} : memref<2560xi32, #tpu.memory_space<vmem>>, vector<16xi32>,
      %broadcast_in_dim3A_24 = arith.constant 0 : i32
      %broadcast_in_dim3A_25 = vector.broadcast %broadcast_in_dim3A_24 : i32 to vector<16xi32>
      %broadcast_in_dim3A_26 = arith.constant 0 : i32
      %broadcast_in_dim3A_27 = vector.broadcast %broadcast_in_dim3A_26 : i32 to vector<16xi32>
      %ge3A = arith.constant 1 : i32
      %ge3A_28 = vector.broadcast %ge3A : i32 to vector<16xi32>
      %ge3A_29 = arith.cmpi sge, %iota3A, %ge3A_28 : vector<16xi32>
      %add3A_30 = vector.broadcast %mul3A_22 : i32 to vector<16xi32>
      %add3A_31 = arith.addi %add3A_30, %iota3A : vector<16xi32>
      %sub3A = arith.constant 1 : i32
      %sub3A_32 = vector.broadcast %sub3A : i32 to vector<16xi32>
      %sub3A_33 = arith.subi %add3A_31, %sub3A_32 : vector<16xi32>
      %max3A = arith.constant 0 : i32
      %max3A_34 = vector.broadcast %max3A : i32 to vector<16xi32>
      %max3A_35 = arith.maxsi %sub3A_33, %max3A_34 : vector<16xi32>
      %gather3A = tpu.vector_load_idx %arg5[%max3A_35] : memref<2560xi32, #tpu.memory_space<vmem>>[vector<16xi32>], vector<16xi32>,
      %eq3A = arith.cmpi eq, %gather3A, %get3A_23 : vector<16xi32>
      %and3A = arith.andi %ge3A_29, %eq3A : vector<16xi1>
      %jit3A = arith.constant 1 : i32
      %jit3A_36 = arith.constant 0 : i32
      %broadcast_in_dim3A_37 = vector.broadcast %jit3A : i32 to vector<16xi32>
      %broadcast_in_dim3A_38 = vector.broadcast %jit3A_36 : i32 to vector<16xi32>
      %select_n3A = arith.select %and3A, %broadcast_in_dim3A_37, %broadcast_in_dim3A_38 : vector<16xi1>, vector<16xi32>
      %add3A_39 = arith.addi %broadcast_in_dim3A_25, %select_n3A : vector<16xi32>
      %lt3A = arith.constant 15 : i32
      %lt3A_40 = vector.broadcast %lt3A : i32 to vector<16xi32>
      %lt3A_41 = arith.cmpi slt, %iota3A, %lt3A_40 : vector<16xi32>
      %add3A_42 = vector.broadcast %mul3A_22 : i32 to vector<16xi32>
      %add3A_43 = arith.addi %add3A_42, %iota3A : vector<16xi32>
      %add3A_44 = arith.constant 1 : i32
      %add3A_45 = vector.broadcast %add3A_44 : i32 to vector<16xi32>
      %add3A_46 = arith.addi %add3A_43, %add3A_45 : vector<16xi32>
      %min3A = arith.constant 2559 : i32
      %min3A_47 = vector.broadcast %min3A : i32 to vector<16xi32>
      %min3A_48 = arith.minsi %add3A_46, %min3A_47 : vector<16xi32>
      %gather3A_49 = tpu.vector_load_idx %arg5[%min3A_48] : memref<2560xi32, #tpu.memory_space<vmem>>[vector<16xi32>], vector<16xi32>,
      %eq3A_50 = arith.cmpi eq, %gather3A_49, %get3A_23 : vector<16xi32>
      %and3A_51 = arith.andi %lt3A_41, %eq3A_50 : vector<16xi1>
      %jit3A_52 = arith.constant 1 : i32
      %jit3A_53 = arith.constant 0 : i32
      %broadcast_in_dim3A_54 = vector.broadcast %jit3A_52 : i32 to vector<16xi32>
      %broadcast_in_dim3A_55 = vector.broadcast %jit3A_53 : i32 to vector<16xi32>
      %select_n3A_56 = arith.select %and3A_51, %broadcast_in_dim3A_54, %broadcast_in_dim3A_55 : vector<16xi1>, vector<16xi32>
      %add3A_57 = arith.addi %broadcast_in_dim3A_27, %select_n3A_56 : vector<16xi32>
      %ge3A_58 = arith.constant 2 : i32
      %ge3A_59 = vector.broadcast %ge3A_58 : i32 to vector<16xi32>
      %ge3A_60 = arith.cmpi sge, %iota3A, %ge3A_59 : vector<16xi32>
      %add3A_61 = vector.broadcast %mul3A_22 : i32 to vector<16xi32>
      %add3A_62 = arith.addi %add3A_61, %iota3A : vector<16xi32>
      %sub3A_63 = arith.constant 2 : i32
      %sub3A_64 = vector.broadcast %sub3A_63 : i32 to vector<16xi32>
      %sub3A_65 = arith.subi %add3A_62, %sub3A_64 : vector<16xi32>
      %max3A_66 = arith.constant 0 : i32
      %max3A_67 = vector.broadcast %max3A_66 : i32 to vector<16xi32>
      %max3A_68 = arith.maxsi %sub3A_65, %max3A_67 : vector<16xi32>
      %gather3A_69 = tpu.vector_load_idx %arg5[%max3A_68] : memref<2560xi32, #tpu.memory_space<vmem>>[vector<16xi32>], vector<16xi32>,
      %eq3A_70 = arith.cmpi eq, %gather3A_69, %get3A_23 : vector<16xi32>
      %and3A_71 = arith.andi %ge3A_60, %eq3A_70 : vector<16xi1>
      %jit3A_72 = arith.constant 1 : i32
      %jit3A_73 = arith.constant 0 : i32
      %broadcast_in_dim3A_74 = vector.broadcast %jit3A_72 : i32 to vector<16xi32>
      %broadcast_in_dim3A_75 = vector.broadcast %jit3A_73 : i32 to vector<16xi32>
      %select_n3A_76 = arith.select %and3A_71, %broadcast_in_dim3A_74, %broadcast_in_dim3A_75 : vector<16xi1>, vector<16xi32>
      %add3A_77 = arith.addi %add3A_39, %select_n3A_76 : vector<16xi32>
      %lt3A_78 = arith.constant 14 : i32
      %lt3A_79 = vector.broadcast %lt3A_78 : i32 to vector<16xi32>
      %lt3A_80 = arith.cmpi slt, %iota3A, %lt3A_79 : vector<16xi32>
      %add3A_81 = vector.broadcast %mul3A_22 : i32 to vector<16xi32>
      %add3A_82 = arith.addi %add3A_81, %iota3A : vector<16xi32>
      %add3A_83 = arith.constant 2 : i32
      %add3A_84 = vector.broadcast %add3A_83 : i32 to vector<16xi32>
      %add3A_85 = arith.addi %add3A_82, %add3A_84 : vector<16xi32>
      %min3A_86 = arith.constant 2559 : i32
      %min3A_87 = vector.broadcast %min3A_86 : i32 to vector<16xi32>
      %min3A_88 = arith.minsi %add3A_85, %min3A_87 : vector<16xi32>
      %gather3A_89 = tpu.vector_load_idx %arg5[%min3A_88] : memref<2560xi32, #tpu.memory_space<vmem>>[vector<16xi32>], vector<16xi32>,
      %eq3A_90 = arith.cmpi eq, %gather3A_89, %get3A_23 : vector<16xi32>
      %and3A_91 = arith.andi %lt3A_80, %eq3A_90 : vector<16xi1>
      %jit3A_92 = arith.constant 1 : i32
      %jit3A_93 = arith.constant 0 : i32
      %broadcast_in_dim3A_94 = vector.broadcast %jit3A_92 : i32 to vector<16xi32>
      %broadcast_in_dim3A_95 = vector.broadcast %jit3A_93 : i32 to vector<16xi32>
      %select_n3A_96 = arith.select %and3A_91, %broadcast_in_dim3A_94, %broadcast_in_dim3A_95 : vector<16xi1>, vector<16xi32>
      %add3A_97 = arith.addi %add3A_57, %select_n3A_96 : vector<16xi32>
      %ge3A_98 = arith.constant 3 : i32
      %ge3A_99 = vector.broadcast %ge3A_98 : i32 to vector<16xi32>
      %ge3A_100 = arith.cmpi sge, %iota3A, %ge3A_99 : vector<16xi32>
      %add3A_101 = vector.broadcast %mul3A_22 : i32 to vector<16xi32>
      %add3A_102 = arith.addi %add3A_101, %iota3A : vector<16xi32>
      %sub3A_103 = arith.constant 3 : i32
      %sub3A_104 = vector.broadcast %sub3A_103 : i32 to vector<16xi32>
      %sub3A_105 = arith.subi %add3A_102, %sub3A_104 : vector<16xi32>
      %max3A_106 = arith.constant 0 : i32
      %max3A_107 = vector.broadcast %max3A_106 : i32 to vector<16xi32>
      %max3A_108 = arith.maxsi %sub3A_105, %max3A_107 : vector<16xi32>
      %gather3A_109 = tpu.vector_load_idx %arg5[%max3A_108] : memref<2560xi32, #tpu.memory_space<vmem>>[vector<16xi32>], vector<16xi32>,
      %eq3A_110 = arith.cmpi eq, %gather3A_109, %get3A_23 : vector<16xi32>
      %and3A_111 = arith.andi %ge3A_100, %eq3A_110 : vector<16xi1>
      %jit3A_112 = arith.constant 1 : i32
      %jit3A_113 = arith.constant 0 : i32
      %broadcast_in_dim3A_114 = vector.broadcast %jit3A_112 : i32 to vector<16xi32>
      %broadcast_in_dim3A_115 = vector.broadcast %jit3A_113 : i32 to vector<16xi32>
      %select_n3A_116 = arith.select %and3A_111, %broadcast_in_dim3A_114, %broadcast_in_dim3A_115 : vector<16xi1>, vector<16xi32>
      %add3A_117 = arith.addi %add3A_77, %select_n3A_116 : vector<16xi32>
      %lt3A_118 = arith.constant 13 : i32
      %lt3A_119 = vector.broadcast %lt3A_118 : i32 to vector<16xi32>
      %lt3A_120 = arith.cmpi slt, %iota3A, %lt3A_119 : vector<16xi32>
      %add3A_121 = vector.broadcast %mul3A_22 : i32 to vector<16xi32>
      %add3A_122 = arith.addi %add3A_121, %iota3A : vector<16xi32>
      %add3A_123 = arith.constant 3 : i32
      %add3A_124 = vector.broadcast %add3A_123 : i32 to vector<16xi32>
      %add3A_125 = arith.addi %add3A_122, %add3A_124 : vector<16xi32>
      %min3A_126 = arith.constant 2559 : i32
      %min3A_127 = vector.broadcast %min3A_126 : i32 to vector<16xi32>
      %min3A_128 = arith.minsi %add3A_125, %min3A_127 : vector<16xi32>
      %gather3A_129 = tpu.vector_load_idx %arg5[%min3A_128] : memref<2560xi32, #tpu.memory_space<vmem>>[vector<16xi32>], vector<16xi32>,
      %eq3A_130 = arith.cmpi eq, %gather3A_129, %get3A_23 : vector<16xi32>
      %and3A_131 = arith.andi %lt3A_120, %eq3A_130 : vector<16xi1>
      %jit3A_132 = arith.constant 1 : i32
      %jit3A_133 = arith.constant 0 : i32
      %broadcast_in_dim3A_134 = vector.broadcast %jit3A_132 : i32 to vector<16xi32>
      %broadcast_in_dim3A_135 = vector.broadcast %jit3A_133 : i32 to vector<16xi32>
      %select_n3A_136 = arith.select %and3A_131, %broadcast_in_dim3A_134, %broadcast_in_dim3A_135 : vector<16xi1>, vector<16xi32>
      %add3A_137 = arith.addi %add3A_97, %select_n3A_136 : vector<16xi32>
      %ge3A_138 = arith.constant 4 : i32
      %ge3A_139 = vector.broadcast %ge3A_138 : i32 to vector<16xi32>
      %ge3A_140 = arith.cmpi sge, %iota3A, %ge3A_139 : vector<16xi32>
      %add3A_141 = vector.broadcast %mul3A_22 : i32 to vector<16xi32>
      %add3A_142 = arith.addi %add3A_141, %iota3A : vector<16xi32>
      %sub3A_143 = arith.constant 4 : i32
      %sub3A_144 = vector.broadcast %sub3A_143 : i32 to vector<16xi32>
      %sub3A_145 = arith.subi %add3A_142, %sub3A_144 : vector<16xi32>
      %max3A_146 = arith.constant 0 : i32
      %max3A_147 = vector.broadcast %max3A_146 : i32 to vector<16xi32>
      %max3A_148 = arith.maxsi %sub3A_145, %max3A_147 : vector<16xi32>
      %gather3A_149 = tpu.vector_load_idx %arg5[%max3A_148] : memref<2560xi32, #tpu.memory_space<vmem>>[vector<16xi32>], vector<16xi32>,
      %eq3A_150 = arith.cmpi eq, %gather3A_149, %get3A_23 : vector<16xi32>
      %and3A_151 = arith.andi %ge3A_140, %eq3A_150 : vector<16xi1>
      %jit3A_152 = arith.constant 1 : i32
      %jit3A_153 = arith.constant 0 : i32
      %broadcast_in_dim3A_154 = vector.broadcast %jit3A_152 : i32 to vector<16xi32>
      %broadcast_in_dim3A_155 = vector.broadcast %jit3A_153 : i32 to vector<16xi32>
      %select_n3A_156 = arith.select %and3A_151, %broadcast_in_dim3A_154, %broadcast_in_dim3A_155 : vector<16xi1>, vector<16xi32>
      %add3A_157 = arith.addi %add3A_117, %select_n3A_156 : vector<16xi32>
      %lt3A_158 = arith.constant 12 : i32
      %lt3A_159 = vector.broadcast %lt3A_158 : i32 to vector<16xi32>
      %lt3A_160 = arith.cmpi slt, %iota3A, %lt3A_159 : vector<16xi32>
      %add3A_161 = vector.broadcast %mul3A_22 : i32 to vector<16xi32>
      %add3A_162 = arith.addi %add3A_161, %iota3A : vector<16xi32>
      %add3A_163 = arith.constant 4 : i32
      %add3A_164 = vector.broadcast %add3A_163 : i32 to vector<16xi32>
      %add3A_165 = arith.addi %add3A_162, %add3A_164 : vector<16xi32>
      %min3A_166 = arith.constant 2559 : i32
      %min3A_167 = vector.broadcast %min3A_166 : i32 to vector<16xi32>
      %min3A_168 = arith.minsi %add3A_165, %min3A_167 : vector<16xi32>
      %gather3A_169 = tpu.vector_load_idx %arg5[%min3A_168] : memref<2560xi32, #tpu.memory_space<vmem>>[vector<16xi32>], vector<16xi32>,
      %eq3A_170 = arith.cmpi eq, %gather3A_169, %get3A_23 : vector<16xi32>
      %and3A_171 = arith.andi %lt3A_160, %eq3A_170 : vector<16xi1>
      %jit3A_172 = arith.constant 1 : i32
      %jit3A_173 = arith.constant 0 : i32
      %broadcast_in_dim3A_174 = vector.broadcast %jit3A_172 : i32 to vector<16xi32>
      %broadcast_in_dim3A_175 = vector.broadcast %jit3A_173 : i32 to vector<16xi32>
      %select_n3A_176 = arith.select %and3A_171, %broadcast_in_dim3A_174, %broadcast_in_dim3A_175 : vector<16xi1>, vector<16xi32>
      %add3A_177 = arith.addi %add3A_137, %select_n3A_176 : vector<16xi32>
      %ge3A_178 = arith.constant 5 : i32
      %ge3A_179 = vector.broadcast %ge3A_178 : i32 to vector<16xi32>
      %ge3A_180 = arith.cmpi sge, %iota3A, %ge3A_179 : vector<16xi32>
      %add3A_181 = vector.broadcast %mul3A_22 : i32 to vector<16xi32>
      %add3A_182 = arith.addi %add3A_181, %iota3A : vector<16xi32>
      %sub3A_183 = arith.constant 5 : i32
      %sub3A_184 = vector.broadcast %sub3A_183 : i32 to vector<16xi32>
      %sub3A_185 = arith.subi %add3A_182, %sub3A_184 : vector<16xi32>
      %max3A_186 = arith.constant 0 : i32
      %max3A_187 = vector.broadcast %max3A_186 : i32 to vector<16xi32>
      %max3A_188 = arith.maxsi %sub3A_185, %max3A_187 : vector<16xi32>
      %gather3A_189 = tpu.vector_load_idx %arg5[%max3A_188] : memref<2560xi32, #tpu.memory_space<vmem>>[vector<16xi32>], vector<16xi32>,
      %eq3A_190 = arith.cmpi eq, %gather3A_189, %get3A_23 : vector<16xi32>
      %and3A_191 = arith.andi %ge3A_180, %eq3A_190 : vector<16xi1>
      %jit3A_192 = arith.constant 1 : i32
      %jit3A_193 = arith.constant 0 : i32
      %broadcast_in_dim3A_194 = vector.broadcast %jit3A_192 : i32 to vector<16xi32>
      %broadcast_in_dim3A_195 = vector.broadcast %jit3A_193 : i32 to vector<16xi32>
      %select_n3A_196 = arith.select %and3A_191, %broadcast_in_dim3A_194, %broadcast_in_dim3A_195 : vector<16xi1>, vector<16xi32>
      %add3A_197 = arith.addi %add3A_157, %select_n3A_196 : vector<16xi32>
      %lt3A_198 = arith.constant 11 : i32
      %lt3A_199 = vector.broadcast %lt3A_198 : i32 to vector<16xi32>
      %lt3A_200 = arith.cmpi slt, %iota3A, %lt3A_199 : vector<16xi32>
      %add3A_201 = vector.broadcast %mul3A_22 : i32 to vector<16xi32>
      %add3A_202 = arith.addi %add3A_201, %iota3A : vector<16xi32>
      %add3A_203 = arith.constant 5 : i32
      %add3A_204 = vector.broadcast %add3A_203 : i32 to vector<16xi32>
      %add3A_205 = arith.addi %add3A_202, %add3A_204 : vector<16xi32>
      %min3A_206 = arith.constant 2559 : i32
      %min3A_207 = vector.broadcast %min3A_206 : i32 to vector<16xi32>
      %min3A_208 = arith.minsi %add3A_205, %min3A_207 : vector<16xi32>
      %gather3A_209 = tpu.vector_load_idx %arg5[%min3A_208] : memref<2560xi32, #tpu.memory_space<vmem>>[vector<16xi32>], vector<16xi32>,
      %eq3A_210 = arith.cmpi eq, %gather3A_209, %get3A_23 : vector<16xi32>
      %and3A_211 = arith.andi %lt3A_200, %eq3A_210 : vector<16xi1>
      %jit3A_212 = arith.constant 1 : i32
      %jit3A_213 = arith.constant 0 : i32
      %broadcast_in_dim3A_214 = vector.broadcast %jit3A_212 : i32 to vector<16xi32>
      %broadcast_in_dim3A_215 = vector.broadcast %jit3A_213 : i32 to vector<16xi32>
      %select_n3A_216 = arith.select %and3A_211, %broadcast_in_dim3A_214, %broadcast_in_dim3A_215 : vector<16xi1>, vector<16xi32>
      %add3A_217 = arith.addi %add3A_177, %select_n3A_216 : vector<16xi32>
      %ge3A_218 = arith.constant 6 : i32
      %ge3A_219 = vector.broadcast %ge3A_218 : i32 to vector<16xi32>
      %ge3A_220 = arith.cmpi sge, %iota3A, %ge3A_219 : vector<16xi32>
      %add3A_221 = vector.broadcast %mul3A_22 : i32 to vector<16xi32>
      %add3A_222 = arith.addi %add3A_221, %iota3A : vector<16xi32>
      %sub3A_223 = arith.constant 6 : i32
      %sub3A_224 = vector.broadcast %sub3A_223 : i32 to vector<16xi32>
      %sub3A_225 = arith.subi %add3A_222, %sub3A_224 : vector<16xi32>
      %max3A_226 = arith.constant 0 : i32
      %max3A_227 = vector.broadcast %max3A_226 : i32 to vector<16xi32>
      %max3A_228 = arith.maxsi %sub3A_225, %max3A_227 : vector<16xi32>
      %gather3A_229 = tpu.vector_load_idx %arg5[%max3A_228] : memref<2560xi32, #tpu.memory_space<vmem>>[vector<16xi32>], vector<16xi32>,
      %eq3A_230 = arith.cmpi eq, %gather3A_229, %get3A_23 : vector<16xi32>
      %and3A_231 = arith.andi %ge3A_220, %eq3A_230 : vector<16xi1>
      %jit3A_232 = arith.constant 1 : i32
      %jit3A_233 = arith.constant 0 : i32
      %broadcast_in_dim3A_234 = vector.broadcast %jit3A_232 : i32 to vector<16xi32>
      %broadcast_in_dim3A_235 = vector.broadcast %jit3A_233 : i32 to vector<16xi32>
      %select_n3A_236 = arith.select %and3A_231, %broadcast_in_dim3A_234, %broadcast_in_dim3A_235 : vector<16xi1>, vector<16xi32>
      %add3A_237 = arith.addi %add3A_197, %select_n3A_236 : vector<16xi32>
      %lt3A_238 = arith.constant 10 : i32
      %lt3A_239 = vector.broadcast %lt3A_238 : i32 to vector<16xi32>
      %lt3A_240 = arith.cmpi slt, %iota3A, %lt3A_239 : vector<16xi32>
      %add3A_241 = vector.broadcast %mul3A_22 : i32 to vector<16xi32>
      %add3A_242 = arith.addi %add3A_241, %iota3A : vector<16xi32>
      %add3A_243 = arith.constant 6 : i32
      %add3A_244 = vector.broadcast %add3A_243 : i32 to vector<16xi32>
      %add3A_245 = arith.addi %add3A_242, %add3A_244 : vector<16xi32>
      %min3A_246 = arith.constant 2559 : i32
      %min3A_247 = vector.broadcast %min3A_246 : i32 to vector<16xi32>
      %min3A_248 = arith.minsi %add3A_245, %min3A_247 : vector<16xi32>
      %gather3A_249 = tpu.vector_load_idx %arg5[%min3A_248] : memref<2560xi32, #tpu.memory_space<vmem>>[vector<16xi32>], vector<16xi32>,
      %eq3A_250 = arith.cmpi eq, %gather3A_249, %get3A_23 : vector<16xi32>
      %and3A_251 = arith.andi %lt3A_240, %eq3A_250 : vector<16xi1>
      %jit3A_252 = arith.constant 1 : i32
      %jit3A_253 = arith.constant 0 : i32
      %broadcast_in_dim3A_254 = vector.broadcast %jit3A_252 : i32 to vector<16xi32>
      %broadcast_in_dim3A_255 = vector.broadcast %jit3A_253 : i32 to vector<16xi32>
      %select_n3A_256 = arith.select %and3A_251, %broadcast_in_dim3A_254, %broadcast_in_dim3A_255 : vector<16xi1>, vector<16xi32>
      %add3A_257 = arith.addi %add3A_217, %select_n3A_256 : vector<16xi32>
      %ge3A_258 = arith.constant 7 : i32
      %ge3A_259 = vector.broadcast %ge3A_258 : i32 to vector<16xi32>
      %ge3A_260 = arith.cmpi sge, %iota3A, %ge3A_259 : vector<16xi32>
      %add3A_261 = vector.broadcast %mul3A_22 : i32 to vector<16xi32>
      %add3A_262 = arith.addi %add3A_261, %iota3A : vector<16xi32>
      %sub3A_263 = arith.constant 7 : i32
      %sub3A_264 = vector.broadcast %sub3A_263 : i32 to vector<16xi32>
      %sub3A_265 = arith.subi %add3A_262, %sub3A_264 : vector<16xi32>
      %max3A_266 = arith.constant 0 : i32
      %max3A_267 = vector.broadcast %max3A_266 : i32 to vector<16xi32>
      %max3A_268 = arith.maxsi %sub3A_265, %max3A_267 : vector<16xi32>
      %gather3A_269 = tpu.vector_load_idx %arg5[%max3A_268] : memref<2560xi32, #tpu.memory_space<vmem>>[vector<16xi32>], vector<16xi32>,
      %eq3A_270 = arith.cmpi eq, %gather3A_269, %get3A_23 : vector<16xi32>
      %and3A_271 = arith.andi %ge3A_260, %eq3A_270 : vector<16xi1>
      %jit3A_272 = arith.constant 1 : i32
      %jit3A_273 = arith.constant 0 : i32
      %broadcast_in_dim3A_274 = vector.broadcast %jit3A_272 : i32 to vector<16xi32>
      %broadcast_in_dim3A_275 = vector.broadcast %jit3A_273 : i32 to vector<16xi32>
      %select_n3A_276 = arith.select %and3A_271, %broadcast_in_dim3A_274, %broadcast_in_dim3A_275 : vector<16xi1>, vector<16xi32>
      %add3A_277 = arith.addi %add3A_237, %select_n3A_276 : vector<16xi32>
      %lt3A_278 = arith.constant 9 : i32
      %lt3A_279 = vector.broadcast %lt3A_278 : i32 to vector<16xi32>
      %lt3A_280 = arith.cmpi slt, %iota3A, %lt3A_279 : vector<16xi32>
      %add3A_281 = vector.broadcast %mul3A_22 : i32 to vector<16xi32>
      %add3A_282 = arith.addi %add3A_281, %iota3A : vector<16xi32>
      %add3A_283 = arith.constant 7 : i32
      %add3A_284 = vector.broadcast %add3A_283 : i32 to vector<16xi32>
      %add3A_285 = arith.addi %add3A_282, %add3A_284 : vector<16xi32>
      %min3A_286 = arith.constant 2559 : i32
      %min3A_287 = vector.broadcast %min3A_286 : i32 to vector<16xi32>
      %min3A_288 = arith.minsi %add3A_285, %min3A_287 : vector<16xi32>
      %gather3A_289 = tpu.vector_load_idx %arg5[%min3A_288] : memref<2560xi32, #tpu.memory_space<vmem>>[vector<16xi32>], vector<16xi32>,
      %eq3A_290 = arith.cmpi eq, %gather3A_289, %get3A_23 : vector<16xi32>
      %and3A_291 = arith.andi %lt3A_280, %eq3A_290 : vector<16xi1>
      %jit3A_292 = arith.constant 1 : i32
      %jit3A_293 = arith.constant 0 : i32
      %broadcast_in_dim3A_294 = vector.broadcast %jit3A_292 : i32 to vector<16xi32>
      %broadcast_in_dim3A_295 = vector.broadcast %jit3A_293 : i32 to vector<16xi32>
      %select_n3A_296 = arith.select %and3A_291, %broadcast_in_dim3A_294, %broadcast_in_dim3A_295 : vector<16xi1>, vector<16xi32>
      %add3A_297 = arith.addi %add3A_257, %select_n3A_296 : vector<16xi32>
      %ge3A_298 = arith.constant 8 : i32
      %ge3A_299 = vector.broadcast %ge3A_298 : i32 to vector<16xi32>
      %ge3A_300 = arith.cmpi sge, %iota3A, %ge3A_299 : vector<16xi32>
      %add3A_301 = vector.broadcast %mul3A_22 : i32 to vector<16xi32>
      %add3A_302 = arith.addi %add3A_301, %iota3A : vector<16xi32>
      %sub3A_303 = arith.constant 8 : i32
      %sub3A_304 = vector.broadcast %sub3A_303 : i32 to vector<16xi32>
      %sub3A_305 = arith.subi %add3A_302, %sub3A_304 : vector<16xi32>
      %max3A_306 = arith.constant 0 : i32
      %max3A_307 = vector.broadcast %max3A_306 : i32 to vector<16xi32>
      %max3A_308 = arith.maxsi %sub3A_305, %max3A_307 : vector<16xi32>
      %gather3A_309 = tpu.vector_load_idx %arg5[%max3A_308] : memref<2560xi32, #tpu.memory_space<vmem>>[vector<16xi32>], vector<16xi32>,
      %eq3A_310 = arith.cmpi eq, %gather3A_309, %get3A_23 : vector<16xi32>
      %and3A_311 = arith.andi %ge3A_300, %eq3A_310 : vector<16xi1>
      %jit3A_312 = arith.constant 1 : i32
      %jit3A_313 = arith.constant 0 : i32
      %broadcast_in_dim3A_314 = vector.broadcast %jit3A_312 : i32 to vector<16xi32>
      %broadcast_in_dim3A_315 = vector.broadcast %jit3A_313 : i32 to vector<16xi32>
      %select_n3A_316 = arith.select %and3A_311, %broadcast_in_dim3A_314, %broadcast_in_dim3A_315 : vector<16xi1>, vector<16xi32>
      %add3A_317 = arith.addi %add3A_277, %select_n3A_316 : vector<16xi32>
      %lt3A_318 = arith.constant 8 : i32
      %lt3A_319 = vector.broadcast %lt3A_318 : i32 to vector<16xi32>
      %lt3A_320 = arith.cmpi slt, %iota3A, %lt3A_319 : vector<16xi32>
      %add3A_321 = vector.broadcast %mul3A_22 : i32 to vector<16xi32>
      %add3A_322 = arith.addi %add3A_321, %iota3A : vector<16xi32>
      %add3A_323 = arith.constant 8 : i32
      %add3A_324 = vector.broadcast %add3A_323 : i32 to vector<16xi32>
      %add3A_325 = arith.addi %add3A_322, %add3A_324 : vector<16xi32>
      %min3A_326 = arith.constant 2559 : i32
      %min3A_327 = vector.broadcast %min3A_326 : i32 to vector<16xi32>
      %min3A_328 = arith.minsi %add3A_325, %min3A_327 : vector<16xi32>
      %gather3A_329 = tpu.vector_load_idx %arg5[%min3A_328] : memref<2560xi32, #tpu.memory_space<vmem>>[vector<16xi32>], vector<16xi32>,
      %eq3A_330 = arith.cmpi eq, %gather3A_329, %get3A_23 : vector<16xi32>
      %and3A_331 = arith.andi %lt3A_320, %eq3A_330 : vector<16xi1>
      %jit3A_332 = arith.constant 1 : i32
      %jit3A_333 = arith.constant 0 : i32
      %broadcast_in_dim3A_334 = vector.broadcast %jit3A_332 : i32 to vector<16xi32>
      %broadcast_in_dim3A_335 = vector.broadcast %jit3A_333 : i32 to vector<16xi32>
      %select_n3A_336 = arith.select %and3A_331, %broadcast_in_dim3A_334, %broadcast_in_dim3A_335 : vector<16xi1>, vector<16xi32>
      %add3A_337 = arith.addi %add3A_297, %select_n3A_336 : vector<16xi32>
      %ge3A_338 = arith.constant 9 : i32
      %ge3A_339 = vector.broadcast %ge3A_338 : i32 to vector<16xi32>
      %ge3A_340 = arith.cmpi sge, %iota3A, %ge3A_339 : vector<16xi32>
      %add3A_341 = vector.broadcast %mul3A_22 : i32 to vector<16xi32>
      %add3A_342 = arith.addi %add3A_341, %iota3A : vector<16xi32>
      %sub3A_343 = arith.constant 9 : i32
      %sub3A_344 = vector.broadcast %sub3A_343 : i32 to vector<16xi32>
      %sub3A_345 = arith.subi %add3A_342, %sub3A_344 : vector<16xi32>
      %max3A_346 = arith.constant 0 : i32
      %max3A_347 = vector.broadcast %max3A_346 : i32 to vector<16xi32>
      %max3A_348 = arith.maxsi %sub3A_345, %max3A_347 : vector<16xi32>
      %gather3A_349 = tpu.vector_load_idx %arg5[%max3A_348] : memref<2560xi32, #tpu.memory_space<vmem>>[vector<16xi32>], vector<16xi32>,
      %eq3A_350 = arith.cmpi eq, %gather3A_349, %get3A_23 : vector<16xi32>
      %and3A_351 = arith.andi %ge3A_340, %eq3A_350 : vector<16xi1>
      %jit3A_352 = arith.constant 1 : i32
      %jit3A_353 = arith.constant 0 : i32
      %broadcast_in_dim3A_354 = vector.broadcast %jit3A_352 : i32 to vector<16xi32>
      %broadcast_in_dim3A_355 = vector.broadcast %jit3A_353 : i32 to vector<16xi32>
      %select_n3A_356 = arith.select %and3A_351, %broadcast_in_dim3A_354, %broadcast_in_dim3A_355 : vector<16xi1>, vector<16xi32>
      %add3A_357 = arith.addi %add3A_317, %select_n3A_356 : vector<16xi32>
      %lt3A_358 = arith.constant 7 : i32
      %lt3A_359 = vector.broadcast %lt3A_358 : i32 to vector<16xi32>
      %lt3A_360 = arith.cmpi slt, %iota3A, %lt3A_359 : vector<16xi32>
      %add3A_361 = vector.broadcast %mul3A_22 : i32 to vector<16xi32>
      %add3A_362 = arith.addi %add3A_361, %iota3A : vector<16xi32>
      %add3A_363 = arith.constant 9 : i32
      %add3A_364 = vector.broadcast %add3A_363 : i32 to vector<16xi32>
      %add3A_365 = arith.addi %add3A_362, %add3A_364 : vector<16xi32>
      %min3A_366 = arith.constant 2559 : i32
      %min3A_367 = vector.broadcast %min3A_366 : i32 to vector<16xi32>
      %min3A_368 = arith.minsi %add3A_365, %min3A_367 : vector<16xi32>
      %gather3A_369 = tpu.vector_load_idx %arg5[%min3A_368] : memref<2560xi32, #tpu.memory_space<vmem>>[vector<16xi32>], vector<16xi32>,
      %eq3A_370 = arith.cmpi eq, %gather3A_369, %get3A_23 : vector<16xi32>
      %and3A_371 = arith.andi %lt3A_360, %eq3A_370 : vector<16xi1>
      %jit3A_372 = arith.constant 1 : i32
      %jit3A_373 = arith.constant 0 : i32
      %broadcast_in_dim3A_374 = vector.broadcast %jit3A_372 : i32 to vector<16xi32>
      %broadcast_in_dim3A_375 = vector.broadcast %jit3A_373 : i32 to vector<16xi32>
      %select_n3A_376 = arith.select %and3A_371, %broadcast_in_dim3A_374, %broadcast_in_dim3A_375 : vector<16xi1>, vector<16xi32>
      %add3A_377 = arith.addi %add3A_337, %select_n3A_376 : vector<16xi32>
      %ge3A_378 = arith.constant 10 : i32
      %ge3A_379 = vector.broadcast %ge3A_378 : i32 to vector<16xi32>
      %ge3A_380 = arith.cmpi sge, %iota3A, %ge3A_379 : vector<16xi32>
      %add3A_381 = vector.broadcast %mul3A_22 : i32 to vector<16xi32>
      %add3A_382 = arith.addi %add3A_381, %iota3A : vector<16xi32>
      %sub3A_383 = arith.constant 10 : i32
      %sub3A_384 = vector.broadcast %sub3A_383 : i32 to vector<16xi32>
      %sub3A_385 = arith.subi %add3A_382, %sub3A_384 : vector<16xi32>
      %max3A_386 = arith.constant 0 : i32
      %max3A_387 = vector.broadcast %max3A_386 : i32 to vector<16xi32>
      %max3A_388 = arith.maxsi %sub3A_385, %max3A_387 : vector<16xi32>
      %gather3A_389 = tpu.vector_load_idx %arg5[%max3A_388] : memref<2560xi32, #tpu.memory_space<vmem>>[vector<16xi32>], vector<16xi32>,
      %eq3A_390 = arith.cmpi eq, %gather3A_389, %get3A_23 : vector<16xi32>
      %and3A_391 = arith.andi %ge3A_380, %eq3A_390 : vector<16xi1>
      %jit3A_392 = arith.constant 1 : i32
      %jit3A_393 = arith.constant 0 : i32
      %broadcast_in_dim3A_394 = vector.broadcast %jit3A_392 : i32 to vector<16xi32>
      %broadcast_in_dim3A_395 = vector.broadcast %jit3A_393 : i32 to vector<16xi32>
      %select_n3A_396 = arith.select %and3A_391, %broadcast_in_dim3A_394, %broadcast_in_dim3A_395 : vector<16xi1>, vector<16xi32>
      %add3A_397 = arith.addi %add3A_357, %select_n3A_396 : vector<16xi32>
      %lt3A_398 = arith.constant 6 : i32
      %lt3A_399 = vector.broadcast %lt3A_398 : i32 to vector<16xi32>
      %lt3A_400 = arith.cmpi slt, %iota3A, %lt3A_399 : vector<16xi32>
      %add3A_401 = vector.broadcast %mul3A_22 : i32 to vector<16xi32>
      %add3A_402 = arith.addi %add3A_401, %iota3A : vector<16xi32>
      %add3A_403 = arith.constant 10 : i32
      %add3A_404 = vector.broadcast %add3A_403 : i32 to vector<16xi32>
      %add3A_405 = arith.addi %add3A_402, %add3A_404 : vector<16xi32>
      %min3A_406 = arith.constant 2559 : i32
      %min3A_407 = vector.broadcast %min3A_406 : i32 to vector<16xi32>
      %min3A_408 = arith.minsi %add3A_405, %min3A_407 : vector<16xi32>
      %gather3A_409 = tpu.vector_load_idx %arg5[%min3A_408] : memref<2560xi32, #tpu.memory_space<vmem>>[vector<16xi32>], vector<16xi32>,
      %eq3A_410 = arith.cmpi eq, %gather3A_409, %get3A_23 : vector<16xi32>
      %and3A_411 = arith.andi %lt3A_400, %eq3A_410 : vector<16xi1>
      %jit3A_412 = arith.constant 1 : i32
      %jit3A_413 = arith.constant 0 : i32
      %broadcast_in_dim3A_414 = vector.broadcast %jit3A_412 : i32 to vector<16xi32>
      %broadcast_in_dim3A_415 = vector.broadcast %jit3A_413 : i32 to vector<16xi32>
      %select_n3A_416 = arith.select %and3A_411, %broadcast_in_dim3A_414, %broadcast_in_dim3A_415 : vector<16xi1>, vector<16xi32>
      %add3A_417 = arith.addi %add3A_377, %select_n3A_416 : vector<16xi32>
      %ge3A_418 = arith.constant 11 : i32
      %ge3A_419 = vector.broadcast %ge3A_418 : i32 to vector<16xi32>
      %ge3A_420 = arith.cmpi sge, %iota3A, %ge3A_419 : vector<16xi32>
      %add3A_421 = vector.broadcast %mul3A_22 : i32 to vector<16xi32>
      %add3A_422 = arith.addi %add3A_421, %iota3A : vector<16xi32>
      %sub3A_423 = arith.constant 11 : i32
      %sub3A_424 = vector.broadcast %sub3A_423 : i32 to vector<16xi32>
      %sub3A_425 = arith.subi %add3A_422, %sub3A_424 : vector<16xi32>
      %max3A_426 = arith.constant 0 : i32
      %max3A_427 = vector.broadcast %max3A_426 : i32 to vector<16xi32>
      %max3A_428 = arith.maxsi %sub3A_425, %max3A_427 : vector<16xi32>
      %gather3A_429 = tpu.vector_load_idx %arg5[%max3A_428] : memref<2560xi32, #tpu.memory_space<vmem>>[vector<16xi32>], vector<16xi32>,
      %eq3A_430 = arith.cmpi eq, %gather3A_429, %get3A_23 : vector<16xi32>
      %and3A_431 = arith.andi %ge3A_420, %eq3A_430 : vector<16xi1>
      %jit3A_432 = arith.constant 1 : i32
      %jit3A_433 = arith.constant 0 : i32
      %broadcast_in_dim3A_434 = vector.broadcast %jit3A_432 : i32 to vector<16xi32>
      %broadcast_in_dim3A_435 = vector.broadcast %jit3A_433 : i32 to vector<16xi32>
      %select_n3A_436 = arith.select %and3A_431, %broadcast_in_dim3A_434, %broadcast_in_dim3A_435 : vector<16xi1>, vector<16xi32>
      %add3A_437 = arith.addi %add3A_397, %select_n3A_436 : vector<16xi32>
      %lt3A_438 = arith.constant 5 : i32
      %lt3A_439 = vector.broadcast %lt3A_438 : i32 to vector<16xi32>
      %lt3A_440 = arith.cmpi slt, %iota3A, %lt3A_439 : vector<16xi32>
      %add3A_441 = vector.broadcast %mul3A_22 : i32 to vector<16xi32>
      %add3A_442 = arith.addi %add3A_441, %iota3A : vector<16xi32>
      %add3A_443 = arith.constant 11 : i32
      %add3A_444 = vector.broadcast %add3A_443 : i32 to vector<16xi32>
      %add3A_445 = arith.addi %add3A_442, %add3A_444 : vector<16xi32>
      %min3A_446 = arith.constant 2559 : i32
      %min3A_447 = vector.broadcast %min3A_446 : i32 to vector<16xi32>
      %min3A_448 = arith.minsi %add3A_445, %min3A_447 : vector<16xi32>
      %gather3A_449 = tpu.vector_load_idx %arg5[%min3A_448] : memref<2560xi32, #tpu.memory_space<vmem>>[vector<16xi32>], vector<16xi32>,
      %eq3A_450 = arith.cmpi eq, %gather3A_449, %get3A_23 : vector<16xi32>
      %and3A_451 = arith.andi %lt3A_440, %eq3A_450 : vector<16xi1>
      %jit3A_452 = arith.constant 1 : i32
      %jit3A_453 = arith.constant 0 : i32
      %broadcast_in_dim3A_454 = vector.broadcast %jit3A_452 : i32 to vector<16xi32>
      %broadcast_in_dim3A_455 = vector.broadcast %jit3A_453 : i32 to vector<16xi32>
      %select_n3A_456 = arith.select %and3A_451, %broadcast_in_dim3A_454, %broadcast_in_dim3A_455 : vector<16xi1>, vector<16xi32>
      %add3A_457 = arith.addi %add3A_417, %select_n3A_456 : vector<16xi32>
      %ge3A_458 = arith.constant 12 : i32
      %ge3A_459 = vector.broadcast %ge3A_458 : i32 to vector<16xi32>
      %ge3A_460 = arith.cmpi sge, %iota3A, %ge3A_459 : vector<16xi32>
      %add3A_461 = vector.broadcast %mul3A_22 : i32 to vector<16xi32>
      %add3A_462 = arith.addi %add3A_461, %iota3A : vector<16xi32>
      %sub3A_463 = arith.constant 12 : i32
      %sub3A_464 = vector.broadcast %sub3A_463 : i32 to vector<16xi32>
      %sub3A_465 = arith.subi %add3A_462, %sub3A_464 : vector<16xi32>
      %max3A_466 = arith.constant 0 : i32
      %max3A_467 = vector.broadcast %max3A_466 : i32 to vector<16xi32>
      %max3A_468 = arith.maxsi %sub3A_465, %max3A_467 : vector<16xi32>
      %gather3A_469 = tpu.vector_load_idx %arg5[%max3A_468] : memref<2560xi32, #tpu.memory_space<vmem>>[vector<16xi32>], vector<16xi32>,
      %eq3A_470 = arith.cmpi eq, %gather3A_469, %get3A_23 : vector<16xi32>
      %and3A_471 = arith.andi %ge3A_460, %eq3A_470 : vector<16xi1>
      %jit3A_472 = arith.constant 1 : i32
      %jit3A_473 = arith.constant 0 : i32
      %broadcast_in_dim3A_474 = vector.broadcast %jit3A_472 : i32 to vector<16xi32>
      %broadcast_in_dim3A_475 = vector.broadcast %jit3A_473 : i32 to vector<16xi32>
      %select_n3A_476 = arith.select %and3A_471, %broadcast_in_dim3A_474, %broadcast_in_dim3A_475 : vector<16xi1>, vector<16xi32>
      %add3A_477 = arith.addi %add3A_437, %select_n3A_476 : vector<16xi32>
      %lt3A_478 = arith.constant 4 : i32
      %lt3A_479 = vector.broadcast %lt3A_478 : i32 to vector<16xi32>
      %lt3A_480 = arith.cmpi slt, %iota3A, %lt3A_479 : vector<16xi32>
      %add3A_481 = vector.broadcast %mul3A_22 : i32 to vector<16xi32>
      %add3A_482 = arith.addi %add3A_481, %iota3A : vector<16xi32>
      %add3A_483 = arith.constant 12 : i32
      %add3A_484 = vector.broadcast %add3A_483 : i32 to vector<16xi32>
      %add3A_485 = arith.addi %add3A_482, %add3A_484 : vector<16xi32>
      %min3A_486 = arith.constant 2559 : i32
      %min3A_487 = vector.broadcast %min3A_486 : i32 to vector<16xi32>
      %min3A_488 = arith.minsi %add3A_485, %min3A_487 : vector<16xi32>
      %gather3A_489 = tpu.vector_load_idx %arg5[%min3A_488] : memref<2560xi32, #tpu.memory_space<vmem>>[vector<16xi32>], vector<16xi32>,
      %eq3A_490 = arith.cmpi eq, %gather3A_489, %get3A_23 : vector<16xi32>
      %and3A_491 = arith.andi %lt3A_480, %eq3A_490 : vector<16xi1>
      %jit3A_492 = arith.constant 1 : i32
      %jit3A_493 = arith.constant 0 : i32
      %broadcast_in_dim3A_494 = vector.broadcast %jit3A_492 : i32 to vector<16xi32>
      %broadcast_in_dim3A_495 = vector.broadcast %jit3A_493 : i32 to vector<16xi32>
      %select_n3A_496 = arith.select %and3A_491, %broadcast_in_dim3A_494, %broadcast_in_dim3A_495 : vector<16xi1>, vector<16xi32>
      %add3A_497 = arith.addi %add3A_457, %select_n3A_496 : vector<16xi32>
      %ge3A_498 = arith.constant 13 : i32
      %ge3A_499 = vector.broadcast %ge3A_498 : i32 to vector<16xi32>
      %ge3A_500 = arith.cmpi sge, %iota3A, %ge3A_499 : vector<16xi32>
      %add3A_501 = vector.broadcast %mul3A_22 : i32 to vector<16xi32>
      %add3A_502 = arith.addi %add3A_501, %iota3A : vector<16xi32>
      %sub3A_503 = arith.constant 13 : i32
      %sub3A_504 = vector.broadcast %sub3A_503 : i32 to vector<16xi32>
      %sub3A_505 = arith.subi %add3A_502, %sub3A_504 : vector<16xi32>
      %max3A_506 = arith.constant 0 : i32
      %max3A_507 = vector.broadcast %max3A_506 : i32 to vector<16xi32>
      %max3A_508 = arith.maxsi %sub3A_505, %max3A_507 : vector<16xi32>
      %gather3A_509 = tpu.vector_load_idx %arg5[%max3A_508] : memref<2560xi32, #tpu.memory_space<vmem>>[vector<16xi32>], vector<16xi32>,
      %eq3A_510 = arith.cmpi eq, %gather3A_509, %get3A_23 : vector<16xi32>
      %and3A_511 = arith.andi %ge3A_500, %eq3A_510 : vector<16xi1>
      %jit3A_512 = arith.constant 1 : i32
      %jit3A_513 = arith.constant 0 : i32
      %broadcast_in_dim3A_514 = vector.broadcast %jit3A_512 : i32 to vector<16xi32>
      %broadcast_in_dim3A_515 = vector.broadcast %jit3A_513 : i32 to vector<16xi32>
      %select_n3A_516 = arith.select %and3A_511, %broadcast_in_dim3A_514, %broadcast_in_dim3A_515 : vector<16xi1>, vector<16xi32>
      %add3A_517 = arith.addi %add3A_477, %select_n3A_516 : vector<16xi32>
      %lt3A_518 = arith.constant 3 : i32
      %lt3A_519 = vector.broadcast %lt3A_518 : i32 to vector<16xi32>
      %lt3A_520 = arith.cmpi slt, %iota3A, %lt3A_519 : vector<16xi32>
      %add3A_521 = vector.broadcast %mul3A_22 : i32 to vector<16xi32>
      %add3A_522 = arith.addi %add3A_521, %iota3A : vector<16xi32>
      %add3A_523 = arith.constant 13 : i32
      %add3A_524 = vector.broadcast %add3A_523 : i32 to vector<16xi32>
      %add3A_525 = arith.addi %add3A_522, %add3A_524 : vector<16xi32>
      %min3A_526 = arith.constant 2559 : i32
      %min3A_527 = vector.broadcast %min3A_526 : i32 to vector<16xi32>
      %min3A_528 = arith.minsi %add3A_525, %min3A_527 : vector<16xi32>
      %gather3A_529 = tpu.vector_load_idx %arg5[%min3A_528] : memref<2560xi32, #tpu.memory_space<vmem>>[vector<16xi32>], vector<16xi32>,
      %eq3A_530 = arith.cmpi eq, %gather3A_529, %get3A_23 : vector<16xi32>
      %and3A_531 = arith.andi %lt3A_520, %eq3A_530 : vector<16xi1>
      %jit3A_532 = arith.constant 1 : i32
      %jit3A_533 = arith.constant 0 : i32
      %broadcast_in_dim3A_534 = vector.broadcast %jit3A_532 : i32 to vector<16xi32>
      %broadcast_in_dim3A_535 = vector.broadcast %jit3A_533 : i32 to vector<16xi32>
      %select_n3A_536 = arith.select %and3A_531, %broadcast_in_dim3A_534, %broadcast_in_dim3A_535 : vector<16xi1>, vector<16xi32>
      %add3A_537 = arith.addi %add3A_497, %select_n3A_536 : vector<16xi32>
      %ge3A_538 = arith.constant 14 : i32
      %ge3A_539 = vector.broadcast %ge3A_538 : i32 to vector<16xi32>
      %ge3A_540 = arith.cmpi sge, %iota3A, %ge3A_539 : vector<16xi32>
      %add3A_541 = vector.broadcast %mul3A_22 : i32 to vector<16xi32>
      %add3A_542 = arith.addi %add3A_541, %iota3A : vector<16xi32>
      %sub3A_543 = arith.constant 14 : i32
      %sub3A_544 = vector.broadcast %sub3A_543 : i32 to vector<16xi32>
      %sub3A_545 = arith.subi %add3A_542, %sub3A_544 : vector<16xi32>
      %max3A_546 = arith.constant 0 : i32
      %max3A_547 = vector.broadcast %max3A_546 : i32 to vector<16xi32>
      %max3A_548 = arith.maxsi %sub3A_545, %max3A_547 : vector<16xi32>
      %gather3A_549 = tpu.vector_load_idx %arg5[%max3A_548] : memref<2560xi32, #tpu.memory_space<vmem>>[vector<16xi32>], vector<16xi32>,
      %eq3A_550 = arith.cmpi eq, %gather3A_549, %get3A_23 : vector<16xi32>
      %and3A_551 = arith.andi %ge3A_540, %eq3A_550 : vector<16xi1>
      %jit3A_552 = arith.constant 1 : i32
      %jit3A_553 = arith.constant 0 : i32
      %broadcast_in_dim3A_554 = vector.broadcast %jit3A_552 : i32 to vector<16xi32>
      %broadcast_in_dim3A_555 = vector.broadcast %jit3A_553 : i32 to vector<16xi32>
      %select_n3A_556 = arith.select %and3A_551, %broadcast_in_dim3A_554, %broadcast_in_dim3A_555 : vector<16xi1>, vector<16xi32>
      %add3A_557 = arith.addi %add3A_517, %select_n3A_556 : vector<16xi32>
      %lt3A_558 = arith.constant 2 : i32
      %lt3A_559 = vector.broadcast %lt3A_558 : i32 to vector<16xi32>
      %lt3A_560 = arith.cmpi slt, %iota3A, %lt3A_559 : vector<16xi32>
      %add3A_561 = vector.broadcast %mul3A_22 : i32 to vector<16xi32>
      %add3A_562 = arith.addi %add3A_561, %iota3A : vector<16xi32>
      %add3A_563 = arith.constant 14 : i32
      %add3A_564 = vector.broadcast %add3A_563 : i32 to vector<16xi32>
      %add3A_565 = arith.addi %add3A_562, %add3A_564 : vector<16xi32>
      %min3A_566 = arith.constant 2559 : i32
      %min3A_567 = vector.broadcast %min3A_566 : i32 to vector<16xi32>
      %min3A_568 = arith.minsi %add3A_565, %min3A_567 : vector<16xi32>
      %gather3A_569 = tpu.vector_load_idx %arg5[%min3A_568] : memref<2560xi32, #tpu.memory_space<vmem>>[vector<16xi32>], vector<16xi32>,
      %eq3A_570 = arith.cmpi eq, %gather3A_569, %get3A_23 : vector<16xi32>
      %and3A_571 = arith.andi %lt3A_560, %eq3A_570 : vector<16xi1>
      %jit3A_572 = arith.constant 1 : i32
      %jit3A_573 = arith.constant 0 : i32
      %broadcast_in_dim3A_574 = vector.broadcast %jit3A_572 : i32 to vector<16xi32>
      %broadcast_in_dim3A_575 = vector.broadcast %jit3A_573 : i32 to vector<16xi32>
      %select_n3A_576 = arith.select %and3A_571, %broadcast_in_dim3A_574, %broadcast_in_dim3A_575 : vector<16xi1>, vector<16xi32>
      %add3A_577 = arith.addi %add3A_537, %select_n3A_576 : vector<16xi32>
      %ge3A_578 = arith.constant 15 : i32
      %ge3A_579 = vector.broadcast %ge3A_578 : i32 to vector<16xi32>
      %ge3A_580 = arith.cmpi sge, %iota3A, %ge3A_579 : vector<16xi32>
      %add3A_581 = vector.broadcast %mul3A_22 : i32 to vector<16xi32>
      %add3A_582 = arith.addi %add3A_581, %iota3A : vector<16xi32>
      %sub3A_583 = arith.constant 15 : i32
      %sub3A_584 = vector.broadcast %sub3A_583 : i32 to vector<16xi32>
      %sub3A_585 = arith.subi %add3A_582, %sub3A_584 : vector<16xi32>
      %max3A_586 = arith.constant 0 : i32
      %max3A_587 = vector.broadcast %max3A_586 : i32 to vector<16xi32>
      %max3A_588 = arith.maxsi %sub3A_585, %max3A_587 : vector<16xi32>
      %gather3A_589 = tpu.vector_load_idx %arg5[%max3A_588] : memref<2560xi32, #tpu.memory_space<vmem>>[vector<16xi32>], vector<16xi32>,
      %eq3A_590 = arith.cmpi eq, %gather3A_589, %get3A_23 : vector<16xi32>
      %and3A_591 = arith.andi %ge3A_580, %eq3A_590 : vector<16xi1>
      %jit3A_592 = arith.constant 1 : i32
      %jit3A_593 = arith.constant 0 : i32
      %broadcast_in_dim3A_594 = vector.broadcast %jit3A_592 : i32 to vector<16xi32>
      %broadcast_in_dim3A_595 = vector.broadcast %jit3A_593 : i32 to vector<16xi32>
      %select_n3A_596 = arith.select %and3A_591, %broadcast_in_dim3A_594, %broadcast_in_dim3A_595 : vector<16xi1>, vector<16xi32>
      %add3A_597 = arith.addi %add3A_557, %select_n3A_596 : vector<16xi32>
      %lt3A_598 = arith.constant 1 : i32
      %lt3A_599 = vector.broadcast %lt3A_598 : i32 to vector<16xi32>
      %lt3A_600 = arith.cmpi slt, %iota3A, %lt3A_599 : vector<16xi32>
      %add3A_601 = vector.broadcast %mul3A_22 : i32 to vector<16xi32>
      %add3A_602 = arith.addi %add3A_601, %iota3A : vector<16xi32>
      %add3A_603 = arith.constant 15 : i32
      %add3A_604 = vector.broadcast %add3A_603 : i32 to vector<16xi32>
      %add3A_605 = arith.addi %add3A_602, %add3A_604 : vector<16xi32>
      %min3A_606 = arith.constant 2559 : i32
      %min3A_607 = vector.broadcast %min3A_606 : i32 to vector<16xi32>
      %min3A_608 = arith.minsi %add3A_605, %min3A_607 : vector<16xi32>
      %gather3A_609 = tpu.vector_load_idx %arg5[%min3A_608] : memref<2560xi32, #tpu.memory_space<vmem>>[vector<16xi32>], vector<16xi32>,
      %eq3A_610 = arith.cmpi eq, %gather3A_609, %get3A_23 : vector<16xi32>
      %and3A_611 = arith.andi %lt3A_600, %eq3A_610 : vector<16xi1>
      %jit3A_612 = arith.constant 1 : i32
      %jit3A_613 = arith.constant 0 : i32
      %broadcast_in_dim3A_614 = vector.broadcast %jit3A_612 : i32 to vector<16xi32>
      %broadcast_in_dim3A_615 = vector.broadcast %jit3A_613 : i32 to vector<16xi32>
      %select_n3A_616 = arith.select %and3A_611, %broadcast_in_dim3A_614, %broadcast_in_dim3A_615 : vector<16xi1>, vector<16xi32>
      %add3A_617 = arith.addi %add3A_577, %select_n3A_616 : vector<16xi32>
      %gather3A_618 = tpu.vector_load_idx %arg7[%get3A_23] : memref<320xi32, #tpu.memory_space<vmem>>[vector<16xi32>], vector<16xi32>,
      %add3A_619 = arith.addi %gather3A_618, %add3A_597 : vector<16xi32>
      %swap3A = arith.index_cast %mul3A_22 : i32 to index
      %swap3A_620 = tpu.vector_load %arg6[%swap3A] {strides = array<i32>} : memref<2560xi32, #tpu.memory_space<vmem>>, vector<16xi32>,
      tpu.vector_store %arg6[%swap3A], %add3A_619 {strides = array<i32>} : memref<2560xi32, #tpu.memory_space<vmem>>, vector<16xi32>,
      %add3A_621 = arith.addi %gather3A_618, %add3A_597 : vector<16xi32>
      %add3A_622 = arith.constant 1 : i32
      %add3A_623 = vector.broadcast %add3A_622 : i32 to vector<16xi32>
      %add3A_624 = arith.addi %add3A_621, %add3A_623 : vector<16xi32>
      %eq3A_625 = arith.constant 0 : i32
      %eq3A_626 = vector.broadcast %eq3A_625 : i32 to vector<16xi32>
      %eq3A_627 = arith.cmpi eq, %add3A_617, %eq3A_626 : vector<16xi32>
      tpu.vector_store_idx %arg7[%get3A_23], %add3A_624 masked %eq3A_627 : memref<320xi32, #tpu.memory_space<vmem>>[vector<16xi32>], vector<16xi32>, vector<16xi1>
      %scan3A_628 = arith.constant 0 : i32
      scf.yield %scan3A_628 : i32
    }
    %scan3A_16 = arith.constant 160 : i32
    "tpu.region"() ({
      %run_scoped3A = tpu.sem_alloc : memref<!tpu.dma_semaphore, #tpu.memory_space<semaphore_mem>>
      %dma_start3A = tpu.memref_slice %arg3[%mul3A_2] : memref<81920xi32, #tpu.memory_space<hbm>> -> memref<2560xi32, #tpu.memory_space<hbm>>
      %dma_start3A_19 = tpu.memref_slice %arg3[%mul3A_2] : memref<81920xi32, #tpu.memory_space<hbm>> -> memref<2560xi32, #tpu.memory_space<hbm>>
      tpu.enqueue_dma source(%arg6 : memref<2560xi32, #tpu.memory_space<vmem>>) target(%dma_start3A_19 : memref<2560xi32, #tpu.memory_space<hbm>>) target_semaphore(%run_scoped3A : memref<!tpu.dma_semaphore, #tpu.memory_space<semaphore_mem>>)
      %dma_wait3A = tpu.memref_slice %arg3[%mul3A_2] : memref<81920xi32, #tpu.memory_space<hbm>> -> memref<2560xi32, #tpu.memory_space<hbm>>
      %dma_wait3A_20 = tpu.memref_slice %arg3[%mul3A_2] : memref<81920xi32, #tpu.memory_space<hbm>> -> memref<2560xi32, #tpu.memory_space<hbm>>
      tpu.wait_dma2 semaphore(%run_scoped3A : memref<!tpu.dma_semaphore, #tpu.memory_space<semaphore_mem>>) src(%arg6 : memref<2560xi32, #tpu.memory_space<vmem>>) dst(%dma_wait3A_20 : memref<2560xi32, #tpu.memory_space<hbm>>)
      tpu.yield
    }) : () -> ()
    %mul3A_17 = arith.constant 320 : i32
    %mul3A_18 = arith.muli %add3A, %mul3A_17 : i32
    "tpu.region"() ({
      %run_scoped3A = tpu.sem_alloc : memref<!tpu.dma_semaphore, #tpu.memory_space<semaphore_mem>>
      %dma_start3A = tpu.memref_slice %arg4[%mul3A_18] : memref<10240xi32, #tpu.memory_space<hbm>> -> memref<320xi32, #tpu.memory_space<hbm>>
      %dma_start3A_19 = tpu.memref_slice %arg4[%mul3A_18] : memref<10240xi32, #tpu.memory_space<hbm>> -> memref<320xi32, #tpu.memory_space<hbm>>
      tpu.enqueue_dma source(%arg7 : memref<320xi32, #tpu.memory_space<vmem>>) target(%dma_start3A_19 : memref<320xi32, #tpu.memory_space<hbm>>) target_semaphore(%run_scoped3A : memref<!tpu.dma_semaphore, #tpu.memory_space<semaphore_mem>>)
      %dma_wait3A = tpu.memref_slice %arg4[%mul3A_18] : memref<10240xi32, #tpu.memory_space<hbm>> -> memref<320xi32, #tpu.memory_space<hbm>>
      %dma_wait3A_20 = tpu.memref_slice %arg4[%mul3A_18] : memref<10240xi32, #tpu.memory_space<hbm>> -> memref<320xi32, #tpu.memory_space<hbm>>
      tpu.wait_dma2 semaphore(%run_scoped3A : memref<!tpu.dma_semaphore, #tpu.memory_space<semaphore_mem>>) src(%arg7 : memref<320xi32, #tpu.memory_space<vmem>>) dst(%dma_wait3A_20 : memref<320xi32, #tpu.memory_space<hbm>>)
      tpu.yield
    }) : () -> ()
    return
  }
}

#map = affine_map<(d0, d1) -> (0)>
#map1 = affine_map<(d0, d1) -> (0, 0, 0)>
#map2 = affine_map<(d0, d1) -> (0, 0)>
module attributes {stable_mosaic.version = 14 : i64} {
  func.func @_permute_body(%arg0: i32, %arg1: i32, %arg2: memref<81920xi32, #tpu.memory_space<hbm>>, %arg3: memref<81920xi32, #tpu.memory_space<hbm>>, %arg4: memref<10240xi32, #tpu.memory_space<hbm>>, %arg5: memref<2x81920x192xf32, #tpu.memory_space<hbm>>, %arg6: memref<81920xi32, #tpu.memory_space<hbm>>, %arg7: memref<163840x192xf32, #tpu.memory_space<hbm>>, %arg8: memref<2560xi32, #tpu.memory_space<vmem>>, %arg9: memref<2560xi32, #tpu.memory_space<vmem>>, %arg10: memref<10240xi32, #tpu.memory_space<vmem>>, %arg11: memref<320xi32, #tpu.memory_space<vmem>>, %arg12: memref<40x128xi32, #tpu.memory_space<vmem>>, %arg13: memref<2560xi32, #tpu.memory_space<vmem>>, %arg14: memref<128x192xf32, #tpu.memory_space<vmem>>, %arg15: memref<128x192xf32, #tpu.memory_space<vmem>>, %arg16: memref<!tpu.dma_semaphore, #tpu.memory_space<semaphore_mem>>, %arg17: memref<!tpu.dma_semaphore, #tpu.memory_space<semaphore_mem>>, %arg18: memref<!tpu.dma_semaphore, #tpu.memory_space<semaphore_mem>>, %arg19: memref<!tpu.dma_semaphore, #tpu.memory_space<semaphore_mem>>) attributes {dimension_semantics = [#tpu.dimension_semantics<core_parallel>, #tpu.dimension_semantics<subcore_parallel>], iteration_bounds = array<i64: 2, 16>, scalar_prefetch = 0 : i64, scratch_operands = 12 : i64, tpu.core_type = #tpu.core_type<sc_vector_subcore>, window_params = [{transform_indices = #map}, {transform_indices = #map}, {transform_indices = #map}, {transform_indices = #map1}, {transform_indices = #map}, {transform_indices = #map2}]} {
    %mul3A = arith.constant 2 : i32
    %mul3A_0 = arith.muli %arg1, %mul3A : i32
    %add3A = arith.addi %mul3A_0, %arg0 : i32
    %mul3A_1 = arith.constant 2560 : i32
    %mul3A_2 = arith.muli %add3A, %mul3A_1 : i32
    "tpu.region"() ({
      %run_scoped3A = tpu.sem_alloc : memref<!tpu.dma_semaphore, #tpu.memory_space<semaphore_mem>>
      %dma_start3A_1221 = tpu.memref_slice %arg2[%mul3A_2] : memref<81920xi32, #tpu.memory_space<hbm>> -> memref<2560xi32, #tpu.memory_space<hbm>>
      %dma_start3A_1222 = tpu.memref_slice %arg2[%mul3A_2] : memref<81920xi32, #tpu.memory_space<hbm>> -> memref<2560xi32, #tpu.memory_space<hbm>>
      tpu.enqueue_dma source(%dma_start3A_1222 : memref<2560xi32, #tpu.memory_space<hbm>>) target(%arg8 : memref<2560xi32, #tpu.memory_space<vmem>>) target_semaphore(%run_scoped3A : memref<!tpu.dma_semaphore, #tpu.memory_space<semaphore_mem>>)
      %dma_wait3A_1223 = tpu.memref_slice %arg2[%mul3A_2] : memref<81920xi32, #tpu.memory_space<hbm>> -> memref<2560xi32, #tpu.memory_space<hbm>>
      %dma_wait3A_1224 = tpu.memref_slice %arg2[%mul3A_2] : memref<81920xi32, #tpu.memory_space<hbm>> -> memref<2560xi32, #tpu.memory_space<hbm>>
      tpu.wait_dma2 semaphore(%run_scoped3A : memref<!tpu.dma_semaphore, #tpu.memory_space<semaphore_mem>>) src(%dma_wait3A_1224 : memref<2560xi32, #tpu.memory_space<hbm>>) dst(%arg8 : memref<2560xi32, #tpu.memory_space<vmem>>)
      tpu.yield
    }) : () -> ()
    "tpu.region"() ({
      %run_scoped3A = tpu.sem_alloc : memref<!tpu.dma_semaphore, #tpu.memory_space<semaphore_mem>>
      %dma_start3A_1221 = tpu.memref_slice %arg3[%mul3A_2] : memref<81920xi32, #tpu.memory_space<hbm>> -> memref<2560xi32, #tpu.memory_space<hbm>>
      %dma_start3A_1222 = tpu.memref_slice %arg3[%mul3A_2] : memref<81920xi32, #tpu.memory_space<hbm>> -> memref<2560xi32, #tpu.memory_space<hbm>>
      tpu.enqueue_dma source(%dma_start3A_1222 : memref<2560xi32, #tpu.memory_space<hbm>>) target(%arg9 : memref<2560xi32, #tpu.memory_space<vmem>>) target_semaphore(%run_scoped3A : memref<!tpu.dma_semaphore, #tpu.memory_space<semaphore_mem>>)
      %dma_wait3A_1223 = tpu.memref_slice %arg3[%mul3A_2] : memref<81920xi32, #tpu.memory_space<hbm>> -> memref<2560xi32, #tpu.memory_space<hbm>>
      %dma_wait3A_1224 = tpu.memref_slice %arg3[%mul3A_2] : memref<81920xi32, #tpu.memory_space<hbm>> -> memref<2560xi32, #tpu.memory_space<hbm>>
      tpu.wait_dma2 semaphore(%run_scoped3A : memref<!tpu.dma_semaphore, #tpu.memory_space<semaphore_mem>>) src(%dma_wait3A_1224 : memref<2560xi32, #tpu.memory_space<hbm>>) dst(%arg9 : memref<2560xi32, #tpu.memory_space<vmem>>)
      tpu.yield
    }) : () -> ()
    "tpu.region"() ({
      %run_scoped3A = tpu.sem_alloc : memref<!tpu.dma_semaphore, #tpu.memory_space<semaphore_mem>>
      tpu.enqueue_dma source(%arg4 : memref<10240xi32, #tpu.memory_space<hbm>>) target(%arg10 : memref<10240xi32, #tpu.memory_space<vmem>>) target_semaphore(%run_scoped3A : memref<!tpu.dma_semaphore, #tpu.memory_space<semaphore_mem>>)
      tpu.wait_dma2 semaphore(%run_scoped3A : memref<!tpu.dma_semaphore, #tpu.memory_space<semaphore_mem>>) src(%arg4 : memref<10240xi32, #tpu.memory_space<hbm>>) dst(%arg10 : memref<10240xi32, #tpu.memory_space<vmem>>)
      tpu.yield
    }) : () -> ()
    %iota3A = tpu.iota {dimensions = array<i32: 0>} : vector<16xi32>
    %scan3A = arith.constant 0 : i32
    %scan3A_3 = arith.constant 0 : i32
    %scan3A_4 = arith.constant 20 : i32
    %scan3A_5 = arith.addi %scan3A_3, %scan3A_4 : i32
    %scan3A_6 = arith.constant 1 : i32
    %scan3A_7 = scf.for %scan3A_1221 = %scan3A_3 to %scan3A_5 step %scan3A_6 iter_args(%scan3A_1222 = %scan3A) -> (i32)  : i32 {
      %mul3A_1223 = arith.constant 16 : i32
      %mul3A_1224 = arith.muli %scan3A_1221, %mul3A_1223 : i32
      %add3A_1225 = vector.broadcast %mul3A_1224 : i32 to vector<16xi32>
      %add3A_1226 = arith.addi %add3A_1225, %iota3A : vector<16xi32>
      %mul3A_1227 = arith.constant 256 : i32
      %mul3A_1228 = vector.broadcast %mul3A_1227 : i32 to vector<16xi32>
      %mul3A_1229 = arith.muli %add3A_1226, %mul3A_1228 : vector<16xi32>
      %scan3A_1230 = arith.constant 0 : i32
      %scan3A_1231 = arith.constant 32 : i32
      %scan3A_1232 = arith.addi %scan3A_1230, %scan3A_1231 : i32
      %scan3A_1233 = arith.constant 1 : i32
      %scan3A_1234 = scf.for %scan3A_1240 = %scan3A_1230 to %scan3A_1232 step %scan3A_1233 iter_args(%scan3A_1241 = %mul3A_1229) -> (vector<16xi32>)  : i32 {
        %mul3A_1242 = arith.constant 320 : i32
        %mul3A_1243 = arith.muli %scan3A_1240, %mul3A_1242 : i32
        %mul3A_1244 = arith.constant 16 : i32
        %mul3A_1245 = arith.muli %scan3A_1221, %mul3A_1244 : i32
        %add3A_1246 = arith.addi %mul3A_1243, %mul3A_1245 : i32
        %get3A = arith.index_cast %add3A_1246 : i32 to index
        %get3A_1247 = tpu.vector_load %arg10[%get3A] {strides = array<i32>} : memref<10240xi32, #tpu.memory_space<vmem>>, vector<16xi32>,
        %lt3A = arith.cmpi slt, %scan3A_1240, %add3A : i32
        %jit3A = arith.constant 0 : i32
        %broadcast_in_dim3A = vector.broadcast %jit3A : i32 to vector<16xi32>
        %select_n3A = arith.select %lt3A, %get3A_1247, %broadcast_in_dim3A : vector<16xi32>
        %add3A_1248 = arith.addi %scan3A_1241, %select_n3A : vector<16xi32>
        scf.yield %add3A_1248 : vector<16xi32>
      }
      %scan3A_1235 = arith.constant 32 : i32
      %mul3A_1236 = arith.constant 16 : i32
      %mul3A_1237 = arith.muli %scan3A_1221, %mul3A_1236 : i32
      %swap3A = arith.index_cast %mul3A_1237 : i32 to index
      %swap3A_1238 = tpu.vector_load %arg11[%swap3A] {strides = array<i32>} : memref<320xi32, #tpu.memory_space<vmem>>, vector<16xi32>,
      tpu.vector_store %arg11[%swap3A], %scan3A_1234 {strides = array<i32>} : memref<320xi32, #tpu.memory_space<vmem>>, vector<16xi32>,
      %scan3A_1239 = arith.constant 0 : i32
      scf.yield %scan3A_1239 : i32
    }
    %scan3A_8 = arith.constant 20 : i32
    %scan3A_9 = arith.constant 0 : i32
    %scan3A_10 = arith.constant 0 : i32
    %scan3A_11 = arith.constant 160 : i32
    %scan3A_12 = arith.addi %scan3A_10, %scan3A_11 : i32
    %scan3A_13 = arith.constant 1 : i32
    %scan3A_14 = scf.for %scan3A_1221 = %scan3A_10 to %scan3A_12 step %scan3A_13 iter_args(%scan3A_1222 = %scan3A_9) -> (i32)  : i32 {
      %mul3A_1223 = arith.constant 16 : i32
      %mul3A_1224 = arith.muli %scan3A_1221, %mul3A_1223 : i32
      %get3A = arith.index_cast %mul3A_1224 : i32 to index
      %get3A_1225 = tpu.vector_load %arg8[%get3A] {strides = array<i32>} : memref<2560xi32, #tpu.memory_space<vmem>>, vector<16xi32>,
      %get3A_1226 = arith.index_cast %mul3A_1224 : i32 to index
      %get3A_1227 = tpu.vector_load %arg9[%get3A_1226] {strides = array<i32>} : memref<2560xi32, #tpu.memory_space<vmem>>, vector<16xi32>,
      %gather3A = tpu.vector_load_idx %arg11[%get3A_1225] : memref<320xi32, #tpu.memory_space<vmem>>[vector<16xi32>], vector<16xi32>,
      %add3A_1228 = arith.addi %gather3A, %get3A_1227 : vector<16xi32>
      %jit3A = arith.constant 8 : i32
      %div3A = arith.divsi %scan3A_1221, %jit3A : i32
      %sign3A = arith.constant 0 : i32
      %sign3A_1229 = arith.cmpi sgt, %scan3A_1221, %sign3A : i32
      %sign3A_1230 = arith.extui %sign3A_1229 : i1 to i32
      %sign3A_1231 = arith.constant 0 : i32
      %sign3A_1232 = arith.cmpi slt, %scan3A_1221, %sign3A_1231 : i32
      %sign3A_1233 = arith.extui %sign3A_1232 : i1 to i32
      %sign3A_1234 = arith.subi %sign3A_1230, %sign3A_1233 : i32
      %sign3A_1235 = arith.constant 0 : i32
      %sign3A_1236 = arith.cmpi sgt, %jit3A, %sign3A_1235 : i32
      %sign3A_1237 = arith.extui %sign3A_1236 : i1 to i32
      %sign3A_1238 = arith.constant 0 : i32
      %sign3A_1239 = arith.cmpi slt, %jit3A, %sign3A_1238 : i32
      %sign3A_1240 = arith.extui %sign3A_1239 : i1 to i32
      %sign3A_1241 = arith.subi %sign3A_1237, %sign3A_1240 : i32
      %ne3A = arith.cmpi ne, %sign3A_1234, %sign3A_1241 : i32
      %rem3A = arith.remsi %scan3A_1221, %jit3A : i32
      %ne3A_1242 = arith.constant 0 : i32
      %ne3A_1243 = arith.cmpi ne, %rem3A, %ne3A_1242 : i32
      %and3A = arith.andi %ne3A, %ne3A_1243 : i1
      %sub3A = arith.constant 1 : i32
      %sub3A_1244 = arith.subi %div3A, %sub3A : i32
      %select_n3A = arith.select %and3A, %sub3A_1244, %div3A : i32
      %jit3A_1245 = arith.constant 8 : i32
      %eq3A = arith.constant 0 : i32
      %eq3A_1246 = arith.cmpi eq, %jit3A_1245, %eq3A : i32
      %jit3A_1247 = arith.constant 1 : i32
      %select_n3A_1248 = arith.select %eq3A_1246, %jit3A_1247, %jit3A_1245 : i32
      %rem3A_1249 = arith.remsi %scan3A_1221, %select_n3A_1248 : i32
      %ne3A_1250 = arith.constant 0 : i32
      %ne3A_1251 = arith.cmpi ne, %rem3A_1249, %ne3A_1250 : i32
      %lt3A = arith.constant 0 : i32
      %lt3A_1252 = arith.cmpi slt, %rem3A_1249, %lt3A : i32
      %lt3A_1253 = arith.constant 0 : i32
      %lt3A_1254 = arith.cmpi slt, %select_n3A_1248, %lt3A_1253 : i32
      %ne3A_1255 = arith.xori %lt3A_1252, %lt3A_1254 : i1
      %and3A_1256 = arith.andi %ne3A_1255, %ne3A_1251 : i1
      %add3A_1257 = arith.addi %rem3A_1249, %select_n3A_1248 : i32
      %select_n3A_1258 = arith.select %and3A_1256, %add3A_1257, %rem3A_1249 : i32
      %mul3A_1259 = arith.constant 16 : i32
      %mul3A_1260 = arith.muli %select_n3A_1258, %mul3A_1259 : i32
      %add3A_1261 = vector.broadcast %mul3A_1260 : i32 to vector<16xi32>
      %add3A_1262 = arith.addi %add3A_1261, %iota3A : vector<16xi32>
      %broadcast_in_dim3A = arith.constant 0 : i32
      %broadcast_in_dim3A_1263 = vector.broadcast %broadcast_in_dim3A : i32 to vector<16xi32>
      %add3A_1264 = vector.broadcast %select_n3A : i32 to vector<16xi32>
      %add3A_1265 = arith.addi %broadcast_in_dim3A_1263, %add3A_1264 : vector<16xi32>
      tpu.vector_store_idx %arg12[%add3A_1265, %add3A_1262], %add3A_1228 : memref<40x128xi32, #tpu.memory_space<vmem>>[vector<16xi32>, vector<16xi32>], vector<16xi32>,
      %add3A_1266 = arith.constant 20 : i32
      %add3A_1267 = vector.broadcast %add3A_1266 : i32 to vector<16xi32>
      %add3A_1268 = arith.addi %add3A_1265, %add3A_1267 : vector<16xi32>
      %add3A_1269 = arith.constant 81920 : i32
      %add3A_1270 = vector.broadcast %add3A_1269 : i32 to vector<16xi32>
      %add3A_1271 = arith.addi %add3A_1228, %add3A_1270 : vector<16xi32>
      tpu.vector_store_idx %arg12[%add3A_1268, %add3A_1262], %add3A_1271 : memref<40x128xi32, #tpu.memory_space<vmem>>[vector<16xi32>, vector<16xi32>], vector<16xi32>,
      %add3A_1272 = arith.addi %mul3A_2, %mul3A_1224 : i32
      %add3A_1273 = vector.broadcast %add3A_1272 : i32 to vector<16xi32>
      %add3A_1274 = arith.addi %add3A_1273, %iota3A : vector<16xi32>
      %swap3A = arith.index_cast %mul3A_1224 : i32 to index
      %swap3A_1275 = tpu.vector_load %arg13[%swap3A] {strides = array<i32>} : memref<2560xi32, #tpu.memory_space<vmem>>, vector<16xi32>,
      tpu.vector_store %arg13[%swap3A], %add3A_1274 {strides = array<i32>} : memref<2560xi32, #tpu.memory_space<vmem>>, vector<16xi32>,
      %scan3A_1276 = arith.constant 0 : i32
      scf.yield %scan3A_1276 : i32
    }
    %scan3A_15 = arith.constant 160 : i32
    %scan3A_16 = arith.constant 0 : i32
    %scan3A_17 = arith.constant 0 : i32
    %scan3A_18 = arith.constant 20 : i32
    %scan3A_19 = arith.addi %scan3A_17, %scan3A_18 : i32
    %scan3A_20 = arith.constant 1 : i32
    %scan3A_21 = scf.for %scan3A_1221 = %scan3A_17 to %scan3A_19 step %scan3A_20 iter_args(%scan3A_1222 = %scan3A_16) -> (i32)  : i32 {
      %mul3A_1223 = arith.constant 128 : i32
      %mul3A_1224 = arith.muli %scan3A_1221, %mul3A_1223 : i32
      "tpu.region"() ({
        %run_scoped3A = tpu.sem_alloc : memref<!tpu.dma_semaphore, #tpu.memory_space<semaphore_mem>>
        %dma_start3A_1226 = tpu.memref_slice %arg13[%mul3A_1224] : memref<2560xi32, #tpu.memory_space<vmem>> -> memref<128xi32, #tpu.memory_space<vmem>>
        %dma_start3A_1227 = arith.constant 0 : i32
        %dma_start3A_1228 = tpu.memref_slice %arg12[%scan3A_1221, %dma_start3A_1227] : memref<40x128xi32, #tpu.memory_space<vmem>> -> memref<1x128xi32, #tpu.memory_space<vmem>>
        %dma_start3A_1229 = tpu.memref_squeeze %dma_start3A_1228 : memref<1x128xi32, #tpu.memory_space<vmem>> -> memref<128xi32, #tpu.memory_space<vmem>>
        %dma_start3A_1230 = arith.constant 0 : i32
        %dma_start3A_1231 = tpu.memref_slice %arg6[%dma_start3A_1230] : memref<81920xi32, #tpu.memory_space<hbm>> -> memref<81920xi32, #tpu.memory_space<hbm>>
        tpu.enqueue_indirect_dma source(%dma_start3A_1226 : memref<128xi32, #tpu.memory_space<vmem>>) target(%dma_start3A_1231 : memref<81920xi32, #tpu.memory_space<hbm>>) offsets(%dma_start3A_1229 : memref<128xi32, #tpu.memory_space<vmem>>) semaphore(%run_scoped3A : memref<!tpu.dma_semaphore, #tpu.memory_space<semaphore_mem>>)
        %dma_wait3A_1232 = tpu.memref_slice %arg13[%mul3A_1224] : memref<2560xi32, #tpu.memory_space<vmem>> -> memref<128xi32, #tpu.memory_space<vmem>>
        %dma_wait3A_1233 = arith.constant 0 : i32
        %dma_wait3A_1234 = tpu.memref_slice %arg12[%scan3A_1221, %dma_wait3A_1233] : memref<40x128xi32, #tpu.memory_space<vmem>> -> memref<1x128xi32, #tpu.memory_space<vmem>>
        %dma_wait3A_1235 = tpu.memref_squeeze %dma_wait3A_1234 : memref<1x128xi32, #tpu.memory_space<vmem>> -> memref<128xi32, #tpu.memory_space<vmem>>
        %dma_wait3A_1236 = arith.constant 0 : i32
        %dma_wait3A_1237 = tpu.memref_slice %arg6[%dma_wait3A_1236] : memref<81920xi32, #tpu.memory_space<hbm>> -> memref<81920xi32, #tpu.memory_space<hbm>>
        tpu.wait_indirect_dma semaphore(%run_scoped3A : memref<!tpu.dma_semaphore, #tpu.memory_space<semaphore_mem>>) src(%dma_wait3A_1232 : memref<128xi32, #tpu.memory_space<vmem>>) dst(%dma_wait3A_1237 : memref<81920xi32, #tpu.memory_space<hbm>>)
        tpu.yield
      }) : () -> ()
      %scan3A_1225 = arith.constant 0 : i32
      scf.yield %scan3A_1225 : i32
    }
    %scan3A_22 = arith.constant 20 : i32
    %add3A_23 = arith.constant 0 : i32
    %add3A_24 = arith.addi %mul3A_2, %add3A_23 : i32
    %dma_start3A = arith.constant 0 : i32
    %dma_start3A_25 = arith.constant 0 : i32
    %dma_start3A_26 = tpu.memref_slice %arg5[%dma_start3A, %add3A_24, %dma_start3A_25] : memref<2x81920x192xf32, #tpu.memory_space<hbm>> -> memref<1x128x192xf32, #tpu.memory_space<hbm>>
    %dma_start3A_27 = tpu.memref_squeeze %dma_start3A_26 : memref<1x128x192xf32, #tpu.memory_space<hbm>> -> memref<128x192xf32, #tpu.memory_space<hbm>>
    %dma_start3A_28 = arith.constant 0 : i32
    %dma_start3A_29 = tpu.memref_slice %arg5[%dma_start3A, %add3A_24, %dma_start3A_28] : memref<2x81920x192xf32, #tpu.memory_space<hbm>> -> memref<1x128x192xf32, #tpu.memory_space<hbm>>
    %dma_start3A_30 = tpu.memref_squeeze %dma_start3A_29 : memref<1x128x192xf32, #tpu.memory_space<hbm>> -> memref<128x192xf32, #tpu.memory_space<hbm>>
    tpu.enqueue_dma source(%dma_start3A_30 : memref<128x192xf32, #tpu.memory_space<hbm>>) target(%arg14 : memref<128x192xf32, #tpu.memory_space<vmem>>) target_semaphore(%arg16 : memref<!tpu.dma_semaphore, #tpu.memory_space<semaphore_mem>>)
    %dma_wait3A = arith.constant 0 : i32
    %dma_wait3A_31 = arith.constant 0 : i32
    %dma_wait3A_32 = tpu.memref_slice %arg5[%dma_wait3A, %add3A_24, %dma_wait3A_31] : memref<2x81920x192xf32, #tpu.memory_space<hbm>> -> memref<1x128x192xf32, #tpu.memory_space<hbm>>
    %dma_wait3A_33 = tpu.memref_squeeze %dma_wait3A_32 : memref<1x128x192xf32, #tpu.memory_space<hbm>> -> memref<128x192xf32, #tpu.memory_space<hbm>>
    %dma_wait3A_34 = arith.constant 0 : i32
    %dma_wait3A_35 = tpu.memref_slice %arg5[%dma_wait3A, %add3A_24, %dma_wait3A_34] : memref<2x81920x192xf32, #tpu.memory_space<hbm>> -> memref<1x128x192xf32, #tpu.memory_space<hbm>>
    %dma_wait3A_36 = tpu.memref_squeeze %dma_wait3A_35 : memref<1x128x192xf32, #tpu.memory_space<hbm>> -> memref<128x192xf32, #tpu.memory_space<hbm>>
    tpu.wait_dma2 semaphore(%arg16 : memref<!tpu.dma_semaphore, #tpu.memory_space<semaphore_mem>>) src(%dma_wait3A_36 : memref<128x192xf32, #tpu.memory_space<hbm>>) dst(%arg14 : memref<128x192xf32, #tpu.memory_space<vmem>>)
    %dma_start3A_37 = arith.constant 0 : i32
    %dma_start3A_38 = arith.constant 0 : i32
    %dma_start3A_39 = tpu.memref_slice %arg12[%dma_start3A_37, %dma_start3A_38] : memref<40x128xi32, #tpu.memory_space<vmem>> -> memref<1x128xi32, #tpu.memory_space<vmem>>
    %dma_start3A_40 = tpu.memref_squeeze %dma_start3A_39 : memref<1x128xi32, #tpu.memory_space<vmem>> -> memref<128xi32, #tpu.memory_space<vmem>>
    %dma_start3A_41 = arith.constant 0 : i32
    %dma_start3A_42 = arith.constant 0 : i32
    %dma_start3A_43 = tpu.memref_slice %arg7[%dma_start3A_41, %dma_start3A_42] : memref<163840x192xf32, #tpu.memory_space<hbm>> -> memref<163840x192xf32, #tpu.memory_space<hbm>>
    tpu.enqueue_indirect_dma source(%arg14 : memref<128x192xf32, #tpu.memory_space<vmem>>) target(%dma_start3A_43 : memref<163840x192xf32, #tpu.memory_space<hbm>>) offsets(%dma_start3A_40 : memref<128xi32, #tpu.memory_space<vmem>>) semaphore(%arg18 : memref<!tpu.dma_semaphore, #tpu.memory_space<semaphore_mem>>)
    %add3A_44 = arith.constant 128 : i32
    %add3A_45 = arith.addi %mul3A_2, %add3A_44 : i32
    %dma_start3A_46 = arith.constant 0 : i32
    %dma_start3A_47 = arith.constant 0 : i32
    %dma_start3A_48 = tpu.memref_slice %arg5[%dma_start3A_46, %add3A_45, %dma_start3A_47] : memref<2x81920x192xf32, #tpu.memory_space<hbm>> -> memref<1x128x192xf32, #tpu.memory_space<hbm>>
    %dma_start3A_49 = tpu.memref_squeeze %dma_start3A_48 : memref<1x128x192xf32, #tpu.memory_space<hbm>> -> memref<128x192xf32, #tpu.memory_space<hbm>>
    %dma_start3A_50 = arith.constant 0 : i32
    %dma_start3A_51 = tpu.memref_slice %arg5[%dma_start3A_46, %add3A_45, %dma_start3A_50] : memref<2x81920x192xf32, #tpu.memory_space<hbm>> -> memref<1x128x192xf32, #tpu.memory_space<hbm>>
    %dma_start3A_52 = tpu.memref_squeeze %dma_start3A_51 : memref<1x128x192xf32, #tpu.memory_space<hbm>> -> memref<128x192xf32, #tpu.memory_space<hbm>>
    tpu.enqueue_dma source(%dma_start3A_52 : memref<128x192xf32, #tpu.memory_space<hbm>>) target(%arg15 : memref<128x192xf32, #tpu.memory_space<vmem>>) target_semaphore(%arg17 : memref<!tpu.dma_semaphore, #tpu.memory_space<semaphore_mem>>)
    %dma_wait3A_53 = arith.constant 0 : i32
    %dma_wait3A_54 = arith.constant 0 : i32
    %dma_wait3A_55 = tpu.memref_slice %arg5[%dma_wait3A_53, %add3A_45, %dma_wait3A_54] : memref<2x81920x192xf32, #tpu.memory_space<hbm>> -> memref<1x128x192xf32, #tpu.memory_space<hbm>>
    %dma_wait3A_56 = tpu.memref_squeeze %dma_wait3A_55 : memref<1x128x192xf32, #tpu.memory_space<hbm>> -> memref<128x192xf32, #tpu.memory_space<hbm>>
    %dma_wait3A_57 = arith.constant 0 : i32
    %dma_wait3A_58 = tpu.memref_slice %arg5[%dma_wait3A_53, %add3A_45, %dma_wait3A_57] : memref<2x81920x192xf32, #tpu.memory_space<hbm>> -> memref<1x128x192xf32, #tpu.memory_space<hbm>>
    %dma_wait3A_59 = tpu.memref_squeeze %dma_wait3A_58 : memref<1x128x192xf32, #tpu.memory_space<hbm>> -> memref<128x192xf32, #tpu.memory_space<hbm>>
    tpu.wait_dma2 semaphore(%arg17 : memref<!tpu.dma_semaphore, #tpu.memory_space<semaphore_mem>>) src(%dma_wait3A_59 : memref<128x192xf32, #tpu.memory_space<hbm>>) dst(%arg15 : memref<128x192xf32, #tpu.memory_space<vmem>>)
    %dma_start3A_60 = arith.constant 1 : i32
    %dma_start3A_61 = arith.constant 0 : i32
    %dma_start3A_62 = tpu.memref_slice %arg12[%dma_start3A_60, %dma_start3A_61] : memref<40x128xi32, #tpu.memory_space<vmem>> -> memref<1x128xi32, #tpu.memory_space<vmem>>
    %dma_start3A_63 = tpu.memref_squeeze %dma_start3A_62 : memref<1x128xi32, #tpu.memory_space<vmem>> -> memref<128xi32, #tpu.memory_space<vmem>>
    %dma_start3A_64 = arith.constant 0 : i32
    %dma_start3A_65 = arith.constant 0 : i32
    %dma_start3A_66 = tpu.memref_slice %arg7[%dma_start3A_64, %dma_start3A_65] : memref<163840x192xf32, #tpu.memory_space<hbm>> -> memref<163840x192xf32, #tpu.memory_space<hbm>>
    tpu.enqueue_indirect_dma source(%arg15 : memref<128x192xf32, #tpu.memory_space<vmem>>) target(%dma_start3A_66 : memref<163840x192xf32, #tpu.memory_space<hbm>>) offsets(%dma_start3A_63 : memref<128xi32, #tpu.memory_space<vmem>>) semaphore(%arg19 : memref<!tpu.dma_semaphore, #tpu.memory_space<semaphore_mem>>)
    %dma_wait3A_67 = arith.constant 0 : i32
    %dma_wait3A_68 = arith.constant 0 : i32
    %dma_wait3A_69 = tpu.memref_slice %arg12[%dma_wait3A_67, %dma_wait3A_68] : memref<40x128xi32, #tpu.memory_space<vmem>> -> memref<1x128xi32, #tpu.memory_space<vmem>>
    %dma_wait3A_70 = tpu.memref_squeeze %dma_wait3A_69 : memref<1x128xi32, #tpu.memory_space<vmem>> -> memref<128xi32, #tpu.memory_space<vmem>>
    %dma_wait3A_71 = arith.constant 0 : i32
    %dma_wait3A_72 = arith.constant 0 : i32
    %dma_wait3A_73 = tpu.memref_slice %arg7[%dma_wait3A_71, %dma_wait3A_72] : memref<163840x192xf32, #tpu.memory_space<hbm>> -> memref<163840x192xf32, #tpu.memory_space<hbm>>
    tpu.wait_indirect_dma semaphore(%arg18 : memref<!tpu.dma_semaphore, #tpu.memory_space<semaphore_mem>>) src(%arg14 : memref<128x192xf32, #tpu.memory_space<vmem>>) dst(%dma_wait3A_73 : memref<163840x192xf32, #tpu.memory_space<hbm>>)
    %add3A_74 = arith.constant 256 : i32
    %add3A_75 = arith.addi %mul3A_2, %add3A_74 : i32
    %dma_start3A_76 = arith.constant 0 : i32
    %dma_start3A_77 = arith.constant 0 : i32
    %dma_start3A_78 = tpu.memref_slice %arg5[%dma_start3A_76, %add3A_75, %dma_start3A_77] : memref<2x81920x192xf32, #tpu.memory_space<hbm>> -> memref<1x128x192xf32, #tpu.memory_space<hbm>>
    %dma_start3A_79 = tpu.memref_squeeze %dma_start3A_78 : memref<1x128x192xf32, #tpu.memory_space<hbm>> -> memref<128x192xf32, #tpu.memory_space<hbm>>
    %dma_start3A_80 = arith.constant 0 : i32
    %dma_start3A_81 = tpu.memref_slice %arg5[%dma_start3A_76, %add3A_75, %dma_start3A_80] : memref<2x81920x192xf32, #tpu.memory_space<hbm>> -> memref<1x128x192xf32, #tpu.memory_space<hbm>>
    %dma_start3A_82 = tpu.memref_squeeze %dma_start3A_81 : memref<1x128x192xf32, #tpu.memory_space<hbm>> -> memref<128x192xf32, #tpu.memory_space<hbm>>
    tpu.enqueue_dma source(%dma_start3A_82 : memref<128x192xf32, #tpu.memory_space<hbm>>) target(%arg14 : memref<128x192xf32, #tpu.memory_space<vmem>>) target_semaphore(%arg16 : memref<!tpu.dma_semaphore, #tpu.memory_space<semaphore_mem>>)
    %dma_wait3A_83 = arith.constant 0 : i32
    %dma_wait3A_84 = arith.constant 0 : i32
    %dma_wait3A_85 = tpu.memref_slice %arg5[%dma_wait3A_83, %add3A_75, %dma_wait3A_84] : memref<2x81920x192xf32, #tpu.memory_space<hbm>> -> memref<1x128x192xf32, #tpu.memory_space<hbm>>
    %dma_wait3A_86 = tpu.memref_squeeze %dma_wait3A_85 : memref<1x128x192xf32, #tpu.memory_space<hbm>> -> memref<128x192xf32, #tpu.memory_space<hbm>>
    %dma_wait3A_87 = arith.constant 0 : i32
    %dma_wait3A_88 = tpu.memref_slice %arg5[%dma_wait3A_83, %add3A_75, %dma_wait3A_87] : memref<2x81920x192xf32, #tpu.memory_space<hbm>> -> memref<1x128x192xf32, #tpu.memory_space<hbm>>
    %dma_wait3A_89 = tpu.memref_squeeze %dma_wait3A_88 : memref<1x128x192xf32, #tpu.memory_space<hbm>> -> memref<128x192xf32, #tpu.memory_space<hbm>>
    tpu.wait_dma2 semaphore(%arg16 : memref<!tpu.dma_semaphore, #tpu.memory_space<semaphore_mem>>) src(%dma_wait3A_89 : memref<128x192xf32, #tpu.memory_space<hbm>>) dst(%arg14 : memref<128x192xf32, #tpu.memory_space<vmem>>)
    %dma_start3A_90 = arith.constant 2 : i32
    %dma_start3A_91 = arith.constant 0 : i32
    %dma_start3A_92 = tpu.memref_slice %arg12[%dma_start3A_90, %dma_start3A_91] : memref<40x128xi32, #tpu.memory_space<vmem>> -> memref<1x128xi32, #tpu.memory_space<vmem>>
    %dma_start3A_93 = tpu.memref_squeeze %dma_start3A_92 : memref<1x128xi32, #tpu.memory_space<vmem>> -> memref<128xi32, #tpu.memory_space<vmem>>
    %dma_start3A_94 = arith.constant 0 : i32
    %dma_start3A_95 = arith.constant 0 : i32
    %dma_start3A_96 = tpu.memref_slice %arg7[%dma_start3A_94, %dma_start3A_95] : memref<163840x192xf32, #tpu.memory_space<hbm>> -> memref<163840x192xf32, #tpu.memory_space<hbm>>
    tpu.enqueue_indirect_dma source(%arg14 : memref<128x192xf32, #tpu.memory_space<vmem>>) target(%dma_start3A_96 : memref<163840x192xf32, #tpu.memory_space<hbm>>) offsets(%dma_start3A_93 : memref<128xi32, #tpu.memory_space<vmem>>) semaphore(%arg18 : memref<!tpu.dma_semaphore, #tpu.memory_space<semaphore_mem>>)
    %dma_wait3A_97 = arith.constant 1 : i32
    %dma_wait3A_98 = arith.constant 0 : i32
    %dma_wait3A_99 = tpu.memref_slice %arg12[%dma_wait3A_97, %dma_wait3A_98] : memref<40x128xi32, #tpu.memory_space<vmem>> -> memref<1x128xi32, #tpu.memory_space<vmem>>
    %dma_wait3A_100 = tpu.memref_squeeze %dma_wait3A_99 : memref<1x128xi32, #tpu.memory_space<vmem>> -> memref<128xi32, #tpu.memory_space<vmem>>
    %dma_wait3A_101 = arith.constant 0 : i32
    %dma_wait3A_102 = arith.constant 0 : i32
    %dma_wait3A_103 = tpu.memref_slice %arg7[%dma_wait3A_101, %dma_wait3A_102] : memref<163840x192xf32, #tpu.memory_space<hbm>> -> memref<163840x192xf32, #tpu.memory_space<hbm>>
    tpu.wait_indirect_dma semaphore(%arg19 : memref<!tpu.dma_semaphore, #tpu.memory_space<semaphore_mem>>) src(%arg15 : memref<128x192xf32, #tpu.memory_space<vmem>>) dst(%dma_wait3A_103 : memref<163840x192xf32, #tpu.memory_space<hbm>>)
    %add3A_104 = arith.constant 384 : i32
    %add3A_105 = arith.addi %mul3A_2, %add3A_104 : i32
    %dma_start3A_106 = arith.constant 0 : i32
    %dma_start3A_107 = arith.constant 0 : i32
    %dma_start3A_108 = tpu.memref_slice %arg5[%dma_start3A_106, %add3A_105, %dma_start3A_107] : memref<2x81920x192xf32, #tpu.memory_space<hbm>> -> memref<1x128x192xf32, #tpu.memory_space<hbm>>
    %dma_start3A_109 = tpu.memref_squeeze %dma_start3A_108 : memref<1x128x192xf32, #tpu.memory_space<hbm>> -> memref<128x192xf32, #tpu.memory_space<hbm>>
    %dma_start3A_110 = arith.constant 0 : i32
    %dma_start3A_111 = tpu.memref_slice %arg5[%dma_start3A_106, %add3A_105, %dma_start3A_110] : memref<2x81920x192xf32, #tpu.memory_space<hbm>> -> memref<1x128x192xf32, #tpu.memory_space<hbm>>
    %dma_start3A_112 = tpu.memref_squeeze %dma_start3A_111 : memref<1x128x192xf32, #tpu.memory_space<hbm>> -> memref<128x192xf32, #tpu.memory_space<hbm>>
    tpu.enqueue_dma source(%dma_start3A_112 : memref<128x192xf32, #tpu.memory_space<hbm>>) target(%arg15 : memref<128x192xf32, #tpu.memory_space<vmem>>) target_semaphore(%arg17 : memref<!tpu.dma_semaphore, #tpu.memory_space<semaphore_mem>>)
    %dma_wait3A_113 = arith.constant 0 : i32
    %dma_wait3A_114 = arith.constant 0 : i32
    %dma_wait3A_115 = tpu.memref_slice %arg5[%dma_wait3A_113, %add3A_105, %dma_wait3A_114] : memref<2x81920x192xf32, #tpu.memory_space<hbm>> -> memref<1x128x192xf32, #tpu.memory_space<hbm>>
    %dma_wait3A_116 = tpu.memref_squeeze %dma_wait3A_115 : memref<1x128x192xf32, #tpu.memory_space<hbm>> -> memref<128x192xf32, #tpu.memory_space<hbm>>
    %dma_wait3A_117 = arith.constant 0 : i32
    %dma_wait3A_118 = tpu.memref_slice %arg5[%dma_wait3A_113, %add3A_105, %dma_wait3A_117] : memref<2x81920x192xf32, #tpu.memory_space<hbm>> -> memref<1x128x192xf32, #tpu.memory_space<hbm>>
    %dma_wait3A_119 = tpu.memref_squeeze %dma_wait3A_118 : memref<1x128x192xf32, #tpu.memory_space<hbm>> -> memref<128x192xf32, #tpu.memory_space<hbm>>
    tpu.wait_dma2 semaphore(%arg17 : memref<!tpu.dma_semaphore, #tpu.memory_space<semaphore_mem>>) src(%dma_wait3A_119 : memref<128x192xf32, #tpu.memory_space<hbm>>) dst(%arg15 : memref<128x192xf32, #tpu.memory_space<vmem>>)
    %dma_start3A_120 = arith.constant 3 : i32
    %dma_start3A_121 = arith.constant 0 : i32
    %dma_start3A_122 = tpu.memref_slice %arg12[%dma_start3A_120, %dma_start3A_121] : memref<40x128xi32, #tpu.memory_space<vmem>> -> memref<1x128xi32, #tpu.memory_space<vmem>>
    %dma_start3A_123 = tpu.memref_squeeze %dma_start3A_122 : memref<1x128xi32, #tpu.memory_space<vmem>> -> memref<128xi32, #tpu.memory_space<vmem>>
    %dma_start3A_124 = arith.constant 0 : i32
    %dma_start3A_125 = arith.constant 0 : i32
    %dma_start3A_126 = tpu.memref_slice %arg7[%dma_start3A_124, %dma_start3A_125] : memref<163840x192xf32, #tpu.memory_space<hbm>> -> memref<163840x192xf32, #tpu.memory_space<hbm>>
    tpu.enqueue_indirect_dma source(%arg15 : memref<128x192xf32, #tpu.memory_space<vmem>>) target(%dma_start3A_126 : memref<163840x192xf32, #tpu.memory_space<hbm>>) offsets(%dma_start3A_123 : memref<128xi32, #tpu.memory_space<vmem>>) semaphore(%arg19 : memref<!tpu.dma_semaphore, #tpu.memory_space<semaphore_mem>>)
    %dma_wait3A_127 = arith.constant 2 : i32
    %dma_wait3A_128 = arith.constant 0 : i32
    %dma_wait3A_129 = tpu.memref_slice %arg12[%dma_wait3A_127, %dma_wait3A_128] : memref<40x128xi32, #tpu.memory_space<vmem>> -> memref<1x128xi32, #tpu.memory_space<vmem>>
    %dma_wait3A_130 = tpu.memref_squeeze %dma_wait3A_129 : memref<1x128xi32, #tpu.memory_space<vmem>> -> memref<128xi32, #tpu.memory_space<vmem>>
    %dma_wait3A_131 = arith.constant 0 : i32
    %dma_wait3A_132 = arith.constant 0 : i32
    %dma_wait3A_133 = tpu.memref_slice %arg7[%dma_wait3A_131, %dma_wait3A_132] : memref<163840x192xf32, #tpu.memory_space<hbm>> -> memref<163840x192xf32, #tpu.memory_space<hbm>>
    tpu.wait_indirect_dma semaphore(%arg18 : memref<!tpu.dma_semaphore, #tpu.memory_space<semaphore_mem>>) src(%arg14 : memref<128x192xf32, #tpu.memory_space<vmem>>) dst(%dma_wait3A_133 : memref<163840x192xf32, #tpu.memory_space<hbm>>)
    %add3A_134 = arith.constant 512 : i32
    %add3A_135 = arith.addi %mul3A_2, %add3A_134 : i32
    %dma_start3A_136 = arith.constant 0 : i32
    %dma_start3A_137 = arith.constant 0 : i32
    %dma_start3A_138 = tpu.memref_slice %arg5[%dma_start3A_136, %add3A_135, %dma_start3A_137] : memref<2x81920x192xf32, #tpu.memory_space<hbm>> -> memref<1x128x192xf32, #tpu.memory_space<hbm>>
    %dma_start3A_139 = tpu.memref_squeeze %dma_start3A_138 : memref<1x128x192xf32, #tpu.memory_space<hbm>> -> memref<128x192xf32, #tpu.memory_space<hbm>>
    %dma_start3A_140 = arith.constant 0 : i32
    %dma_start3A_141 = tpu.memref_slice %arg5[%dma_start3A_136, %add3A_135, %dma_start3A_140] : memref<2x81920x192xf32, #tpu.memory_space<hbm>> -> memref<1x128x192xf32, #tpu.memory_space<hbm>>
    %dma_start3A_142 = tpu.memref_squeeze %dma_start3A_141 : memref<1x128x192xf32, #tpu.memory_space<hbm>> -> memref<128x192xf32, #tpu.memory_space<hbm>>
    tpu.enqueue_dma source(%dma_start3A_142 : memref<128x192xf32, #tpu.memory_space<hbm>>) target(%arg14 : memref<128x192xf32, #tpu.memory_space<vmem>>) target_semaphore(%arg16 : memref<!tpu.dma_semaphore, #tpu.memory_space<semaphore_mem>>)
    %dma_wait3A_143 = arith.constant 0 : i32
    %dma_wait3A_144 = arith.constant 0 : i32
    %dma_wait3A_145 = tpu.memref_slice %arg5[%dma_wait3A_143, %add3A_135, %dma_wait3A_144] : memref<2x81920x192xf32, #tpu.memory_space<hbm>> -> memref<1x128x192xf32, #tpu.memory_space<hbm>>
    %dma_wait3A_146 = tpu.memref_squeeze %dma_wait3A_145 : memref<1x128x192xf32, #tpu.memory_space<hbm>> -> memref<128x192xf32, #tpu.memory_space<hbm>>
    %dma_wait3A_147 = arith.constant 0 : i32
    %dma_wait3A_148 = tpu.memref_slice %arg5[%dma_wait3A_143, %add3A_135, %dma_wait3A_147] : memref<2x81920x192xf32, #tpu.memory_space<hbm>> -> memref<1x128x192xf32, #tpu.memory_space<hbm>>
    %dma_wait3A_149 = tpu.memref_squeeze %dma_wait3A_148 : memref<1x128x192xf32, #tpu.memory_space<hbm>> -> memref<128x192xf32, #tpu.memory_space<hbm>>
    tpu.wait_dma2 semaphore(%arg16 : memref<!tpu.dma_semaphore, #tpu.memory_space<semaphore_mem>>) src(%dma_wait3A_149 : memref<128x192xf32, #tpu.memory_space<hbm>>) dst(%arg14 : memref<128x192xf32, #tpu.memory_space<vmem>>)
    %dma_start3A_150 = arith.constant 4 : i32
    %dma_start3A_151 = arith.constant 0 : i32
    %dma_start3A_152 = tpu.memref_slice %arg12[%dma_start3A_150, %dma_start3A_151] : memref<40x128xi32, #tpu.memory_space<vmem>> -> memref<1x128xi32, #tpu.memory_space<vmem>>
    %dma_start3A_153 = tpu.memref_squeeze %dma_start3A_152 : memref<1x128xi32, #tpu.memory_space<vmem>> -> memref<128xi32, #tpu.memory_space<vmem>>
    %dma_start3A_154 = arith.constant 0 : i32
    %dma_start3A_155 = arith.constant 0 : i32
    %dma_start3A_156 = tpu.memref_slice %arg7[%dma_start3A_154, %dma_start3A_155] : memref<163840x192xf32, #tpu.memory_space<hbm>> -> memref<163840x192xf32, #tpu.memory_space<hbm>>
    tpu.enqueue_indirect_dma source(%arg14 : memref<128x192xf32, #tpu.memory_space<vmem>>) target(%dma_start3A_156 : memref<163840x192xf32, #tpu.memory_space<hbm>>) offsets(%dma_start3A_153 : memref<128xi32, #tpu.memory_space<vmem>>) semaphore(%arg18 : memref<!tpu.dma_semaphore, #tpu.memory_space<semaphore_mem>>)
    %dma_wait3A_157 = arith.constant 3 : i32
    %dma_wait3A_158 = arith.constant 0 : i32
    %dma_wait3A_159 = tpu.memref_slice %arg12[%dma_wait3A_157, %dma_wait3A_158] : memref<40x128xi32, #tpu.memory_space<vmem>> -> memref<1x128xi32, #tpu.memory_space<vmem>>
    %dma_wait3A_160 = tpu.memref_squeeze %dma_wait3A_159 : memref<1x128xi32, #tpu.memory_space<vmem>> -> memref<128xi32, #tpu.memory_space<vmem>>
    %dma_wait3A_161 = arith.constant 0 : i32
    %dma_wait3A_162 = arith.constant 0 : i32
    %dma_wait3A_163 = tpu.memref_slice %arg7[%dma_wait3A_161, %dma_wait3A_162] : memref<163840x192xf32, #tpu.memory_space<hbm>> -> memref<163840x192xf32, #tpu.memory_space<hbm>>
    tpu.wait_indirect_dma semaphore(%arg19 : memref<!tpu.dma_semaphore, #tpu.memory_space<semaphore_mem>>) src(%arg15 : memref<128x192xf32, #tpu.memory_space<vmem>>) dst(%dma_wait3A_163 : memref<163840x192xf32, #tpu.memory_space<hbm>>)
    %add3A_164 = arith.constant 640 : i32
    %add3A_165 = arith.addi %mul3A_2, %add3A_164 : i32
    %dma_start3A_166 = arith.constant 0 : i32
    %dma_start3A_167 = arith.constant 0 : i32
    %dma_start3A_168 = tpu.memref_slice %arg5[%dma_start3A_166, %add3A_165, %dma_start3A_167] : memref<2x81920x192xf32, #tpu.memory_space<hbm>> -> memref<1x128x192xf32, #tpu.memory_space<hbm>>
    %dma_start3A_169 = tpu.memref_squeeze %dma_start3A_168 : memref<1x128x192xf32, #tpu.memory_space<hbm>> -> memref<128x192xf32, #tpu.memory_space<hbm>>
    %dma_start3A_170 = arith.constant 0 : i32
    %dma_start3A_171 = tpu.memref_slice %arg5[%dma_start3A_166, %add3A_165, %dma_start3A_170] : memref<2x81920x192xf32, #tpu.memory_space<hbm>> -> memref<1x128x192xf32, #tpu.memory_space<hbm>>
    %dma_start3A_172 = tpu.memref_squeeze %dma_start3A_171 : memref<1x128x192xf32, #tpu.memory_space<hbm>> -> memref<128x192xf32, #tpu.memory_space<hbm>>
    tpu.enqueue_dma source(%dma_start3A_172 : memref<128x192xf32, #tpu.memory_space<hbm>>) target(%arg15 : memref<128x192xf32, #tpu.memory_space<vmem>>) target_semaphore(%arg17 : memref<!tpu.dma_semaphore, #tpu.memory_space<semaphore_mem>>)
    %dma_wait3A_173 = arith.constant 0 : i32
    %dma_wait3A_174 = arith.constant 0 : i32
    %dma_wait3A_175 = tpu.memref_slice %arg5[%dma_wait3A_173, %add3A_165, %dma_wait3A_174] : memref<2x81920x192xf32, #tpu.memory_space<hbm>> -> memref<1x128x192xf32, #tpu.memory_space<hbm>>
    %dma_wait3A_176 = tpu.memref_squeeze %dma_wait3A_175 : memref<1x128x192xf32, #tpu.memory_space<hbm>> -> memref<128x192xf32, #tpu.memory_space<hbm>>
    %dma_wait3A_177 = arith.constant 0 : i32
    %dma_wait3A_178 = tpu.memref_slice %arg5[%dma_wait3A_173, %add3A_165, %dma_wait3A_177] : memref<2x81920x192xf32, #tpu.memory_space<hbm>> -> memref<1x128x192xf32, #tpu.memory_space<hbm>>
    %dma_wait3A_179 = tpu.memref_squeeze %dma_wait3A_178 : memref<1x128x192xf32, #tpu.memory_space<hbm>> -> memref<128x192xf32, #tpu.memory_space<hbm>>
    tpu.wait_dma2 semaphore(%arg17 : memref<!tpu.dma_semaphore, #tpu.memory_space<semaphore_mem>>) src(%dma_wait3A_179 : memref<128x192xf32, #tpu.memory_space<hbm>>) dst(%arg15 : memref<128x192xf32, #tpu.memory_space<vmem>>)
    %dma_start3A_180 = arith.constant 5 : i32
    %dma_start3A_181 = arith.constant 0 : i32
    %dma_start3A_182 = tpu.memref_slice %arg12[%dma_start3A_180, %dma_start3A_181] : memref<40x128xi32, #tpu.memory_space<vmem>> -> memref<1x128xi32, #tpu.memory_space<vmem>>
    %dma_start3A_183 = tpu.memref_squeeze %dma_start3A_182 : memref<1x128xi32, #tpu.memory_space<vmem>> -> memref<128xi32, #tpu.memory_space<vmem>>
    %dma_start3A_184 = arith.constant 0 : i32
    %dma_start3A_185 = arith.constant 0 : i32
    %dma_start3A_186 = tpu.memref_slice %arg7[%dma_start3A_184, %dma_start3A_185] : memref<163840x192xf32, #tpu.memory_space<hbm>> -> memref<163840x192xf32, #tpu.memory_space<hbm>>
    tpu.enqueue_indirect_dma source(%arg15 : memref<128x192xf32, #tpu.memory_space<vmem>>) target(%dma_start3A_186 : memref<163840x192xf32, #tpu.memory_space<hbm>>) offsets(%dma_start3A_183 : memref<128xi32, #tpu.memory_space<vmem>>) semaphore(%arg19 : memref<!tpu.dma_semaphore, #tpu.memory_space<semaphore_mem>>)
    %dma_wait3A_187 = arith.constant 4 : i32
    %dma_wait3A_188 = arith.constant 0 : i32
    %dma_wait3A_189 = tpu.memref_slice %arg12[%dma_wait3A_187, %dma_wait3A_188] : memref<40x128xi32, #tpu.memory_space<vmem>> -> memref<1x128xi32, #tpu.memory_space<vmem>>
    %dma_wait3A_190 = tpu.memref_squeeze %dma_wait3A_189 : memref<1x128xi32, #tpu.memory_space<vmem>> -> memref<128xi32, #tpu.memory_space<vmem>>
    %dma_wait3A_191 = arith.constant 0 : i32
    %dma_wait3A_192 = arith.constant 0 : i32
    %dma_wait3A_193 = tpu.memref_slice %arg7[%dma_wait3A_191, %dma_wait3A_192] : memref<163840x192xf32, #tpu.memory_space<hbm>> -> memref<163840x192xf32, #tpu.memory_space<hbm>>
    tpu.wait_indirect_dma semaphore(%arg18 : memref<!tpu.dma_semaphore, #tpu.memory_space<semaphore_mem>>) src(%arg14 : memref<128x192xf32, #tpu.memory_space<vmem>>) dst(%dma_wait3A_193 : memref<163840x192xf32, #tpu.memory_space<hbm>>)
    %add3A_194 = arith.constant 768 : i32
    %add3A_195 = arith.addi %mul3A_2, %add3A_194 : i32
    %dma_start3A_196 = arith.constant 0 : i32
    %dma_start3A_197 = arith.constant 0 : i32
    %dma_start3A_198 = tpu.memref_slice %arg5[%dma_start3A_196, %add3A_195, %dma_start3A_197] : memref<2x81920x192xf32, #tpu.memory_space<hbm>> -> memref<1x128x192xf32, #tpu.memory_space<hbm>>
    %dma_start3A_199 = tpu.memref_squeeze %dma_start3A_198 : memref<1x128x192xf32, #tpu.memory_space<hbm>> -> memref<128x192xf32, #tpu.memory_space<hbm>>
    %dma_start3A_200 = arith.constant 0 : i32
    %dma_start3A_201 = tpu.memref_slice %arg5[%dma_start3A_196, %add3A_195, %dma_start3A_200] : memref<2x81920x192xf32, #tpu.memory_space<hbm>> -> memref<1x128x192xf32, #tpu.memory_space<hbm>>
    %dma_start3A_202 = tpu.memref_squeeze %dma_start3A_201 : memref<1x128x192xf32, #tpu.memory_space<hbm>> -> memref<128x192xf32, #tpu.memory_space<hbm>>
    tpu.enqueue_dma source(%dma_start3A_202 : memref<128x192xf32, #tpu.memory_space<hbm>>) target(%arg14 : memref<128x192xf32, #tpu.memory_space<vmem>>) target_semaphore(%arg16 : memref<!tpu.dma_semaphore, #tpu.memory_space<semaphore_mem>>)
    %dma_wait3A_203 = arith.constant 0 : i32
    %dma_wait3A_204 = arith.constant 0 : i32
    %dma_wait3A_205 = tpu.memref_slice %arg5[%dma_wait3A_203, %add3A_195, %dma_wait3A_204] : memref<2x81920x192xf32, #tpu.memory_space<hbm>> -> memref<1x128x192xf32, #tpu.memory_space<hbm>>
    %dma_wait3A_206 = tpu.memref_squeeze %dma_wait3A_205 : memref<1x128x192xf32, #tpu.memory_space<hbm>> -> memref<128x192xf32, #tpu.memory_space<hbm>>
    %dma_wait3A_207 = arith.constant 0 : i32
    %dma_wait3A_208 = tpu.memref_slice %arg5[%dma_wait3A_203, %add3A_195, %dma_wait3A_207] : memref<2x81920x192xf32, #tpu.memory_space<hbm>> -> memref<1x128x192xf32, #tpu.memory_space<hbm>>
    %dma_wait3A_209 = tpu.memref_squeeze %dma_wait3A_208 : memref<1x128x192xf32, #tpu.memory_space<hbm>> -> memref<128x192xf32, #tpu.memory_space<hbm>>
    tpu.wait_dma2 semaphore(%arg16 : memref<!tpu.dma_semaphore, #tpu.memory_space<semaphore_mem>>) src(%dma_wait3A_209 : memref<128x192xf32, #tpu.memory_space<hbm>>) dst(%arg14 : memref<128x192xf32, #tpu.memory_space<vmem>>)
    %dma_start3A_210 = arith.constant 6 : i32
    %dma_start3A_211 = arith.constant 0 : i32
    %dma_start3A_212 = tpu.memref_slice %arg12[%dma_start3A_210, %dma_start3A_211] : memref<40x128xi32, #tpu.memory_space<vmem>> -> memref<1x128xi32, #tpu.memory_space<vmem>>
    %dma_start3A_213 = tpu.memref_squeeze %dma_start3A_212 : memref<1x128xi32, #tpu.memory_space<vmem>> -> memref<128xi32, #tpu.memory_space<vmem>>
    %dma_start3A_214 = arith.constant 0 : i32
    %dma_start3A_215 = arith.constant 0 : i32
    %dma_start3A_216 = tpu.memref_slice %arg7[%dma_start3A_214, %dma_start3A_215] : memref<163840x192xf32, #tpu.memory_space<hbm>> -> memref<163840x192xf32, #tpu.memory_space<hbm>>
    tpu.enqueue_indirect_dma source(%arg14 : memref<128x192xf32, #tpu.memory_space<vmem>>) target(%dma_start3A_216 : memref<163840x192xf32, #tpu.memory_space<hbm>>) offsets(%dma_start3A_213 : memref<128xi32, #tpu.memory_space<vmem>>) semaphore(%arg18 : memref<!tpu.dma_semaphore, #tpu.memory_space<semaphore_mem>>)
    %dma_wait3A_217 = arith.constant 5 : i32
    %dma_wait3A_218 = arith.constant 0 : i32
    %dma_wait3A_219 = tpu.memref_slice %arg12[%dma_wait3A_217, %dma_wait3A_218] : memref<40x128xi32, #tpu.memory_space<vmem>> -> memref<1x128xi32, #tpu.memory_space<vmem>>
    %dma_wait3A_220 = tpu.memref_squeeze %dma_wait3A_219 : memref<1x128xi32, #tpu.memory_space<vmem>> -> memref<128xi32, #tpu.memory_space<vmem>>
    %dma_wait3A_221 = arith.constant 0 : i32
    %dma_wait3A_222 = arith.constant 0 : i32
    %dma_wait3A_223 = tpu.memref_slice %arg7[%dma_wait3A_221, %dma_wait3A_222] : memref<163840x192xf32, #tpu.memory_space<hbm>> -> memref<163840x192xf32, #tpu.memory_space<hbm>>
    tpu.wait_indirect_dma semaphore(%arg19 : memref<!tpu.dma_semaphore, #tpu.memory_space<semaphore_mem>>) src(%arg15 : memref<128x192xf32, #tpu.memory_space<vmem>>) dst(%dma_wait3A_223 : memref<163840x192xf32, #tpu.memory_space<hbm>>)
    %add3A_224 = arith.constant 896 : i32
    %add3A_225 = arith.addi %mul3A_2, %add3A_224 : i32
    %dma_start3A_226 = arith.constant 0 : i32
    %dma_start3A_227 = arith.constant 0 : i32
    %dma_start3A_228 = tpu.memref_slice %arg5[%dma_start3A_226, %add3A_225, %dma_start3A_227] : memref<2x81920x192xf32, #tpu.memory_space<hbm>> -> memref<1x128x192xf32, #tpu.memory_space<hbm>>
    %dma_start3A_229 = tpu.memref_squeeze %dma_start3A_228 : memref<1x128x192xf32, #tpu.memory_space<hbm>> -> memref<128x192xf32, #tpu.memory_space<hbm>>
    %dma_start3A_230 = arith.constant 0 : i32
    %dma_start3A_231 = tpu.memref_slice %arg5[%dma_start3A_226, %add3A_225, %dma_start3A_230] : memref<2x81920x192xf32, #tpu.memory_space<hbm>> -> memref<1x128x192xf32, #tpu.memory_space<hbm>>
    %dma_start3A_232 = tpu.memref_squeeze %dma_start3A_231 : memref<1x128x192xf32, #tpu.memory_space<hbm>> -> memref<128x192xf32, #tpu.memory_space<hbm>>
    tpu.enqueue_dma source(%dma_start3A_232 : memref<128x192xf32, #tpu.memory_space<hbm>>) target(%arg15 : memref<128x192xf32, #tpu.memory_space<vmem>>) target_semaphore(%arg17 : memref<!tpu.dma_semaphore, #tpu.memory_space<semaphore_mem>>)
    %dma_wait3A_233 = arith.constant 0 : i32
    %dma_wait3A_234 = arith.constant 0 : i32
    %dma_wait3A_235 = tpu.memref_slice %arg5[%dma_wait3A_233, %add3A_225, %dma_wait3A_234] : memref<2x81920x192xf32, #tpu.memory_space<hbm>> -> memref<1x128x192xf32, #tpu.memory_space<hbm>>
    %dma_wait3A_236 = tpu.memref_squeeze %dma_wait3A_235 : memref<1x128x192xf32, #tpu.memory_space<hbm>> -> memref<128x192xf32, #tpu.memory_space<hbm>>
    %dma_wait3A_237 = arith.constant 0 : i32
    %dma_wait3A_238 = tpu.memref_slice %arg5[%dma_wait3A_233, %add3A_225, %dma_wait3A_237] : memref<2x81920x192xf32, #tpu.memory_space<hbm>> -> memref<1x128x192xf32, #tpu.memory_space<hbm>>
    %dma_wait3A_239 = tpu.memref_squeeze %dma_wait3A_238 : memref<1x128x192xf32, #tpu.memory_space<hbm>> -> memref<128x192xf32, #tpu.memory_space<hbm>>
    tpu.wait_dma2 semaphore(%arg17 : memref<!tpu.dma_semaphore, #tpu.memory_space<semaphore_mem>>) src(%dma_wait3A_239 : memref<128x192xf32, #tpu.memory_space<hbm>>) dst(%arg15 : memref<128x192xf32, #tpu.memory_space<vmem>>)
    %dma_start3A_240 = arith.constant 7 : i32
    %dma_start3A_241 = arith.constant 0 : i32
    %dma_start3A_242 = tpu.memref_slice %arg12[%dma_start3A_240, %dma_start3A_241] : memref<40x128xi32, #tpu.memory_space<vmem>> -> memref<1x128xi32, #tpu.memory_space<vmem>>
    %dma_start3A_243 = tpu.memref_squeeze %dma_start3A_242 : memref<1x128xi32, #tpu.memory_space<vmem>> -> memref<128xi32, #tpu.memory_space<vmem>>
    %dma_start3A_244 = arith.constant 0 : i32
    %dma_start3A_245 = arith.constant 0 : i32
    %dma_start3A_246 = tpu.memref_slice %arg7[%dma_start3A_244, %dma_start3A_245] : memref<163840x192xf32, #tpu.memory_space<hbm>> -> memref<163840x192xf32, #tpu.memory_space<hbm>>
    tpu.enqueue_indirect_dma source(%arg15 : memref<128x192xf32, #tpu.memory_space<vmem>>) target(%dma_start3A_246 : memref<163840x192xf32, #tpu.memory_space<hbm>>) offsets(%dma_start3A_243 : memref<128xi32, #tpu.memory_space<vmem>>) semaphore(%arg19 : memref<!tpu.dma_semaphore, #tpu.memory_space<semaphore_mem>>)
    %dma_wait3A_247 = arith.constant 6 : i32
    %dma_wait3A_248 = arith.constant 0 : i32
    %dma_wait3A_249 = tpu.memref_slice %arg12[%dma_wait3A_247, %dma_wait3A_248] : memref<40x128xi32, #tpu.memory_space<vmem>> -> memref<1x128xi32, #tpu.memory_space<vmem>>
    %dma_wait3A_250 = tpu.memref_squeeze %dma_wait3A_249 : memref<1x128xi32, #tpu.memory_space<vmem>> -> memref<128xi32, #tpu.memory_space<vmem>>
    %dma_wait3A_251 = arith.constant 0 : i32
    %dma_wait3A_252 = arith.constant 0 : i32
    %dma_wait3A_253 = tpu.memref_slice %arg7[%dma_wait3A_251, %dma_wait3A_252] : memref<163840x192xf32, #tpu.memory_space<hbm>> -> memref<163840x192xf32, #tpu.memory_space<hbm>>
    tpu.wait_indirect_dma semaphore(%arg18 : memref<!tpu.dma_semaphore, #tpu.memory_space<semaphore_mem>>) src(%arg14 : memref<128x192xf32, #tpu.memory_space<vmem>>) dst(%dma_wait3A_253 : memref<163840x192xf32, #tpu.memory_space<hbm>>)
    %add3A_254 = arith.constant 1024 : i32
    %add3A_255 = arith.addi %mul3A_2, %add3A_254 : i32
    %dma_start3A_256 = arith.constant 0 : i32
    %dma_start3A_257 = arith.constant 0 : i32
    %dma_start3A_258 = tpu.memref_slice %arg5[%dma_start3A_256, %add3A_255, %dma_start3A_257] : memref<2x81920x192xf32, #tpu.memory_space<hbm>> -> memref<1x128x192xf32, #tpu.memory_space<hbm>>
    %dma_start3A_259 = tpu.memref_squeeze %dma_start3A_258 : memref<1x128x192xf32, #tpu.memory_space<hbm>> -> memref<128x192xf32, #tpu.memory_space<hbm>>
    %dma_start3A_260 = arith.constant 0 : i32
    %dma_start3A_261 = tpu.memref_slice %arg5[%dma_start3A_256, %add3A_255, %dma_start3A_260] : memref<2x81920x192xf32, #tpu.memory_space<hbm>> -> memref<1x128x192xf32, #tpu.memory_space<hbm>>
    %dma_start3A_262 = tpu.memref_squeeze %dma_start3A_261 : memref<1x128x192xf32, #tpu.memory_space<hbm>> -> memref<128x192xf32, #tpu.memory_space<hbm>>
    tpu.enqueue_dma source(%dma_start3A_262 : memref<128x192xf32, #tpu.memory_space<hbm>>) target(%arg14 : memref<128x192xf32, #tpu.memory_space<vmem>>) target_semaphore(%arg16 : memref<!tpu.dma_semaphore, #tpu.memory_space<semaphore_mem>>)
    %dma_wait3A_263 = arith.constant 0 : i32
    %dma_wait3A_264 = arith.constant 0 : i32
    %dma_wait3A_265 = tpu.memref_slice %arg5[%dma_wait3A_263, %add3A_255, %dma_wait3A_264] : memref<2x81920x192xf32, #tpu.memory_space<hbm>> -> memref<1x128x192xf32, #tpu.memory_space<hbm>>
    %dma_wait3A_266 = tpu.memref_squeeze %dma_wait3A_265 : memref<1x128x192xf32, #tpu.memory_space<hbm>> -> memref<128x192xf32, #tpu.memory_space<hbm>>
    %dma_wait3A_267 = arith.constant 0 : i32
    %dma_wait3A_268 = tpu.memref_slice %arg5[%dma_wait3A_263, %add3A_255, %dma_wait3A_267] : memref<2x81920x192xf32, #tpu.memory_space<hbm>> -> memref<1x128x192xf32, #tpu.memory_space<hbm>>
    %dma_wait3A_269 = tpu.memref_squeeze %dma_wait3A_268 : memref<1x128x192xf32, #tpu.memory_space<hbm>> -> memref<128x192xf32, #tpu.memory_space<hbm>>
    tpu.wait_dma2 semaphore(%arg16 : memref<!tpu.dma_semaphore, #tpu.memory_space<semaphore_mem>>) src(%dma_wait3A_269 : memref<128x192xf32, #tpu.memory_space<hbm>>) dst(%arg14 : memref<128x192xf32, #tpu.memory_space<vmem>>)
    %dma_start3A_270 = arith.constant 8 : i32
    %dma_start3A_271 = arith.constant 0 : i32
    %dma_start3A_272 = tpu.memref_slice %arg12[%dma_start3A_270, %dma_start3A_271] : memref<40x128xi32, #tpu.memory_space<vmem>> -> memref<1x128xi32, #tpu.memory_space<vmem>>
    %dma_start3A_273 = tpu.memref_squeeze %dma_start3A_272 : memref<1x128xi32, #tpu.memory_space<vmem>> -> memref<128xi32, #tpu.memory_space<vmem>>
    %dma_start3A_274 = arith.constant 0 : i32
    %dma_start3A_275 = arith.constant 0 : i32
    %dma_start3A_276 = tpu.memref_slice %arg7[%dma_start3A_274, %dma_start3A_275] : memref<163840x192xf32, #tpu.memory_space<hbm>> -> memref<163840x192xf32, #tpu.memory_space<hbm>>
    tpu.enqueue_indirect_dma source(%arg14 : memref<128x192xf32, #tpu.memory_space<vmem>>) target(%dma_start3A_276 : memref<163840x192xf32, #tpu.memory_space<hbm>>) offsets(%dma_start3A_273 : memref<128xi32, #tpu.memory_space<vmem>>) semaphore(%arg18 : memref<!tpu.dma_semaphore, #tpu.memory_space<semaphore_mem>>)
    %dma_wait3A_277 = arith.constant 7 : i32
    %dma_wait3A_278 = arith.constant 0 : i32
    %dma_wait3A_279 = tpu.memref_slice %arg12[%dma_wait3A_277, %dma_wait3A_278] : memref<40x128xi32, #tpu.memory_space<vmem>> -> memref<1x128xi32, #tpu.memory_space<vmem>>
    %dma_wait3A_280 = tpu.memref_squeeze %dma_wait3A_279 : memref<1x128xi32, #tpu.memory_space<vmem>> -> memref<128xi32, #tpu.memory_space<vmem>>
    %dma_wait3A_281 = arith.constant 0 : i32
    %dma_wait3A_282 = arith.constant 0 : i32
    %dma_wait3A_283 = tpu.memref_slice %arg7[%dma_wait3A_281, %dma_wait3A_282] : memref<163840x192xf32, #tpu.memory_space<hbm>> -> memref<163840x192xf32, #tpu.memory_space<hbm>>
    tpu.wait_indirect_dma semaphore(%arg19 : memref<!tpu.dma_semaphore, #tpu.memory_space<semaphore_mem>>) src(%arg15 : memref<128x192xf32, #tpu.memory_space<vmem>>) dst(%dma_wait3A_283 : memref<163840x192xf32, #tpu.memory_space<hbm>>)
    %add3A_284 = arith.constant 1152 : i32
    %add3A_285 = arith.addi %mul3A_2, %add3A_284 : i32
    %dma_start3A_286 = arith.constant 0 : i32
    %dma_start3A_287 = arith.constant 0 : i32
    %dma_start3A_288 = tpu.memref_slice %arg5[%dma_start3A_286, %add3A_285, %dma_start3A_287] : memref<2x81920x192xf32, #tpu.memory_space<hbm>> -> memref<1x128x192xf32, #tpu.memory_space<hbm>>
    %dma_start3A_289 = tpu.memref_squeeze %dma_start3A_288 : memref<1x128x192xf32, #tpu.memory_space<hbm>> -> memref<128x192xf32, #tpu.memory_space<hbm>>
    %dma_start3A_290 = arith.constant 0 : i32
    %dma_start3A_291 = tpu.memref_slice %arg5[%dma_start3A_286, %add3A_285, %dma_start3A_290] : memref<2x81920x192xf32, #tpu.memory_space<hbm>> -> memref<1x128x192xf32, #tpu.memory_space<hbm>>
    %dma_start3A_292 = tpu.memref_squeeze %dma_start3A_291 : memref<1x128x192xf32, #tpu.memory_space<hbm>> -> memref<128x192xf32, #tpu.memory_space<hbm>>
    tpu.enqueue_dma source(%dma_start3A_292 : memref<128x192xf32, #tpu.memory_space<hbm>>) target(%arg15 : memref<128x192xf32, #tpu.memory_space<vmem>>) target_semaphore(%arg17 : memref<!tpu.dma_semaphore, #tpu.memory_space<semaphore_mem>>)
    %dma_wait3A_293 = arith.constant 0 : i32
    %dma_wait3A_294 = arith.constant 0 : i32
    %dma_wait3A_295 = tpu.memref_slice %arg5[%dma_wait3A_293, %add3A_285, %dma_wait3A_294] : memref<2x81920x192xf32, #tpu.memory_space<hbm>> -> memref<1x128x192xf32, #tpu.memory_space<hbm>>
    %dma_wait3A_296 = tpu.memref_squeeze %dma_wait3A_295 : memref<1x128x192xf32, #tpu.memory_space<hbm>> -> memref<128x192xf32, #tpu.memory_space<hbm>>
    %dma_wait3A_297 = arith.constant 0 : i32
    %dma_wait3A_298 = tpu.memref_slice %arg5[%dma_wait3A_293, %add3A_285, %dma_wait3A_297] : memref<2x81920x192xf32, #tpu.memory_space<hbm>> -> memref<1x128x192xf32, #tpu.memory_space<hbm>>
    %dma_wait3A_299 = tpu.memref_squeeze %dma_wait3A_298 : memref<1x128x192xf32, #tpu.memory_space<hbm>> -> memref<128x192xf32, #tpu.memory_space<hbm>>
    tpu.wait_dma2 semaphore(%arg17 : memref<!tpu.dma_semaphore, #tpu.memory_space<semaphore_mem>>) src(%dma_wait3A_299 : memref<128x192xf32, #tpu.memory_space<hbm>>) dst(%arg15 : memref<128x192xf32, #tpu.memory_space<vmem>>)
    %dma_start3A_300 = arith.constant 9 : i32
    %dma_start3A_301 = arith.constant 0 : i32
    %dma_start3A_302 = tpu.memref_slice %arg12[%dma_start3A_300, %dma_start3A_301] : memref<40x128xi32, #tpu.memory_space<vmem>> -> memref<1x128xi32, #tpu.memory_space<vmem>>
    %dma_start3A_303 = tpu.memref_squeeze %dma_start3A_302 : memref<1x128xi32, #tpu.memory_space<vmem>> -> memref<128xi32, #tpu.memory_space<vmem>>
    %dma_start3A_304 = arith.constant 0 : i32
    %dma_start3A_305 = arith.constant 0 : i32
    %dma_start3A_306 = tpu.memref_slice %arg7[%dma_start3A_304, %dma_start3A_305] : memref<163840x192xf32, #tpu.memory_space<hbm>> -> memref<163840x192xf32, #tpu.memory_space<hbm>>
    tpu.enqueue_indirect_dma source(%arg15 : memref<128x192xf32, #tpu.memory_space<vmem>>) target(%dma_start3A_306 : memref<163840x192xf32, #tpu.memory_space<hbm>>) offsets(%dma_start3A_303 : memref<128xi32, #tpu.memory_space<vmem>>) semaphore(%arg19 : memref<!tpu.dma_semaphore, #tpu.memory_space<semaphore_mem>>)
    %dma_wait3A_307 = arith.constant 8 : i32
    %dma_wait3A_308 = arith.constant 0 : i32
    %dma_wait3A_309 = tpu.memref_slice %arg12[%dma_wait3A_307, %dma_wait3A_308] : memref<40x128xi32, #tpu.memory_space<vmem>> -> memref<1x128xi32, #tpu.memory_space<vmem>>
    %dma_wait3A_310 = tpu.memref_squeeze %dma_wait3A_309 : memref<1x128xi32, #tpu.memory_space<vmem>> -> memref<128xi32, #tpu.memory_space<vmem>>
    %dma_wait3A_311 = arith.constant 0 : i32
    %dma_wait3A_312 = arith.constant 0 : i32
    %dma_wait3A_313 = tpu.memref_slice %arg7[%dma_wait3A_311, %dma_wait3A_312] : memref<163840x192xf32, #tpu.memory_space<hbm>> -> memref<163840x192xf32, #tpu.memory_space<hbm>>
    tpu.wait_indirect_dma semaphore(%arg18 : memref<!tpu.dma_semaphore, #tpu.memory_space<semaphore_mem>>) src(%arg14 : memref<128x192xf32, #tpu.memory_space<vmem>>) dst(%dma_wait3A_313 : memref<163840x192xf32, #tpu.memory_space<hbm>>)
    %add3A_314 = arith.constant 1280 : i32
    %add3A_315 = arith.addi %mul3A_2, %add3A_314 : i32
    %dma_start3A_316 = arith.constant 0 : i32
    %dma_start3A_317 = arith.constant 0 : i32
    %dma_start3A_318 = tpu.memref_slice %arg5[%dma_start3A_316, %add3A_315, %dma_start3A_317] : memref<2x81920x192xf32, #tpu.memory_space<hbm>> -> memref<1x128x192xf32, #tpu.memory_space<hbm>>
    %dma_start3A_319 = tpu.memref_squeeze %dma_start3A_318 : memref<1x128x192xf32, #tpu.memory_space<hbm>> -> memref<128x192xf32, #tpu.memory_space<hbm>>
    %dma_start3A_320 = arith.constant 0 : i32
    %dma_start3A_321 = tpu.memref_slice %arg5[%dma_start3A_316, %add3A_315, %dma_start3A_320] : memref<2x81920x192xf32, #tpu.memory_space<hbm>> -> memref<1x128x192xf32, #tpu.memory_space<hbm>>
    %dma_start3A_322 = tpu.memref_squeeze %dma_start3A_321 : memref<1x128x192xf32, #tpu.memory_space<hbm>> -> memref<128x192xf32, #tpu.memory_space<hbm>>
    tpu.enqueue_dma source(%dma_start3A_322 : memref<128x192xf32, #tpu.memory_space<hbm>>) target(%arg14 : memref<128x192xf32, #tpu.memory_space<vmem>>) target_semaphore(%arg16 : memref<!tpu.dma_semaphore, #tpu.memory_space<semaphore_mem>>)
    %dma_wait3A_323 = arith.constant 0 : i32
    %dma_wait3A_324 = arith.constant 0 : i32
    %dma_wait3A_325 = tpu.memref_slice %arg5[%dma_wait3A_323, %add3A_315, %dma_wait3A_324] : memref<2x81920x192xf32, #tpu.memory_space<hbm>> -> memref<1x128x192xf32, #tpu.memory_space<hbm>>
    %dma_wait3A_326 = tpu.memref_squeeze %dma_wait3A_325 : memref<1x128x192xf32, #tpu.memory_space<hbm>> -> memref<128x192xf32, #tpu.memory_space<hbm>>
    %dma_wait3A_327 = arith.constant 0 : i32
    %dma_wait3A_328 = tpu.memref_slice %arg5[%dma_wait3A_323, %add3A_315, %dma_wait3A_327] : memref<2x81920x192xf32, #tpu.memory_space<hbm>> -> memref<1x128x192xf32, #tpu.memory_space<hbm>>
    %dma_wait3A_329 = tpu.memref_squeeze %dma_wait3A_328 : memref<1x128x192xf32, #tpu.memory_space<hbm>> -> memref<128x192xf32, #tpu.memory_space<hbm>>
    tpu.wait_dma2 semaphore(%arg16 : memref<!tpu.dma_semaphore, #tpu.memory_space<semaphore_mem>>) src(%dma_wait3A_329 : memref<128x192xf32, #tpu.memory_space<hbm>>) dst(%arg14 : memref<128x192xf32, #tpu.memory_space<vmem>>)
    %dma_start3A_330 = arith.constant 10 : i32
    %dma_start3A_331 = arith.constant 0 : i32
    %dma_start3A_332 = tpu.memref_slice %arg12[%dma_start3A_330, %dma_start3A_331] : memref<40x128xi32, #tpu.memory_space<vmem>> -> memref<1x128xi32, #tpu.memory_space<vmem>>
    %dma_start3A_333 = tpu.memref_squeeze %dma_start3A_332 : memref<1x128xi32, #tpu.memory_space<vmem>> -> memref<128xi32, #tpu.memory_space<vmem>>
    %dma_start3A_334 = arith.constant 0 : i32
    %dma_start3A_335 = arith.constant 0 : i32
    %dma_start3A_336 = tpu.memref_slice %arg7[%dma_start3A_334, %dma_start3A_335] : memref<163840x192xf32, #tpu.memory_space<hbm>> -> memref<163840x192xf32, #tpu.memory_space<hbm>>
    tpu.enqueue_indirect_dma source(%arg14 : memref<128x192xf32, #tpu.memory_space<vmem>>) target(%dma_start3A_336 : memref<163840x192xf32, #tpu.memory_space<hbm>>) offsets(%dma_start3A_333 : memref<128xi32, #tpu.memory_space<vmem>>) semaphore(%arg18 : memref<!tpu.dma_semaphore, #tpu.memory_space<semaphore_mem>>)
    %dma_wait3A_337 = arith.constant 9 : i32
    %dma_wait3A_338 = arith.constant 0 : i32
    %dma_wait3A_339 = tpu.memref_slice %arg12[%dma_wait3A_337, %dma_wait3A_338] : memref<40x128xi32, #tpu.memory_space<vmem>> -> memref<1x128xi32, #tpu.memory_space<vmem>>
    %dma_wait3A_340 = tpu.memref_squeeze %dma_wait3A_339 : memref<1x128xi32, #tpu.memory_space<vmem>> -> memref<128xi32, #tpu.memory_space<vmem>>
    %dma_wait3A_341 = arith.constant 0 : i32
    %dma_wait3A_342 = arith.constant 0 : i32
    %dma_wait3A_343 = tpu.memref_slice %arg7[%dma_wait3A_341, %dma_wait3A_342] : memref<163840x192xf32, #tpu.memory_space<hbm>> -> memref<163840x192xf32, #tpu.memory_space<hbm>>
    tpu.wait_indirect_dma semaphore(%arg19 : memref<!tpu.dma_semaphore, #tpu.memory_space<semaphore_mem>>) src(%arg15 : memref<128x192xf32, #tpu.memory_space<vmem>>) dst(%dma_wait3A_343 : memref<163840x192xf32, #tpu.memory_space<hbm>>)
    %add3A_344 = arith.constant 1408 : i32
    %add3A_345 = arith.addi %mul3A_2, %add3A_344 : i32
    %dma_start3A_346 = arith.constant 0 : i32
    %dma_start3A_347 = arith.constant 0 : i32
    %dma_start3A_348 = tpu.memref_slice %arg5[%dma_start3A_346, %add3A_345, %dma_start3A_347] : memref<2x81920x192xf32, #tpu.memory_space<hbm>> -> memref<1x128x192xf32, #tpu.memory_space<hbm>>
    %dma_start3A_349 = tpu.memref_squeeze %dma_start3A_348 : memref<1x128x192xf32, #tpu.memory_space<hbm>> -> memref<128x192xf32, #tpu.memory_space<hbm>>
    %dma_start3A_350 = arith.constant 0 : i32
    %dma_start3A_351 = tpu.memref_slice %arg5[%dma_start3A_346, %add3A_345, %dma_start3A_350] : memref<2x81920x192xf32, #tpu.memory_space<hbm>> -> memref<1x128x192xf32, #tpu.memory_space<hbm>>
    %dma_start3A_352 = tpu.memref_squeeze %dma_start3A_351 : memref<1x128x192xf32, #tpu.memory_space<hbm>> -> memref<128x192xf32, #tpu.memory_space<hbm>>
    tpu.enqueue_dma source(%dma_start3A_352 : memref<128x192xf32, #tpu.memory_space<hbm>>) target(%arg15 : memref<128x192xf32, #tpu.memory_space<vmem>>) target_semaphore(%arg17 : memref<!tpu.dma_semaphore, #tpu.memory_space<semaphore_mem>>)
    %dma_wait3A_353 = arith.constant 0 : i32
    %dma_wait3A_354 = arith.constant 0 : i32
    %dma_wait3A_355 = tpu.memref_slice %arg5[%dma_wait3A_353, %add3A_345, %dma_wait3A_354] : memref<2x81920x192xf32, #tpu.memory_space<hbm>> -> memref<1x128x192xf32, #tpu.memory_space<hbm>>
    %dma_wait3A_356 = tpu.memref_squeeze %dma_wait3A_355 : memref<1x128x192xf32, #tpu.memory_space<hbm>> -> memref<128x192xf32, #tpu.memory_space<hbm>>
    %dma_wait3A_357 = arith.constant 0 : i32
    %dma_wait3A_358 = tpu.memref_slice %arg5[%dma_wait3A_353, %add3A_345, %dma_wait3A_357] : memref<2x81920x192xf32, #tpu.memory_space<hbm>> -> memref<1x128x192xf32, #tpu.memory_space<hbm>>
    %dma_wait3A_359 = tpu.memref_squeeze %dma_wait3A_358 : memref<1x128x192xf32, #tpu.memory_space<hbm>> -> memref<128x192xf32, #tpu.memory_space<hbm>>
    tpu.wait_dma2 semaphore(%arg17 : memref<!tpu.dma_semaphore, #tpu.memory_space<semaphore_mem>>) src(%dma_wait3A_359 : memref<128x192xf32, #tpu.memory_space<hbm>>) dst(%arg15 : memref<128x192xf32, #tpu.memory_space<vmem>>)
    %dma_start3A_360 = arith.constant 11 : i32
    %dma_start3A_361 = arith.constant 0 : i32
    %dma_start3A_362 = tpu.memref_slice %arg12[%dma_start3A_360, %dma_start3A_361] : memref<40x128xi32, #tpu.memory_space<vmem>> -> memref<1x128xi32, #tpu.memory_space<vmem>>
    %dma_start3A_363 = tpu.memref_squeeze %dma_start3A_362 : memref<1x128xi32, #tpu.memory_space<vmem>> -> memref<128xi32, #tpu.memory_space<vmem>>
    %dma_start3A_364 = arith.constant 0 : i32
    %dma_start3A_365 = arith.constant 0 : i32
    %dma_start3A_366 = tpu.memref_slice %arg7[%dma_start3A_364, %dma_start3A_365] : memref<163840x192xf32, #tpu.memory_space<hbm>> -> memref<163840x192xf32, #tpu.memory_space<hbm>>
    tpu.enqueue_indirect_dma source(%arg15 : memref<128x192xf32, #tpu.memory_space<vmem>>) target(%dma_start3A_366 : memref<163840x192xf32, #tpu.memory_space<hbm>>) offsets(%dma_start3A_363 : memref<128xi32, #tpu.memory_space<vmem>>) semaphore(%arg19 : memref<!tpu.dma_semaphore, #tpu.memory_space<semaphore_mem>>)
    %dma_wait3A_367 = arith.constant 10 : i32
    %dma_wait3A_368 = arith.constant 0 : i32
    %dma_wait3A_369 = tpu.memref_slice %arg12[%dma_wait3A_367, %dma_wait3A_368] : memref<40x128xi32, #tpu.memory_space<vmem>> -> memref<1x128xi32, #tpu.memory_space<vmem>>
    %dma_wait3A_370 = tpu.memref_squeeze %dma_wait3A_369 : memref<1x128xi32, #tpu.memory_space<vmem>> -> memref<128xi32, #tpu.memory_space<vmem>>
    %dma_wait3A_371 = arith.constant 0 : i32
    %dma_wait3A_372 = arith.constant 0 : i32
    %dma_wait3A_373 = tpu.memref_slice %arg7[%dma_wait3A_371, %dma_wait3A_372] : memref<163840x192xf32, #tpu.memory_space<hbm>> -> memref<163840x192xf32, #tpu.memory_space<hbm>>
    tpu.wait_indirect_dma semaphore(%arg18 : memref<!tpu.dma_semaphore, #tpu.memory_space<semaphore_mem>>) src(%arg14 : memref<128x192xf32, #tpu.memory_space<vmem>>) dst(%dma_wait3A_373 : memref<163840x192xf32, #tpu.memory_space<hbm>>)
    %add3A_374 = arith.constant 1536 : i32
    %add3A_375 = arith.addi %mul3A_2, %add3A_374 : i32
    %dma_start3A_376 = arith.constant 0 : i32
    %dma_start3A_377 = arith.constant 0 : i32
    %dma_start3A_378 = tpu.memref_slice %arg5[%dma_start3A_376, %add3A_375, %dma_start3A_377] : memref<2x81920x192xf32, #tpu.memory_space<hbm>> -> memref<1x128x192xf32, #tpu.memory_space<hbm>>
    %dma_start3A_379 = tpu.memref_squeeze %dma_start3A_378 : memref<1x128x192xf32, #tpu.memory_space<hbm>> -> memref<128x192xf32, #tpu.memory_space<hbm>>
    %dma_start3A_380 = arith.constant 0 : i32
    %dma_start3A_381 = tpu.memref_slice %arg5[%dma_start3A_376, %add3A_375, %dma_start3A_380] : memref<2x81920x192xf32, #tpu.memory_space<hbm>> -> memref<1x128x192xf32, #tpu.memory_space<hbm>>
    %dma_start3A_382 = tpu.memref_squeeze %dma_start3A_381 : memref<1x128x192xf32, #tpu.memory_space<hbm>> -> memref<128x192xf32, #tpu.memory_space<hbm>>
    tpu.enqueue_dma source(%dma_start3A_382 : memref<128x192xf32, #tpu.memory_space<hbm>>) target(%arg14 : memref<128x192xf32, #tpu.memory_space<vmem>>) target_semaphore(%arg16 : memref<!tpu.dma_semaphore, #tpu.memory_space<semaphore_mem>>)
    %dma_wait3A_383 = arith.constant 0 : i32
    %dma_wait3A_384 = arith.constant 0 : i32
    %dma_wait3A_385 = tpu.memref_slice %arg5[%dma_wait3A_383, %add3A_375, %dma_wait3A_384] : memref<2x81920x192xf32, #tpu.memory_space<hbm>> -> memref<1x128x192xf32, #tpu.memory_space<hbm>>
    %dma_wait3A_386 = tpu.memref_squeeze %dma_wait3A_385 : memref<1x128x192xf32, #tpu.memory_space<hbm>> -> memref<128x192xf32, #tpu.memory_space<hbm>>
    %dma_wait3A_387 = arith.constant 0 : i32
    %dma_wait3A_388 = tpu.memref_slice %arg5[%dma_wait3A_383, %add3A_375, %dma_wait3A_387] : memref<2x81920x192xf32, #tpu.memory_space<hbm>> -> memref<1x128x192xf32, #tpu.memory_space<hbm>>
    %dma_wait3A_389 = tpu.memref_squeeze %dma_wait3A_388 : memref<1x128x192xf32, #tpu.memory_space<hbm>> -> memref<128x192xf32, #tpu.memory_space<hbm>>
    tpu.wait_dma2 semaphore(%arg16 : memref<!tpu.dma_semaphore, #tpu.memory_space<semaphore_mem>>) src(%dma_wait3A_389 : memref<128x192xf32, #tpu.memory_space<hbm>>) dst(%arg14 : memref<128x192xf32, #tpu.memory_space<vmem>>)
    %dma_start3A_390 = arith.constant 12 : i32
    %dma_start3A_391 = arith.constant 0 : i32
    %dma_start3A_392 = tpu.memref_slice %arg12[%dma_start3A_390, %dma_start3A_391] : memref<40x128xi32, #tpu.memory_space<vmem>> -> memref<1x128xi32, #tpu.memory_space<vmem>>
    %dma_start3A_393 = tpu.memref_squeeze %dma_start3A_392 : memref<1x128xi32, #tpu.memory_space<vmem>> -> memref<128xi32, #tpu.memory_space<vmem>>
    %dma_start3A_394 = arith.constant 0 : i32
    %dma_start3A_395 = arith.constant 0 : i32
    %dma_start3A_396 = tpu.memref_slice %arg7[%dma_start3A_394, %dma_start3A_395] : memref<163840x192xf32, #tpu.memory_space<hbm>> -> memref<163840x192xf32, #tpu.memory_space<hbm>>
    tpu.enqueue_indirect_dma source(%arg14 : memref<128x192xf32, #tpu.memory_space<vmem>>) target(%dma_start3A_396 : memref<163840x192xf32, #tpu.memory_space<hbm>>) offsets(%dma_start3A_393 : memref<128xi32, #tpu.memory_space<vmem>>) semaphore(%arg18 : memref<!tpu.dma_semaphore, #tpu.memory_space<semaphore_mem>>)
    %dma_wait3A_397 = arith.constant 11 : i32
    %dma_wait3A_398 = arith.constant 0 : i32
    %dma_wait3A_399 = tpu.memref_slice %arg12[%dma_wait3A_397, %dma_wait3A_398] : memref<40x128xi32, #tpu.memory_space<vmem>> -> memref<1x128xi32, #tpu.memory_space<vmem>>
    %dma_wait3A_400 = tpu.memref_squeeze %dma_wait3A_399 : memref<1x128xi32, #tpu.memory_space<vmem>> -> memref<128xi32, #tpu.memory_space<vmem>>
    %dma_wait3A_401 = arith.constant 0 : i32
    %dma_wait3A_402 = arith.constant 0 : i32
    %dma_wait3A_403 = tpu.memref_slice %arg7[%dma_wait3A_401, %dma_wait3A_402] : memref<163840x192xf32, #tpu.memory_space<hbm>> -> memref<163840x192xf32, #tpu.memory_space<hbm>>
    tpu.wait_indirect_dma semaphore(%arg19 : memref<!tpu.dma_semaphore, #tpu.memory_space<semaphore_mem>>) src(%arg15 : memref<128x192xf32, #tpu.memory_space<vmem>>) dst(%dma_wait3A_403 : memref<163840x192xf32, #tpu.memory_space<hbm>>)
    %add3A_404 = arith.constant 1664 : i32
    %add3A_405 = arith.addi %mul3A_2, %add3A_404 : i32
    %dma_start3A_406 = arith.constant 0 : i32
    %dma_start3A_407 = arith.constant 0 : i32
    %dma_start3A_408 = tpu.memref_slice %arg5[%dma_start3A_406, %add3A_405, %dma_start3A_407] : memref<2x81920x192xf32, #tpu.memory_space<hbm>> -> memref<1x128x192xf32, #tpu.memory_space<hbm>>
    %dma_start3A_409 = tpu.memref_squeeze %dma_start3A_408 : memref<1x128x192xf32, #tpu.memory_space<hbm>> -> memref<128x192xf32, #tpu.memory_space<hbm>>
    %dma_start3A_410 = arith.constant 0 : i32
    %dma_start3A_411 = tpu.memref_slice %arg5[%dma_start3A_406, %add3A_405, %dma_start3A_410] : memref<2x81920x192xf32, #tpu.memory_space<hbm>> -> memref<1x128x192xf32, #tpu.memory_space<hbm>>
    %dma_start3A_412 = tpu.memref_squeeze %dma_start3A_411 : memref<1x128x192xf32, #tpu.memory_space<hbm>> -> memref<128x192xf32, #tpu.memory_space<hbm>>
    tpu.enqueue_dma source(%dma_start3A_412 : memref<128x192xf32, #tpu.memory_space<hbm>>) target(%arg15 : memref<128x192xf32, #tpu.memory_space<vmem>>) target_semaphore(%arg17 : memref<!tpu.dma_semaphore, #tpu.memory_space<semaphore_mem>>)
    %dma_wait3A_413 = arith.constant 0 : i32
    %dma_wait3A_414 = arith.constant 0 : i32
    %dma_wait3A_415 = tpu.memref_slice %arg5[%dma_wait3A_413, %add3A_405, %dma_wait3A_414] : memref<2x81920x192xf32, #tpu.memory_space<hbm>> -> memref<1x128x192xf32, #tpu.memory_space<hbm>>
    %dma_wait3A_416 = tpu.memref_squeeze %dma_wait3A_415 : memref<1x128x192xf32, #tpu.memory_space<hbm>> -> memref<128x192xf32, #tpu.memory_space<hbm>>
    %dma_wait3A_417 = arith.constant 0 : i32
    %dma_wait3A_418 = tpu.memref_slice %arg5[%dma_wait3A_413, %add3A_405, %dma_wait3A_417] : memref<2x81920x192xf32, #tpu.memory_space<hbm>> -> memref<1x128x192xf32, #tpu.memory_space<hbm>>
    %dma_wait3A_419 = tpu.memref_squeeze %dma_wait3A_418 : memref<1x128x192xf32, #tpu.memory_space<hbm>> -> memref<128x192xf32, #tpu.memory_space<hbm>>
    tpu.wait_dma2 semaphore(%arg17 : memref<!tpu.dma_semaphore, #tpu.memory_space<semaphore_mem>>) src(%dma_wait3A_419 : memref<128x192xf32, #tpu.memory_space<hbm>>) dst(%arg15 : memref<128x192xf32, #tpu.memory_space<vmem>>)
    %dma_start3A_420 = arith.constant 13 : i32
    %dma_start3A_421 = arith.constant 0 : i32
    %dma_start3A_422 = tpu.memref_slice %arg12[%dma_start3A_420, %dma_start3A_421] : memref<40x128xi32, #tpu.memory_space<vmem>> -> memref<1x128xi32, #tpu.memory_space<vmem>>
    %dma_start3A_423 = tpu.memref_squeeze %dma_start3A_422 : memref<1x128xi32, #tpu.memory_space<vmem>> -> memref<128xi32, #tpu.memory_space<vmem>>
    %dma_start3A_424 = arith.constant 0 : i32
    %dma_start3A_425 = arith.constant 0 : i32
    %dma_start3A_426 = tpu.memref_slice %arg7[%dma_start3A_424, %dma_start3A_425] : memref<163840x192xf32, #tpu.memory_space<hbm>> -> memref<163840x192xf32, #tpu.memory_space<hbm>>
    tpu.enqueue_indirect_dma source(%arg15 : memref<128x192xf32, #tpu.memory_space<vmem>>) target(%dma_start3A_426 : memref<163840x192xf32, #tpu.memory_space<hbm>>) offsets(%dma_start3A_423 : memref<128xi32, #tpu.memory_space<vmem>>) semaphore(%arg19 : memref<!tpu.dma_semaphore, #tpu.memory_space<semaphore_mem>>)
    %dma_wait3A_427 = arith.constant 12 : i32
    %dma_wait3A_428 = arith.constant 0 : i32
    %dma_wait3A_429 = tpu.memref_slice %arg12[%dma_wait3A_427, %dma_wait3A_428] : memref<40x128xi32, #tpu.memory_space<vmem>> -> memref<1x128xi32, #tpu.memory_space<vmem>>
    %dma_wait3A_430 = tpu.memref_squeeze %dma_wait3A_429 : memref<1x128xi32, #tpu.memory_space<vmem>> -> memref<128xi32, #tpu.memory_space<vmem>>
    %dma_wait3A_431 = arith.constant 0 : i32
    %dma_wait3A_432 = arith.constant 0 : i32
    %dma_wait3A_433 = tpu.memref_slice %arg7[%dma_wait3A_431, %dma_wait3A_432] : memref<163840x192xf32, #tpu.memory_space<hbm>> -> memref<163840x192xf32, #tpu.memory_space<hbm>>
    tpu.wait_indirect_dma semaphore(%arg18 : memref<!tpu.dma_semaphore, #tpu.memory_space<semaphore_mem>>) src(%arg14 : memref<128x192xf32, #tpu.memory_space<vmem>>) dst(%dma_wait3A_433 : memref<163840x192xf32, #tpu.memory_space<hbm>>)
    %add3A_434 = arith.constant 1792 : i32
    %add3A_435 = arith.addi %mul3A_2, %add3A_434 : i32
    %dma_start3A_436 = arith.constant 0 : i32
    %dma_start3A_437 = arith.constant 0 : i32
    %dma_start3A_438 = tpu.memref_slice %arg5[%dma_start3A_436, %add3A_435, %dma_start3A_437] : memref<2x81920x192xf32, #tpu.memory_space<hbm>> -> memref<1x128x192xf32, #tpu.memory_space<hbm>>
    %dma_start3A_439 = tpu.memref_squeeze %dma_start3A_438 : memref<1x128x192xf32, #tpu.memory_space<hbm>> -> memref<128x192xf32, #tpu.memory_space<hbm>>
    %dma_start3A_440 = arith.constant 0 : i32
    %dma_start3A_441 = tpu.memref_slice %arg5[%dma_start3A_436, %add3A_435, %dma_start3A_440] : memref<2x81920x192xf32, #tpu.memory_space<hbm>> -> memref<1x128x192xf32, #tpu.memory_space<hbm>>
    %dma_start3A_442 = tpu.memref_squeeze %dma_start3A_441 : memref<1x128x192xf32, #tpu.memory_space<hbm>> -> memref<128x192xf32, #tpu.memory_space<hbm>>
    tpu.enqueue_dma source(%dma_start3A_442 : memref<128x192xf32, #tpu.memory_space<hbm>>) target(%arg14 : memref<128x192xf32, #tpu.memory_space<vmem>>) target_semaphore(%arg16 : memref<!tpu.dma_semaphore, #tpu.memory_space<semaphore_mem>>)
    %dma_wait3A_443 = arith.constant 0 : i32
    %dma_wait3A_444 = arith.constant 0 : i32
    %dma_wait3A_445 = tpu.memref_slice %arg5[%dma_wait3A_443, %add3A_435, %dma_wait3A_444] : memref<2x81920x192xf32, #tpu.memory_space<hbm>> -> memref<1x128x192xf32, #tpu.memory_space<hbm>>
    %dma_wait3A_446 = tpu.memref_squeeze %dma_wait3A_445 : memref<1x128x192xf32, #tpu.memory_space<hbm>> -> memref<128x192xf32, #tpu.memory_space<hbm>>
    %dma_wait3A_447 = arith.constant 0 : i32
    %dma_wait3A_448 = tpu.memref_slice %arg5[%dma_wait3A_443, %add3A_435, %dma_wait3A_447] : memref<2x81920x192xf32, #tpu.memory_space<hbm>> -> memref<1x128x192xf32, #tpu.memory_space<hbm>>
    %dma_wait3A_449 = tpu.memref_squeeze %dma_wait3A_448 : memref<1x128x192xf32, #tpu.memory_space<hbm>> -> memref<128x192xf32, #tpu.memory_space<hbm>>
    tpu.wait_dma2 semaphore(%arg16 : memref<!tpu.dma_semaphore, #tpu.memory_space<semaphore_mem>>) src(%dma_wait3A_449 : memref<128x192xf32, #tpu.memory_space<hbm>>) dst(%arg14 : memref<128x192xf32, #tpu.memory_space<vmem>>)
    %dma_start3A_450 = arith.constant 14 : i32
    %dma_start3A_451 = arith.constant 0 : i32
    %dma_start3A_452 = tpu.memref_slice %arg12[%dma_start3A_450, %dma_start3A_451] : memref<40x128xi32, #tpu.memory_space<vmem>> -> memref<1x128xi32, #tpu.memory_space<vmem>>
    %dma_start3A_453 = tpu.memref_squeeze %dma_start3A_452 : memref<1x128xi32, #tpu.memory_space<vmem>> -> memref<128xi32, #tpu.memory_space<vmem>>
    %dma_start3A_454 = arith.constant 0 : i32
    %dma_start3A_455 = arith.constant 0 : i32
    %dma_start3A_456 = tpu.memref_slice %arg7[%dma_start3A_454, %dma_start3A_455] : memref<163840x192xf32, #tpu.memory_space<hbm>> -> memref<163840x192xf32, #tpu.memory_space<hbm>>
    tpu.enqueue_indirect_dma source(%arg14 : memref<128x192xf32, #tpu.memory_space<vmem>>) target(%dma_start3A_456 : memref<163840x192xf32, #tpu.memory_space<hbm>>) offsets(%dma_start3A_453 : memref<128xi32, #tpu.memory_space<vmem>>) semaphore(%arg18 : memref<!tpu.dma_semaphore, #tpu.memory_space<semaphore_mem>>)
    %dma_wait3A_457 = arith.constant 13 : i32
    %dma_wait3A_458 = arith.constant 0 : i32
    %dma_wait3A_459 = tpu.memref_slice %arg12[%dma_wait3A_457, %dma_wait3A_458] : memref<40x128xi32, #tpu.memory_space<vmem>> -> memref<1x128xi32, #tpu.memory_space<vmem>>
    %dma_wait3A_460 = tpu.memref_squeeze %dma_wait3A_459 : memref<1x128xi32, #tpu.memory_space<vmem>> -> memref<128xi32, #tpu.memory_space<vmem>>
    %dma_wait3A_461 = arith.constant 0 : i32
    %dma_wait3A_462 = arith.constant 0 : i32
    %dma_wait3A_463 = tpu.memref_slice %arg7[%dma_wait3A_461, %dma_wait3A_462] : memref<163840x192xf32, #tpu.memory_space<hbm>> -> memref<163840x192xf32, #tpu.memory_space<hbm>>
    tpu.wait_indirect_dma semaphore(%arg19 : memref<!tpu.dma_semaphore, #tpu.memory_space<semaphore_mem>>) src(%arg15 : memref<128x192xf32, #tpu.memory_space<vmem>>) dst(%dma_wait3A_463 : memref<163840x192xf32, #tpu.memory_space<hbm>>)
    %add3A_464 = arith.constant 1920 : i32
    %add3A_465 = arith.addi %mul3A_2, %add3A_464 : i32
    %dma_start3A_466 = arith.constant 0 : i32
    %dma_start3A_467 = arith.constant 0 : i32
    %dma_start3A_468 = tpu.memref_slice %arg5[%dma_start3A_466, %add3A_465, %dma_start3A_467] : memref<2x81920x192xf32, #tpu.memory_space<hbm>> -> memref<1x128x192xf32, #tpu.memory_space<hbm>>
    %dma_start3A_469 = tpu.memref_squeeze %dma_start3A_468 : memref<1x128x192xf32, #tpu.memory_space<hbm>> -> memref<128x192xf32, #tpu.memory_space<hbm>>
    %dma_start3A_470 = arith.constant 0 : i32
    %dma_start3A_471 = tpu.memref_slice %arg5[%dma_start3A_466, %add3A_465, %dma_start3A_470] : memref<2x81920x192xf32, #tpu.memory_space<hbm>> -> memref<1x128x192xf32, #tpu.memory_space<hbm>>
    %dma_start3A_472 = tpu.memref_squeeze %dma_start3A_471 : memref<1x128x192xf32, #tpu.memory_space<hbm>> -> memref<128x192xf32, #tpu.memory_space<hbm>>
    tpu.enqueue_dma source(%dma_start3A_472 : memref<128x192xf32, #tpu.memory_space<hbm>>) target(%arg15 : memref<128x192xf32, #tpu.memory_space<vmem>>) target_semaphore(%arg17 : memref<!tpu.dma_semaphore, #tpu.memory_space<semaphore_mem>>)
    %dma_wait3A_473 = arith.constant 0 : i32
    %dma_wait3A_474 = arith.constant 0 : i32
    %dma_wait3A_475 = tpu.memref_slice %arg5[%dma_wait3A_473, %add3A_465, %dma_wait3A_474] : memref<2x81920x192xf32, #tpu.memory_space<hbm>> -> memref<1x128x192xf32, #tpu.memory_space<hbm>>
    %dma_wait3A_476 = tpu.memref_squeeze %dma_wait3A_475 : memref<1x128x192xf32, #tpu.memory_space<hbm>> -> memref<128x192xf32, #tpu.memory_space<hbm>>
    %dma_wait3A_477 = arith.constant 0 : i32
    %dma_wait3A_478 = tpu.memref_slice %arg5[%dma_wait3A_473, %add3A_465, %dma_wait3A_477] : memref<2x81920x192xf32, #tpu.memory_space<hbm>> -> memref<1x128x192xf32, #tpu.memory_space<hbm>>
    %dma_wait3A_479 = tpu.memref_squeeze %dma_wait3A_478 : memref<1x128x192xf32, #tpu.memory_space<hbm>> -> memref<128x192xf32, #tpu.memory_space<hbm>>
    tpu.wait_dma2 semaphore(%arg17 : memref<!tpu.dma_semaphore, #tpu.memory_space<semaphore_mem>>) src(%dma_wait3A_479 : memref<128x192xf32, #tpu.memory_space<hbm>>) dst(%arg15 : memref<128x192xf32, #tpu.memory_space<vmem>>)
    %dma_start3A_480 = arith.constant 15 : i32
    %dma_start3A_481 = arith.constant 0 : i32
    %dma_start3A_482 = tpu.memref_slice %arg12[%dma_start3A_480, %dma_start3A_481] : memref<40x128xi32, #tpu.memory_space<vmem>> -> memref<1x128xi32, #tpu.memory_space<vmem>>
    %dma_start3A_483 = tpu.memref_squeeze %dma_start3A_482 : memref<1x128xi32, #tpu.memory_space<vmem>> -> memref<128xi32, #tpu.memory_space<vmem>>
    %dma_start3A_484 = arith.constant 0 : i32
    %dma_start3A_485 = arith.constant 0 : i32
    %dma_start3A_486 = tpu.memref_slice %arg7[%dma_start3A_484, %dma_start3A_485] : memref<163840x192xf32, #tpu.memory_space<hbm>> -> memref<163840x192xf32, #tpu.memory_space<hbm>>
    tpu.enqueue_indirect_dma source(%arg15 : memref<128x192xf32, #tpu.memory_space<vmem>>) target(%dma_start3A_486 : memref<163840x192xf32, #tpu.memory_space<hbm>>) offsets(%dma_start3A_483 : memref<128xi32, #tpu.memory_space<vmem>>) semaphore(%arg19 : memref<!tpu.dma_semaphore, #tpu.memory_space<semaphore_mem>>)
    %dma_wait3A_487 = arith.constant 14 : i32
    %dma_wait3A_488 = arith.constant 0 : i32
    %dma_wait3A_489 = tpu.memref_slice %arg12[%dma_wait3A_487, %dma_wait3A_488] : memref<40x128xi32, #tpu.memory_space<vmem>> -> memref<1x128xi32, #tpu.memory_space<vmem>>
    %dma_wait3A_490 = tpu.memref_squeeze %dma_wait3A_489 : memref<1x128xi32, #tpu.memory_space<vmem>> -> memref<128xi32, #tpu.memory_space<vmem>>
    %dma_wait3A_491 = arith.constant 0 : i32
    %dma_wait3A_492 = arith.constant 0 : i32
    %dma_wait3A_493 = tpu.memref_slice %arg7[%dma_wait3A_491, %dma_wait3A_492] : memref<163840x192xf32, #tpu.memory_space<hbm>> -> memref<163840x192xf32, #tpu.memory_space<hbm>>
    tpu.wait_indirect_dma semaphore(%arg18 : memref<!tpu.dma_semaphore, #tpu.memory_space<semaphore_mem>>) src(%arg14 : memref<128x192xf32, #tpu.memory_space<vmem>>) dst(%dma_wait3A_493 : memref<163840x192xf32, #tpu.memory_space<hbm>>)
    %add3A_494 = arith.constant 2048 : i32
    %add3A_495 = arith.addi %mul3A_2, %add3A_494 : i32
    %dma_start3A_496 = arith.constant 0 : i32
    %dma_start3A_497 = arith.constant 0 : i32
    %dma_start3A_498 = tpu.memref_slice %arg5[%dma_start3A_496, %add3A_495, %dma_start3A_497] : memref<2x81920x192xf32, #tpu.memory_space<hbm>> -> memref<1x128x192xf32, #tpu.memory_space<hbm>>
    %dma_start3A_499 = tpu.memref_squeeze %dma_start3A_498 : memref<1x128x192xf32, #tpu.memory_space<hbm>> -> memref<128x192xf32, #tpu.memory_space<hbm>>
    %dma_start3A_500 = arith.constant 0 : i32
    %dma_start3A_501 = tpu.memref_slice %arg5[%dma_start3A_496, %add3A_495, %dma_start3A_500] : memref<2x81920x192xf32, #tpu.memory_space<hbm>> -> memref<1x128x192xf32, #tpu.memory_space<hbm>>
    %dma_start3A_502 = tpu.memref_squeeze %dma_start3A_501 : memref<1x128x192xf32, #tpu.memory_space<hbm>> -> memref<128x192xf32, #tpu.memory_space<hbm>>
    tpu.enqueue_dma source(%dma_start3A_502 : memref<128x192xf32, #tpu.memory_space<hbm>>) target(%arg14 : memref<128x192xf32, #tpu.memory_space<vmem>>) target_semaphore(%arg16 : memref<!tpu.dma_semaphore, #tpu.memory_space<semaphore_mem>>)
    %dma_wait3A_503 = arith.constant 0 : i32
    %dma_wait3A_504 = arith.constant 0 : i32
    %dma_wait3A_505 = tpu.memref_slice %arg5[%dma_wait3A_503, %add3A_495, %dma_wait3A_504] : memref<2x81920x192xf32, #tpu.memory_space<hbm>> -> memref<1x128x192xf32, #tpu.memory_space<hbm>>
    %dma_wait3A_506 = tpu.memref_squeeze %dma_wait3A_505 : memref<1x128x192xf32, #tpu.memory_space<hbm>> -> memref<128x192xf32, #tpu.memory_space<hbm>>
    %dma_wait3A_507 = arith.constant 0 : i32
    %dma_wait3A_508 = tpu.memref_slice %arg5[%dma_wait3A_503, %add3A_495, %dma_wait3A_507] : memref<2x81920x192xf32, #tpu.memory_space<hbm>> -> memref<1x128x192xf32, #tpu.memory_space<hbm>>
    %dma_wait3A_509 = tpu.memref_squeeze %dma_wait3A_508 : memref<1x128x192xf32, #tpu.memory_space<hbm>> -> memref<128x192xf32, #tpu.memory_space<hbm>>
    tpu.wait_dma2 semaphore(%arg16 : memref<!tpu.dma_semaphore, #tpu.memory_space<semaphore_mem>>) src(%dma_wait3A_509 : memref<128x192xf32, #tpu.memory_space<hbm>>) dst(%arg14 : memref<128x192xf32, #tpu.memory_space<vmem>>)
    %dma_start3A_510 = arith.constant 16 : i32
    %dma_start3A_511 = arith.constant 0 : i32
    %dma_start3A_512 = tpu.memref_slice %arg12[%dma_start3A_510, %dma_start3A_511] : memref<40x128xi32, #tpu.memory_space<vmem>> -> memref<1x128xi32, #tpu.memory_space<vmem>>
    %dma_start3A_513 = tpu.memref_squeeze %dma_start3A_512 : memref<1x128xi32, #tpu.memory_space<vmem>> -> memref<128xi32, #tpu.memory_space<vmem>>
    %dma_start3A_514 = arith.constant 0 : i32
    %dma_start3A_515 = arith.constant 0 : i32
    %dma_start3A_516 = tpu.memref_slice %arg7[%dma_start3A_514, %dma_start3A_515] : memref<163840x192xf32, #tpu.memory_space<hbm>> -> memref<163840x192xf32, #tpu.memory_space<hbm>>
    tpu.enqueue_indirect_dma source(%arg14 : memref<128x192xf32, #tpu.memory_space<vmem>>) target(%dma_start3A_516 : memref<163840x192xf32, #tpu.memory_space<hbm>>) offsets(%dma_start3A_513 : memref<128xi32, #tpu.memory_space<vmem>>) semaphore(%arg18 : memref<!tpu.dma_semaphore, #tpu.memory_space<semaphore_mem>>)
    %dma_wait3A_517 = arith.constant 15 : i32
    %dma_wait3A_518 = arith.constant 0 : i32
    %dma_wait3A_519 = tpu.memref_slice %arg12[%dma_wait3A_517, %dma_wait3A_518] : memref<40x128xi32, #tpu.memory_space<vmem>> -> memref<1x128xi32, #tpu.memory_space<vmem>>
    %dma_wait3A_520 = tpu.memref_squeeze %dma_wait3A_519 : memref<1x128xi32, #tpu.memory_space<vmem>> -> memref<128xi32, #tpu.memory_space<vmem>>
    %dma_wait3A_521 = arith.constant 0 : i32
    %dma_wait3A_522 = arith.constant 0 : i32
    %dma_wait3A_523 = tpu.memref_slice %arg7[%dma_wait3A_521, %dma_wait3A_522] : memref<163840x192xf32, #tpu.memory_space<hbm>> -> memref<163840x192xf32, #tpu.memory_space<hbm>>
    tpu.wait_indirect_dma semaphore(%arg19 : memref<!tpu.dma_semaphore, #tpu.memory_space<semaphore_mem>>) src(%arg15 : memref<128x192xf32, #tpu.memory_space<vmem>>) dst(%dma_wait3A_523 : memref<163840x192xf32, #tpu.memory_space<hbm>>)
    %add3A_524 = arith.constant 2176 : i32
    %add3A_525 = arith.addi %mul3A_2, %add3A_524 : i32
    %dma_start3A_526 = arith.constant 0 : i32
    %dma_start3A_527 = arith.constant 0 : i32
    %dma_start3A_528 = tpu.memref_slice %arg5[%dma_start3A_526, %add3A_525, %dma_start3A_527] : memref<2x81920x192xf32, #tpu.memory_space<hbm>> -> memref<1x128x192xf32, #tpu.memory_space<hbm>>
    %dma_start3A_529 = tpu.memref_squeeze %dma_start3A_528 : memref<1x128x192xf32, #tpu.memory_space<hbm>> -> memref<128x192xf32, #tpu.memory_space<hbm>>
    %dma_start3A_530 = arith.constant 0 : i32
    %dma_start3A_531 = tpu.memref_slice %arg5[%dma_start3A_526, %add3A_525, %dma_start3A_530] : memref<2x81920x192xf32, #tpu.memory_space<hbm>> -> memref<1x128x192xf32, #tpu.memory_space<hbm>>
    %dma_start3A_532 = tpu.memref_squeeze %dma_start3A_531 : memref<1x128x192xf32, #tpu.memory_space<hbm>> -> memref<128x192xf32, #tpu.memory_space<hbm>>
    tpu.enqueue_dma source(%dma_start3A_532 : memref<128x192xf32, #tpu.memory_space<hbm>>) target(%arg15 : memref<128x192xf32, #tpu.memory_space<vmem>>) target_semaphore(%arg17 : memref<!tpu.dma_semaphore, #tpu.memory_space<semaphore_mem>>)
    %dma_wait3A_533 = arith.constant 0 : i32
    %dma_wait3A_534 = arith.constant 0 : i32
    %dma_wait3A_535 = tpu.memref_slice %arg5[%dma_wait3A_533, %add3A_525, %dma_wait3A_534] : memref<2x81920x192xf32, #tpu.memory_space<hbm>> -> memref<1x128x192xf32, #tpu.memory_space<hbm>>
    %dma_wait3A_536 = tpu.memref_squeeze %dma_wait3A_535 : memref<1x128x192xf32, #tpu.memory_space<hbm>> -> memref<128x192xf32, #tpu.memory_space<hbm>>
    %dma_wait3A_537 = arith.constant 0 : i32
    %dma_wait3A_538 = tpu.memref_slice %arg5[%dma_wait3A_533, %add3A_525, %dma_wait3A_537] : memref<2x81920x192xf32, #tpu.memory_space<hbm>> -> memref<1x128x192xf32, #tpu.memory_space<hbm>>
    %dma_wait3A_539 = tpu.memref_squeeze %dma_wait3A_538 : memref<1x128x192xf32, #tpu.memory_space<hbm>> -> memref<128x192xf32, #tpu.memory_space<hbm>>
    tpu.wait_dma2 semaphore(%arg17 : memref<!tpu.dma_semaphore, #tpu.memory_space<semaphore_mem>>) src(%dma_wait3A_539 : memref<128x192xf32, #tpu.memory_space<hbm>>) dst(%arg15 : memref<128x192xf32, #tpu.memory_space<vmem>>)
    %dma_start3A_540 = arith.constant 17 : i32
    %dma_start3A_541 = arith.constant 0 : i32
    %dma_start3A_542 = tpu.memref_slice %arg12[%dma_start3A_540, %dma_start3A_541] : memref<40x128xi32, #tpu.memory_space<vmem>> -> memref<1x128xi32, #tpu.memory_space<vmem>>
    %dma_start3A_543 = tpu.memref_squeeze %dma_start3A_542 : memref<1x128xi32, #tpu.memory_space<vmem>> -> memref<128xi32, #tpu.memory_space<vmem>>
    %dma_start3A_544 = arith.constant 0 : i32
    %dma_start3A_545 = arith.constant 0 : i32
    %dma_start3A_546 = tpu.memref_slice %arg7[%dma_start3A_544, %dma_start3A_545] : memref<163840x192xf32, #tpu.memory_space<hbm>> -> memref<163840x192xf32, #tpu.memory_space<hbm>>
    tpu.enqueue_indirect_dma source(%arg15 : memref<128x192xf32, #tpu.memory_space<vmem>>) target(%dma_start3A_546 : memref<163840x192xf32, #tpu.memory_space<hbm>>) offsets(%dma_start3A_543 : memref<128xi32, #tpu.memory_space<vmem>>) semaphore(%arg19 : memref<!tpu.dma_semaphore, #tpu.memory_space<semaphore_mem>>)
    %dma_wait3A_547 = arith.constant 16 : i32
    %dma_wait3A_548 = arith.constant 0 : i32
    %dma_wait3A_549 = tpu.memref_slice %arg12[%dma_wait3A_547, %dma_wait3A_548] : memref<40x128xi32, #tpu.memory_space<vmem>> -> memref<1x128xi32, #tpu.memory_space<vmem>>
    %dma_wait3A_550 = tpu.memref_squeeze %dma_wait3A_549 : memref<1x128xi32, #tpu.memory_space<vmem>> -> memref<128xi32, #tpu.memory_space<vmem>>
    %dma_wait3A_551 = arith.constant 0 : i32
    %dma_wait3A_552 = arith.constant 0 : i32
    %dma_wait3A_553 = tpu.memref_slice %arg7[%dma_wait3A_551, %dma_wait3A_552] : memref<163840x192xf32, #tpu.memory_space<hbm>> -> memref<163840x192xf32, #tpu.memory_space<hbm>>
    tpu.wait_indirect_dma semaphore(%arg18 : memref<!tpu.dma_semaphore, #tpu.memory_space<semaphore_mem>>) src(%arg14 : memref<128x192xf32, #tpu.memory_space<vmem>>) dst(%dma_wait3A_553 : memref<163840x192xf32, #tpu.memory_space<hbm>>)
    %add3A_554 = arith.constant 2304 : i32
    %add3A_555 = arith.addi %mul3A_2, %add3A_554 : i32
    %dma_start3A_556 = arith.constant 0 : i32
    %dma_start3A_557 = arith.constant 0 : i32
    %dma_start3A_558 = tpu.memref_slice %arg5[%dma_start3A_556, %add3A_555, %dma_start3A_557] : memref<2x81920x192xf32, #tpu.memory_space<hbm>> -> memref<1x128x192xf32, #tpu.memory_space<hbm>>
    %dma_start3A_559 = tpu.memref_squeeze %dma_start3A_558 : memref<1x128x192xf32, #tpu.memory_space<hbm>> -> memref<128x192xf32, #tpu.memory_space<hbm>>
    %dma_start3A_560 = arith.constant 0 : i32
    %dma_start3A_561 = tpu.memref_slice %arg5[%dma_start3A_556, %add3A_555, %dma_start3A_560] : memref<2x81920x192xf32, #tpu.memory_space<hbm>> -> memref<1x128x192xf32, #tpu.memory_space<hbm>>
    %dma_start3A_562 = tpu.memref_squeeze %dma_start3A_561 : memref<1x128x192xf32, #tpu.memory_space<hbm>> -> memref<128x192xf32, #tpu.memory_space<hbm>>
    tpu.enqueue_dma source(%dma_start3A_562 : memref<128x192xf32, #tpu.memory_space<hbm>>) target(%arg14 : memref<128x192xf32, #tpu.memory_space<vmem>>) target_semaphore(%arg16 : memref<!tpu.dma_semaphore, #tpu.memory_space<semaphore_mem>>)
    %dma_wait3A_563 = arith.constant 0 : i32
    %dma_wait3A_564 = arith.constant 0 : i32
    %dma_wait3A_565 = tpu.memref_slice %arg5[%dma_wait3A_563, %add3A_555, %dma_wait3A_564] : memref<2x81920x192xf32, #tpu.memory_space<hbm>> -> memref<1x128x192xf32, #tpu.memory_space<hbm>>
    %dma_wait3A_566 = tpu.memref_squeeze %dma_wait3A_565 : memref<1x128x192xf32, #tpu.memory_space<hbm>> -> memref<128x192xf32, #tpu.memory_space<hbm>>
    %dma_wait3A_567 = arith.constant 0 : i32
    %dma_wait3A_568 = tpu.memref_slice %arg5[%dma_wait3A_563, %add3A_555, %dma_wait3A_567] : memref<2x81920x192xf32, #tpu.memory_space<hbm>> -> memref<1x128x192xf32, #tpu.memory_space<hbm>>
    %dma_wait3A_569 = tpu.memref_squeeze %dma_wait3A_568 : memref<1x128x192xf32, #tpu.memory_space<hbm>> -> memref<128x192xf32, #tpu.memory_space<hbm>>
    tpu.wait_dma2 semaphore(%arg16 : memref<!tpu.dma_semaphore, #tpu.memory_space<semaphore_mem>>) src(%dma_wait3A_569 : memref<128x192xf32, #tpu.memory_space<hbm>>) dst(%arg14 : memref<128x192xf32, #tpu.memory_space<vmem>>)
    %dma_start3A_570 = arith.constant 18 : i32
    %dma_start3A_571 = arith.constant 0 : i32
    %dma_start3A_572 = tpu.memref_slice %arg12[%dma_start3A_570, %dma_start3A_571] : memref<40x128xi32, #tpu.memory_space<vmem>> -> memref<1x128xi32, #tpu.memory_space<vmem>>
    %dma_start3A_573 = tpu.memref_squeeze %dma_start3A_572 : memref<1x128xi32, #tpu.memory_space<vmem>> -> memref<128xi32, #tpu.memory_space<vmem>>
    %dma_start3A_574 = arith.constant 0 : i32
    %dma_start3A_575 = arith.constant 0 : i32
    %dma_start3A_576 = tpu.memref_slice %arg7[%dma_start3A_574, %dma_start3A_575] : memref<163840x192xf32, #tpu.memory_space<hbm>> -> memref<163840x192xf32, #tpu.memory_space<hbm>>
    tpu.enqueue_indirect_dma source(%arg14 : memref<128x192xf32, #tpu.memory_space<vmem>>) target(%dma_start3A_576 : memref<163840x192xf32, #tpu.memory_space<hbm>>) offsets(%dma_start3A_573 : memref<128xi32, #tpu.memory_space<vmem>>) semaphore(%arg18 : memref<!tpu.dma_semaphore, #tpu.memory_space<semaphore_mem>>)
    %dma_wait3A_577 = arith.constant 17 : i32
    %dma_wait3A_578 = arith.constant 0 : i32
    %dma_wait3A_579 = tpu.memref_slice %arg12[%dma_wait3A_577, %dma_wait3A_578] : memref<40x128xi32, #tpu.memory_space<vmem>> -> memref<1x128xi32, #tpu.memory_space<vmem>>
    %dma_wait3A_580 = tpu.memref_squeeze %dma_wait3A_579 : memref<1x128xi32, #tpu.memory_space<vmem>> -> memref<128xi32, #tpu.memory_space<vmem>>
    %dma_wait3A_581 = arith.constant 0 : i32
    %dma_wait3A_582 = arith.constant 0 : i32
    %dma_wait3A_583 = tpu.memref_slice %arg7[%dma_wait3A_581, %dma_wait3A_582] : memref<163840x192xf32, #tpu.memory_space<hbm>> -> memref<163840x192xf32, #tpu.memory_space<hbm>>
    tpu.wait_indirect_dma semaphore(%arg19 : memref<!tpu.dma_semaphore, #tpu.memory_space<semaphore_mem>>) src(%arg15 : memref<128x192xf32, #tpu.memory_space<vmem>>) dst(%dma_wait3A_583 : memref<163840x192xf32, #tpu.memory_space<hbm>>)
    %add3A_584 = arith.constant 2432 : i32
    %add3A_585 = arith.addi %mul3A_2, %add3A_584 : i32
    %dma_start3A_586 = arith.constant 0 : i32
    %dma_start3A_587 = arith.constant 0 : i32
    %dma_start3A_588 = tpu.memref_slice %arg5[%dma_start3A_586, %add3A_585, %dma_start3A_587] : memref<2x81920x192xf32, #tpu.memory_space<hbm>> -> memref<1x128x192xf32, #tpu.memory_space<hbm>>
    %dma_start3A_589 = tpu.memref_squeeze %dma_start3A_588 : memref<1x128x192xf32, #tpu.memory_space<hbm>> -> memref<128x192xf32, #tpu.memory_space<hbm>>
    %dma_start3A_590 = arith.constant 0 : i32
    %dma_start3A_591 = tpu.memref_slice %arg5[%dma_start3A_586, %add3A_585, %dma_start3A_590] : memref<2x81920x192xf32, #tpu.memory_space<hbm>> -> memref<1x128x192xf32, #tpu.memory_space<hbm>>
    %dma_start3A_592 = tpu.memref_squeeze %dma_start3A_591 : memref<1x128x192xf32, #tpu.memory_space<hbm>> -> memref<128x192xf32, #tpu.memory_space<hbm>>
    tpu.enqueue_dma source(%dma_start3A_592 : memref<128x192xf32, #tpu.memory_space<hbm>>) target(%arg15 : memref<128x192xf32, #tpu.memory_space<vmem>>) target_semaphore(%arg17 : memref<!tpu.dma_semaphore, #tpu.memory_space<semaphore_mem>>)
    %dma_wait3A_593 = arith.constant 0 : i32
    %dma_wait3A_594 = arith.constant 0 : i32
    %dma_wait3A_595 = tpu.memref_slice %arg5[%dma_wait3A_593, %add3A_585, %dma_wait3A_594] : memref<2x81920x192xf32, #tpu.memory_space<hbm>> -> memref<1x128x192xf32, #tpu.memory_space<hbm>>
    %dma_wait3A_596 = tpu.memref_squeeze %dma_wait3A_595 : memref<1x128x192xf32, #tpu.memory_space<hbm>> -> memref<128x192xf32, #tpu.memory_space<hbm>>
    %dma_wait3A_597 = arith.constant 0 : i32
    %dma_wait3A_598 = tpu.memref_slice %arg5[%dma_wait3A_593, %add3A_585, %dma_wait3A_597] : memref<2x81920x192xf32, #tpu.memory_space<hbm>> -> memref<1x128x192xf32, #tpu.memory_space<hbm>>
    %dma_wait3A_599 = tpu.memref_squeeze %dma_wait3A_598 : memref<1x128x192xf32, #tpu.memory_space<hbm>> -> memref<128x192xf32, #tpu.memory_space<hbm>>
    tpu.wait_dma2 semaphore(%arg17 : memref<!tpu.dma_semaphore, #tpu.memory_space<semaphore_mem>>) src(%dma_wait3A_599 : memref<128x192xf32, #tpu.memory_space<hbm>>) dst(%arg15 : memref<128x192xf32, #tpu.memory_space<vmem>>)
    %dma_start3A_600 = arith.constant 19 : i32
    %dma_start3A_601 = arith.constant 0 : i32
    %dma_start3A_602 = tpu.memref_slice %arg12[%dma_start3A_600, %dma_start3A_601] : memref<40x128xi32, #tpu.memory_space<vmem>> -> memref<1x128xi32, #tpu.memory_space<vmem>>
    %dma_start3A_603 = tpu.memref_squeeze %dma_start3A_602 : memref<1x128xi32, #tpu.memory_space<vmem>> -> memref<128xi32, #tpu.memory_space<vmem>>
    %dma_start3A_604 = arith.constant 0 : i32
    %dma_start3A_605 = arith.constant 0 : i32
    %dma_start3A_606 = tpu.memref_slice %arg7[%dma_start3A_604, %dma_start3A_605] : memref<163840x192xf32, #tpu.memory_space<hbm>> -> memref<163840x192xf32, #tpu.memory_space<hbm>>
    tpu.enqueue_indirect_dma source(%arg15 : memref<128x192xf32, #tpu.memory_space<vmem>>) target(%dma_start3A_606 : memref<163840x192xf32, #tpu.memory_space<hbm>>) offsets(%dma_start3A_603 : memref<128xi32, #tpu.memory_space<vmem>>) semaphore(%arg19 : memref<!tpu.dma_semaphore, #tpu.memory_space<semaphore_mem>>)
    %dma_wait3A_607 = arith.constant 18 : i32
    %dma_wait3A_608 = arith.constant 0 : i32
    %dma_wait3A_609 = tpu.memref_slice %arg12[%dma_wait3A_607, %dma_wait3A_608] : memref<40x128xi32, #tpu.memory_space<vmem>> -> memref<1x128xi32, #tpu.memory_space<vmem>>
    %dma_wait3A_610 = tpu.memref_squeeze %dma_wait3A_609 : memref<1x128xi32, #tpu.memory_space<vmem>> -> memref<128xi32, #tpu.memory_space<vmem>>
    %dma_wait3A_611 = arith.constant 0 : i32
    %dma_wait3A_612 = arith.constant 0 : i32
    %dma_wait3A_613 = tpu.memref_slice %arg7[%dma_wait3A_611, %dma_wait3A_612] : memref<163840x192xf32, #tpu.memory_space<hbm>> -> memref<163840x192xf32, #tpu.memory_space<hbm>>
    tpu.wait_indirect_dma semaphore(%arg18 : memref<!tpu.dma_semaphore, #tpu.memory_space<semaphore_mem>>) src(%arg14 : memref<128x192xf32, #tpu.memory_space<vmem>>) dst(%dma_wait3A_613 : memref<163840x192xf32, #tpu.memory_space<hbm>>)
    %add3A_614 = arith.constant 0 : i32
    %add3A_615 = arith.addi %mul3A_2, %add3A_614 : i32
    %dma_start3A_616 = arith.constant 1 : i32
    %dma_start3A_617 = arith.constant 0 : i32
    %dma_start3A_618 = tpu.memref_slice %arg5[%dma_start3A_616, %add3A_615, %dma_start3A_617] : memref<2x81920x192xf32, #tpu.memory_space<hbm>> -> memref<1x128x192xf32, #tpu.memory_space<hbm>>
    %dma_start3A_619 = tpu.memref_squeeze %dma_start3A_618 : memref<1x128x192xf32, #tpu.memory_space<hbm>> -> memref<128x192xf32, #tpu.memory_space<hbm>>
    %dma_start3A_620 = arith.constant 0 : i32
    %dma_start3A_621 = tpu.memref_slice %arg5[%dma_start3A_616, %add3A_615, %dma_start3A_620] : memref<2x81920x192xf32, #tpu.memory_space<hbm>> -> memref<1x128x192xf32, #tpu.memory_space<hbm>>
    %dma_start3A_622 = tpu.memref_squeeze %dma_start3A_621 : memref<1x128x192xf32, #tpu.memory_space<hbm>> -> memref<128x192xf32, #tpu.memory_space<hbm>>
    tpu.enqueue_dma source(%dma_start3A_622 : memref<128x192xf32, #tpu.memory_space<hbm>>) target(%arg14 : memref<128x192xf32, #tpu.memory_space<vmem>>) target_semaphore(%arg16 : memref<!tpu.dma_semaphore, #tpu.memory_space<semaphore_mem>>)
    %dma_wait3A_623 = arith.constant 1 : i32
    %dma_wait3A_624 = arith.constant 0 : i32
    %dma_wait3A_625 = tpu.memref_slice %arg5[%dma_wait3A_623, %add3A_615, %dma_wait3A_624] : memref<2x81920x192xf32, #tpu.memory_space<hbm>> -> memref<1x128x192xf32, #tpu.memory_space<hbm>>
    %dma_wait3A_626 = tpu.memref_squeeze %dma_wait3A_625 : memref<1x128x192xf32, #tpu.memory_space<hbm>> -> memref<128x192xf32, #tpu.memory_space<hbm>>
    %dma_wait3A_627 = arith.constant 0 : i32
    %dma_wait3A_628 = tpu.memref_slice %arg5[%dma_wait3A_623, %add3A_615, %dma_wait3A_627] : memref<2x81920x192xf32, #tpu.memory_space<hbm>> -> memref<1x128x192xf32, #tpu.memory_space<hbm>>
    %dma_wait3A_629 = tpu.memref_squeeze %dma_wait3A_628 : memref<1x128x192xf32, #tpu.memory_space<hbm>> -> memref<128x192xf32, #tpu.memory_space<hbm>>
    tpu.wait_dma2 semaphore(%arg16 : memref<!tpu.dma_semaphore, #tpu.memory_space<semaphore_mem>>) src(%dma_wait3A_629 : memref<128x192xf32, #tpu.memory_space<hbm>>) dst(%arg14 : memref<128x192xf32, #tpu.memory_space<vmem>>)
    %dma_start3A_630 = arith.constant 20 : i32
    %dma_start3A_631 = arith.constant 0 : i32
    %dma_start3A_632 = tpu.memref_slice %arg12[%dma_start3A_630, %dma_start3A_631] : memref<40x128xi32, #tpu.memory_space<vmem>> -> memref<1x128xi32, #tpu.memory_space<vmem>>
    %dma_start3A_633 = tpu.memref_squeeze %dma_start3A_632 : memref<1x128xi32, #tpu.memory_space<vmem>> -> memref<128xi32, #tpu.memory_space<vmem>>
    %dma_start3A_634 = arith.constant 0 : i32
    %dma_start3A_635 = arith.constant 0 : i32
    %dma_start3A_636 = tpu.memref_slice %arg7[%dma_start3A_634, %dma_start3A_635] : memref<163840x192xf32, #tpu.memory_space<hbm>> -> memref<163840x192xf32, #tpu.memory_space<hbm>>
    tpu.enqueue_indirect_dma source(%arg14 : memref<128x192xf32, #tpu.memory_space<vmem>>) target(%dma_start3A_636 : memref<163840x192xf32, #tpu.memory_space<hbm>>) offsets(%dma_start3A_633 : memref<128xi32, #tpu.memory_space<vmem>>) semaphore(%arg18 : memref<!tpu.dma_semaphore, #tpu.memory_space<semaphore_mem>>)
    %dma_wait3A_637 = arith.constant 19 : i32
    %dma_wait3A_638 = arith.constant 0 : i32
    %dma_wait3A_639 = tpu.memref_slice %arg12[%dma_wait3A_637, %dma_wait3A_638] : memref<40x128xi32, #tpu.memory_space<vmem>> -> memref<1x128xi32, #tpu.memory_space<vmem>>
    %dma_wait3A_640 = tpu.memref_squeeze %dma_wait3A_639 : memref<1x128xi32, #tpu.memory_space<vmem>> -> memref<128xi32, #tpu.memory_space<vmem>>
    %dma_wait3A_641 = arith.constant 0 : i32
    %dma_wait3A_642 = arith.constant 0 : i32
    %dma_wait3A_643 = tpu.memref_slice %arg7[%dma_wait3A_641, %dma_wait3A_642] : memref<163840x192xf32, #tpu.memory_space<hbm>> -> memref<163840x192xf32, #tpu.memory_space<hbm>>
    tpu.wait_indirect_dma semaphore(%arg19 : memref<!tpu.dma_semaphore, #tpu.memory_space<semaphore_mem>>) src(%arg15 : memref<128x192xf32, #tpu.memory_space<vmem>>) dst(%dma_wait3A_643 : memref<163840x192xf32, #tpu.memory_space<hbm>>)
    %add3A_644 = arith.constant 128 : i32
    %add3A_645 = arith.addi %mul3A_2, %add3A_644 : i32
    %dma_start3A_646 = arith.constant 1 : i32
    %dma_start3A_647 = arith.constant 0 : i32
    %dma_start3A_648 = tpu.memref_slice %arg5[%dma_start3A_646, %add3A_645, %dma_start3A_647] : memref<2x81920x192xf32, #tpu.memory_space<hbm>> -> memref<1x128x192xf32, #tpu.memory_space<hbm>>
    %dma_start3A_649 = tpu.memref_squeeze %dma_start3A_648 : memref<1x128x192xf32, #tpu.memory_space<hbm>> -> memref<128x192xf32, #tpu.memory_space<hbm>>
    %dma_start3A_650 = arith.constant 0 : i32
    %dma_start3A_651 = tpu.memref_slice %arg5[%dma_start3A_646, %add3A_645, %dma_start3A_650] : memref<2x81920x192xf32, #tpu.memory_space<hbm>> -> memref<1x128x192xf32, #tpu.memory_space<hbm>>
    %dma_start3A_652 = tpu.memref_squeeze %dma_start3A_651 : memref<1x128x192xf32, #tpu.memory_space<hbm>> -> memref<128x192xf32, #tpu.memory_space<hbm>>
    tpu.enqueue_dma source(%dma_start3A_652 : memref<128x192xf32, #tpu.memory_space<hbm>>) target(%arg15 : memref<128x192xf32, #tpu.memory_space<vmem>>) target_semaphore(%arg17 : memref<!tpu.dma_semaphore, #tpu.memory_space<semaphore_mem>>)
    %dma_wait3A_653 = arith.constant 1 : i32
    %dma_wait3A_654 = arith.constant 0 : i32
    %dma_wait3A_655 = tpu.memref_slice %arg5[%dma_wait3A_653, %add3A_645, %dma_wait3A_654] : memref<2x81920x192xf32, #tpu.memory_space<hbm>> -> memref<1x128x192xf32, #tpu.memory_space<hbm>>
    %dma_wait3A_656 = tpu.memref_squeeze %dma_wait3A_655 : memref<1x128x192xf32, #tpu.memory_space<hbm>> -> memref<128x192xf32, #tpu.memory_space<hbm>>
    %dma_wait3A_657 = arith.constant 0 : i32
    %dma_wait3A_658 = tpu.memref_slice %arg5[%dma_wait3A_653, %add3A_645, %dma_wait3A_657] : memref<2x81920x192xf32, #tpu.memory_space<hbm>> -> memref<1x128x192xf32, #tpu.memory_space<hbm>>
    %dma_wait3A_659 = tpu.memref_squeeze %dma_wait3A_658 : memref<1x128x192xf32, #tpu.memory_space<hbm>> -> memref<128x192xf32, #tpu.memory_space<hbm>>
    tpu.wait_dma2 semaphore(%arg17 : memref<!tpu.dma_semaphore, #tpu.memory_space<semaphore_mem>>) src(%dma_wait3A_659 : memref<128x192xf32, #tpu.memory_space<hbm>>) dst(%arg15 : memref<128x192xf32, #tpu.memory_space<vmem>>)
    %dma_start3A_660 = arith.constant 21 : i32
    %dma_start3A_661 = arith.constant 0 : i32
    %dma_start3A_662 = tpu.memref_slice %arg12[%dma_start3A_660, %dma_start3A_661] : memref<40x128xi32, #tpu.memory_space<vmem>> -> memref<1x128xi32, #tpu.memory_space<vmem>>
    %dma_start3A_663 = tpu.memref_squeeze %dma_start3A_662 : memref<1x128xi32, #tpu.memory_space<vmem>> -> memref<128xi32, #tpu.memory_space<vmem>>
    %dma_start3A_664 = arith.constant 0 : i32
    %dma_start3A_665 = arith.constant 0 : i32
    %dma_start3A_666 = tpu.memref_slice %arg7[%dma_start3A_664, %dma_start3A_665] : memref<163840x192xf32, #tpu.memory_space<hbm>> -> memref<163840x192xf32, #tpu.memory_space<hbm>>
    tpu.enqueue_indirect_dma source(%arg15 : memref<128x192xf32, #tpu.memory_space<vmem>>) target(%dma_start3A_666 : memref<163840x192xf32, #tpu.memory_space<hbm>>) offsets(%dma_start3A_663 : memref<128xi32, #tpu.memory_space<vmem>>) semaphore(%arg19 : memref<!tpu.dma_semaphore, #tpu.memory_space<semaphore_mem>>)
    %dma_wait3A_667 = arith.constant 20 : i32
    %dma_wait3A_668 = arith.constant 0 : i32
    %dma_wait3A_669 = tpu.memref_slice %arg12[%dma_wait3A_667, %dma_wait3A_668] : memref<40x128xi32, #tpu.memory_space<vmem>> -> memref<1x128xi32, #tpu.memory_space<vmem>>
    %dma_wait3A_670 = tpu.memref_squeeze %dma_wait3A_669 : memref<1x128xi32, #tpu.memory_space<vmem>> -> memref<128xi32, #tpu.memory_space<vmem>>
    %dma_wait3A_671 = arith.constant 0 : i32
    %dma_wait3A_672 = arith.constant 0 : i32
    %dma_wait3A_673 = tpu.memref_slice %arg7[%dma_wait3A_671, %dma_wait3A_672] : memref<163840x192xf32, #tpu.memory_space<hbm>> -> memref<163840x192xf32, #tpu.memory_space<hbm>>
    tpu.wait_indirect_dma semaphore(%arg18 : memref<!tpu.dma_semaphore, #tpu.memory_space<semaphore_mem>>) src(%arg14 : memref<128x192xf32, #tpu.memory_space<vmem>>) dst(%dma_wait3A_673 : memref<163840x192xf32, #tpu.memory_space<hbm>>)
    %add3A_674 = arith.constant 256 : i32
    %add3A_675 = arith.addi %mul3A_2, %add3A_674 : i32
    %dma_start3A_676 = arith.constant 1 : i32
    %dma_start3A_677 = arith.constant 0 : i32
    %dma_start3A_678 = tpu.memref_slice %arg5[%dma_start3A_676, %add3A_675, %dma_start3A_677] : memref<2x81920x192xf32, #tpu.memory_space<hbm>> -> memref<1x128x192xf32, #tpu.memory_space<hbm>>
    %dma_start3A_679 = tpu.memref_squeeze %dma_start3A_678 : memref<1x128x192xf32, #tpu.memory_space<hbm>> -> memref<128x192xf32, #tpu.memory_space<hbm>>
    %dma_start3A_680 = arith.constant 0 : i32
    %dma_start3A_681 = tpu.memref_slice %arg5[%dma_start3A_676, %add3A_675, %dma_start3A_680] : memref<2x81920x192xf32, #tpu.memory_space<hbm>> -> memref<1x128x192xf32, #tpu.memory_space<hbm>>
    %dma_start3A_682 = tpu.memref_squeeze %dma_start3A_681 : memref<1x128x192xf32, #tpu.memory_space<hbm>> -> memref<128x192xf32, #tpu.memory_space<hbm>>
    tpu.enqueue_dma source(%dma_start3A_682 : memref<128x192xf32, #tpu.memory_space<hbm>>) target(%arg14 : memref<128x192xf32, #tpu.memory_space<vmem>>) target_semaphore(%arg16 : memref<!tpu.dma_semaphore, #tpu.memory_space<semaphore_mem>>)
    %dma_wait3A_683 = arith.constant 1 : i32
    %dma_wait3A_684 = arith.constant 0 : i32
    %dma_wait3A_685 = tpu.memref_slice %arg5[%dma_wait3A_683, %add3A_675, %dma_wait3A_684] : memref<2x81920x192xf32, #tpu.memory_space<hbm>> -> memref<1x128x192xf32, #tpu.memory_space<hbm>>
    %dma_wait3A_686 = tpu.memref_squeeze %dma_wait3A_685 : memref<1x128x192xf32, #tpu.memory_space<hbm>> -> memref<128x192xf32, #tpu.memory_space<hbm>>
    %dma_wait3A_687 = arith.constant 0 : i32
    %dma_wait3A_688 = tpu.memref_slice %arg5[%dma_wait3A_683, %add3A_675, %dma_wait3A_687] : memref<2x81920x192xf32, #tpu.memory_space<hbm>> -> memref<1x128x192xf32, #tpu.memory_space<hbm>>
    %dma_wait3A_689 = tpu.memref_squeeze %dma_wait3A_688 : memref<1x128x192xf32, #tpu.memory_space<hbm>> -> memref<128x192xf32, #tpu.memory_space<hbm>>
    tpu.wait_dma2 semaphore(%arg16 : memref<!tpu.dma_semaphore, #tpu.memory_space<semaphore_mem>>) src(%dma_wait3A_689 : memref<128x192xf32, #tpu.memory_space<hbm>>) dst(%arg14 : memref<128x192xf32, #tpu.memory_space<vmem>>)
    %dma_start3A_690 = arith.constant 22 : i32
    %dma_start3A_691 = arith.constant 0 : i32
    %dma_start3A_692 = tpu.memref_slice %arg12[%dma_start3A_690, %dma_start3A_691] : memref<40x128xi32, #tpu.memory_space<vmem>> -> memref<1x128xi32, #tpu.memory_space<vmem>>
    %dma_start3A_693 = tpu.memref_squeeze %dma_start3A_692 : memref<1x128xi32, #tpu.memory_space<vmem>> -> memref<128xi32, #tpu.memory_space<vmem>>
    %dma_start3A_694 = arith.constant 0 : i32
    %dma_start3A_695 = arith.constant 0 : i32
    %dma_start3A_696 = tpu.memref_slice %arg7[%dma_start3A_694, %dma_start3A_695] : memref<163840x192xf32, #tpu.memory_space<hbm>> -> memref<163840x192xf32, #tpu.memory_space<hbm>>
    tpu.enqueue_indirect_dma source(%arg14 : memref<128x192xf32, #tpu.memory_space<vmem>>) target(%dma_start3A_696 : memref<163840x192xf32, #tpu.memory_space<hbm>>) offsets(%dma_start3A_693 : memref<128xi32, #tpu.memory_space<vmem>>) semaphore(%arg18 : memref<!tpu.dma_semaphore, #tpu.memory_space<semaphore_mem>>)
    %dma_wait3A_697 = arith.constant 21 : i32
    %dma_wait3A_698 = arith.constant 0 : i32
    %dma_wait3A_699 = tpu.memref_slice %arg12[%dma_wait3A_697, %dma_wait3A_698] : memref<40x128xi32, #tpu.memory_space<vmem>> -> memref<1x128xi32, #tpu.memory_space<vmem>>
    %dma_wait3A_700 = tpu.memref_squeeze %dma_wait3A_699 : memref<1x128xi32, #tpu.memory_space<vmem>> -> memref<128xi32, #tpu.memory_space<vmem>>
    %dma_wait3A_701 = arith.constant 0 : i32
    %dma_wait3A_702 = arith.constant 0 : i32
    %dma_wait3A_703 = tpu.memref_slice %arg7[%dma_wait3A_701, %dma_wait3A_702] : memref<163840x192xf32, #tpu.memory_space<hbm>> -> memref<163840x192xf32, #tpu.memory_space<hbm>>
    tpu.wait_indirect_dma semaphore(%arg19 : memref<!tpu.dma_semaphore, #tpu.memory_space<semaphore_mem>>) src(%arg15 : memref<128x192xf32, #tpu.memory_space<vmem>>) dst(%dma_wait3A_703 : memref<163840x192xf32, #tpu.memory_space<hbm>>)
    %add3A_704 = arith.constant 384 : i32
    %add3A_705 = arith.addi %mul3A_2, %add3A_704 : i32
    %dma_start3A_706 = arith.constant 1 : i32
    %dma_start3A_707 = arith.constant 0 : i32
    %dma_start3A_708 = tpu.memref_slice %arg5[%dma_start3A_706, %add3A_705, %dma_start3A_707] : memref<2x81920x192xf32, #tpu.memory_space<hbm>> -> memref<1x128x192xf32, #tpu.memory_space<hbm>>
    %dma_start3A_709 = tpu.memref_squeeze %dma_start3A_708 : memref<1x128x192xf32, #tpu.memory_space<hbm>> -> memref<128x192xf32, #tpu.memory_space<hbm>>
    %dma_start3A_710 = arith.constant 0 : i32
    %dma_start3A_711 = tpu.memref_slice %arg5[%dma_start3A_706, %add3A_705, %dma_start3A_710] : memref<2x81920x192xf32, #tpu.memory_space<hbm>> -> memref<1x128x192xf32, #tpu.memory_space<hbm>>
    %dma_start3A_712 = tpu.memref_squeeze %dma_start3A_711 : memref<1x128x192xf32, #tpu.memory_space<hbm>> -> memref<128x192xf32, #tpu.memory_space<hbm>>
    tpu.enqueue_dma source(%dma_start3A_712 : memref<128x192xf32, #tpu.memory_space<hbm>>) target(%arg15 : memref<128x192xf32, #tpu.memory_space<vmem>>) target_semaphore(%arg17 : memref<!tpu.dma_semaphore, #tpu.memory_space<semaphore_mem>>)
    %dma_wait3A_713 = arith.constant 1 : i32
    %dma_wait3A_714 = arith.constant 0 : i32
    %dma_wait3A_715 = tpu.memref_slice %arg5[%dma_wait3A_713, %add3A_705, %dma_wait3A_714] : memref<2x81920x192xf32, #tpu.memory_space<hbm>> -> memref<1x128x192xf32, #tpu.memory_space<hbm>>
    %dma_wait3A_716 = tpu.memref_squeeze %dma_wait3A_715 : memref<1x128x192xf32, #tpu.memory_space<hbm>> -> memref<128x192xf32, #tpu.memory_space<hbm>>
    %dma_wait3A_717 = arith.constant 0 : i32
    %dma_wait3A_718 = tpu.memref_slice %arg5[%dma_wait3A_713, %add3A_705, %dma_wait3A_717] : memref<2x81920x192xf32, #tpu.memory_space<hbm>> -> memref<1x128x192xf32, #tpu.memory_space<hbm>>
    %dma_wait3A_719 = tpu.memref_squeeze %dma_wait3A_718 : memref<1x128x192xf32, #tpu.memory_space<hbm>> -> memref<128x192xf32, #tpu.memory_space<hbm>>
    tpu.wait_dma2 semaphore(%arg17 : memref<!tpu.dma_semaphore, #tpu.memory_space<semaphore_mem>>) src(%dma_wait3A_719 : memref<128x192xf32, #tpu.memory_space<hbm>>) dst(%arg15 : memref<128x192xf32, #tpu.memory_space<vmem>>)
    %dma_start3A_720 = arith.constant 23 : i32
    %dma_start3A_721 = arith.constant 0 : i32
    %dma_start3A_722 = tpu.memref_slice %arg12[%dma_start3A_720, %dma_start3A_721] : memref<40x128xi32, #tpu.memory_space<vmem>> -> memref<1x128xi32, #tpu.memory_space<vmem>>
    %dma_start3A_723 = tpu.memref_squeeze %dma_start3A_722 : memref<1x128xi32, #tpu.memory_space<vmem>> -> memref<128xi32, #tpu.memory_space<vmem>>
    %dma_start3A_724 = arith.constant 0 : i32
    %dma_start3A_725 = arith.constant 0 : i32
    %dma_start3A_726 = tpu.memref_slice %arg7[%dma_start3A_724, %dma_start3A_725] : memref<163840x192xf32, #tpu.memory_space<hbm>> -> memref<163840x192xf32, #tpu.memory_space<hbm>>
    tpu.enqueue_indirect_dma source(%arg15 : memref<128x192xf32, #tpu.memory_space<vmem>>) target(%dma_start3A_726 : memref<163840x192xf32, #tpu.memory_space<hbm>>) offsets(%dma_start3A_723 : memref<128xi32, #tpu.memory_space<vmem>>) semaphore(%arg19 : memref<!tpu.dma_semaphore, #tpu.memory_space<semaphore_mem>>)
    %dma_wait3A_727 = arith.constant 22 : i32
    %dma_wait3A_728 = arith.constant 0 : i32
    %dma_wait3A_729 = tpu.memref_slice %arg12[%dma_wait3A_727, %dma_wait3A_728] : memref<40x128xi32, #tpu.memory_space<vmem>> -> memref<1x128xi32, #tpu.memory_space<vmem>>
    %dma_wait3A_730 = tpu.memref_squeeze %dma_wait3A_729 : memref<1x128xi32, #tpu.memory_space<vmem>> -> memref<128xi32, #tpu.memory_space<vmem>>
    %dma_wait3A_731 = arith.constant 0 : i32
    %dma_wait3A_732 = arith.constant 0 : i32
    %dma_wait3A_733 = tpu.memref_slice %arg7[%dma_wait3A_731, %dma_wait3A_732] : memref<163840x192xf32, #tpu.memory_space<hbm>> -> memref<163840x192xf32, #tpu.memory_space<hbm>>
    tpu.wait_indirect_dma semaphore(%arg18 : memref<!tpu.dma_semaphore, #tpu.memory_space<semaphore_mem>>) src(%arg14 : memref<128x192xf32, #tpu.memory_space<vmem>>) dst(%dma_wait3A_733 : memref<163840x192xf32, #tpu.memory_space<hbm>>)
    %add3A_734 = arith.constant 512 : i32
    %add3A_735 = arith.addi %mul3A_2, %add3A_734 : i32
    %dma_start3A_736 = arith.constant 1 : i32
    %dma_start3A_737 = arith.constant 0 : i32
    %dma_start3A_738 = tpu.memref_slice %arg5[%dma_start3A_736, %add3A_735, %dma_start3A_737] : memref<2x81920x192xf32, #tpu.memory_space<hbm>> -> memref<1x128x192xf32, #tpu.memory_space<hbm>>
    %dma_start3A_739 = tpu.memref_squeeze %dma_start3A_738 : memref<1x128x192xf32, #tpu.memory_space<hbm>> -> memref<128x192xf32, #tpu.memory_space<hbm>>
    %dma_start3A_740 = arith.constant 0 : i32
    %dma_start3A_741 = tpu.memref_slice %arg5[%dma_start3A_736, %add3A_735, %dma_start3A_740] : memref<2x81920x192xf32, #tpu.memory_space<hbm>> -> memref<1x128x192xf32, #tpu.memory_space<hbm>>
    %dma_start3A_742 = tpu.memref_squeeze %dma_start3A_741 : memref<1x128x192xf32, #tpu.memory_space<hbm>> -> memref<128x192xf32, #tpu.memory_space<hbm>>
    tpu.enqueue_dma source(%dma_start3A_742 : memref<128x192xf32, #tpu.memory_space<hbm>>) target(%arg14 : memref<128x192xf32, #tpu.memory_space<vmem>>) target_semaphore(%arg16 : memref<!tpu.dma_semaphore, #tpu.memory_space<semaphore_mem>>)
    %dma_wait3A_743 = arith.constant 1 : i32
    %dma_wait3A_744 = arith.constant 0 : i32
    %dma_wait3A_745 = tpu.memref_slice %arg5[%dma_wait3A_743, %add3A_735, %dma_wait3A_744] : memref<2x81920x192xf32, #tpu.memory_space<hbm>> -> memref<1x128x192xf32, #tpu.memory_space<hbm>>
    %dma_wait3A_746 = tpu.memref_squeeze %dma_wait3A_745 : memref<1x128x192xf32, #tpu.memory_space<hbm>> -> memref<128x192xf32, #tpu.memory_space<hbm>>
    %dma_wait3A_747 = arith.constant 0 : i32
    %dma_wait3A_748 = tpu.memref_slice %arg5[%dma_wait3A_743, %add3A_735, %dma_wait3A_747] : memref<2x81920x192xf32, #tpu.memory_space<hbm>> -> memref<1x128x192xf32, #tpu.memory_space<hbm>>
    %dma_wait3A_749 = tpu.memref_squeeze %dma_wait3A_748 : memref<1x128x192xf32, #tpu.memory_space<hbm>> -> memref<128x192xf32, #tpu.memory_space<hbm>>
    tpu.wait_dma2 semaphore(%arg16 : memref<!tpu.dma_semaphore, #tpu.memory_space<semaphore_mem>>) src(%dma_wait3A_749 : memref<128x192xf32, #tpu.memory_space<hbm>>) dst(%arg14 : memref<128x192xf32, #tpu.memory_space<vmem>>)
    %dma_start3A_750 = arith.constant 24 : i32
    %dma_start3A_751 = arith.constant 0 : i32
    %dma_start3A_752 = tpu.memref_slice %arg12[%dma_start3A_750, %dma_start3A_751] : memref<40x128xi32, #tpu.memory_space<vmem>> -> memref<1x128xi32, #tpu.memory_space<vmem>>
    %dma_start3A_753 = tpu.memref_squeeze %dma_start3A_752 : memref<1x128xi32, #tpu.memory_space<vmem>> -> memref<128xi32, #tpu.memory_space<vmem>>
    %dma_start3A_754 = arith.constant 0 : i32
    %dma_start3A_755 = arith.constant 0 : i32
    %dma_start3A_756 = tpu.memref_slice %arg7[%dma_start3A_754, %dma_start3A_755] : memref<163840x192xf32, #tpu.memory_space<hbm>> -> memref<163840x192xf32, #tpu.memory_space<hbm>>
    tpu.enqueue_indirect_dma source(%arg14 : memref<128x192xf32, #tpu.memory_space<vmem>>) target(%dma_start3A_756 : memref<163840x192xf32, #tpu.memory_space<hbm>>) offsets(%dma_start3A_753 : memref<128xi32, #tpu.memory_space<vmem>>) semaphore(%arg18 : memref<!tpu.dma_semaphore, #tpu.memory_space<semaphore_mem>>)
    %dma_wait3A_757 = arith.constant 23 : i32
    %dma_wait3A_758 = arith.constant 0 : i32
    %dma_wait3A_759 = tpu.memref_slice %arg12[%dma_wait3A_757, %dma_wait3A_758] : memref<40x128xi32, #tpu.memory_space<vmem>> -> memref<1x128xi32, #tpu.memory_space<vmem>>
    %dma_wait3A_760 = tpu.memref_squeeze %dma_wait3A_759 : memref<1x128xi32, #tpu.memory_space<vmem>> -> memref<128xi32, #tpu.memory_space<vmem>>
    %dma_wait3A_761 = arith.constant 0 : i32
    %dma_wait3A_762 = arith.constant 0 : i32
    %dma_wait3A_763 = tpu.memref_slice %arg7[%dma_wait3A_761, %dma_wait3A_762] : memref<163840x192xf32, #tpu.memory_space<hbm>> -> memref<163840x192xf32, #tpu.memory_space<hbm>>
    tpu.wait_indirect_dma semaphore(%arg19 : memref<!tpu.dma_semaphore, #tpu.memory_space<semaphore_mem>>) src(%arg15 : memref<128x192xf32, #tpu.memory_space<vmem>>) dst(%dma_wait3A_763 : memref<163840x192xf32, #tpu.memory_space<hbm>>)
    %add3A_764 = arith.constant 640 : i32
    %add3A_765 = arith.addi %mul3A_2, %add3A_764 : i32
    %dma_start3A_766 = arith.constant 1 : i32
    %dma_start3A_767 = arith.constant 0 : i32
    %dma_start3A_768 = tpu.memref_slice %arg5[%dma_start3A_766, %add3A_765, %dma_start3A_767] : memref<2x81920x192xf32, #tpu.memory_space<hbm>> -> memref<1x128x192xf32, #tpu.memory_space<hbm>>
    %dma_start3A_769 = tpu.memref_squeeze %dma_start3A_768 : memref<1x128x192xf32, #tpu.memory_space<hbm>> -> memref<128x192xf32, #tpu.memory_space<hbm>>
    %dma_start3A_770 = arith.constant 0 : i32
    %dma_start3A_771 = tpu.memref_slice %arg5[%dma_start3A_766, %add3A_765, %dma_start3A_770] : memref<2x81920x192xf32, #tpu.memory_space<hbm>> -> memref<1x128x192xf32, #tpu.memory_space<hbm>>
    %dma_start3A_772 = tpu.memref_squeeze %dma_start3A_771 : memref<1x128x192xf32, #tpu.memory_space<hbm>> -> memref<128x192xf32, #tpu.memory_space<hbm>>
    tpu.enqueue_dma source(%dma_start3A_772 : memref<128x192xf32, #tpu.memory_space<hbm>>) target(%arg15 : memref<128x192xf32, #tpu.memory_space<vmem>>) target_semaphore(%arg17 : memref<!tpu.dma_semaphore, #tpu.memory_space<semaphore_mem>>)
    %dma_wait3A_773 = arith.constant 1 : i32
    %dma_wait3A_774 = arith.constant 0 : i32
    %dma_wait3A_775 = tpu.memref_slice %arg5[%dma_wait3A_773, %add3A_765, %dma_wait3A_774] : memref<2x81920x192xf32, #tpu.memory_space<hbm>> -> memref<1x128x192xf32, #tpu.memory_space<hbm>>
    %dma_wait3A_776 = tpu.memref_squeeze %dma_wait3A_775 : memref<1x128x192xf32, #tpu.memory_space<hbm>> -> memref<128x192xf32, #tpu.memory_space<hbm>>
    %dma_wait3A_777 = arith.constant 0 : i32
    %dma_wait3A_778 = tpu.memref_slice %arg5[%dma_wait3A_773, %add3A_765, %dma_wait3A_777] : memref<2x81920x192xf32, #tpu.memory_space<hbm>> -> memref<1x128x192xf32, #tpu.memory_space<hbm>>
    %dma_wait3A_779 = tpu.memref_squeeze %dma_wait3A_778 : memref<1x128x192xf32, #tpu.memory_space<hbm>> -> memref<128x192xf32, #tpu.memory_space<hbm>>
    tpu.wait_dma2 semaphore(%arg17 : memref<!tpu.dma_semaphore, #tpu.memory_space<semaphore_mem>>) src(%dma_wait3A_779 : memref<128x192xf32, #tpu.memory_space<hbm>>) dst(%arg15 : memref<128x192xf32, #tpu.memory_space<vmem>>)
    %dma_start3A_780 = arith.constant 25 : i32
    %dma_start3A_781 = arith.constant 0 : i32
    %dma_start3A_782 = tpu.memref_slice %arg12[%dma_start3A_780, %dma_start3A_781] : memref<40x128xi32, #tpu.memory_space<vmem>> -> memref<1x128xi32, #tpu.memory_space<vmem>>
    %dma_start3A_783 = tpu.memref_squeeze %dma_start3A_782 : memref<1x128xi32, #tpu.memory_space<vmem>> -> memref<128xi32, #tpu.memory_space<vmem>>
    %dma_start3A_784 = arith.constant 0 : i32
    %dma_start3A_785 = arith.constant 0 : i32
    %dma_start3A_786 = tpu.memref_slice %arg7[%dma_start3A_784, %dma_start3A_785] : memref<163840x192xf32, #tpu.memory_space<hbm>> -> memref<163840x192xf32, #tpu.memory_space<hbm>>
    tpu.enqueue_indirect_dma source(%arg15 : memref<128x192xf32, #tpu.memory_space<vmem>>) target(%dma_start3A_786 : memref<163840x192xf32, #tpu.memory_space<hbm>>) offsets(%dma_start3A_783 : memref<128xi32, #tpu.memory_space<vmem>>) semaphore(%arg19 : memref<!tpu.dma_semaphore, #tpu.memory_space<semaphore_mem>>)
    %dma_wait3A_787 = arith.constant 24 : i32
    %dma_wait3A_788 = arith.constant 0 : i32
    %dma_wait3A_789 = tpu.memref_slice %arg12[%dma_wait3A_787, %dma_wait3A_788] : memref<40x128xi32, #tpu.memory_space<vmem>> -> memref<1x128xi32, #tpu.memory_space<vmem>>
    %dma_wait3A_790 = tpu.memref_squeeze %dma_wait3A_789 : memref<1x128xi32, #tpu.memory_space<vmem>> -> memref<128xi32, #tpu.memory_space<vmem>>
    %dma_wait3A_791 = arith.constant 0 : i32
    %dma_wait3A_792 = arith.constant 0 : i32
    %dma_wait3A_793 = tpu.memref_slice %arg7[%dma_wait3A_791, %dma_wait3A_792] : memref<163840x192xf32, #tpu.memory_space<hbm>> -> memref<163840x192xf32, #tpu.memory_space<hbm>>
    tpu.wait_indirect_dma semaphore(%arg18 : memref<!tpu.dma_semaphore, #tpu.memory_space<semaphore_mem>>) src(%arg14 : memref<128x192xf32, #tpu.memory_space<vmem>>) dst(%dma_wait3A_793 : memref<163840x192xf32, #tpu.memory_space<hbm>>)
    %add3A_794 = arith.constant 768 : i32
    %add3A_795 = arith.addi %mul3A_2, %add3A_794 : i32
    %dma_start3A_796 = arith.constant 1 : i32
    %dma_start3A_797 = arith.constant 0 : i32
    %dma_start3A_798 = tpu.memref_slice %arg5[%dma_start3A_796, %add3A_795, %dma_start3A_797] : memref<2x81920x192xf32, #tpu.memory_space<hbm>> -> memref<1x128x192xf32, #tpu.memory_space<hbm>>
    %dma_start3A_799 = tpu.memref_squeeze %dma_start3A_798 : memref<1x128x192xf32, #tpu.memory_space<hbm>> -> memref<128x192xf32, #tpu.memory_space<hbm>>
    %dma_start3A_800 = arith.constant 0 : i32
    %dma_start3A_801 = tpu.memref_slice %arg5[%dma_start3A_796, %add3A_795, %dma_start3A_800] : memref<2x81920x192xf32, #tpu.memory_space<hbm>> -> memref<1x128x192xf32, #tpu.memory_space<hbm>>
    %dma_start3A_802 = tpu.memref_squeeze %dma_start3A_801 : memref<1x128x192xf32, #tpu.memory_space<hbm>> -> memref<128x192xf32, #tpu.memory_space<hbm>>
    tpu.enqueue_dma source(%dma_start3A_802 : memref<128x192xf32, #tpu.memory_space<hbm>>) target(%arg14 : memref<128x192xf32, #tpu.memory_space<vmem>>) target_semaphore(%arg16 : memref<!tpu.dma_semaphore, #tpu.memory_space<semaphore_mem>>)
    %dma_wait3A_803 = arith.constant 1 : i32
    %dma_wait3A_804 = arith.constant 0 : i32
    %dma_wait3A_805 = tpu.memref_slice %arg5[%dma_wait3A_803, %add3A_795, %dma_wait3A_804] : memref<2x81920x192xf32, #tpu.memory_space<hbm>> -> memref<1x128x192xf32, #tpu.memory_space<hbm>>
    %dma_wait3A_806 = tpu.memref_squeeze %dma_wait3A_805 : memref<1x128x192xf32, #tpu.memory_space<hbm>> -> memref<128x192xf32, #tpu.memory_space<hbm>>
    %dma_wait3A_807 = arith.constant 0 : i32
    %dma_wait3A_808 = tpu.memref_slice %arg5[%dma_wait3A_803, %add3A_795, %dma_wait3A_807] : memref<2x81920x192xf32, #tpu.memory_space<hbm>> -> memref<1x128x192xf32, #tpu.memory_space<hbm>>
    %dma_wait3A_809 = tpu.memref_squeeze %dma_wait3A_808 : memref<1x128x192xf32, #tpu.memory_space<hbm>> -> memref<128x192xf32, #tpu.memory_space<hbm>>
    tpu.wait_dma2 semaphore(%arg16 : memref<!tpu.dma_semaphore, #tpu.memory_space<semaphore_mem>>) src(%dma_wait3A_809 : memref<128x192xf32, #tpu.memory_space<hbm>>) dst(%arg14 : memref<128x192xf32, #tpu.memory_space<vmem>>)
    %dma_start3A_810 = arith.constant 26 : i32
    %dma_start3A_811 = arith.constant 0 : i32
    %dma_start3A_812 = tpu.memref_slice %arg12[%dma_start3A_810, %dma_start3A_811] : memref<40x128xi32, #tpu.memory_space<vmem>> -> memref<1x128xi32, #tpu.memory_space<vmem>>
    %dma_start3A_813 = tpu.memref_squeeze %dma_start3A_812 : memref<1x128xi32, #tpu.memory_space<vmem>> -> memref<128xi32, #tpu.memory_space<vmem>>
    %dma_start3A_814 = arith.constant 0 : i32
    %dma_start3A_815 = arith.constant 0 : i32
    %dma_start3A_816 = tpu.memref_slice %arg7[%dma_start3A_814, %dma_start3A_815] : memref<163840x192xf32, #tpu.memory_space<hbm>> -> memref<163840x192xf32, #tpu.memory_space<hbm>>
    tpu.enqueue_indirect_dma source(%arg14 : memref<128x192xf32, #tpu.memory_space<vmem>>) target(%dma_start3A_816 : memref<163840x192xf32, #tpu.memory_space<hbm>>) offsets(%dma_start3A_813 : memref<128xi32, #tpu.memory_space<vmem>>) semaphore(%arg18 : memref<!tpu.dma_semaphore, #tpu.memory_space<semaphore_mem>>)
    %dma_wait3A_817 = arith.constant 25 : i32
    %dma_wait3A_818 = arith.constant 0 : i32
    %dma_wait3A_819 = tpu.memref_slice %arg12[%dma_wait3A_817, %dma_wait3A_818] : memref<40x128xi32, #tpu.memory_space<vmem>> -> memref<1x128xi32, #tpu.memory_space<vmem>>
    %dma_wait3A_820 = tpu.memref_squeeze %dma_wait3A_819 : memref<1x128xi32, #tpu.memory_space<vmem>> -> memref<128xi32, #tpu.memory_space<vmem>>
    %dma_wait3A_821 = arith.constant 0 : i32
    %dma_wait3A_822 = arith.constant 0 : i32
    %dma_wait3A_823 = tpu.memref_slice %arg7[%dma_wait3A_821, %dma_wait3A_822] : memref<163840x192xf32, #tpu.memory_space<hbm>> -> memref<163840x192xf32, #tpu.memory_space<hbm>>
    tpu.wait_indirect_dma semaphore(%arg19 : memref<!tpu.dma_semaphore, #tpu.memory_space<semaphore_mem>>) src(%arg15 : memref<128x192xf32, #tpu.memory_space<vmem>>) dst(%dma_wait3A_823 : memref<163840x192xf32, #tpu.memory_space<hbm>>)
    %add3A_824 = arith.constant 896 : i32
    %add3A_825 = arith.addi %mul3A_2, %add3A_824 : i32
    %dma_start3A_826 = arith.constant 1 : i32
    %dma_start3A_827 = arith.constant 0 : i32
    %dma_start3A_828 = tpu.memref_slice %arg5[%dma_start3A_826, %add3A_825, %dma_start3A_827] : memref<2x81920x192xf32, #tpu.memory_space<hbm>> -> memref<1x128x192xf32, #tpu.memory_space<hbm>>
    %dma_start3A_829 = tpu.memref_squeeze %dma_start3A_828 : memref<1x128x192xf32, #tpu.memory_space<hbm>> -> memref<128x192xf32, #tpu.memory_space<hbm>>
    %dma_start3A_830 = arith.constant 0 : i32
    %dma_start3A_831 = tpu.memref_slice %arg5[%dma_start3A_826, %add3A_825, %dma_start3A_830] : memref<2x81920x192xf32, #tpu.memory_space<hbm>> -> memref<1x128x192xf32, #tpu.memory_space<hbm>>
    %dma_start3A_832 = tpu.memref_squeeze %dma_start3A_831 : memref<1x128x192xf32, #tpu.memory_space<hbm>> -> memref<128x192xf32, #tpu.memory_space<hbm>>
    tpu.enqueue_dma source(%dma_start3A_832 : memref<128x192xf32, #tpu.memory_space<hbm>>) target(%arg15 : memref<128x192xf32, #tpu.memory_space<vmem>>) target_semaphore(%arg17 : memref<!tpu.dma_semaphore, #tpu.memory_space<semaphore_mem>>)
    %dma_wait3A_833 = arith.constant 1 : i32
    %dma_wait3A_834 = arith.constant 0 : i32
    %dma_wait3A_835 = tpu.memref_slice %arg5[%dma_wait3A_833, %add3A_825, %dma_wait3A_834] : memref<2x81920x192xf32, #tpu.memory_space<hbm>> -> memref<1x128x192xf32, #tpu.memory_space<hbm>>
    %dma_wait3A_836 = tpu.memref_squeeze %dma_wait3A_835 : memref<1x128x192xf32, #tpu.memory_space<hbm>> -> memref<128x192xf32, #tpu.memory_space<hbm>>
    %dma_wait3A_837 = arith.constant 0 : i32
    %dma_wait3A_838 = tpu.memref_slice %arg5[%dma_wait3A_833, %add3A_825, %dma_wait3A_837] : memref<2x81920x192xf32, #tpu.memory_space<hbm>> -> memref<1x128x192xf32, #tpu.memory_space<hbm>>
    %dma_wait3A_839 = tpu.memref_squeeze %dma_wait3A_838 : memref<1x128x192xf32, #tpu.memory_space<hbm>> -> memref<128x192xf32, #tpu.memory_space<hbm>>
    tpu.wait_dma2 semaphore(%arg17 : memref<!tpu.dma_semaphore, #tpu.memory_space<semaphore_mem>>) src(%dma_wait3A_839 : memref<128x192xf32, #tpu.memory_space<hbm>>) dst(%arg15 : memref<128x192xf32, #tpu.memory_space<vmem>>)
    %dma_start3A_840 = arith.constant 27 : i32
    %dma_start3A_841 = arith.constant 0 : i32
    %dma_start3A_842 = tpu.memref_slice %arg12[%dma_start3A_840, %dma_start3A_841] : memref<40x128xi32, #tpu.memory_space<vmem>> -> memref<1x128xi32, #tpu.memory_space<vmem>>
    %dma_start3A_843 = tpu.memref_squeeze %dma_start3A_842 : memref<1x128xi32, #tpu.memory_space<vmem>> -> memref<128xi32, #tpu.memory_space<vmem>>
    %dma_start3A_844 = arith.constant 0 : i32
    %dma_start3A_845 = arith.constant 0 : i32
    %dma_start3A_846 = tpu.memref_slice %arg7[%dma_start3A_844, %dma_start3A_845] : memref<163840x192xf32, #tpu.memory_space<hbm>> -> memref<163840x192xf32, #tpu.memory_space<hbm>>
    tpu.enqueue_indirect_dma source(%arg15 : memref<128x192xf32, #tpu.memory_space<vmem>>) target(%dma_start3A_846 : memref<163840x192xf32, #tpu.memory_space<hbm>>) offsets(%dma_start3A_843 : memref<128xi32, #tpu.memory_space<vmem>>) semaphore(%arg19 : memref<!tpu.dma_semaphore, #tpu.memory_space<semaphore_mem>>)
    %dma_wait3A_847 = arith.constant 26 : i32
    %dma_wait3A_848 = arith.constant 0 : i32
    %dma_wait3A_849 = tpu.memref_slice %arg12[%dma_wait3A_847, %dma_wait3A_848] : memref<40x128xi32, #tpu.memory_space<vmem>> -> memref<1x128xi32, #tpu.memory_space<vmem>>
    %dma_wait3A_850 = tpu.memref_squeeze %dma_wait3A_849 : memref<1x128xi32, #tpu.memory_space<vmem>> -> memref<128xi32, #tpu.memory_space<vmem>>
    %dma_wait3A_851 = arith.constant 0 : i32
    %dma_wait3A_852 = arith.constant 0 : i32
    %dma_wait3A_853 = tpu.memref_slice %arg7[%dma_wait3A_851, %dma_wait3A_852] : memref<163840x192xf32, #tpu.memory_space<hbm>> -> memref<163840x192xf32, #tpu.memory_space<hbm>>
    tpu.wait_indirect_dma semaphore(%arg18 : memref<!tpu.dma_semaphore, #tpu.memory_space<semaphore_mem>>) src(%arg14 : memref<128x192xf32, #tpu.memory_space<vmem>>) dst(%dma_wait3A_853 : memref<163840x192xf32, #tpu.memory_space<hbm>>)
    %add3A_854 = arith.constant 1024 : i32
    %add3A_855 = arith.addi %mul3A_2, %add3A_854 : i32
    %dma_start3A_856 = arith.constant 1 : i32
    %dma_start3A_857 = arith.constant 0 : i32
    %dma_start3A_858 = tpu.memref_slice %arg5[%dma_start3A_856, %add3A_855, %dma_start3A_857] : memref<2x81920x192xf32, #tpu.memory_space<hbm>> -> memref<1x128x192xf32, #tpu.memory_space<hbm>>
    %dma_start3A_859 = tpu.memref_squeeze %dma_start3A_858 : memref<1x128x192xf32, #tpu.memory_space<hbm>> -> memref<128x192xf32, #tpu.memory_space<hbm>>
    %dma_start3A_860 = arith.constant 0 : i32
    %dma_start3A_861 = tpu.memref_slice %arg5[%dma_start3A_856, %add3A_855, %dma_start3A_860] : memref<2x81920x192xf32, #tpu.memory_space<hbm>> -> memref<1x128x192xf32, #tpu.memory_space<hbm>>
    %dma_start3A_862 = tpu.memref_squeeze %dma_start3A_861 : memref<1x128x192xf32, #tpu.memory_space<hbm>> -> memref<128x192xf32, #tpu.memory_space<hbm>>
    tpu.enqueue_dma source(%dma_start3A_862 : memref<128x192xf32, #tpu.memory_space<hbm>>) target(%arg14 : memref<128x192xf32, #tpu.memory_space<vmem>>) target_semaphore(%arg16 : memref<!tpu.dma_semaphore, #tpu.memory_space<semaphore_mem>>)
    %dma_wait3A_863 = arith.constant 1 : i32
    %dma_wait3A_864 = arith.constant 0 : i32
    %dma_wait3A_865 = tpu.memref_slice %arg5[%dma_wait3A_863, %add3A_855, %dma_wait3A_864] : memref<2x81920x192xf32, #tpu.memory_space<hbm>> -> memref<1x128x192xf32, #tpu.memory_space<hbm>>
    %dma_wait3A_866 = tpu.memref_squeeze %dma_wait3A_865 : memref<1x128x192xf32, #tpu.memory_space<hbm>> -> memref<128x192xf32, #tpu.memory_space<hbm>>
    %dma_wait3A_867 = arith.constant 0 : i32
    %dma_wait3A_868 = tpu.memref_slice %arg5[%dma_wait3A_863, %add3A_855, %dma_wait3A_867] : memref<2x81920x192xf32, #tpu.memory_space<hbm>> -> memref<1x128x192xf32, #tpu.memory_space<hbm>>
    %dma_wait3A_869 = tpu.memref_squeeze %dma_wait3A_868 : memref<1x128x192xf32, #tpu.memory_space<hbm>> -> memref<128x192xf32, #tpu.memory_space<hbm>>
    tpu.wait_dma2 semaphore(%arg16 : memref<!tpu.dma_semaphore, #tpu.memory_space<semaphore_mem>>) src(%dma_wait3A_869 : memref<128x192xf32, #tpu.memory_space<hbm>>) dst(%arg14 : memref<128x192xf32, #tpu.memory_space<vmem>>)
    %dma_start3A_870 = arith.constant 28 : i32
    %dma_start3A_871 = arith.constant 0 : i32
    %dma_start3A_872 = tpu.memref_slice %arg12[%dma_start3A_870, %dma_start3A_871] : memref<40x128xi32, #tpu.memory_space<vmem>> -> memref<1x128xi32, #tpu.memory_space<vmem>>
    %dma_start3A_873 = tpu.memref_squeeze %dma_start3A_872 : memref<1x128xi32, #tpu.memory_space<vmem>> -> memref<128xi32, #tpu.memory_space<vmem>>
    %dma_start3A_874 = arith.constant 0 : i32
    %dma_start3A_875 = arith.constant 0 : i32
    %dma_start3A_876 = tpu.memref_slice %arg7[%dma_start3A_874, %dma_start3A_875] : memref<163840x192xf32, #tpu.memory_space<hbm>> -> memref<163840x192xf32, #tpu.memory_space<hbm>>
    tpu.enqueue_indirect_dma source(%arg14 : memref<128x192xf32, #tpu.memory_space<vmem>>) target(%dma_start3A_876 : memref<163840x192xf32, #tpu.memory_space<hbm>>) offsets(%dma_start3A_873 : memref<128xi32, #tpu.memory_space<vmem>>) semaphore(%arg18 : memref<!tpu.dma_semaphore, #tpu.memory_space<semaphore_mem>>)
    %dma_wait3A_877 = arith.constant 27 : i32
    %dma_wait3A_878 = arith.constant 0 : i32
    %dma_wait3A_879 = tpu.memref_slice %arg12[%dma_wait3A_877, %dma_wait3A_878] : memref<40x128xi32, #tpu.memory_space<vmem>> -> memref<1x128xi32, #tpu.memory_space<vmem>>
    %dma_wait3A_880 = tpu.memref_squeeze %dma_wait3A_879 : memref<1x128xi32, #tpu.memory_space<vmem>> -> memref<128xi32, #tpu.memory_space<vmem>>
    %dma_wait3A_881 = arith.constant 0 : i32
    %dma_wait3A_882 = arith.constant 0 : i32
    %dma_wait3A_883 = tpu.memref_slice %arg7[%dma_wait3A_881, %dma_wait3A_882] : memref<163840x192xf32, #tpu.memory_space<hbm>> -> memref<163840x192xf32, #tpu.memory_space<hbm>>
    tpu.wait_indirect_dma semaphore(%arg19 : memref<!tpu.dma_semaphore, #tpu.memory_space<semaphore_mem>>) src(%arg15 : memref<128x192xf32, #tpu.memory_space<vmem>>) dst(%dma_wait3A_883 : memref<163840x192xf32, #tpu.memory_space<hbm>>)
    %add3A_884 = arith.constant 1152 : i32
    %add3A_885 = arith.addi %mul3A_2, %add3A_884 : i32
    %dma_start3A_886 = arith.constant 1 : i32
    %dma_start3A_887 = arith.constant 0 : i32
    %dma_start3A_888 = tpu.memref_slice %arg5[%dma_start3A_886, %add3A_885, %dma_start3A_887] : memref<2x81920x192xf32, #tpu.memory_space<hbm>> -> memref<1x128x192xf32, #tpu.memory_space<hbm>>
    %dma_start3A_889 = tpu.memref_squeeze %dma_start3A_888 : memref<1x128x192xf32, #tpu.memory_space<hbm>> -> memref<128x192xf32, #tpu.memory_space<hbm>>
    %dma_start3A_890 = arith.constant 0 : i32
    %dma_start3A_891 = tpu.memref_slice %arg5[%dma_start3A_886, %add3A_885, %dma_start3A_890] : memref<2x81920x192xf32, #tpu.memory_space<hbm>> -> memref<1x128x192xf32, #tpu.memory_space<hbm>>
    %dma_start3A_892 = tpu.memref_squeeze %dma_start3A_891 : memref<1x128x192xf32, #tpu.memory_space<hbm>> -> memref<128x192xf32, #tpu.memory_space<hbm>>
    tpu.enqueue_dma source(%dma_start3A_892 : memref<128x192xf32, #tpu.memory_space<hbm>>) target(%arg15 : memref<128x192xf32, #tpu.memory_space<vmem>>) target_semaphore(%arg17 : memref<!tpu.dma_semaphore, #tpu.memory_space<semaphore_mem>>)
    %dma_wait3A_893 = arith.constant 1 : i32
    %dma_wait3A_894 = arith.constant 0 : i32
    %dma_wait3A_895 = tpu.memref_slice %arg5[%dma_wait3A_893, %add3A_885, %dma_wait3A_894] : memref<2x81920x192xf32, #tpu.memory_space<hbm>> -> memref<1x128x192xf32, #tpu.memory_space<hbm>>
    %dma_wait3A_896 = tpu.memref_squeeze %dma_wait3A_895 : memref<1x128x192xf32, #tpu.memory_space<hbm>> -> memref<128x192xf32, #tpu.memory_space<hbm>>
    %dma_wait3A_897 = arith.constant 0 : i32
    %dma_wait3A_898 = tpu.memref_slice %arg5[%dma_wait3A_893, %add3A_885, %dma_wait3A_897] : memref<2x81920x192xf32, #tpu.memory_space<hbm>> -> memref<1x128x192xf32, #tpu.memory_space<hbm>>
    %dma_wait3A_899 = tpu.memref_squeeze %dma_wait3A_898 : memref<1x128x192xf32, #tpu.memory_space<hbm>> -> memref<128x192xf32, #tpu.memory_space<hbm>>
    tpu.wait_dma2 semaphore(%arg17 : memref<!tpu.dma_semaphore, #tpu.memory_space<semaphore_mem>>) src(%dma_wait3A_899 : memref<128x192xf32, #tpu.memory_space<hbm>>) dst(%arg15 : memref<128x192xf32, #tpu.memory_space<vmem>>)
    %dma_start3A_900 = arith.constant 29 : i32
    %dma_start3A_901 = arith.constant 0 : i32
    %dma_start3A_902 = tpu.memref_slice %arg12[%dma_start3A_900, %dma_start3A_901] : memref<40x128xi32, #tpu.memory_space<vmem>> -> memref<1x128xi32, #tpu.memory_space<vmem>>
    %dma_start3A_903 = tpu.memref_squeeze %dma_start3A_902 : memref<1x128xi32, #tpu.memory_space<vmem>> -> memref<128xi32, #tpu.memory_space<vmem>>
    %dma_start3A_904 = arith.constant 0 : i32
    %dma_start3A_905 = arith.constant 0 : i32
    %dma_start3A_906 = tpu.memref_slice %arg7[%dma_start3A_904, %dma_start3A_905] : memref<163840x192xf32, #tpu.memory_space<hbm>> -> memref<163840x192xf32, #tpu.memory_space<hbm>>
    tpu.enqueue_indirect_dma source(%arg15 : memref<128x192xf32, #tpu.memory_space<vmem>>) target(%dma_start3A_906 : memref<163840x192xf32, #tpu.memory_space<hbm>>) offsets(%dma_start3A_903 : memref<128xi32, #tpu.memory_space<vmem>>) semaphore(%arg19 : memref<!tpu.dma_semaphore, #tpu.memory_space<semaphore_mem>>)
    %dma_wait3A_907 = arith.constant 28 : i32
    %dma_wait3A_908 = arith.constant 0 : i32
    %dma_wait3A_909 = tpu.memref_slice %arg12[%dma_wait3A_907, %dma_wait3A_908] : memref<40x128xi32, #tpu.memory_space<vmem>> -> memref<1x128xi32, #tpu.memory_space<vmem>>
    %dma_wait3A_910 = tpu.memref_squeeze %dma_wait3A_909 : memref<1x128xi32, #tpu.memory_space<vmem>> -> memref<128xi32, #tpu.memory_space<vmem>>
    %dma_wait3A_911 = arith.constant 0 : i32
    %dma_wait3A_912 = arith.constant 0 : i32
    %dma_wait3A_913 = tpu.memref_slice %arg7[%dma_wait3A_911, %dma_wait3A_912] : memref<163840x192xf32, #tpu.memory_space<hbm>> -> memref<163840x192xf32, #tpu.memory_space<hbm>>
    tpu.wait_indirect_dma semaphore(%arg18 : memref<!tpu.dma_semaphore, #tpu.memory_space<semaphore_mem>>) src(%arg14 : memref<128x192xf32, #tpu.memory_space<vmem>>) dst(%dma_wait3A_913 : memref<163840x192xf32, #tpu.memory_space<hbm>>)
    %add3A_914 = arith.constant 1280 : i32
    %add3A_915 = arith.addi %mul3A_2, %add3A_914 : i32
    %dma_start3A_916 = arith.constant 1 : i32
    %dma_start3A_917 = arith.constant 0 : i32
    %dma_start3A_918 = tpu.memref_slice %arg5[%dma_start3A_916, %add3A_915, %dma_start3A_917] : memref<2x81920x192xf32, #tpu.memory_space<hbm>> -> memref<1x128x192xf32, #tpu.memory_space<hbm>>
    %dma_start3A_919 = tpu.memref_squeeze %dma_start3A_918 : memref<1x128x192xf32, #tpu.memory_space<hbm>> -> memref<128x192xf32, #tpu.memory_space<hbm>>
    %dma_start3A_920 = arith.constant 0 : i32
    %dma_start3A_921 = tpu.memref_slice %arg5[%dma_start3A_916, %add3A_915, %dma_start3A_920] : memref<2x81920x192xf32, #tpu.memory_space<hbm>> -> memref<1x128x192xf32, #tpu.memory_space<hbm>>
    %dma_start3A_922 = tpu.memref_squeeze %dma_start3A_921 : memref<1x128x192xf32, #tpu.memory_space<hbm>> -> memref<128x192xf32, #tpu.memory_space<hbm>>
    tpu.enqueue_dma source(%dma_start3A_922 : memref<128x192xf32, #tpu.memory_space<hbm>>) target(%arg14 : memref<128x192xf32, #tpu.memory_space<vmem>>) target_semaphore(%arg16 : memref<!tpu.dma_semaphore, #tpu.memory_space<semaphore_mem>>)
    %dma_wait3A_923 = arith.constant 1 : i32
    %dma_wait3A_924 = arith.constant 0 : i32
    %dma_wait3A_925 = tpu.memref_slice %arg5[%dma_wait3A_923, %add3A_915, %dma_wait3A_924] : memref<2x81920x192xf32, #tpu.memory_space<hbm>> -> memref<1x128x192xf32, #tpu.memory_space<hbm>>
    %dma_wait3A_926 = tpu.memref_squeeze %dma_wait3A_925 : memref<1x128x192xf32, #tpu.memory_space<hbm>> -> memref<128x192xf32, #tpu.memory_space<hbm>>
    %dma_wait3A_927 = arith.constant 0 : i32
    %dma_wait3A_928 = tpu.memref_slice %arg5[%dma_wait3A_923, %add3A_915, %dma_wait3A_927] : memref<2x81920x192xf32, #tpu.memory_space<hbm>> -> memref<1x128x192xf32, #tpu.memory_space<hbm>>
    %dma_wait3A_929 = tpu.memref_squeeze %dma_wait3A_928 : memref<1x128x192xf32, #tpu.memory_space<hbm>> -> memref<128x192xf32, #tpu.memory_space<hbm>>
    tpu.wait_dma2 semaphore(%arg16 : memref<!tpu.dma_semaphore, #tpu.memory_space<semaphore_mem>>) src(%dma_wait3A_929 : memref<128x192xf32, #tpu.memory_space<hbm>>) dst(%arg14 : memref<128x192xf32, #tpu.memory_space<vmem>>)
    %dma_start3A_930 = arith.constant 30 : i32
    %dma_start3A_931 = arith.constant 0 : i32
    %dma_start3A_932 = tpu.memref_slice %arg12[%dma_start3A_930, %dma_start3A_931] : memref<40x128xi32, #tpu.memory_space<vmem>> -> memref<1x128xi32, #tpu.memory_space<vmem>>
    %dma_start3A_933 = tpu.memref_squeeze %dma_start3A_932 : memref<1x128xi32, #tpu.memory_space<vmem>> -> memref<128xi32, #tpu.memory_space<vmem>>
    %dma_start3A_934 = arith.constant 0 : i32
    %dma_start3A_935 = arith.constant 0 : i32
    %dma_start3A_936 = tpu.memref_slice %arg7[%dma_start3A_934, %dma_start3A_935] : memref<163840x192xf32, #tpu.memory_space<hbm>> -> memref<163840x192xf32, #tpu.memory_space<hbm>>
    tpu.enqueue_indirect_dma source(%arg14 : memref<128x192xf32, #tpu.memory_space<vmem>>) target(%dma_start3A_936 : memref<163840x192xf32, #tpu.memory_space<hbm>>) offsets(%dma_start3A_933 : memref<128xi32, #tpu.memory_space<vmem>>) semaphore(%arg18 : memref<!tpu.dma_semaphore, #tpu.memory_space<semaphore_mem>>)
    %dma_wait3A_937 = arith.constant 29 : i32
    %dma_wait3A_938 = arith.constant 0 : i32
    %dma_wait3A_939 = tpu.memref_slice %arg12[%dma_wait3A_937, %dma_wait3A_938] : memref<40x128xi32, #tpu.memory_space<vmem>> -> memref<1x128xi32, #tpu.memory_space<vmem>>
    %dma_wait3A_940 = tpu.memref_squeeze %dma_wait3A_939 : memref<1x128xi32, #tpu.memory_space<vmem>> -> memref<128xi32, #tpu.memory_space<vmem>>
    %dma_wait3A_941 = arith.constant 0 : i32
    %dma_wait3A_942 = arith.constant 0 : i32
    %dma_wait3A_943 = tpu.memref_slice %arg7[%dma_wait3A_941, %dma_wait3A_942] : memref<163840x192xf32, #tpu.memory_space<hbm>> -> memref<163840x192xf32, #tpu.memory_space<hbm>>
    tpu.wait_indirect_dma semaphore(%arg19 : memref<!tpu.dma_semaphore, #tpu.memory_space<semaphore_mem>>) src(%arg15 : memref<128x192xf32, #tpu.memory_space<vmem>>) dst(%dma_wait3A_943 : memref<163840x192xf32, #tpu.memory_space<hbm>>)
    %add3A_944 = arith.constant 1408 : i32
    %add3A_945 = arith.addi %mul3A_2, %add3A_944 : i32
    %dma_start3A_946 = arith.constant 1 : i32
    %dma_start3A_947 = arith.constant 0 : i32
    %dma_start3A_948 = tpu.memref_slice %arg5[%dma_start3A_946, %add3A_945, %dma_start3A_947] : memref<2x81920x192xf32, #tpu.memory_space<hbm>> -> memref<1x128x192xf32, #tpu.memory_space<hbm>>
    %dma_start3A_949 = tpu.memref_squeeze %dma_start3A_948 : memref<1x128x192xf32, #tpu.memory_space<hbm>> -> memref<128x192xf32, #tpu.memory_space<hbm>>
    %dma_start3A_950 = arith.constant 0 : i32
    %dma_start3A_951 = tpu.memref_slice %arg5[%dma_start3A_946, %add3A_945, %dma_start3A_950] : memref<2x81920x192xf32, #tpu.memory_space<hbm>> -> memref<1x128x192xf32, #tpu.memory_space<hbm>>
    %dma_start3A_952 = tpu.memref_squeeze %dma_start3A_951 : memref<1x128x192xf32, #tpu.memory_space<hbm>> -> memref<128x192xf32, #tpu.memory_space<hbm>>
    tpu.enqueue_dma source(%dma_start3A_952 : memref<128x192xf32, #tpu.memory_space<hbm>>) target(%arg15 : memref<128x192xf32, #tpu.memory_space<vmem>>) target_semaphore(%arg17 : memref<!tpu.dma_semaphore, #tpu.memory_space<semaphore_mem>>)
    %dma_wait3A_953 = arith.constant 1 : i32
    %dma_wait3A_954 = arith.constant 0 : i32
    %dma_wait3A_955 = tpu.memref_slice %arg5[%dma_wait3A_953, %add3A_945, %dma_wait3A_954] : memref<2x81920x192xf32, #tpu.memory_space<hbm>> -> memref<1x128x192xf32, #tpu.memory_space<hbm>>
    %dma_wait3A_956 = tpu.memref_squeeze %dma_wait3A_955 : memref<1x128x192xf32, #tpu.memory_space<hbm>> -> memref<128x192xf32, #tpu.memory_space<hbm>>
    %dma_wait3A_957 = arith.constant 0 : i32
    %dma_wait3A_958 = tpu.memref_slice %arg5[%dma_wait3A_953, %add3A_945, %dma_wait3A_957] : memref<2x81920x192xf32, #tpu.memory_space<hbm>> -> memref<1x128x192xf32, #tpu.memory_space<hbm>>
    %dma_wait3A_959 = tpu.memref_squeeze %dma_wait3A_958 : memref<1x128x192xf32, #tpu.memory_space<hbm>> -> memref<128x192xf32, #tpu.memory_space<hbm>>
    tpu.wait_dma2 semaphore(%arg17 : memref<!tpu.dma_semaphore, #tpu.memory_space<semaphore_mem>>) src(%dma_wait3A_959 : memref<128x192xf32, #tpu.memory_space<hbm>>) dst(%arg15 : memref<128x192xf32, #tpu.memory_space<vmem>>)
    %dma_start3A_960 = arith.constant 31 : i32
    %dma_start3A_961 = arith.constant 0 : i32
    %dma_start3A_962 = tpu.memref_slice %arg12[%dma_start3A_960, %dma_start3A_961] : memref<40x128xi32, #tpu.memory_space<vmem>> -> memref<1x128xi32, #tpu.memory_space<vmem>>
    %dma_start3A_963 = tpu.memref_squeeze %dma_start3A_962 : memref<1x128xi32, #tpu.memory_space<vmem>> -> memref<128xi32, #tpu.memory_space<vmem>>
    %dma_start3A_964 = arith.constant 0 : i32
    %dma_start3A_965 = arith.constant 0 : i32
    %dma_start3A_966 = tpu.memref_slice %arg7[%dma_start3A_964, %dma_start3A_965] : memref<163840x192xf32, #tpu.memory_space<hbm>> -> memref<163840x192xf32, #tpu.memory_space<hbm>>
    tpu.enqueue_indirect_dma source(%arg15 : memref<128x192xf32, #tpu.memory_space<vmem>>) target(%dma_start3A_966 : memref<163840x192xf32, #tpu.memory_space<hbm>>) offsets(%dma_start3A_963 : memref<128xi32, #tpu.memory_space<vmem>>) semaphore(%arg19 : memref<!tpu.dma_semaphore, #tpu.memory_space<semaphore_mem>>)
    %dma_wait3A_967 = arith.constant 30 : i32
    %dma_wait3A_968 = arith.constant 0 : i32
    %dma_wait3A_969 = tpu.memref_slice %arg12[%dma_wait3A_967, %dma_wait3A_968] : memref<40x128xi32, #tpu.memory_space<vmem>> -> memref<1x128xi32, #tpu.memory_space<vmem>>
    %dma_wait3A_970 = tpu.memref_squeeze %dma_wait3A_969 : memref<1x128xi32, #tpu.memory_space<vmem>> -> memref<128xi32, #tpu.memory_space<vmem>>
    %dma_wait3A_971 = arith.constant 0 : i32
    %dma_wait3A_972 = arith.constant 0 : i32
    %dma_wait3A_973 = tpu.memref_slice %arg7[%dma_wait3A_971, %dma_wait3A_972] : memref<163840x192xf32, #tpu.memory_space<hbm>> -> memref<163840x192xf32, #tpu.memory_space<hbm>>
    tpu.wait_indirect_dma semaphore(%arg18 : memref<!tpu.dma_semaphore, #tpu.memory_space<semaphore_mem>>) src(%arg14 : memref<128x192xf32, #tpu.memory_space<vmem>>) dst(%dma_wait3A_973 : memref<163840x192xf32, #tpu.memory_space<hbm>>)
    %add3A_974 = arith.constant 1536 : i32
    %add3A_975 = arith.addi %mul3A_2, %add3A_974 : i32
    %dma_start3A_976 = arith.constant 1 : i32
    %dma_start3A_977 = arith.constant 0 : i32
    %dma_start3A_978 = tpu.memref_slice %arg5[%dma_start3A_976, %add3A_975, %dma_start3A_977] : memref<2x81920x192xf32, #tpu.memory_space<hbm>> -> memref<1x128x192xf32, #tpu.memory_space<hbm>>
    %dma_start3A_979 = tpu.memref_squeeze %dma_start3A_978 : memref<1x128x192xf32, #tpu.memory_space<hbm>> -> memref<128x192xf32, #tpu.memory_space<hbm>>
    %dma_start3A_980 = arith.constant 0 : i32
    %dma_start3A_981 = tpu.memref_slice %arg5[%dma_start3A_976, %add3A_975, %dma_start3A_980] : memref<2x81920x192xf32, #tpu.memory_space<hbm>> -> memref<1x128x192xf32, #tpu.memory_space<hbm>>
    %dma_start3A_982 = tpu.memref_squeeze %dma_start3A_981 : memref<1x128x192xf32, #tpu.memory_space<hbm>> -> memref<128x192xf32, #tpu.memory_space<hbm>>
    tpu.enqueue_dma source(%dma_start3A_982 : memref<128x192xf32, #tpu.memory_space<hbm>>) target(%arg14 : memref<128x192xf32, #tpu.memory_space<vmem>>) target_semaphore(%arg16 : memref<!tpu.dma_semaphore, #tpu.memory_space<semaphore_mem>>)
    %dma_wait3A_983 = arith.constant 1 : i32
    %dma_wait3A_984 = arith.constant 0 : i32
    %dma_wait3A_985 = tpu.memref_slice %arg5[%dma_wait3A_983, %add3A_975, %dma_wait3A_984] : memref<2x81920x192xf32, #tpu.memory_space<hbm>> -> memref<1x128x192xf32, #tpu.memory_space<hbm>>
    %dma_wait3A_986 = tpu.memref_squeeze %dma_wait3A_985 : memref<1x128x192xf32, #tpu.memory_space<hbm>> -> memref<128x192xf32, #tpu.memory_space<hbm>>
    %dma_wait3A_987 = arith.constant 0 : i32
    %dma_wait3A_988 = tpu.memref_slice %arg5[%dma_wait3A_983, %add3A_975, %dma_wait3A_987] : memref<2x81920x192xf32, #tpu.memory_space<hbm>> -> memref<1x128x192xf32, #tpu.memory_space<hbm>>
    %dma_wait3A_989 = tpu.memref_squeeze %dma_wait3A_988 : memref<1x128x192xf32, #tpu.memory_space<hbm>> -> memref<128x192xf32, #tpu.memory_space<hbm>>
    tpu.wait_dma2 semaphore(%arg16 : memref<!tpu.dma_semaphore, #tpu.memory_space<semaphore_mem>>) src(%dma_wait3A_989 : memref<128x192xf32, #tpu.memory_space<hbm>>) dst(%arg14 : memref<128x192xf32, #tpu.memory_space<vmem>>)
    %dma_start3A_990 = arith.constant 32 : i32
    %dma_start3A_991 = arith.constant 0 : i32
    %dma_start3A_992 = tpu.memref_slice %arg12[%dma_start3A_990, %dma_start3A_991] : memref<40x128xi32, #tpu.memory_space<vmem>> -> memref<1x128xi32, #tpu.memory_space<vmem>>
    %dma_start3A_993 = tpu.memref_squeeze %dma_start3A_992 : memref<1x128xi32, #tpu.memory_space<vmem>> -> memref<128xi32, #tpu.memory_space<vmem>>
    %dma_start3A_994 = arith.constant 0 : i32
    %dma_start3A_995 = arith.constant 0 : i32
    %dma_start3A_996 = tpu.memref_slice %arg7[%dma_start3A_994, %dma_start3A_995] : memref<163840x192xf32, #tpu.memory_space<hbm>> -> memref<163840x192xf32, #tpu.memory_space<hbm>>
    tpu.enqueue_indirect_dma source(%arg14 : memref<128x192xf32, #tpu.memory_space<vmem>>) target(%dma_start3A_996 : memref<163840x192xf32, #tpu.memory_space<hbm>>) offsets(%dma_start3A_993 : memref<128xi32, #tpu.memory_space<vmem>>) semaphore(%arg18 : memref<!tpu.dma_semaphore, #tpu.memory_space<semaphore_mem>>)
    %dma_wait3A_997 = arith.constant 31 : i32
    %dma_wait3A_998 = arith.constant 0 : i32
    %dma_wait3A_999 = tpu.memref_slice %arg12[%dma_wait3A_997, %dma_wait3A_998] : memref<40x128xi32, #tpu.memory_space<vmem>> -> memref<1x128xi32, #tpu.memory_space<vmem>>
    %dma_wait3A_1000 = tpu.memref_squeeze %dma_wait3A_999 : memref<1x128xi32, #tpu.memory_space<vmem>> -> memref<128xi32, #tpu.memory_space<vmem>>
    %dma_wait3A_1001 = arith.constant 0 : i32
    %dma_wait3A_1002 = arith.constant 0 : i32
    %dma_wait3A_1003 = tpu.memref_slice %arg7[%dma_wait3A_1001, %dma_wait3A_1002] : memref<163840x192xf32, #tpu.memory_space<hbm>> -> memref<163840x192xf32, #tpu.memory_space<hbm>>
    tpu.wait_indirect_dma semaphore(%arg19 : memref<!tpu.dma_semaphore, #tpu.memory_space<semaphore_mem>>) src(%arg15 : memref<128x192xf32, #tpu.memory_space<vmem>>) dst(%dma_wait3A_1003 : memref<163840x192xf32, #tpu.memory_space<hbm>>)
    %add3A_1004 = arith.constant 1664 : i32
    %add3A_1005 = arith.addi %mul3A_2, %add3A_1004 : i32
    %dma_start3A_1006 = arith.constant 1 : i32
    %dma_start3A_1007 = arith.constant 0 : i32
    %dma_start3A_1008 = tpu.memref_slice %arg5[%dma_start3A_1006, %add3A_1005, %dma_start3A_1007] : memref<2x81920x192xf32, #tpu.memory_space<hbm>> -> memref<1x128x192xf32, #tpu.memory_space<hbm>>
    %dma_start3A_1009 = tpu.memref_squeeze %dma_start3A_1008 : memref<1x128x192xf32, #tpu.memory_space<hbm>> -> memref<128x192xf32, #tpu.memory_space<hbm>>
    %dma_start3A_1010 = arith.constant 0 : i32
    %dma_start3A_1011 = tpu.memref_slice %arg5[%dma_start3A_1006, %add3A_1005, %dma_start3A_1010] : memref<2x81920x192xf32, #tpu.memory_space<hbm>> -> memref<1x128x192xf32, #tpu.memory_space<hbm>>
    %dma_start3A_1012 = tpu.memref_squeeze %dma_start3A_1011 : memref<1x128x192xf32, #tpu.memory_space<hbm>> -> memref<128x192xf32, #tpu.memory_space<hbm>>
    tpu.enqueue_dma source(%dma_start3A_1012 : memref<128x192xf32, #tpu.memory_space<hbm>>) target(%arg15 : memref<128x192xf32, #tpu.memory_space<vmem>>) target_semaphore(%arg17 : memref<!tpu.dma_semaphore, #tpu.memory_space<semaphore_mem>>)
    %dma_wait3A_1013 = arith.constant 1 : i32
    %dma_wait3A_1014 = arith.constant 0 : i32
    %dma_wait3A_1015 = tpu.memref_slice %arg5[%dma_wait3A_1013, %add3A_1005, %dma_wait3A_1014] : memref<2x81920x192xf32, #tpu.memory_space<hbm>> -> memref<1x128x192xf32, #tpu.memory_space<hbm>>
    %dma_wait3A_1016 = tpu.memref_squeeze %dma_wait3A_1015 : memref<1x128x192xf32, #tpu.memory_space<hbm>> -> memref<128x192xf32, #tpu.memory_space<hbm>>
    %dma_wait3A_1017 = arith.constant 0 : i32
    %dma_wait3A_1018 = tpu.memref_slice %arg5[%dma_wait3A_1013, %add3A_1005, %dma_wait3A_1017] : memref<2x81920x192xf32, #tpu.memory_space<hbm>> -> memref<1x128x192xf32, #tpu.memory_space<hbm>>
    %dma_wait3A_1019 = tpu.memref_squeeze %dma_wait3A_1018 : memref<1x128x192xf32, #tpu.memory_space<hbm>> -> memref<128x192xf32, #tpu.memory_space<hbm>>
    tpu.wait_dma2 semaphore(%arg17 : memref<!tpu.dma_semaphore, #tpu.memory_space<semaphore_mem>>) src(%dma_wait3A_1019 : memref<128x192xf32, #tpu.memory_space<hbm>>) dst(%arg15 : memref<128x192xf32, #tpu.memory_space<vmem>>)
    %dma_start3A_1020 = arith.constant 33 : i32
    %dma_start3A_1021 = arith.constant 0 : i32
    %dma_start3A_1022 = tpu.memref_slice %arg12[%dma_start3A_1020, %dma_start3A_1021] : memref<40x128xi32, #tpu.memory_space<vmem>> -> memref<1x128xi32, #tpu.memory_space<vmem>>
    %dma_start3A_1023 = tpu.memref_squeeze %dma_start3A_1022 : memref<1x128xi32, #tpu.memory_space<vmem>> -> memref<128xi32, #tpu.memory_space<vmem>>
    %dma_start3A_1024 = arith.constant 0 : i32
    %dma_start3A_1025 = arith.constant 0 : i32
    %dma_start3A_1026 = tpu.memref_slice %arg7[%dma_start3A_1024, %dma_start3A_1025] : memref<163840x192xf32, #tpu.memory_space<hbm>> -> memref<163840x192xf32, #tpu.memory_space<hbm>>
    tpu.enqueue_indirect_dma source(%arg15 : memref<128x192xf32, #tpu.memory_space<vmem>>) target(%dma_start3A_1026 : memref<163840x192xf32, #tpu.memory_space<hbm>>) offsets(%dma_start3A_1023 : memref<128xi32, #tpu.memory_space<vmem>>) semaphore(%arg19 : memref<!tpu.dma_semaphore, #tpu.memory_space<semaphore_mem>>)
    %dma_wait3A_1027 = arith.constant 32 : i32
    %dma_wait3A_1028 = arith.constant 0 : i32
    %dma_wait3A_1029 = tpu.memref_slice %arg12[%dma_wait3A_1027, %dma_wait3A_1028] : memref<40x128xi32, #tpu.memory_space<vmem>> -> memref<1x128xi32, #tpu.memory_space<vmem>>
    %dma_wait3A_1030 = tpu.memref_squeeze %dma_wait3A_1029 : memref<1x128xi32, #tpu.memory_space<vmem>> -> memref<128xi32, #tpu.memory_space<vmem>>
    %dma_wait3A_1031 = arith.constant 0 : i32
    %dma_wait3A_1032 = arith.constant 0 : i32
    %dma_wait3A_1033 = tpu.memref_slice %arg7[%dma_wait3A_1031, %dma_wait3A_1032] : memref<163840x192xf32, #tpu.memory_space<hbm>> -> memref<163840x192xf32, #tpu.memory_space<hbm>>
    tpu.wait_indirect_dma semaphore(%arg18 : memref<!tpu.dma_semaphore, #tpu.memory_space<semaphore_mem>>) src(%arg14 : memref<128x192xf32, #tpu.memory_space<vmem>>) dst(%dma_wait3A_1033 : memref<163840x192xf32, #tpu.memory_space<hbm>>)
    %add3A_1034 = arith.constant 1792 : i32
    %add3A_1035 = arith.addi %mul3A_2, %add3A_1034 : i32
    %dma_start3A_1036 = arith.constant 1 : i32
    %dma_start3A_1037 = arith.constant 0 : i32
    %dma_start3A_1038 = tpu.memref_slice %arg5[%dma_start3A_1036, %add3A_1035, %dma_start3A_1037] : memref<2x81920x192xf32, #tpu.memory_space<hbm>> -> memref<1x128x192xf32, #tpu.memory_space<hbm>>
    %dma_start3A_1039 = tpu.memref_squeeze %dma_start3A_1038 : memref<1x128x192xf32, #tpu.memory_space<hbm>> -> memref<128x192xf32, #tpu.memory_space<hbm>>
    %dma_start3A_1040 = arith.constant 0 : i32
    %dma_start3A_1041 = tpu.memref_slice %arg5[%dma_start3A_1036, %add3A_1035, %dma_start3A_1040] : memref<2x81920x192xf32, #tpu.memory_space<hbm>> -> memref<1x128x192xf32, #tpu.memory_space<hbm>>
    %dma_start3A_1042 = tpu.memref_squeeze %dma_start3A_1041 : memref<1x128x192xf32, #tpu.memory_space<hbm>> -> memref<128x192xf32, #tpu.memory_space<hbm>>
    tpu.enqueue_dma source(%dma_start3A_1042 : memref<128x192xf32, #tpu.memory_space<hbm>>) target(%arg14 : memref<128x192xf32, #tpu.memory_space<vmem>>) target_semaphore(%arg16 : memref<!tpu.dma_semaphore, #tpu.memory_space<semaphore_mem>>)
    %dma_wait3A_1043 = arith.constant 1 : i32
    %dma_wait3A_1044 = arith.constant 0 : i32
    %dma_wait3A_1045 = tpu.memref_slice %arg5[%dma_wait3A_1043, %add3A_1035, %dma_wait3A_1044] : memref<2x81920x192xf32, #tpu.memory_space<hbm>> -> memref<1x128x192xf32, #tpu.memory_space<hbm>>
    %dma_wait3A_1046 = tpu.memref_squeeze %dma_wait3A_1045 : memref<1x128x192xf32, #tpu.memory_space<hbm>> -> memref<128x192xf32, #tpu.memory_space<hbm>>
    %dma_wait3A_1047 = arith.constant 0 : i32
    %dma_wait3A_1048 = tpu.memref_slice %arg5[%dma_wait3A_1043, %add3A_1035, %dma_wait3A_1047] : memref<2x81920x192xf32, #tpu.memory_space<hbm>> -> memref<1x128x192xf32, #tpu.memory_space<hbm>>
    %dma_wait3A_1049 = tpu.memref_squeeze %dma_wait3A_1048 : memref<1x128x192xf32, #tpu.memory_space<hbm>> -> memref<128x192xf32, #tpu.memory_space<hbm>>
    tpu.wait_dma2 semaphore(%arg16 : memref<!tpu.dma_semaphore, #tpu.memory_space<semaphore_mem>>) src(%dma_wait3A_1049 : memref<128x192xf32, #tpu.memory_space<hbm>>) dst(%arg14 : memref<128x192xf32, #tpu.memory_space<vmem>>)
    %dma_start3A_1050 = arith.constant 34 : i32
    %dma_start3A_1051 = arith.constant 0 : i32
    %dma_start3A_1052 = tpu.memref_slice %arg12[%dma_start3A_1050, %dma_start3A_1051] : memref<40x128xi32, #tpu.memory_space<vmem>> -> memref<1x128xi32, #tpu.memory_space<vmem>>
    %dma_start3A_1053 = tpu.memref_squeeze %dma_start3A_1052 : memref<1x128xi32, #tpu.memory_space<vmem>> -> memref<128xi32, #tpu.memory_space<vmem>>
    %dma_start3A_1054 = arith.constant 0 : i32
    %dma_start3A_1055 = arith.constant 0 : i32
    %dma_start3A_1056 = tpu.memref_slice %arg7[%dma_start3A_1054, %dma_start3A_1055] : memref<163840x192xf32, #tpu.memory_space<hbm>> -> memref<163840x192xf32, #tpu.memory_space<hbm>>
    tpu.enqueue_indirect_dma source(%arg14 : memref<128x192xf32, #tpu.memory_space<vmem>>) target(%dma_start3A_1056 : memref<163840x192xf32, #tpu.memory_space<hbm>>) offsets(%dma_start3A_1053 : memref<128xi32, #tpu.memory_space<vmem>>) semaphore(%arg18 : memref<!tpu.dma_semaphore, #tpu.memory_space<semaphore_mem>>)
    %dma_wait3A_1057 = arith.constant 33 : i32
    %dma_wait3A_1058 = arith.constant 0 : i32
    %dma_wait3A_1059 = tpu.memref_slice %arg12[%dma_wait3A_1057, %dma_wait3A_1058] : memref<40x128xi32, #tpu.memory_space<vmem>> -> memref<1x128xi32, #tpu.memory_space<vmem>>
    %dma_wait3A_1060 = tpu.memref_squeeze %dma_wait3A_1059 : memref<1x128xi32, #tpu.memory_space<vmem>> -> memref<128xi32, #tpu.memory_space<vmem>>
    %dma_wait3A_1061 = arith.constant 0 : i32
    %dma_wait3A_1062 = arith.constant 0 : i32
    %dma_wait3A_1063 = tpu.memref_slice %arg7[%dma_wait3A_1061, %dma_wait3A_1062] : memref<163840x192xf32, #tpu.memory_space<hbm>> -> memref<163840x192xf32, #tpu.memory_space<hbm>>
    tpu.wait_indirect_dma semaphore(%arg19 : memref<!tpu.dma_semaphore, #tpu.memory_space<semaphore_mem>>) src(%arg15 : memref<128x192xf32, #tpu.memory_space<vmem>>) dst(%dma_wait3A_1063 : memref<163840x192xf32, #tpu.memory_space<hbm>>)
    %add3A_1064 = arith.constant 1920 : i32
    %add3A_1065 = arith.addi %mul3A_2, %add3A_1064 : i32
    %dma_start3A_1066 = arith.constant 1 : i32
    %dma_start3A_1067 = arith.constant 0 : i32
    %dma_start3A_1068 = tpu.memref_slice %arg5[%dma_start3A_1066, %add3A_1065, %dma_start3A_1067] : memref<2x81920x192xf32, #tpu.memory_space<hbm>> -> memref<1x128x192xf32, #tpu.memory_space<hbm>>
    %dma_start3A_1069 = tpu.memref_squeeze %dma_start3A_1068 : memref<1x128x192xf32, #tpu.memory_space<hbm>> -> memref<128x192xf32, #tpu.memory_space<hbm>>
    %dma_start3A_1070 = arith.constant 0 : i32
    %dma_start3A_1071 = tpu.memref_slice %arg5[%dma_start3A_1066, %add3A_1065, %dma_start3A_1070] : memref<2x81920x192xf32, #tpu.memory_space<hbm>> -> memref<1x128x192xf32, #tpu.memory_space<hbm>>
    %dma_start3A_1072 = tpu.memref_squeeze %dma_start3A_1071 : memref<1x128x192xf32, #tpu.memory_space<hbm>> -> memref<128x192xf32, #tpu.memory_space<hbm>>
    tpu.enqueue_dma source(%dma_start3A_1072 : memref<128x192xf32, #tpu.memory_space<hbm>>) target(%arg15 : memref<128x192xf32, #tpu.memory_space<vmem>>) target_semaphore(%arg17 : memref<!tpu.dma_semaphore, #tpu.memory_space<semaphore_mem>>)
    %dma_wait3A_1073 = arith.constant 1 : i32
    %dma_wait3A_1074 = arith.constant 0 : i32
    %dma_wait3A_1075 = tpu.memref_slice %arg5[%dma_wait3A_1073, %add3A_1065, %dma_wait3A_1074] : memref<2x81920x192xf32, #tpu.memory_space<hbm>> -> memref<1x128x192xf32, #tpu.memory_space<hbm>>
    %dma_wait3A_1076 = tpu.memref_squeeze %dma_wait3A_1075 : memref<1x128x192xf32, #tpu.memory_space<hbm>> -> memref<128x192xf32, #tpu.memory_space<hbm>>
    %dma_wait3A_1077 = arith.constant 0 : i32
    %dma_wait3A_1078 = tpu.memref_slice %arg5[%dma_wait3A_1073, %add3A_1065, %dma_wait3A_1077] : memref<2x81920x192xf32, #tpu.memory_space<hbm>> -> memref<1x128x192xf32, #tpu.memory_space<hbm>>
    %dma_wait3A_1079 = tpu.memref_squeeze %dma_wait3A_1078 : memref<1x128x192xf32, #tpu.memory_space<hbm>> -> memref<128x192xf32, #tpu.memory_space<hbm>>
    tpu.wait_dma2 semaphore(%arg17 : memref<!tpu.dma_semaphore, #tpu.memory_space<semaphore_mem>>) src(%dma_wait3A_1079 : memref<128x192xf32, #tpu.memory_space<hbm>>) dst(%arg15 : memref<128x192xf32, #tpu.memory_space<vmem>>)
    %dma_start3A_1080 = arith.constant 35 : i32
    %dma_start3A_1081 = arith.constant 0 : i32
    %dma_start3A_1082 = tpu.memref_slice %arg12[%dma_start3A_1080, %dma_start3A_1081] : memref<40x128xi32, #tpu.memory_space<vmem>> -> memref<1x128xi32, #tpu.memory_space<vmem>>
    %dma_start3A_1083 = tpu.memref_squeeze %dma_start3A_1082 : memref<1x128xi32, #tpu.memory_space<vmem>> -> memref<128xi32, #tpu.memory_space<vmem>>
    %dma_start3A_1084 = arith.constant 0 : i32
    %dma_start3A_1085 = arith.constant 0 : i32
    %dma_start3A_1086 = tpu.memref_slice %arg7[%dma_start3A_1084, %dma_start3A_1085] : memref<163840x192xf32, #tpu.memory_space<hbm>> -> memref<163840x192xf32, #tpu.memory_space<hbm>>
    tpu.enqueue_indirect_dma source(%arg15 : memref<128x192xf32, #tpu.memory_space<vmem>>) target(%dma_start3A_1086 : memref<163840x192xf32, #tpu.memory_space<hbm>>) offsets(%dma_start3A_1083 : memref<128xi32, #tpu.memory_space<vmem>>) semaphore(%arg19 : memref<!tpu.dma_semaphore, #tpu.memory_space<semaphore_mem>>)
    %dma_wait3A_1087 = arith.constant 34 : i32
    %dma_wait3A_1088 = arith.constant 0 : i32
    %dma_wait3A_1089 = tpu.memref_slice %arg12[%dma_wait3A_1087, %dma_wait3A_1088] : memref<40x128xi32, #tpu.memory_space<vmem>> -> memref<1x128xi32, #tpu.memory_space<vmem>>
    %dma_wait3A_1090 = tpu.memref_squeeze %dma_wait3A_1089 : memref<1x128xi32, #tpu.memory_space<vmem>> -> memref<128xi32, #tpu.memory_space<vmem>>
    %dma_wait3A_1091 = arith.constant 0 : i32
    %dma_wait3A_1092 = arith.constant 0 : i32
    %dma_wait3A_1093 = tpu.memref_slice %arg7[%dma_wait3A_1091, %dma_wait3A_1092] : memref<163840x192xf32, #tpu.memory_space<hbm>> -> memref<163840x192xf32, #tpu.memory_space<hbm>>
    tpu.wait_indirect_dma semaphore(%arg18 : memref<!tpu.dma_semaphore, #tpu.memory_space<semaphore_mem>>) src(%arg14 : memref<128x192xf32, #tpu.memory_space<vmem>>) dst(%dma_wait3A_1093 : memref<163840x192xf32, #tpu.memory_space<hbm>>)
    %add3A_1094 = arith.constant 2048 : i32
    %add3A_1095 = arith.addi %mul3A_2, %add3A_1094 : i32
    %dma_start3A_1096 = arith.constant 1 : i32
    %dma_start3A_1097 = arith.constant 0 : i32
    %dma_start3A_1098 = tpu.memref_slice %arg5[%dma_start3A_1096, %add3A_1095, %dma_start3A_1097] : memref<2x81920x192xf32, #tpu.memory_space<hbm>> -> memref<1x128x192xf32, #tpu.memory_space<hbm>>
    %dma_start3A_1099 = tpu.memref_squeeze %dma_start3A_1098 : memref<1x128x192xf32, #tpu.memory_space<hbm>> -> memref<128x192xf32, #tpu.memory_space<hbm>>
    %dma_start3A_1100 = arith.constant 0 : i32
    %dma_start3A_1101 = tpu.memref_slice %arg5[%dma_start3A_1096, %add3A_1095, %dma_start3A_1100] : memref<2x81920x192xf32, #tpu.memory_space<hbm>> -> memref<1x128x192xf32, #tpu.memory_space<hbm>>
    %dma_start3A_1102 = tpu.memref_squeeze %dma_start3A_1101 : memref<1x128x192xf32, #tpu.memory_space<hbm>> -> memref<128x192xf32, #tpu.memory_space<hbm>>
    tpu.enqueue_dma source(%dma_start3A_1102 : memref<128x192xf32, #tpu.memory_space<hbm>>) target(%arg14 : memref<128x192xf32, #tpu.memory_space<vmem>>) target_semaphore(%arg16 : memref<!tpu.dma_semaphore, #tpu.memory_space<semaphore_mem>>)
    %dma_wait3A_1103 = arith.constant 1 : i32
    %dma_wait3A_1104 = arith.constant 0 : i32
    %dma_wait3A_1105 = tpu.memref_slice %arg5[%dma_wait3A_1103, %add3A_1095, %dma_wait3A_1104] : memref<2x81920x192xf32, #tpu.memory_space<hbm>> -> memref<1x128x192xf32, #tpu.memory_space<hbm>>
    %dma_wait3A_1106 = tpu.memref_squeeze %dma_wait3A_1105 : memref<1x128x192xf32, #tpu.memory_space<hbm>> -> memref<128x192xf32, #tpu.memory_space<hbm>>
    %dma_wait3A_1107 = arith.constant 0 : i32
    %dma_wait3A_1108 = tpu.memref_slice %arg5[%dma_wait3A_1103, %add3A_1095, %dma_wait3A_1107] : memref<2x81920x192xf32, #tpu.memory_space<hbm>> -> memref<1x128x192xf32, #tpu.memory_space<hbm>>
    %dma_wait3A_1109 = tpu.memref_squeeze %dma_wait3A_1108 : memref<1x128x192xf32, #tpu.memory_space<hbm>> -> memref<128x192xf32, #tpu.memory_space<hbm>>
    tpu.wait_dma2 semaphore(%arg16 : memref<!tpu.dma_semaphore, #tpu.memory_space<semaphore_mem>>) src(%dma_wait3A_1109 : memref<128x192xf32, #tpu.memory_space<hbm>>) dst(%arg14 : memref<128x192xf32, #tpu.memory_space<vmem>>)
    %dma_start3A_1110 = arith.constant 36 : i32
    %dma_start3A_1111 = arith.constant 0 : i32
    %dma_start3A_1112 = tpu.memref_slice %arg12[%dma_start3A_1110, %dma_start3A_1111] : memref<40x128xi32, #tpu.memory_space<vmem>> -> memref<1x128xi32, #tpu.memory_space<vmem>>
    %dma_start3A_1113 = tpu.memref_squeeze %dma_start3A_1112 : memref<1x128xi32, #tpu.memory_space<vmem>> -> memref<128xi32, #tpu.memory_space<vmem>>
    %dma_start3A_1114 = arith.constant 0 : i32
    %dma_start3A_1115 = arith.constant 0 : i32
    %dma_start3A_1116 = tpu.memref_slice %arg7[%dma_start3A_1114, %dma_start3A_1115] : memref<163840x192xf32, #tpu.memory_space<hbm>> -> memref<163840x192xf32, #tpu.memory_space<hbm>>
    tpu.enqueue_indirect_dma source(%arg14 : memref<128x192xf32, #tpu.memory_space<vmem>>) target(%dma_start3A_1116 : memref<163840x192xf32, #tpu.memory_space<hbm>>) offsets(%dma_start3A_1113 : memref<128xi32, #tpu.memory_space<vmem>>) semaphore(%arg18 : memref<!tpu.dma_semaphore, #tpu.memory_space<semaphore_mem>>)
    %dma_wait3A_1117 = arith.constant 35 : i32
    %dma_wait3A_1118 = arith.constant 0 : i32
    %dma_wait3A_1119 = tpu.memref_slice %arg12[%dma_wait3A_1117, %dma_wait3A_1118] : memref<40x128xi32, #tpu.memory_space<vmem>> -> memref<1x128xi32, #tpu.memory_space<vmem>>
    %dma_wait3A_1120 = tpu.memref_squeeze %dma_wait3A_1119 : memref<1x128xi32, #tpu.memory_space<vmem>> -> memref<128xi32, #tpu.memory_space<vmem>>
    %dma_wait3A_1121 = arith.constant 0 : i32
    %dma_wait3A_1122 = arith.constant 0 : i32
    %dma_wait3A_1123 = tpu.memref_slice %arg7[%dma_wait3A_1121, %dma_wait3A_1122] : memref<163840x192xf32, #tpu.memory_space<hbm>> -> memref<163840x192xf32, #tpu.memory_space<hbm>>
    tpu.wait_indirect_dma semaphore(%arg19 : memref<!tpu.dma_semaphore, #tpu.memory_space<semaphore_mem>>) src(%arg15 : memref<128x192xf32, #tpu.memory_space<vmem>>) dst(%dma_wait3A_1123 : memref<163840x192xf32, #tpu.memory_space<hbm>>)
    %add3A_1124 = arith.constant 2176 : i32
    %add3A_1125 = arith.addi %mul3A_2, %add3A_1124 : i32
    %dma_start3A_1126 = arith.constant 1 : i32
    %dma_start3A_1127 = arith.constant 0 : i32
    %dma_start3A_1128 = tpu.memref_slice %arg5[%dma_start3A_1126, %add3A_1125, %dma_start3A_1127] : memref<2x81920x192xf32, #tpu.memory_space<hbm>> -> memref<1x128x192xf32, #tpu.memory_space<hbm>>
    %dma_start3A_1129 = tpu.memref_squeeze %dma_start3A_1128 : memref<1x128x192xf32, #tpu.memory_space<hbm>> -> memref<128x192xf32, #tpu.memory_space<hbm>>
    %dma_start3A_1130 = arith.constant 0 : i32
    %dma_start3A_1131 = tpu.memref_slice %arg5[%dma_start3A_1126, %add3A_1125, %dma_start3A_1130] : memref<2x81920x192xf32, #tpu.memory_space<hbm>> -> memref<1x128x192xf32, #tpu.memory_space<hbm>>
    %dma_start3A_1132 = tpu.memref_squeeze %dma_start3A_1131 : memref<1x128x192xf32, #tpu.memory_space<hbm>> -> memref<128x192xf32, #tpu.memory_space<hbm>>
    tpu.enqueue_dma source(%dma_start3A_1132 : memref<128x192xf32, #tpu.memory_space<hbm>>) target(%arg15 : memref<128x192xf32, #tpu.memory_space<vmem>>) target_semaphore(%arg17 : memref<!tpu.dma_semaphore, #tpu.memory_space<semaphore_mem>>)
    %dma_wait3A_1133 = arith.constant 1 : i32
    %dma_wait3A_1134 = arith.constant 0 : i32
    %dma_wait3A_1135 = tpu.memref_slice %arg5[%dma_wait3A_1133, %add3A_1125, %dma_wait3A_1134] : memref<2x81920x192xf32, #tpu.memory_space<hbm>> -> memref<1x128x192xf32, #tpu.memory_space<hbm>>
    %dma_wait3A_1136 = tpu.memref_squeeze %dma_wait3A_1135 : memref<1x128x192xf32, #tpu.memory_space<hbm>> -> memref<128x192xf32, #tpu.memory_space<hbm>>
    %dma_wait3A_1137 = arith.constant 0 : i32
    %dma_wait3A_1138 = tpu.memref_slice %arg5[%dma_wait3A_1133, %add3A_1125, %dma_wait3A_1137] : memref<2x81920x192xf32, #tpu.memory_space<hbm>> -> memref<1x128x192xf32, #tpu.memory_space<hbm>>
    %dma_wait3A_1139 = tpu.memref_squeeze %dma_wait3A_1138 : memref<1x128x192xf32, #tpu.memory_space<hbm>> -> memref<128x192xf32, #tpu.memory_space<hbm>>
    tpu.wait_dma2 semaphore(%arg17 : memref<!tpu.dma_semaphore, #tpu.memory_space<semaphore_mem>>) src(%dma_wait3A_1139 : memref<128x192xf32, #tpu.memory_space<hbm>>) dst(%arg15 : memref<128x192xf32, #tpu.memory_space<vmem>>)
    %dma_start3A_1140 = arith.constant 37 : i32
    %dma_start3A_1141 = arith.constant 0 : i32
    %dma_start3A_1142 = tpu.memref_slice %arg12[%dma_start3A_1140, %dma_start3A_1141] : memref<40x128xi32, #tpu.memory_space<vmem>> -> memref<1x128xi32, #tpu.memory_space<vmem>>
    %dma_start3A_1143 = tpu.memref_squeeze %dma_start3A_1142 : memref<1x128xi32, #tpu.memory_space<vmem>> -> memref<128xi32, #tpu.memory_space<vmem>>
    %dma_start3A_1144 = arith.constant 0 : i32
    %dma_start3A_1145 = arith.constant 0 : i32
    %dma_start3A_1146 = tpu.memref_slice %arg7[%dma_start3A_1144, %dma_start3A_1145] : memref<163840x192xf32, #tpu.memory_space<hbm>> -> memref<163840x192xf32, #tpu.memory_space<hbm>>
    tpu.enqueue_indirect_dma source(%arg15 : memref<128x192xf32, #tpu.memory_space<vmem>>) target(%dma_start3A_1146 : memref<163840x192xf32, #tpu.memory_space<hbm>>) offsets(%dma_start3A_1143 : memref<128xi32, #tpu.memory_space<vmem>>) semaphore(%arg19 : memref<!tpu.dma_semaphore, #tpu.memory_space<semaphore_mem>>)
    %dma_wait3A_1147 = arith.constant 36 : i32
    %dma_wait3A_1148 = arith.constant 0 : i32
    %dma_wait3A_1149 = tpu.memref_slice %arg12[%dma_wait3A_1147, %dma_wait3A_1148] : memref<40x128xi32, #tpu.memory_space<vmem>> -> memref<1x128xi32, #tpu.memory_space<vmem>>
    %dma_wait3A_1150 = tpu.memref_squeeze %dma_wait3A_1149 : memref<1x128xi32, #tpu.memory_space<vmem>> -> memref<128xi32, #tpu.memory_space<vmem>>
    %dma_wait3A_1151 = arith.constant 0 : i32
    %dma_wait3A_1152 = arith.constant 0 : i32
    %dma_wait3A_1153 = tpu.memref_slice %arg7[%dma_wait3A_1151, %dma_wait3A_1152] : memref<163840x192xf32, #tpu.memory_space<hbm>> -> memref<163840x192xf32, #tpu.memory_space<hbm>>
    tpu.wait_indirect_dma semaphore(%arg18 : memref<!tpu.dma_semaphore, #tpu.memory_space<semaphore_mem>>) src(%arg14 : memref<128x192xf32, #tpu.memory_space<vmem>>) dst(%dma_wait3A_1153 : memref<163840x192xf32, #tpu.memory_space<hbm>>)
    %add3A_1154 = arith.constant 2304 : i32
    %add3A_1155 = arith.addi %mul3A_2, %add3A_1154 : i32
    %dma_start3A_1156 = arith.constant 1 : i32
    %dma_start3A_1157 = arith.constant 0 : i32
    %dma_start3A_1158 = tpu.memref_slice %arg5[%dma_start3A_1156, %add3A_1155, %dma_start3A_1157] : memref<2x81920x192xf32, #tpu.memory_space<hbm>> -> memref<1x128x192xf32, #tpu.memory_space<hbm>>
    %dma_start3A_1159 = tpu.memref_squeeze %dma_start3A_1158 : memref<1x128x192xf32, #tpu.memory_space<hbm>> -> memref<128x192xf32, #tpu.memory_space<hbm>>
    %dma_start3A_1160 = arith.constant 0 : i32
    %dma_start3A_1161 = tpu.memref_slice %arg5[%dma_start3A_1156, %add3A_1155, %dma_start3A_1160] : memref<2x81920x192xf32, #tpu.memory_space<hbm>> -> memref<1x128x192xf32, #tpu.memory_space<hbm>>
    %dma_start3A_1162 = tpu.memref_squeeze %dma_start3A_1161 : memref<1x128x192xf32, #tpu.memory_space<hbm>> -> memref<128x192xf32, #tpu.memory_space<hbm>>
    tpu.enqueue_dma source(%dma_start3A_1162 : memref<128x192xf32, #tpu.memory_space<hbm>>) target(%arg14 : memref<128x192xf32, #tpu.memory_space<vmem>>) target_semaphore(%arg16 : memref<!tpu.dma_semaphore, #tpu.memory_space<semaphore_mem>>)
    %dma_wait3A_1163 = arith.constant 1 : i32
    %dma_wait3A_1164 = arith.constant 0 : i32
    %dma_wait3A_1165 = tpu.memref_slice %arg5[%dma_wait3A_1163, %add3A_1155, %dma_wait3A_1164] : memref<2x81920x192xf32, #tpu.memory_space<hbm>> -> memref<1x128x192xf32, #tpu.memory_space<hbm>>
    %dma_wait3A_1166 = tpu.memref_squeeze %dma_wait3A_1165 : memref<1x128x192xf32, #tpu.memory_space<hbm>> -> memref<128x192xf32, #tpu.memory_space<hbm>>
    %dma_wait3A_1167 = arith.constant 0 : i32
    %dma_wait3A_1168 = tpu.memref_slice %arg5[%dma_wait3A_1163, %add3A_1155, %dma_wait3A_1167] : memref<2x81920x192xf32, #tpu.memory_space<hbm>> -> memref<1x128x192xf32, #tpu.memory_space<hbm>>
    %dma_wait3A_1169 = tpu.memref_squeeze %dma_wait3A_1168 : memref<1x128x192xf32, #tpu.memory_space<hbm>> -> memref<128x192xf32, #tpu.memory_space<hbm>>
    tpu.wait_dma2 semaphore(%arg16 : memref<!tpu.dma_semaphore, #tpu.memory_space<semaphore_mem>>) src(%dma_wait3A_1169 : memref<128x192xf32, #tpu.memory_space<hbm>>) dst(%arg14 : memref<128x192xf32, #tpu.memory_space<vmem>>)
    %dma_start3A_1170 = arith.constant 38 : i32
    %dma_start3A_1171 = arith.constant 0 : i32
    %dma_start3A_1172 = tpu.memref_slice %arg12[%dma_start3A_1170, %dma_start3A_1171] : memref<40x128xi32, #tpu.memory_space<vmem>> -> memref<1x128xi32, #tpu.memory_space<vmem>>
    %dma_start3A_1173 = tpu.memref_squeeze %dma_start3A_1172 : memref<1x128xi32, #tpu.memory_space<vmem>> -> memref<128xi32, #tpu.memory_space<vmem>>
    %dma_start3A_1174 = arith.constant 0 : i32
    %dma_start3A_1175 = arith.constant 0 : i32
    %dma_start3A_1176 = tpu.memref_slice %arg7[%dma_start3A_1174, %dma_start3A_1175] : memref<163840x192xf32, #tpu.memory_space<hbm>> -> memref<163840x192xf32, #tpu.memory_space<hbm>>
    tpu.enqueue_indirect_dma source(%arg14 : memref<128x192xf32, #tpu.memory_space<vmem>>) target(%dma_start3A_1176 : memref<163840x192xf32, #tpu.memory_space<hbm>>) offsets(%dma_start3A_1173 : memref<128xi32, #tpu.memory_space<vmem>>) semaphore(%arg18 : memref<!tpu.dma_semaphore, #tpu.memory_space<semaphore_mem>>)
    %dma_wait3A_1177 = arith.constant 37 : i32
    %dma_wait3A_1178 = arith.constant 0 : i32
    %dma_wait3A_1179 = tpu.memref_slice %arg12[%dma_wait3A_1177, %dma_wait3A_1178] : memref<40x128xi32, #tpu.memory_space<vmem>> -> memref<1x128xi32, #tpu.memory_space<vmem>>
    %dma_wait3A_1180 = tpu.memref_squeeze %dma_wait3A_1179 : memref<1x128xi32, #tpu.memory_space<vmem>> -> memref<128xi32, #tpu.memory_space<vmem>>
    %dma_wait3A_1181 = arith.constant 0 : i32
    %dma_wait3A_1182 = arith.constant 0 : i32
    %dma_wait3A_1183 = tpu.memref_slice %arg7[%dma_wait3A_1181, %dma_wait3A_1182] : memref<163840x192xf32, #tpu.memory_space<hbm>> -> memref<163840x192xf32, #tpu.memory_space<hbm>>
    tpu.wait_indirect_dma semaphore(%arg19 : memref<!tpu.dma_semaphore, #tpu.memory_space<semaphore_mem>>) src(%arg15 : memref<128x192xf32, #tpu.memory_space<vmem>>) dst(%dma_wait3A_1183 : memref<163840x192xf32, #tpu.memory_space<hbm>>)
    %add3A_1184 = arith.constant 2432 : i32
    %add3A_1185 = arith.addi %mul3A_2, %add3A_1184 : i32
    %dma_start3A_1186 = arith.constant 1 : i32
    %dma_start3A_1187 = arith.constant 0 : i32
    %dma_start3A_1188 = tpu.memref_slice %arg5[%dma_start3A_1186, %add3A_1185, %dma_start3A_1187] : memref<2x81920x192xf32, #tpu.memory_space<hbm>> -> memref<1x128x192xf32, #tpu.memory_space<hbm>>
    %dma_start3A_1189 = tpu.memref_squeeze %dma_start3A_1188 : memref<1x128x192xf32, #tpu.memory_space<hbm>> -> memref<128x192xf32, #tpu.memory_space<hbm>>
    %dma_start3A_1190 = arith.constant 0 : i32
    %dma_start3A_1191 = tpu.memref_slice %arg5[%dma_start3A_1186, %add3A_1185, %dma_start3A_1190] : memref<2x81920x192xf32, #tpu.memory_space<hbm>> -> memref<1x128x192xf32, #tpu.memory_space<hbm>>
    %dma_start3A_1192 = tpu.memref_squeeze %dma_start3A_1191 : memref<1x128x192xf32, #tpu.memory_space<hbm>> -> memref<128x192xf32, #tpu.memory_space<hbm>>
    tpu.enqueue_dma source(%dma_start3A_1192 : memref<128x192xf32, #tpu.memory_space<hbm>>) target(%arg15 : memref<128x192xf32, #tpu.memory_space<vmem>>) target_semaphore(%arg17 : memref<!tpu.dma_semaphore, #tpu.memory_space<semaphore_mem>>)
    %dma_wait3A_1193 = arith.constant 1 : i32
    %dma_wait3A_1194 = arith.constant 0 : i32
    %dma_wait3A_1195 = tpu.memref_slice %arg5[%dma_wait3A_1193, %add3A_1185, %dma_wait3A_1194] : memref<2x81920x192xf32, #tpu.memory_space<hbm>> -> memref<1x128x192xf32, #tpu.memory_space<hbm>>
    %dma_wait3A_1196 = tpu.memref_squeeze %dma_wait3A_1195 : memref<1x128x192xf32, #tpu.memory_space<hbm>> -> memref<128x192xf32, #tpu.memory_space<hbm>>
    %dma_wait3A_1197 = arith.constant 0 : i32
    %dma_wait3A_1198 = tpu.memref_slice %arg5[%dma_wait3A_1193, %add3A_1185, %dma_wait3A_1197] : memref<2x81920x192xf32, #tpu.memory_space<hbm>> -> memref<1x128x192xf32, #tpu.memory_space<hbm>>
    %dma_wait3A_1199 = tpu.memref_squeeze %dma_wait3A_1198 : memref<1x128x192xf32, #tpu.memory_space<hbm>> -> memref<128x192xf32, #tpu.memory_space<hbm>>
    tpu.wait_dma2 semaphore(%arg17 : memref<!tpu.dma_semaphore, #tpu.memory_space<semaphore_mem>>) src(%dma_wait3A_1199 : memref<128x192xf32, #tpu.memory_space<hbm>>) dst(%arg15 : memref<128x192xf32, #tpu.memory_space<vmem>>)
    %dma_start3A_1200 = arith.constant 39 : i32
    %dma_start3A_1201 = arith.constant 0 : i32
    %dma_start3A_1202 = tpu.memref_slice %arg12[%dma_start3A_1200, %dma_start3A_1201] : memref<40x128xi32, #tpu.memory_space<vmem>> -> memref<1x128xi32, #tpu.memory_space<vmem>>
    %dma_start3A_1203 = tpu.memref_squeeze %dma_start3A_1202 : memref<1x128xi32, #tpu.memory_space<vmem>> -> memref<128xi32, #tpu.memory_space<vmem>>
    %dma_start3A_1204 = arith.constant 0 : i32
    %dma_start3A_1205 = arith.constant 0 : i32
    %dma_start3A_1206 = tpu.memref_slice %arg7[%dma_start3A_1204, %dma_start3A_1205] : memref<163840x192xf32, #tpu.memory_space<hbm>> -> memref<163840x192xf32, #tpu.memory_space<hbm>>
    tpu.enqueue_indirect_dma source(%arg15 : memref<128x192xf32, #tpu.memory_space<vmem>>) target(%dma_start3A_1206 : memref<163840x192xf32, #tpu.memory_space<hbm>>) offsets(%dma_start3A_1203 : memref<128xi32, #tpu.memory_space<vmem>>) semaphore(%arg19 : memref<!tpu.dma_semaphore, #tpu.memory_space<semaphore_mem>>)
    %dma_wait3A_1207 = arith.constant 38 : i32
    %dma_wait3A_1208 = arith.constant 0 : i32
    %dma_wait3A_1209 = tpu.memref_slice %arg12[%dma_wait3A_1207, %dma_wait3A_1208] : memref<40x128xi32, #tpu.memory_space<vmem>> -> memref<1x128xi32, #tpu.memory_space<vmem>>
    %dma_wait3A_1210 = tpu.memref_squeeze %dma_wait3A_1209 : memref<1x128xi32, #tpu.memory_space<vmem>> -> memref<128xi32, #tpu.memory_space<vmem>>
    %dma_wait3A_1211 = arith.constant 0 : i32
    %dma_wait3A_1212 = arith.constant 0 : i32
    %dma_wait3A_1213 = tpu.memref_slice %arg7[%dma_wait3A_1211, %dma_wait3A_1212] : memref<163840x192xf32, #tpu.memory_space<hbm>> -> memref<163840x192xf32, #tpu.memory_space<hbm>>
    tpu.wait_indirect_dma semaphore(%arg18 : memref<!tpu.dma_semaphore, #tpu.memory_space<semaphore_mem>>) src(%arg14 : memref<128x192xf32, #tpu.memory_space<vmem>>) dst(%dma_wait3A_1213 : memref<163840x192xf32, #tpu.memory_space<hbm>>)
    %dma_wait3A_1214 = arith.constant 39 : i32
    %dma_wait3A_1215 = arith.constant 0 : i32
    %dma_wait3A_1216 = tpu.memref_slice %arg12[%dma_wait3A_1214, %dma_wait3A_1215] : memref<40x128xi32, #tpu.memory_space<vmem>> -> memref<1x128xi32, #tpu.memory_space<vmem>>
    %dma_wait3A_1217 = tpu.memref_squeeze %dma_wait3A_1216 : memref<1x128xi32, #tpu.memory_space<vmem>> -> memref<128xi32, #tpu.memory_space<vmem>>
    %dma_wait3A_1218 = arith.constant 0 : i32
    %dma_wait3A_1219 = arith.constant 0 : i32
    %dma_wait3A_1220 = tpu.memref_slice %arg7[%dma_wait3A_1218, %dma_wait3A_1219] : memref<163840x192xf32, #tpu.memory_space<hbm>> -> memref<163840x192xf32, #tpu.memory_space<hbm>>
    tpu.wait_indirect_dma semaphore(%arg19 : memref<!tpu.dma_semaphore, #tpu.memory_space<semaphore_mem>>) src(%arg15 : memref<128x192xf32, #tpu.memory_space<vmem>>) dst(%dma_wait3A_1220 : memref<163840x192xf32, #tpu.memory_space<hbm>>)
    return
  }
}

</mosaic_0001>

<sc_bundles>
// kernel: kernel.4.cloned.1.call-start
scs
__scs_entry_jumppad:
0x0: {  	(pc) =	sbr.rel $0x88, $3  }
0x1: {  	(tag) =	ssettag $0x0;
	lr =	simm.s32 $0x1  }
0x2: {  	[smem:$0x3F9F] =	sst lr;
	_ =	strace $0xD0000000  }
0x3: {  	_ = 	snop  }
0x4: {  	_ = 	snop  }
0x5: {  	_ = 	snop  }
0x6: {  	_ = 	snop  }
0x7: {  	_ = 	snop  }
__scs_overlays_trampoline_lowered:
0x8: {  	[smem:$0x3FAE] =	sst s0  }
0x9: {  	[smem:$0x3FAF] =	sst s1  }
0xa: {  	[smem:$0x3FB0] =	sst s2  }
0xb: {  	[smem:$0x3FB1] =	sst s3  }
0xc: {  	[smem:$0x3FB2] =	sst s4  }
0xd: {  	[smem:$0x3FB3] =	sst s5  }
0xe: {  	[smem:$0x3FB4] =	sst s6  }
0xf: {  	[smem:$0x3FB5] =	sst s7  }
0x10: {  	[smem:$0x3FB6] =	sst s8  }
0x11: {  	[smem:$0x3FB7] =	sst s9;
	s0 =	simm.s32 @!p0 $0x0  }
0x12: {  	s1 =	sld [smem:$0x3F9D];
	s0 =	simm.s32 @p0 $0x1  }
0x13: {  	[smem:$0x3FB8] =	sst s0;
	s0 =	simm.s32 @!p1 $0x0  }
0x14: {  	s2 =	sld [smem:$0x3F9C];
	s0 =	simm.s32 @p1 $0x1  }
0x15: {  	[smem:$0x3FB9] =	sst s0;
	s0 =	simm.s32 @!p2 $0x0  }
0x16: {  	s3 =	sld [smem:$0x3FDB];
	s0 =	simm.s32 @p2 $0x1  }
0x17: {  	s4 =	simm.s32 $0x1BF5;
	[smem:$0x3FBB] =	sst s0  }
0x18: {  	s0 =	sld [smem:$0x3F9E];
	_ =	swait.ge [sflag:s4], $0x0  }
0x19: {  	s7 =	sld [smem:$0x3F9F]  }
0x1a: {  	s8 =	sadd.s32 $0xFFFFE003, lr  }
0x1b: {  	s9 =	sadd.s32 $0xFFFFFEF7, lr;
	s5 =	simm.s32 $0xFFFFFFFF;
	p2 =	slt.u32 s8, $0xFFFFF086  }
0x1c: {  	p1 =	slt.u32 s9, $0xF7A;
	s5 =	simm.s32 @!p2 $0x0  }
0x1d: {  	s5 =	simm.s32 @p1 $0x1;
	p0 =	seq.s32 s7, s2  }
0x1e: {  	s7 =	smul.u32 @!p0 $0xF7A, s2;
	p2 =	seq.s32 @!p0 s5, $0x0  }
0x1f: {  	s9 =	smul.u32 $0xF7A, s1;
	s8 =	simm.s32 @!p0 $0x1BF5;
	p2 =	por !p2, p0  }
0x20: {  	[sflag:s8] =	ssyncset.s32 @!p0 $0xFFFFF086;
	s6 =	sadd.s32 @!p0 s3, s7;
	s7 =	simm.s32 @!p0 $0x108  }
0x21: {  	s3 =	sadd.s32 s3, s9;
	s6 =	sadd.s32 @!p0 $0x88, s6;
	s7 =	simm.s32 @p2 $0x1082  }
0x22: {  	[simem:s7], [sflag:s8] =	dma.local @!p0 [hbm:s6], $0xF7A  }
0x23: {  	s9 =	sor.u32 $0xD0000000, s2;
	s6 =	simm.s32 $0x108;
	_ =	swait.ge @!p0 [sflag:s8], $0x0  }
0x24: {  	s3 =	sadd.s32 $0x88, s3;
	s6 =	simm.s32 @!p1 $0x1082;
	[sflag:s4] =	ssyncset.s32 $0xFFFFF086  }
0x25: {  	[simem:s6], [sflag:s4] =	dma.local [hbm:s3], $0xF7A  }
0x26: {  	[smem:$0x3F9F] =	sst s1;
	(tag) =	ssettag s2;
	_ =	strace s9  }
0x27: {  	s1 =	sld [smem:$0x3FAF]  }
0x28: {  	s2 =	sld [smem:$0x3FB0]  }
0x29: {  	s4 =	sld [smem:$0x3FB2]  }
0x2a: {  	p0 =	seq.s32 s5, $0x0;
	s5 =	sld [smem:$0x3FB3]  }
0x2b: {  	s6 =	sld [smem:$0x3FB4]  }
0x2c: {  	s7 =	sld [smem:$0x3FB5]  }
0x2d: {  	s3 =	simm.s32 $0x108;
	s8 =	sld [smem:$0x3FB6]  }
0x2e: {  	s3 =	simm.s32 @!p0 $0x1082;
	s9 =	sld [smem:$0x3FB7]  }
0x2f: {  	lr =	sadd.s32 s0, s3;
	s0 =	sld [smem:$0x3FAE]  }
0x30: {  	s3 =	sld [smem:$0x3FB1]  }
0x31: {  	[smem:$0x3FBA] =	sst s10  }
0x32: {  	s10 =	sld [smem:$0x3FB8];
	_ =	sdelay $0x3  }
0x33: {  	p0 =	seq.s32 s10, $0x1;
	s10 =	sld [smem:$0x3FBA];
	_ =	sdelay $0x3  }
0x34: {  	[smem:$0x3FBA] =	sst s10  }
0x35: {  	s10 =	sld [smem:$0x3FB9];
	_ =	sdelay $0x3  }
0x36: {  	p1 =	seq.s32 s10, $0x1;
	s10 =	sld [smem:$0x3FBA];
	_ =	sdelay $0x3  }
0x37: {  	[smem:$0x3FBA] =	sst s10  }
0x38: {  	s10 =	sld [smem:$0x3FBB]  }
0x39: {  	_ = 	snop;
	(pc) =	sbr.ind lr, $3  }
0x3a: {  	_ = 	snop  }
0x3b: {  	_ = 	snop  }
0x3c: {  	p2 =	seq.s32 s10, $0x1;
	s10 =	sld [smem:$0x3FBA]  }
0x3d: {  	_ =	shalt  }
0x3e: {  	_ =	shalt  }
0x3f: {  	_ =	shalt  }
0x40: {  	_ =	shalt  }
0x41: {  	_ =	shalt  }
0x42: {  	_ =	shalt  }
0x43: {  	_ =	shalt  }
0x44: {  	_ =	shalt  }
0x45: {  	_ =	shalt  }
0x46: {  	_ =	shalt  }
0x47: {  	_ =	shalt  }
0x48: {  	_ =	shalt  }
0x49: {  	_ =	shalt  }
0x4a: {  	_ =	shalt  }
0x4b: {  	_ =	shalt  }
0x4c: {  	_ =	shalt  }
0x4d: {  	_ =	shalt  }
0x4e: {  	_ =	shalt  }
0x4f: {  	_ =	shalt  }
0x50: {  	_ =	shalt  }
0x51: {  	_ =	shalt  }
0x52: {  	_ =	shalt  }
0x53: {  	_ =	shalt  }
0x54: {  	_ =	shalt  }
0x55: {  	_ =	shalt  }
0x56: {  	_ =	shalt  }
0x57: {  	_ =	shalt  }
0x58: {  	_ =	shalt  }
0x59: {  	_ =	shalt  }
0x5a: {  	_ =	shalt  }
0x5b: {  	_ =	shalt  }
0x5c: {  	_ =	shalt  }
0x5d: {  	_ =	shalt  }
0x5e: {  	_ =	shalt  }
0x5f: {  	_ =	shalt  }
0x60: {  	_ =	shalt  }
0x61: {  	_ =	shalt  }
0x62: {  	_ =	shalt  }
0x63: {  	_ =	shalt  }
0x64: {  	_ =	shalt  }
0x65: {  	_ =	shalt  }
0x66: {  	_ =	shalt  }
0x67: {  	_ =	shalt  }
0x68: {  	_ =	shalt  }
0x69: {  	_ =	shalt  }
0x6a: {  	_ =	shalt  }
0x6b: {  	_ =	shalt  }
0x6c: {  	_ =	shalt  }
0x6d: {  	_ =	shalt  }
0x6e: {  	_ =	shalt  }
0x6f: {  	_ =	shalt  }
0x70: {  	_ =	shalt  }
0x71: {  	_ =	shalt  }
0x72: {  	_ =	shalt  }
0x73: {  	_ =	shalt  }
0x74: {  	_ =	shalt  }
0x75: {  	_ =	shalt  }
0x76: {  	_ =	shalt  }
0x77: {  	_ =	shalt  }
0x78: {  	_ =	shalt  }
0x79: {  	_ =	shalt  }
0x7a: {  	_ =	shalt  }
0x7b: {  	_ =	shalt  }
0x7c: {  	_ =	shalt  }
0x7d: {  	_ =	shalt  }
0x7e: {  	_ =	shalt  }
0x7f: {  	_ =	shalt  }
0x80: {  	_ =	shalt  }
0x81: {  	_ =	shalt  }
0x82: {  	_ =	shalt  }
0x83: {  	_ =	shalt  }
0x84: {  	_ =	shalt  }
0x85: {  	_ =	shalt  }
0x86: {  	_ =	shalt  }
0x87: {  	_ =	shalt  }
.Lfunc_end0:
.L_simem_size_0:
called_computation.1_lowered:
.L_overlay_start_0:
0x88: {  	s2 =	sld [smem:$0x3FD9]  }
0x89: {  	s3 =	sld [smem:$0x3FFE];
	_ =	sdelay $0x1  }
0x8a: {  	s1 =	srdreg.scid  }
0x8b: {  	s0 =	sand.u32 $0x1, s1  }
0x8c: {  	s17 =	sshll.u32 s0, $0xA;
	s2 =	sadd.s32 s3, s2  }
0x8d: {  	s2 =	sadd.s32 s2, s17  }
0x8e: {  	[smem:$0x3FC6] =	sst s2  }
0x8f: {  	_ = 	snop  }
0x90: {  	s2 =	sld [smem:$0x3FC8];
	(tm) =	ssettm $0x1  }
0x91: {  	s18 =	sld [smem:$0x3FFB];
	_ =	sdelay $0x3  }
0x92: {  	_ =	strace s18  }
0x93: {  	s3 =	sld [smem:$0x3FFC];
	_ =	sdelay $0x3  }
0x94: {  	_ =	strace s3  }
0x95: {  	s3 =	sld [smem:$0x3FFD];
	_ =	sdelay $0x3  }
0x96: {  	_ =	strace s3  }
0x97: {  	_ =	strace $0x8FFFFFFF  }
0x98: {  	s19 =	sld [smem:$0x3FDB];
	_ =	sdelay $0x1  }
0x99: {  	s4 =	simm.s32 $_scs_section_size  }
0x9a: {  	s5 =	simm.s32 $_size__tile_overlayer_lowered;
	s6 =	simm.s32 $_tile_overlayer_lowered  }
0x9b: {  	s22 =	simm.s32 $0x1BFF;
	s21 =	sshll.u32 s6, $0x1;
	s3 =	sadd.s32 s4, s19  }
0x9c: {  	s7 =	simm.s32 $0x0;
	s20 =	sshll.u32 s5, $0x1;
	s5 =	sadd.s32 s21, s3  }
0x9d: {  	[timem:s7], [sflag:s22] =	dma.local [hbm:s5], s20  }
0x9e: {  	_ =	swait.ge [sflag:s22], s20  }
0x9f: {  	s4 =	ssub.s32 $0x0, s20;
	[sflag:s22] =	ssyncset.done $0x0  }
0xa0: {  	[sflag:s22] =	ssyncadd.s32 s4;
	_ =	sdelay $0x1  }
0xa1: {  	s23 =	simm.s32 $0x1B8B  }
0xa2: {  	_ =	swait.ge [sflag:s23], $0x1  }
0xa3: {  	[sflag:s23] =	ssyncset.done $0x0  }
0xa4: {  	s25 =	simm.s32 $0x1B8E;
	s24 =	sld [smem:$0x3FFE];
	[sflag:s23] =	ssyncadd.s32 $0xFFFFFFFF  }
0xa5: {  	s26 =	simm.s32 $execute0_lowered;
	[smem:$0x3FD2] =	sst s25  }
0xa6: {  	s5 =	sshll.u32 s26, $0x1;
	_ =	strace $0x80000046;
	[dreg:$0x1] =	wrdreg $0xFFFFFFFF  }
0xa7: {  	s28 =	simm.s32 $_size_execute0_lowered;
	s3 =	sadd.s32 s3, s5;
	[dreg:$0x0] =	wrdreg $0x0  }
0xa8: {  	s5 =	sshll.u32 s28, $0x1;
	[dreg:$0x2] =	wrdreg s3  }
0xa9: {  	[dreg:$0x3] =	wrdreg s5  }
0xaa: {  	[dreg:$0x4] =	wrdreg $0xC0  }
0xab: {  	_ =	task [dreg:s7], $0x5FFFF  }
0xac: {  	[dreg:$0x1] =	wrdreg $0xFFFFFFFF  }
0xad: {  	[dreg:$0x0] =	wrdreg $0x60  }
0xae: {  	[dreg:$0x2] =	wrdreg s2  }
0xaf: {  	[dreg:$0x3] =	wrdreg s24  }
0xb0: {  	[dreg:$0x4] =	wrdreg $0x9  }
0xb1: {  	_ =	task.clear_ibuf [dreg:s7], $0x5FFFF;
	_ =	strace $0x90000046  }
0xb2: {  	s29 =	simm.s32 $0x9;
	_ =	strace $0x80000048  }
0xb3: {  	_ =	swait.ge [sflag:s29], $0x1  }
0xb4: {  	[sflag:s29] =	ssyncadd.s32 $0xFFFFFFFF  }
0xb5: {  	_ =	strace $0x90000048  }
0xb6: {  	_ =	sfence  }
0xb7: {  	s30 =	sld [smem:$0x0];
	_ =	sdelay $0x2  }
0xb8: {  	s31 =	sshll.u32 s1, $0xD;
	s1 =	sshrl.u32 s1, $0x2  }
0xb9: {  	s3 =	sand.u32 $0x4000, s31;
	s1 =	sadd.s32 s1, s30  }
0xba: {  	s0 =	sor.u32 s3, s0;
	s1 =	sshll.u32 s1, $0x11  }
0xbb: {  	s0 =	sor.u32 s1, s0  }
0xbc: {  	s0 =	sadd.s32 $0x8F2B, s0  }
0xbd: {  	[sflag:s0] =	ssyncadd.remote.s32 $0x1  }
0xbe: {  	_ =	sfence.sel $0xFFFF  }
0xbf: {  	[dreg:$0x0] =	wrdreg $0xFFFFFFFF;
	(pc) =	sbr.abs _section_cstart, $3  }
0xc0: {  	[dreg:$0x1] =	wrdreg $0xFFFFFFFF  }
0xc1: {  	_ =	task.clear_ibuf [dreg:s7], $0x2FFFF;
	_ =	strace $0x9FFFFFFF  }
0xc2: {  	(tm) =	ssettm $0x7FFFFFFF  }
0xc3: {  	_ =	shalt  }
tec
execute0_lowered:
.L_overlay_start_1:
0x0: {  	(tag) =	ssettag $0x1  }
0x1: {  	v0 =	vimm.s32 $0x0;
	v30 =	vlaneseq.u32  }
0x2: {  	vm0 =	vmmov $0x7fff;
	v3 =	vimm.s32 $0x0;
	vm14 =	vmmov $0x3fff  }
0x3: {  	v5 =	vimm.s32 $0x0;
	vm15 =	vmmov $0x1fff;
	v7 =	vimm.s32 $0x0  }
0x4: {  	vm4 =	vmmov $0xfff;
	v9 =	vimm.s32 $0x0;
	vm5 =	vmmov $0x7ff  }
0x5: {  	v11 =	vimm.s32 $0x0;
	vm6 =	vmmov $0x3ff;
	v3 =	vsel vm0, $0xFFFFFFFF, v3  }
0x6: {  	v13 =	vimm.s32 $0x0;
	vm7 =	vmmov $0x1ff;
	v5 =	vsel vm14, $0xFFFFFFFF, v5;
	[tilespmem:$0x1FF10] =	vst v3  }
0x7: {  	v15 =	vimm.s32 $0x0;
	vm8 =	vmmov $0xff;
	v7 =	vsel vm15, $0xFFFFFFFF, v7;
	[tilespmem:$0x1FF20] =	vst v5  }
0x8: {  	v17 =	vimm.s32 $0x0;
	vm9 =	vmmov $0x7f;
	v9 =	vsel vm4, $0xFFFFFFFF, v9;
	[tilespmem:$0x1FF30] =	vst v7  }
0x9: {  	v31 =	vimm.s32 $0x0;
	vm10 =	vmmov $0x3f;
	v11 =	vsel vm5, $0xFFFFFFFF, v11;
	[tilespmem:$0x1FF40] =	vst v9  }
0xa: {  	vm11 =	vmmov $0x1f;
	vm12 =	vmmov $0xf;
	v13 =	vsel vm6, $0xFFFFFFFF, v13;
	[tilespmem:$0x1FF50] =	vst v11  }
0xb: {  	s3 =	rddreg [dreg:$0x0];
	vm13 =	vmmov $0x7;
	v1 =	vadd.s32 $0xFFFFFFFF, v30;
	v15 =	vsel vm7, $0xFFFFFFFF, v15;
	[tilespmem:$0x1FF60] =	vst v13  }
0xc: {  	s5 =	rddreg [dreg:$0x1];
	s2 =	simm.s32 $0x0;
	v2 =	vadd.s32 $0x1, v30;
	v4 =	vadd.s32 $0x2, v30;
	v17 =	vsel vm8, $0xFFFFFFFF, v17;
	[tilespmem:$0x1FF70] =	vst v15  }
0xd: {  	s1 =	srdreg.scid;
	v6 =	vadd.s32 $0x3, v30;
	v8 =	vadd.s32 $0x4, v30;
	[smem:$0x7FF] =	sst s2;
	v31 =	vsel vm9, $0xFFFFFFFF, v31;
	[tilespmem:$0x1FF80] =	vst v17  }
0xe: {  	v10 =	vadd.s32 $0x5, v30;
	v12 =	vadd.s32 $0x6, v30;
	s4 =	sand.u32 $0x1, s1;
	s1 =	rddreg [dreg:$0x2];
	_ =	strace $0x80000047;
	[tilespmem:$0x1FF90] =	vst v31;
	v31 =	vimm.s32 $0x0  }
0xf: {  	v14 =	vadd.s32 $0x7, v30;
	v16 =	vadd.s32 $0x8, v30;
	v31 =	vsel vm10, $0xFFFFFFFF, v31  }
0x10: {  	v18 =	vadd.s32 $0x9, v30;
	v19 =	vadd.s32 $0xFFFFFFF6, v30;
	[tilespmem:$0x1FFA0] =	vst v31;
	v31 =	vimm.s32 $0x0  }
0x11: {  	v20 =	vadd.s32 $0xA, v30;
	v21 =	vadd.s32 $0xFFFFFFF5, v30;
	v31 =	vsel vm11, $0xFFFFFFFF, v31  }
0x12: {  	s0 =	stileid.u32;
	v22 =	vadd.s32 $0xB, v30;
	v23 =	vadd.s32 $0xFFFFFFF4, v30;
	[tilespmem:$0x1FFB0] =	vst v31;
	v31 =	vimm.s32 $0x0  }
0x13: {  	s30 =	sshll.u32 s0, $0x1;
	v24 =	vadd.s32 $0xC, v30;
	v25 =	vadd.s32 $0xFFFFFFF3, v30;
	v31 =	vsel vm12, $0xFFFFFFFF, v31  }
0x14: {  	v26 =	vadd.s32 $0xD, v30;
	v27 =	vadd.s32 $0xFFFFFFF2, v30;
	s6 =	sor.u32 s4, s30;
	[tilespmem:$0x1FFC0] =	vst v31;
	v31 =	vimm.s32 $0x0  }
0x15: {  	v28 =	vadd.s32 $0xE, v30;
	v29 =	vadd.s32 $0xFFFFFFF1, v30;
	s7 =	smul.u32 $0x140, s6;
	v31 =	vsel vm13, $0xFFFFFFFF, v31  }
0x16: {  	vm14 =	vmmov $0x3;
	vm15 =	vmmov $0x1;
	s4 =	ssub.s32 $0x2, s4;
	s6 =	smul.u32 $0x28, s6;
	[tilespmem:$0x1FFD0] =	vst v31;
	v31 =	vimm.s32 $0x0  }
0x17: {  	s9 =	simm.s32 $0xA00;
	s10 =	simm.s32 $0x0;
	v3 =	vadd.s32 $0xFFFFFFFE, v30;
	v5 =	vadd.s32 $0xFFFFFFFD, v30;
	s31 =	sshrl.u32 s4, $0x1;
	v31 =	vsel vm14, $0xFFFFFFFF, v31  }
0x18: {  	v7 =	vadd.s32 $0xFFFFFFFC, v30;
	v9 =	vadd.s32 $0xFFFFFFFB, v30;
	s8 =	sadd.s32 s7, s5;
	s5 =	sadd.s32 s6, s5;
	s6 =	ssub.s32 s4, s31;
	[tilespmem:$0x1FFE0] =	vst v31;
	v31 =	vimm.s32 $0x0  }
0x19: {  	v11 =	vadd.s32 $0xFFFFFFFA, v30;
	v13 =	vadd.s32 $0xFFFFFFF9, v30;
	s3 =	sadd.s32 s3, s7;
	s7 =	simm.s32 $0x1;
	s4 =	sadd.s32 $0x1400, s8;
	v31 =	vsel vm15, $0xFFFFFFFF, v31  }
0x1a: {  	v15 =	vadd.s32 $0xFFFFFFF8, v30;
	v17 =	vadd.s32 $0xFFFFFFF7, v30;
	v30 =	vadd.s32 $0xF, v30;
	s5 =	sadd.s32 $0x3C00, s5;
	s6 =	smax.u32 s6, $0x1;
	s8 =	simm.s32 $0x1400;
	[tilespmem:$0x1FFF0] =	vst v31  }
.LBB2_1:
0x1b: {  	[tilespmem:s2], [sflag:$0x1] =	stream.linear.gather [hbm4b:s3+s2], $0xA00, $0x38;
	[tilespmem:$0x1540] =	vst v63  }
0x1c: {  	_ =	swait.ge [sflag:s7], $0xA00  }
0x1d: {  	[sflag:s7] =	ssyncset.done $0x0  }
0x1e: {  	[sflag:s7] =	ssyncadd.s32 $0xFFFFF600  }
0x1f: {  	[tilespmem:$0x1400] =	vst v0  }
0x20: {  	[tilespmem:$0x1410] =	vst v0  }
0x21: {  	[tilespmem:$0x1420] =	vst v0  }
0x22: {  	[tilespmem:$0x1430] =	vst v0  }
0x23: {  	v31 =	vadd.s32 s2, v30;
	[tilespmem:$0x1440] =	vst v0  }
0x24: {  	v32 =	vadd.s32 s2, v28;
	v33 =	vadd.s32 s2, v26;
	v34 =	vadd.s32 s2, v27;
	[tilespmem:$0x1450] =	vst v0  }
0x25: {  	v35 =	vadd.s32 s2, v24;
	v36 =	vadd.s32 s2, v25;
	v37 =	vadd.s32 s2, v22;
	[tilespmem:$0x1460] =	vst v0  }
0x26: {  	v38 =	vadd.s32 s2, v23;
	v39 =	vadd.s32 s2, v20;
	v40 =	vadd.s32 s2, v21;
	[tilespmem:$0x1470] =	vst v0  }
0x27: {  	v41 =	vadd.s32 s2, v18;
	v42 =	vadd.s32 s2, v19;
	v43 =	vadd.s32 s2, v16;
	[tilespmem:$0x1480] =	vst v0  }
0x28: {  	v44 =	vadd.s32 s2, v17;
	v45 =	vadd.s32 s2, v14;
	v47 =	vadd.s32 s2, v12;
	[tilespmem:$0x1490] =	vst v0  }
0x29: {  	v48 =	vadd.s32 s2, v13;
	v50 =	vadd.s32 s2, v11;
	v51 =	vadd.s32 s2, v8;
	[tilespmem:$0x14A0] =	vst v0  }
0x2a: {  	v53 =	vadd.s32 s2, v6;
	v54 =	vadd.s32 s2, v7;
	v56 =	vadd.s32 s2, v3;
	[tilespmem:$0x14B0] =	vst v0  }
0x2b: {  	v57 =	vadd.s32 s2, v1;
	v59 =	vadd.s32 s2, v4;
	vm0 =	vlt.s32 v31, $0x9FF;
	[tilespmem:$0x14C0] =	vst v0  }
0x2c: {  	vm1 =	vlt.s32 v32, $0x9FF;
	v31 =	vnsel vm0, $0x9FF, v31;
	vm0 =	vlt.s32 v33, $0x9FF;
	[tilespmem:$0x14D0] =	vst v0  }
0x2d: {  	v32 =	vnsel vm1, $0x9FF, v32;
	vm1 =	vlt.s32 v35, $0x9FF;
	v33 =	vnsel vm0, $0x9FF, v33;
	[tilespmem:$0x14E0] =	vst v0  }
0x2e: {  	vm0 =	vgt.s32 v34, $0x0;
	v35 =	vnsel vm1, $0x9FF, v35;
	vm1 =	vlt.s32 v37, $0x9FF;
	[tilespmem:$0x14F0] =	vst v0  }
0x2f: {  	v34 =	vnsel vm0, $0x0, v34;
	vm0 =	vgt.s32 v36, $0x0;
	v37 =	vnsel vm1, $0x9FF, v37;
	[tilespmem:$0x1500] =	vst v0  }
0x30: {  	vm1 =	vlt.s32 v39, $0x9FF;
	[tilespmem:$0x1510] =	vst v0;
	v36 =	vnsel vm0, $0x0, v36;
	vm0 =	vgt.s32 v38, $0x0  }
0x31: {  	[tilespmem:$0x1520] =	vst v0;
	v39 =	vnsel vm1, $0x9FF, v39;
	vm1 =	vlt.s32 v41, $0x9FF;
	v38 =	vnsel vm0, $0x0, v38  }
0x32: {  	[tilespmem:$0x1530] =	vst v0;
	vm0 =	vgt.s32 v40, $0x0;
	v41 =	vnsel vm1, $0x9FF, v41;
	vm1 =	vlt.s32 v43, $0x9FF  }
0x33: {  	v40 =	vnsel vm0, $0x0, v40;
	vm0 =	vgt.s32 v42, $0x0;
	v43 =	vnsel vm1, $0x9FF, v43;
	v46 =	vld.idx.msk [tilespmem:v31+s2+$0x0], $0xffff  }
0x34: {  	vm1 =	vlt.s32 v45, $0x9FF;
	v31 =	vadd.s32 s2, v15;
	v32 =	vld.idx.msk [tilespmem:v32+s2+$0x0], $0xffff;
	v42 =	vnsel vm0, $0x0, v42  }
0x35: {  	vm0 =	vgt.s32 v44, $0x0;
	v45 =	vnsel vm1, $0x9FF, v45;
	v33 =	vld.idx.msk [tilespmem:v33+s2+$0x0], $0xffff;
	vm1 =	vlt.s32 v47, $0x9FF  }
0x36: {  	v35 =	vld.idx.msk [tilespmem:v35+s2+$0x0], $0xffff;
	v44 =	vnsel vm0, $0x0, v44;
	vm0 =	vgt.s32 v31, $0x0;
	v47 =	vnsel vm1, $0x9FF, v47  }
0x37: {  	v34 =	vld.idx.msk [tilespmem:v34+s2+$0x0], $0xffff;
	v49 =	vnsel vm0, $0x0, v31;
	v31 =	vadd.s32 s2, v10;
	vm0 =	vgt.s32 v48, $0x0  }
0x38: {  	v37 =	vld.idx.msk [tilespmem:v37+s2+$0x0], $0xffff;
	vm1 =	vlt.s32 v31, $0x9FF;
	v48 =	vnsel vm0, $0x0, v48;
	vm0 =	vgt.s32 v50, $0x0  }
0x39: {  	v36 =	vld.idx.msk [tilespmem:v36+s2+$0x0], $0xffff;
	v52 =	vnsel vm1, $0x9FF, v31;
	vm1 =	vlt.s32 v51, $0x9FF;
	v31 =	vadd.s32 s2, v9  }
0x3a: {  	v39 =	vld.idx.msk [tilespmem:v39+s2+$0x0], $0xffff;
	v50 =	vnsel vm0, $0x0, v50;
	v51 =	vnsel vm1, $0x9FF, v51;
	vm0 =	vgt.s32 v31, $0x0  }
0x3b: {  	v38 =	vld.idx.msk [tilespmem:v38+s2+$0x0], $0xffff;
	vm1 =	vlt.s32 v53, $0x9FF;
	v55 =	vnsel vm0, $0x0, v31;
	v31 =	vadd.s32 s2, v5  }
0x3c: {  	v60 =	vadd.s32 s2, v2;
	v40 =	vld.idx.msk [tilespmem:v40+s2+$0x0], $0xffff;
	v53 =	vnsel vm1, $0x9FF, v53;
	vm1 =	vgt.s32 v31, $0x0  }
0x3d: {  	v61 =	vadd.s32 s2, v29;
	vm0 =	vgt.s32 v54, $0x0;
	v58 =	vnsel vm1, $0x0, v31;
	v31 =	vld [tilespmem:s2+$0x0]  }
0x3e: {  	v63 =	vimm.s32 $0x0;
	v42 =	vld.idx.msk [tilespmem:v42+s2+$0x0], $0xffff;
	v54 =	vnsel vm0, $0x0, v54;
	vm0 =	vgt.s32 v56, $0x0  }
0x3f: {  	vm2 =	vgt.s32 v61, $0x0;
	v44 =	vld.idx.msk [tilespmem:v44+s2+$0x0], $0xffff;
	vm1 =	vgt.s32 v57, $0x0;
	v56 =	vnsel vm0, $0x0, v56  }
0x40: {  	v49 =	vld.idx.msk [tilespmem:v49+s2+$0x0], $0xffff;
	vm0 =	vlt.s32 v59, $0x9FF;
	v57 =	vnsel vm1, $0x0, v57;
	vm1 =	vlt.s32 v60, $0x9FF  }
0x41: {  	v61 =	vnsel vm2, $0x0, v61;
	v48 =	vld.idx.msk [tilespmem:v48+s2+$0x0], $0xffff;
	v59 =	vnsel vm0, $0x9FF, v59;
	v60 =	vnsel vm1, $0x9FF, v60  }
0x42: {  	v50 =	vld.idx.msk [tilespmem:v50+s2+$0x0], $0xffff;
	vm9 =	veq.s32 v38, v31;
	vm0 =	veq.s32 v36, v31;
	vm1 =	veq.s32 v34, v31  }
0x43: {  	v55 =	vld.idx.msk [tilespmem:v55+s2+$0x0], $0xffff;
	vm7 =	veq.s32 v40, v31;
	vm2 =	veq.s32 v32, v31;
	vm3 =	veq.s32 v46, v31  }
0x44: {  	v43 =	vld.idx.msk [tilespmem:v43+s2+$0x0], $0xffff;
	vm10 =	veq.s32 v44, v31;
	vm11 =	veq.s32 v42, v31;
	vm4 =	veq.s32 v33, v31  }
0x45: {  	vm12 =	veq.s32 v49, v31;
	vm5 =	veq.s32 v37, v31;
	vm6 =	veq.s32 v35, v31  }
0x46: {  	v62 =	vld.idx.msk [tilespmem:v41+s2+$0x0], $0xffff;
	vm14 =	veq.s32 v48, v31;
	v36 =	vsel vm0, $0xFFFFFFFF, v63;
	vm0 =	vcmask $0x3F2C  }
0x47: {  	v63 =	vld.idx.msk [tilespmem:v58+s2+$0x0], $0xffff;
	vm13 =	veq.s32 v50, v31;
	vm8 =	vmand vm7, vm0;
	vm7 =	veq.s32 v39, v31  }
0x48: {  	v44 =	vld.idx.msk [tilespmem:v54+s2+$0x0], $0xffff;
	vm0 =	vcmask $0x3F30;
	vm15 =	veq.s32 v55, v31;
	v37 =	vsel vm8, $0x1, v0  }
0x49: {  	v45 =	vld.idx.msk [tilespmem:v45+s2+$0x0], $0xffff;
	vm8 =	veq.s32 v43, v31;
	vm9 =	vmand vm9, vm0;
	vm0 =	vcmask $0x3F20  }
0x4a: {  	v48 =	vld.idx.msk [tilespmem:v57+s2+$0x0], $0xffff;
	vm12 =	vmand vm12, vm0;
	v39 =	vsel vm9, $0x1, v0;
	vm0 =	vcmask $0x3F28  }
0x4b: {  	v57 =	vld [tilespmem:$0x1FF10];
	vm9 =	veq.s32 v62, v31;
	vm11 =	vmand vm11, vm0;
	vm0 =	vcmask $0x3F24  }
0x4c: {  	v46 =	vld.idx.msk [tilespmem:v60+s2+$0x0], $0xffff;
	v32 =	vsel vm12, $0x1, v0;
	vm12 =	veq.s32 v63, v31;
	vm10 =	vmand vm10, vm0  }
0x4d: {  	s11 =	simm.s32 $0x10;
	v54 =	vld.idx.msk [tilespmem:v53+s2+$0x0], $0xffff;
	vm0 =	veq.s32 v44, v31;
	v35 =	vsel vm11, $0x1, v0;
	vm11 =	vcmask $0x3F18  }
0x4e: {  	v49 =	vld.idx.msk [tilespmem:v59+s2+$0x0], $0xffff;
	v44 =	vadd.s32 s11, v24;
	vm11 =	vmand vm13, vm11;
	vm13 =	vcmask $0x3F14  }
0x4f: {  	v59 =	vld [tilespmem:$0x1FF20];
	v41 =	vsel vm10, $0x1, v0;
	vm10 =	veq.s32 v45, v31;
	vm13 =	vmand vm15, vm13  }
0x50: {  	v50 =	vld.idx.msk [tilespmem:v56+s2+$0x0], $0xffff;
	v38 =	vsel vm11, $0x1, v0;
	vm15 =	vcmask $0x3F1C;
	v43 =	vsel vm13, $0x1, v0  }
0x51: {  	v55 =	vld.idx.msk [tilespmem:v47+s2+$0x0], $0xffff;
	vm13 =	veq.s32 v46, v31;
	vm14 =	vmand vm14, vm15;
	vm15 =	vnez.u8 v57  }
0x52: {  	v62 =	vld [tilespmem:$0x1FF30];
	vm11 =	veq.s32 v48, v31;
	v46 =	vimm.s32 $0x0;
	vm13 =	vmand vm13, vm15  }
0x53: {  	v56 =	vld.idx.msk [tilespmem:v51+s2+$0x0], $0xffff;
	v45 =	vsel vm14, $0x1, v0;
	vm14 =	veq.s32 v49, v31;
	vm15 =	vcmask $0x3F10  }
0x54: {  	v58 =	vld.idx.msk [tilespmem:v52+s2+$0x0], $0xffff;
	[tilespmem:$0x1FE60] =	vst v36;
	v40 =	vsel vm13, $0x1, v0;
	vm0 =	vmand vm0, vm15;
	vm15 =	vnez.u8 v59  }
0x55: {  	v47 =	vld [tilespmem:$0x1FE60];
	vm13 =	veq.s32 v50, v31;
	vm14 =	vmand vm14, vm15;
	v42 =	vsel vm0, $0x1, v0  }
0x56: {  	v48 =	vld [tilespmem:$0x1FFF0];
	vm15 =	veq.s32 v55, v31;
	vm0 =	vcmask $0x3F0C;
	v60 =	vsel vm14, $0x1, v0  }
0x57: {  	v49 =	vld [tilespmem:$0x1FFE0];
	vm14 =	veq.s32 v54, v31;
	vm0 =	vmand vm12, vm0;
	vm12 =	vnez.u8 v62  }
0x58: {  	v50 =	vld [tilespmem:$0x1FFC0];
	vm12 =	vmand vm14, vm12;
	v36 =	vsel vm0, $0x1, v0;
	vm0 =	vcmask $0x3F38  }
0x59: {  	v51 =	vld [tilespmem:$0x1FFD0];
	vm14 =	veq.s32 v56, v31;
	v33 =	vadd.s32 v40, v60;
	vm0 =	vmand vm1, vm0  }
0x5a: {  	v52 =	vld [tilespmem:$0x1FFB0];
	vm1 =	vnez.u8 v47;
	v34 =	vsel vm0, $0xFFFFFFFF, v46;
	vm0 =	vcmask $0x3F34  }
0x5b: {  	v53 =	vld [tilespmem:$0x1FF90];
	v40 =	vadd.s32 s11, v28;
	vm0 =	vmand vm1, vm0;
	vm1 =	vnez.u8 v48  }
0x5c: {  	v54 =	vld [tilespmem:$0x1FFA0];
	v63 =	vsel vm12, $0x1, v0;
	vm3 =	vmand vm3, vm1;
	vm1 =	vnez.u8 v49  }
0x5d: {  	v55 =	vld [tilespmem:$0x1FF80];
	vm12 =	veq.s32 v58, v31;
	vm2 =	vmand vm2, vm1;
	vm1 =	vnez.u8 v50  }
0x5e: {  	v56 =	vld [tilespmem:$0x1FF60];
	v47 =	vadd.s32 s11, v23;
	vm6 =	vmand vm6, vm1;
	vm1 =	vnez.u8 v51  }
0x5f: {  	v33 =	vadd.s32 v63, v33;
	vm4 =	vmand vm4, vm1;
	vm1 =	vnez.u8 v52  }
0x60: {  	v57 =	vld [tilespmem:$0x1FF70];
	v46 =	vadd.s32 s11, v22;
	vm5 =	vmand vm5, vm1;
	vm1 =	vnez.u8 v53  }
0x61: {  	vm9 =	vmand vm9, vm1;
	vm1 =	vnez.u8 v54;
	v54 =	vsel vm5, $0x1, v0  }
0x62: {  	v58 =	vld [tilespmem:$0x1FF50];
	vm7 =	vmand vm7, vm1;
	vm1 =	vnez.u8 v55;
	v52 =	vsel vm9, $0x1, v0  }
0x63: {  	v55 =	vld.idx.msk [tilespmem:v61+s2+$0x0], $0xffff;
	v61 =	vsel vm0, $0x1, v0;
	vm8 =	vmand vm8, vm1;
	vm1 =	vnez.u8 v56  }
0x64: {  	v59 =	vld [tilespmem:$0x1FF40];
	v53 =	vsel vm7, $0x1, v0;
	v56 =	vsel vm6, $0x1, v0;
	vm15 =	vmand vm15, vm1  }
0x65: {  	vm1 =	vnez.u8 v57;
	v51 =	vsel vm8, $0x1, v0;
	v57 =	vsel vm4, $0x1, v0  }
0x66: {  	vm10 =	vmand vm10, vm1;
	vm1 =	vcmask $0x3F04;
	v49 =	vsel vm15, $0x1, v0  }
0x67: {  	vm11 =	vmand vm11, vm1;
	vm1 =	vcmask $0x3F08;
	v50 =	vsel vm10, $0x1, v0  }
0x68: {  	vm13 =	vmand vm13, vm1;
	vm1 =	vnez.u8 v58;
	v60 =	vsel vm11, $0x1, v0  }
0x69: {  	vm12 =	vmand vm12, vm1;
	vm1 =	vnez.u8 v59;
	v63 =	vsel vm13, $0x1, v0  }
0x6a: {  	v59 =	vsel vm2, $0x1, v0;
	vm2 =	vcmask $0x3F3C;
	vm14 =	vmand vm14, vm1  }
0x6b: {  	[tilespmem:$0x1FE70] =	vst v34;
	v48 =	vsel vm12, $0x1, v0;
	v34 =	vadd.s32 v60, v63;
	v60 =	vsel vm3, $0xFFFFFFFF, v0  }
0x6c: {  	v63 =	vadd.s32 s11, v30;
	v62 =	vsel vm14, $0x1, v0;
	v34 =	vadd.s32 v36, v34  }
0x6d: {  	v33 =	vadd.s32 v62, v33;
	v34 =	vadd.s32 v42, v34;
	v42 =	vadd.s32 s11, v26  }
0x6e: {  	v62 =	vld [tilespmem:$0x1FE70];
	v33 =	vadd.s32 v48, v33;
	v34 =	vadd.s32 v43, v34;
	v43 =	vadd.s32 s11, v27  }
0x6f: {  	v33 =	vadd.s32 v49, v33;
	v34 =	vadd.s32 v38, v34;
	v49 =	vadd.s32 s11, v21  }
0x70: {  	v33 =	vadd.s32 v50, v33;
	v34 =	vadd.s32 v45, v34;
	v45 =	vadd.s32 s11, v25  }
0x71: {  	v50 =	vadd.s32 s11, v18;
	v33 =	vadd.s32 v51, v33;
	v32 =	vadd.s32 v32, v34  }
0x72: {  	v51 =	vadd.s32 s11, v19;
	v33 =	vadd.s32 v52, v33;
	v32 =	vadd.s32 v41, v32  }
0x73: {  	vm1 =	vnez.u8 v62;
	v52 =	vadd.s32 s11, v16;
	v62 =	vadd.s32 s11, v3  }
0x74: {  	v33 =	vadd.s32 v53, v33;
	v32 =	vadd.s32 v35, v32;
	v53 =	vadd.s32 s11, v17  }
0x75: {  	v33 =	vadd.s32 v54, v33;
	v32 =	vadd.s32 v37, v32;
	v54 =	vadd.s32 s11, v14  }
0x76: {  	v33 =	vadd.s32 v56, v33;
	v32 =	vadd.s32 v39, v32;
	v56 =	vadd.s32 s11, v12  }
0x77: {  	v58 =	vld.idx.msk [tilespmem:v31+s8+$0x0], $0xffff;
	v33 =	vadd.s32 v57, v33;
	v32 =	vadd.s32 v61, v32;
	v57 =	vadd.s32 s11, v10  }
0x78: {  	v61 =	vadd.s32 s11, v5;
	v33 =	vadd.s32 v59, v33;
	v59 =	vadd.s32 s11, v9  }
0x79: {  	vm0 =	veq.s32 v33, v60;
	v33 =	vsel vm1, $0x1, v0;
	vm1 =	veq.s32 v55, v31  }
0x7a: {  	v55 =	vadd.s32 s11, v15;
	v60 =	vadd.s32 s11, v7;
	vm1 =	vmand vm1, vm2  }
0x7b: {  	v32 =	vadd.s32 v33, v32;
	vm2 =	vlt.s32 v40, $0x9FF;
	v41 =	vsel vm1, $0x1, v0  }
0x7c: {  	v32 =	vadd.s32 v58, v32;
	vm1 =	vlt.s32 v63, $0x9FF;
	v33 =	vnsel vm2, $0x9FF, v40  }
0x7d: {  	vm2 =	vlt.s32 v44, $0x9FF;
	v58 =	vadd.s32 s11, v11;
	v32 =	vadd.s32 v41, v32  }
0x7e: {  	v34 =	vnsel vm1, $0x9FF, v63;
	vm1 =	vlt.s32 v42, $0x9FF;
	v38 =	vnsel vm2, $0x9FF, v44  }
0x7f: {  	vm2 =	vlt.s32 v46, $0x9FF;
	v36 =	vnsel vm1, $0x9FF, v42;
	vm1 =	vgt.s32 v43, $0x0  }
0x80: {  	v35 =	vadd.s32 $0x1, v32;
	[tilespmem:s9+$0x0] =	vst v32;
	v48 =	vnsel vm2, $0x9FF, v46;
	v37 =	vnsel vm1, $0x0, v43  }
0x81: {  	vm1 =	vgt.s32 v45, $0x0;
	[tilespmem:v31+s8+$0x0] =	vst.idx.msk vm0, v35;
	v31 =	vadd.s32 s11, v20;
	vm0 =	vgt.s32 v47, $0x0  }
0x82: {  	v39 =	vnsel vm1, $0x0, v45;
	vm1 =	vlt.s32 v31, $0x9FF;
	v32 =	vnsel vm0, $0x0, v47  }
0x83: {  	v63 =	vadd.s32 s11, v1;
	v33 =	vld.idx.msk [tilespmem:v33+s2+$0x0], $0xffff;
	vm0 =	vgt.s32 v49, $0x0;
	v31 =	vnsel vm1, $0x9FF, v31  }
0x84: {  	v34 =	vld.idx.msk [tilespmem:v34+s2+$0x0], $0xffff;
	vm1 =	vlt.s32 v50, $0x9FF;
	v40 =	vnsel vm0, $0x0, v49;
	vm0 =	vgt.s32 v51, $0x0  }
0x85: {  	v38 =	vld.idx.msk [tilespmem:v38+s2+$0x0], $0xffff;
	v41 =	vnsel vm1, $0x9FF, v50;
	vm1 =	vlt.s32 v52, $0x9FF;
	v42 =	vnsel vm0, $0x0, v51  }
0x86: {  	vm0 =	vgt.s32 v53, $0x0;
	v35 =	vld.idx.msk [tilespmem:v48+s2+$0x0], $0xffff;
	v43 =	vnsel vm1, $0x9FF, v52;
	vm1 =	vlt.s32 v54, $0x9FF  }
0x87: {  	v44 =	vnsel vm0, $0x0, v53;
	v45 =	vnsel vm1, $0x9FF, v54;
	vm1 =	vlt.s32 v56, $0x9FF;
	v47 =	vld.idx.msk [tilespmem:v32+s2+$0x0], $0xffff  }
0x88: {  	vm0 =	vgt.s32 v55, $0x0;
	v32 =	vnsel vm1, $0x9FF, v56;
	v48 =	vld.idx.msk [tilespmem:v31+s2+$0x0], $0xffff;
	v31 =	vadd.s32 s11, v13  }
0x89: {  	v36 =	vld.idx.msk [tilespmem:v36+s2+$0x0], $0xffff;
	v46 =	vnsel vm0, $0x0, v55;
	vm1 =	vlt.s32 v57, $0x9FF;
	vm0 =	vgt.s32 v31, $0x0  }
0x8a: {  	v37 =	vld.idx.msk [tilespmem:v37+s2+$0x0], $0xffff;
	v51 =	vnsel vm0, $0x0, v31;
	v31 =	vadd.s32 s11, v8;
	vm0 =	vgt.s32 v58, $0x0  }
0x8b: {  	v39 =	vld.idx.msk [tilespmem:v39+s2+$0x0], $0xffff;
	v49 =	vnsel vm1, $0x9FF, v57;
	vm1 =	vlt.s32 v31, $0x9FF;
	v50 =	vnsel vm0, $0x0, v58  }
0x8c: {  	v40 =	vld.idx.msk [tilespmem:v40+s2+$0x0], $0xffff;
	vm0 =	vgt.s32 v59, $0x0;
	v53 =	vnsel vm1, $0x9FF, v31;
	v31 =	vadd.s32 s11, v6  }
0x8d: {  	v52 =	vnsel vm0, $0x0, v59;
	vm0 =	vgt.s32 v60, $0x0;
	v57 =	vld.idx.msk [tilespmem:v32+s2+$0x0], $0xffff;
	v32 =	vadd.s32 s11, v4  }
0x8e: {  	v41 =	vld.idx.msk [tilespmem:v41+s2+$0x0], $0xffff;
	vm1 =	vlt.s32 v31, $0x9FF;
	v54 =	vnsel vm0, $0x0, v60;
	vm0 =	vgt.s32 v62, $0x0  }
0x8f: {  	v60 =	vadd.s32 s11, v2;
	v56 =	vnsel vm1, $0x9FF, v31;
	vm1 =	vgt.s32 v61, $0x0;
	v31 =	vld [tilespmem:s11+$0x0]  }
0x90: {  	v42 =	vld.idx.msk [tilespmem:v42+s2+$0x0], $0xffff;
	v59 =	vnsel vm0, $0x0, v62;
	vm0 =	vlt.s32 v32, $0x9FF;
	v55 =	vnsel vm1, $0x0, v61  }
0x91: {  	v44 =	vld.idx.msk [tilespmem:v44+s2+$0x0], $0xffff;
	vm1 =	vgt.s32 v63, $0x0;
	v61 =	vadd.s32 s11, v29;
	v62 =	vnsel vm0, $0x9FF, v32  }
0x92: {  	v46 =	vld.idx.msk [tilespmem:v46+s2+$0x0], $0xffff;
	v58 =	vnsel vm1, $0x0, v63;
	vm1 =	vlt.s32 v60, $0x9FF;
	vm2 =	vgt.s32 v61, $0x0  }
0x93: {  	v43 =	vld.idx.msk [tilespmem:v43+s2+$0x0], $0xffff;
	v63 =	vimm.s32 $0x0;
	v60 =	vnsel vm1, $0x9FF, v60;
	v32 =	vnsel vm2, $0x0, v61  }
0x94: {  	v45 =	vld.idx.msk [tilespmem:v45+s2+$0x0], $0xffff;
	v61 =	vimm.s32 $0x0;
	vm10 =	veq.s32 v47, v31;
	vm14 =	veq.s32 v39, v31  }
0x95: {  	v51 =	vld.idx.msk [tilespmem:v51+s2+$0x0], $0xffff;
	vm15 =	veq.s32 v37, v31;
	vm12 =	veq.s32 v40, v31;
	vm0 =	veq.s32 v33, v31  }
0x96: {  	v50 =	vld.idx.msk [tilespmem:v50+s2+$0x0], $0xffff;
	v37 =	vimm.s32 $0x0;
	v40 =	vimm.s32 $0x0;
	vm1 =	veq.s32 v44, v31  }
0x97: {  	v52 =	vld.idx.msk [tilespmem:v52+s2+$0x0], $0xffff;
	vm3 =	veq.s32 v42, v31;
	v44 =	vimm.s32 $0x0;
	vm5 =	veq.s32 v46, v31  }
0x98: {  	v54 =	vld.idx.msk [tilespmem:v54+s2+$0x0], $0xffff;
	v47 =	vimm.s32 $0x0;
	v33 =	vsel vm0, $0xFFFFFFFF, v37;
	vm0 =	veq.s32 v34, v31  }
0x99: {  	v39 =	vld.idx.msk [tilespmem:v59+s2+$0x0], $0xffff;
	v59 =	vimm.s32 $0x0;
	[tilespmem:$0x1FE80] =	vst v33;
	v33 =	vsel vm0, $0xFFFFFFFF, v40;
	vm0 =	veq.s32 v36, v31  }
0x9a: {  	vm4 =	veq.s32 v57, v31;
	v55 =	vld.idx.msk [tilespmem:v55+s2+$0x0], $0xffff;
	[tilespmem:$0x1FE90] =	vst v33;
	v33 =	vsel vm0, $0xFFFFFFFF, v44;
	vm0 =	veq.s32 v35, v31  }
0x9b: {  	[tilespmem:$0x1FEA0] =	vst v33;
	v33 =	vld.idx.msk [tilespmem:v49+s2+$0x0], $0xffff;
	v34 =	vsel vm0, $0xFFFFFFFF, v47;
	vm0 =	veq.s32 v38, v31;
	v49 =	vimm.s32 $0x0  }
0x9c: {  	v40 =	vld.idx.msk [tilespmem:v58+s2+$0x0], $0xffff;
	v58 =	vimm.s32 $0x0;
	[tilespmem:$0x1FEB0] =	vst v34;
	v34 =	vsel vm0, $0xFFFFFFFF, v49;
	vm0 =	veq.s32 v48, v31  }
0x9d: {  	vm9 =	veq.s32 v51, v31;
	[tilespmem:$0x1FEC0] =	vst v34;
	v34 =	vsel vm0, $0xFFFFFFFF, v58;
	vm0 =	veq.s32 v43, v31  }
0x9e: {  	vm7 =	veq.s32 v50, v31;
	v36 =	vld.idx.msk [tilespmem:v56+s2+$0x0], $0xffff;
	[tilespmem:$0x1FED0] =	vst v34;
	v34 =	vsel vm0, $0xFFFFFFFF, v59;
	vm0 =	veq.s32 v41, v31  }
0x9f: {  	v35 =	vld.idx.msk [tilespmem:v53+s2+$0x0], $0xffff;
	vm13 =	veq.s32 v52, v31;
	[tilespmem:$0x1FEE0] =	vst v34;
	v34 =	vsel vm0, $0xFFFFFFFF, v61;
	vm0 =	veq.s32 v45, v31  }
0xa0: {  	vm11 =	veq.s32 v54, v31;
	vm6 =	veq.s32 v39, v31;
	[tilespmem:$0x1FEF0] =	vst v34;
	v34 =	vld.idx.msk [tilespmem:v62+s2+$0x0], $0xffff;
	v37 =	vsel vm0, $0xFFFFFFFF, v63  }
0xa1: {  	s13 =	simm.s32 $0x20;
	s12 =	simm.s32 $0xA00;
	vm8 =	veq.s32 v55, v31;
	vm0 =	veq.s32 v40, v31;
	[tilespmem:$0x1FF00] =	vst v37;
	v37 =	vld.idx.msk [tilespmem:v60+s2+$0x0], $0xffff  }
.LBB2_2:
0xa2: {  	_ = 	snop  }
0xa3: {  	vm2 =	veq.s32 v36, v31;
	v63 =	vimm.s32 $0x0  }
0xa4: {  	v39 =	vimm.s32 $0x0;
	v36 =	vsel vm2, $0xFFFFFFFF, v63;
	vm2 =	veq.s32 v35, v31  }
0xa5: {  	v40 =	vimm.s32 $0x0;
	v35 =	vsel vm2, $0xFFFFFFFF, v39;
	vm2 =	veq.s32 v33, v31  }
0xa6: {  	v41 =	vimm.s32 $0x0;
	v33 =	vsel vm2, $0xFFFFFFFF, v40;
	vm2 =	veq.s32 v37, v31  }
0xa7: {  	v42 =	vimm.s32 $0x0;
	[tilespmem:$0x1FD30] =	vst v33;
	v33 =	vsel vm2, $0xFFFFFFFF, v41;
	vm2 =	veq.s32 v34, v31  }
0xa8: {  	v46 =	vld [tilespmem:$0x1FFF0];
	[tilespmem:$0x1FD40] =	vst v33;
	v33 =	vsel vm2, $0xFFFFFFFF, v42;
	vm2 =	vcmask $0x3F38  }
0xa9: {  	v43 =	vimm.s32 $0x0;
	v47 =	vld [tilespmem:$0x1FE90];
	vm2 =	vmand vm15, vm2  }
0xaa: {  	[tilespmem:$0x1FD70] =	vst v33;
	v33 =	vsel vm2, $0xFFFFFFFF, v43;
	vm2 =	vcmask $0x3F30  }
0xab: {  	v44 =	vimm.s32 $0x0;
	vm2 =	vmand vm10, vm2  }
0xac: {  	[tilespmem:$0x1FE50] =	vst v33;
	v33 =	vsel vm2, $0xFFFFFFFF, v44;
	vm2 =	vcmask $0x3F34  }
0xad: {  	v45 =	vimm.s32 $0x0;
	v50 =	vld [tilespmem:$0x1FFE0];
	vm2 =	vmand vm14, vm2  }
0xae: {  	v51 =	vld [tilespmem:$0x1FE80];
	vm10 =	vnez.u8 v47;
	[tilespmem:$0x1FD80] =	vst v33;
	v33 =	vsel vm2, $0xFFFFFFFF, v45;
	vm2 =	vnez.u8 v46  }
0xaf: {  	v48 =	vimm.s32 $0x0;
	vm2 =	vmand vm10, vm2  }
0xb0: {  	v53 =	vld [tilespmem:$0x1FFC0];
	[tilespmem:$0x1FE40] =	vst v33;
	v33 =	vsel vm2, $0xFFFFFFFF, v48;
	vm2 =	vcmask $0x3F28  }
0xb1: {  	v49 =	vimm.s32 $0x0;
	v54 =	vld [tilespmem:$0x1FEC0];
	vm2 =	vmand vm3, vm2  }
0xb2: {  	v56 =	vld [tilespmem:$0x1FFD0];
	[tilespmem:$0x1FE30] =	vst v33;
	v33 =	vsel vm2, $0xFFFFFFFF, v49;
	vm2 =	vcmask $0x3F2C  }
0xb3: {  	v57 =	vld [tilespmem:$0x1FEA0];
	vm3 =	vnez.u8 v51;
	vm10 =	vmand vm12, vm2;
	vm2 =	vnez.u8 v50  }
0xb4: {  	v52 =	vimm.s32 $0x0;
	vm2 =	vmand vm3, vm2  }
0xb5: {  	[tilespmem:$0x1FD90] =	vst v33;
	v33 =	vsel vm2, $0xFFFFFFFF, v52;
	vm2 =	vcmask $0x3F24  }
0xb6: {  	v60 =	vld [tilespmem:$0x1FFB0];
	vm12 =	vmand vm1, vm2;
	vm1 =	vnez.u8 v53;
	vm2 =	vnez.u8 v54  }
0xb7: {  	v55 =	vimm.s32 $0x0;
	v61 =	vld [tilespmem:$0x1FEB0];
	vm1 =	vmand vm2, vm1  }
0xb8: {  	v38 =	vld [tilespmem:$0x1FFA0];
	[tilespmem:$0x1FE20] =	vst v33;
	vm2 =	vnez.u8 v57;
	v33 =	vsel vm1, $0xFFFFFFFF, v55;
	vm1 =	vnez.u8 v56  }
0xb9: {  	v58 =	vimm.s32 $0x0;
	v63 =	vld [tilespmem:$0x1FF90];
	[tilespmem:$0x1FD50] =	vst v36;
	vm1 =	vmand vm2, vm1  }
0xba: {  	v36 =	vld [tilespmem:$0x1FEF0];
	[tilespmem:$0x1FE00] =	vst v33;
	v33 =	vsel vm1, $0xFFFFFFFF, v58;
	vm1 =	vcmask $0x3F1C  }
0xbb: {  	v59 =	vimm.s32 $0x0;
	v62 =	vimm.s32 $0x0;
	v39 =	vld [tilespmem:$0x1FED0];
	[tilespmem:$0x1FD60] =	vst v35;
	vm1 =	vmand vm9, vm1  }
0xbc: {  	v37 =	vimm.s32 $0x0;
	v55 =	vld [tilespmem:$0x1FD60];
	[tilespmem:$0x1FE10] =	vst v33;
	v33 =	vsel vm1, $0xFFFFFFFF, v59;
	vm1 =	vcmask $0x3F20  }
0xbd: {  	v41 =	vld [tilespmem:$0x1FF80];
	vm2 =	vnez.u8 v61;
	vm9 =	vmand vm5, vm1;
	vm1 =	vnez.u8 v60  }
0xbe: {  	v40 =	vimm.s32 $0x0;
	v43 =	vimm.s32 $0x0;
	v61 =	vld [tilespmem:$0x1FD90];
	vm1 =	vmand vm2, vm1  }
0xbf: {  	v42 =	vld [tilespmem:$0x1FEE0];
	v47 =	vimm.s32 $0x0;
	[tilespmem:$0x1FDA0] =	vst v33;
	v33 =	vsel vm1, $0xFFFFFFFF, v62;
	vm1 =	vcmask $0x3F18  }
0xc0: {  	v44 =	vld [tilespmem:$0x1FF60];
	vm2 =	vnez.u8 v36;
	vm15 =	vmand vm7, vm1;
	vm1 =	vnez.u8 v63  }
0xc1: {  	v46 =	vld [tilespmem:$0x1FF00];
	vm3 =	vnez.u8 v55;
	v60 =	vsel vm12, $0x1, v0;
	vm1 =	vmand vm2, vm1  }
0xc2: {  	v57 =	vld [tilespmem:$0x1FD70];
	[tilespmem:$0x1FDF0] =	vst v33;
	vm2 =	vnez.u8 v39;
	v33 =	vsel vm1, $0xFFFFFFFF, v37;
	vm1 =	vnez.u8 v38  }
0xc3: {  	v45 =	vld [tilespmem:$0x1FF70];
	v59 =	vsel vm9, $0x1, v0;
	vm9 =	vnez.u8 v61;
	vm1 =	vmand vm2, vm1  }
0xc4: {  	v48 =	vld [tilespmem:$0x1FF50];
	v39 =	vsel vm15, $0x1, v0;
	[tilespmem:$0x1FDD0] =	vst v33;
	v33 =	vsel vm1, $0xFFFFFFFF, v40;
	vm1 =	vcmask $0x3F10  }
0xc5: {  	v37 =	vsel vm9, $0x1, v0;
	v40 =	vld [tilespmem:$0x1FDA0];
	vm11 =	vmand vm11, vm1;
	vm1 =	vcmask $0x3F14  }
0xc6: {  	v51 =	vld [tilespmem:$0x1FD40];
	vm2 =	vnez.u8 v42;
	vm14 =	vmand vm13, vm1;
	vm1 =	vnez.u8 v41  }
0xc7: {  	v53 =	vld [tilespmem:$0x1FD50];
	vm13 =	vnez.u8 v57;
	vm1 =	vmand vm2, vm1;
	vm2 =	vnez.u8 v46  }
0xc8: {  	v49 =	vld [tilespmem:$0x1FD30];
	[tilespmem:$0x1FDE0] =	vst v33;
	v38 =	vsel vm14, $0x1, v0;
	v33 =	vsel vm1, $0xFFFFFFFF, v43;
	vm1 =	vcmask $0x3F0C  }
0xc9: {  	v50 =	vld [tilespmem:$0x1FF10];
	v43 =	vsel vm11, $0x1, v0;
	vm5 =	vmand vm8, vm1;
	vm1 =	vnez.u8 v44  }
0xca: {  	v52 =	vld [tilespmem:$0x1FF30];
	vm9 =	vnez.u8 v40;
	vm8 =	vmand vm4, vm1;
	vm1 =	vnez.u8 v45  }
0xcb: {  	v58 =	vld [tilespmem:$0x1FD80];
	v40 =	vsel vm9, $0x1, v0;
	v62 =	vsel vm5, $0x1, v0;
	vm1 =	vmand vm2, vm1  }
0xcc: {  	v54 =	vld [tilespmem:$0x1FF40];
	[tilespmem:$0x1FDC0] =	vst v33;
	vm2 =	vnez.u8 v53;
	v33 =	vsel vm1, $0xFFFFFFFF, v47;
	vm1 =	vcmask $0x3F04  }
0xcd: {  	v56 =	vld [tilespmem:$0x1FF20];
	vm4 =	vmand vm0, vm1;
	vm0 =	vcmask $0x3F08;
	vm1 =	vnez.u8 v49  }
0xce: {  	[tilespmem:$0x1FDB0] =	vst v33;
	v33 =	vsel vm10, $0x1, v0;
	vm6 =	vmand vm6, vm0;
	vm0 =	vnez.u8 v48  }
0xcf: {  	vm7 =	vmand vm1, vm0;
	vm0 =	vnez.u8 v50;
	vm1 =	vnez.u8 v51  }
0xd0: {  	vm10 =	vnez.u8 v58;
	vm1 =	vmand vm1, vm0;
	vm0 =	vnez.u8 v52  }
0xd1: {  	v49 =	vsel vm8, $0x1, v0;
	vm2 =	vmand vm2, vm0;
	vm0 =	vnez.u8 v54  }
0xd2: {  	v34 =	vsel vm10, $0x1, v0;
	vm3 =	vmand vm3, vm0;
	vm0 =	vnez.u8 v56  }
0xd3: {  	v45 =	vsel vm4, $0x1, v0;
	v46 =	vsel vm6, $0x1, v0;
	v50 =	vld [tilespmem:$0x1FDB0];
	vm0 =	vmand vm13, vm0  }
0xd4: {  	v45 =	vadd.s32 v45, v46;
	v41 =	vsel vm1, $0x1, v0;
	v42 =	vsel vm0, $0x1, v0  }
0xd5: {  	v51 =	vld [tilespmem:$0x1FDC0];
	v48 =	vsel vm7, $0x1, v0;
	v41 =	vadd.s32 v41, v42;
	v42 =	vadd.s32 v62, v45  }
0xd6: {  	v52 =	vld [tilespmem:$0x1FDD0];
	v44 =	vsel vm2, $0x1, v0;
	vm2 =	vcmask $0x3F3C;
	v42 =	vadd.s32 v43, v42  }
0xd7: {  	v54 =	vld [tilespmem:$0x1FDE0];
	v63 =	vsel vm3, $0x1, v0;
	v41 =	vadd.s32 v44, v41;
	v38 =	vadd.s32 v38, v42  }
0xd8: {  	v55 =	vld [tilespmem:$0x1FDF0];
	vm0 =	vnez.u8 v50;
	v41 =	vadd.s32 v63, v41;
	v38 =	vadd.s32 v39, v38  }
0xd9: {  	v57 =	vld [tilespmem:$0x1FE00];
	v44 =	vsel vm0, $0x1, v0;
	v41 =	vadd.s32 v48, v41;
	v38 =	vadd.s32 v40, v38  }
0xda: {  	vm0 =	vnez.u8 v51;
	v41 =	vadd.s32 v49, v41;
	v35 =	vadd.s32 v59, v38;
	v59 =	vld [tilespmem:$0x1FE10]  }
0xdb: {  	v43 =	vsel vm0, $0x1, v0;
	vm0 =	vnez.u8 v52;
	v41 =	vadd.s32 v44, v41  }
0xdc: {  	v42 =	vsel vm0, $0x1, v0;
	vm0 =	vnez.u8 v54;
	v41 =	vadd.s32 v43, v41  }
0xdd: {  	v53 =	vadd.s32 v42, v41;
	v41 =	vsel vm0, $0x1, v0;
	vm0 =	vnez.u8 v55  }
0xde: {  	v39 =	vadd.s32 v41, v53;
	v40 =	vsel vm0, $0x1, v0;
	vm0 =	vnez.u8 v57  }
0xdf: {  	v61 =	vld [tilespmem:$0x1FE20];
	v56 =	vadd.s32 v40, v39;
	v39 =	vsel vm0, $0x1, v0;
	vm0 =	vnez.u8 v59  }
0xe0: {  	v50 =	vadd.s32 s13, v23;
	v63 =	vld [tilespmem:$0x1FE30];
	v58 =	vadd.s32 v39, v56;
	v38 =	vsel vm0, $0x1, v0  }
0xe1: {  	v45 =	vadd.s32 s13, v27;
	v52 =	vadd.s32 s13, v20;
	v36 =	vadd.s32 v38, v58;
	v38 =	vld [tilespmem:$0x1FE40]  }
0xe2: {  	v48 =	vadd.s32 s13, v25;
	v54 =	vadd.s32 s13, v18;
	v35 =	vadd.s32 v60, v35;
	v40 =	vld [tilespmem:$0x1FE50]  }
0xe3: {  	v32 =	vld.idx.msk [tilespmem:v32+s2+$0x0], $0xffff;
	v49 =	vadd.s32 s13, v22;
	v44 =	vadd.s32 s13, v26;
	v35 =	vadd.s32 v37, v35  }
0xe4: {  	v42 =	vadd.s32 s13, v28;
	v33 =	vadd.s32 v33, v35;
	vm0 =	vnez.u8 v61  }
0xe5: {  	v60 =	vld.idx.msk [tilespmem:v31+s8+$0x0], $0xffff;
	v33 =	vadd.s32 v34, v33;
	v37 =	vsel vm0, $0x1, v0;
	vm0 =	vnez.u8 v63  }
0xe6: {  	v62 =	vadd.s32 v37, v36;
	v36 =	vsel vm0, $0xFFFFFFFF, v0;
	vm0 =	vnez.u8 v38  }
0xe7: {  	vm1 =	vnez.u8 v40;
	v34 =	vsel vm0, $0x1, v0;
	vm0 =	veq.s32 v62, v36  }
0xe8: {  	v33 =	vadd.s32 v34, v33;
	v34 =	vsel vm1, $0x1, v0;
	vm1 =	veq.s32 v32, v31  }
0xe9: {  	v55 =	vadd.s32 s13, v19;
	v33 =	vadd.s32 v34, v33;
	vm1 =	vmand vm1, vm2  }
0xea: {  	v41 =	vadd.s32 s13, v30;
	v43 =	vsel vm1, $0x1, v0;
	v33 =	vadd.s32 v60, v33  }
0xeb: {  	s12 =	sadd.s32 $0x10, s12;
	v53 =	vadd.s32 s13, v21;
	vm2 =	vlt.s32 v42, $0x9FF;
	v33 =	vadd.s32 v43, v33  }
0xec: {  	vm1 =	vlt.s32 v41, $0x9FF;
	v46 =	vnsel vm2, $0x9FF, v42;
	[tilespmem:s12+$0x0] =	vst v33;
	v33 =	vadd.s32 $0x1, v33  }
0xed: {  	v32 =	vnsel vm1, $0x9FF, v41;
	vm1 =	vlt.s32 v44, $0x9FF;
	[tilespmem:v31+s8+$0x0] =	vst.idx.msk vm0, v33;
	v31 =	vadd.s32 s13, v24  }
0xee: {  	v57 =	vadd.s32 s13, v14;
	v47 =	vnsel vm1, $0x9FF, v44;
	vm1 =	vlt.s32 v31, $0x9FF  }
0xef: {  	v56 =	vadd.s32 s13, v17;
	vm0 =	vgt.s32 v45, $0x0;
	v31 =	vnsel vm1, $0x9FF, v31  }
0xf0: {  	v59 =	vadd.s32 s13, v12;
	v35 =	vnsel vm0, $0x0, v45;
	vm0 =	vgt.s32 v48, $0x0  }
0xf1: {  	v58 =	vadd.s32 s13, v15;
	vm1 =	vlt.s32 v49, $0x9FF;
	v51 =	vnsel vm0, $0x0, v48;
	v37 =	vld.idx.msk [tilespmem:v46+s2+$0x0], $0xffff  }
0xf2: {  	vm0 =	vgt.s32 v50, $0x0;
	v34 =	vld.idx.msk [tilespmem:v32+s2+$0x0], $0xffff;
	v36 =	vnsel vm1, $0x9FF, v49;
	vm1 =	vlt.s32 v52, $0x9FF  }
0xf3: {  	v38 =	vnsel vm0, $0x0, v50;
	vm0 =	vgt.s32 v53, $0x0;
	v41 =	vld.idx.msk [tilespmem:v47+s2+$0x0], $0xffff;
	v32 =	vnsel vm1, $0x9FF, v52  }
0xf4: {  	vm1 =	vlt.s32 v54, $0x9FF;
	v40 =	vnsel vm0, $0x0, v53;
	v43 =	vld.idx.msk [tilespmem:v31+s2+$0x0], $0xffff;
	v31 =	vadd.s32 s13, v16  }
0xf5: {  	vm0 =	vgt.s32 v55, $0x0;
	v33 =	vnsel vm1, $0x9FF, v54;
	v42 =	vld.idx.msk [tilespmem:v35+s2+$0x0], $0xffff;
	vm1 =	vlt.s32 v31, $0x9FF  }
0xf6: {  	v35 =	vnsel vm0, $0x0, v55;
	vm0 =	vgt.s32 v56, $0x0;
	v39 =	vld.idx.msk [tilespmem:v51+s2+$0x0], $0xffff;
	v31 =	vnsel vm1, $0x9FF, v31  }
0xf7: {  	v48 =	vadd.s32 s13, v13;
	v44 =	vnsel vm0, $0x0, v56;
	vm0 =	vgt.s32 v58, $0x0;
	v45 =	vld.idx.msk [tilespmem:v36+s2+$0x0], $0xffff  }
0xf8: {  	v61 =	vadd.s32 s13, v11;
	v38 =	vld.idx.msk [tilespmem:v38+s2+$0x0], $0xffff;
	v46 =	vnsel vm0, $0x0, v58;
	vm0 =	vgt.s32 v48, $0x0  }
0xf9: {  	v60 =	vadd.s32 s13, v10;
	vm1 =	vlt.s32 v57, $0x9FF;
	v47 =	vld.idx.msk [tilespmem:v32+s2+$0x0], $0xffff;
	v48 =	vnsel vm0, $0x0, v48  }
0xfa: {  	vm0 =	vgt.s32 v61, $0x0;
	v36 =	vnsel vm1, $0x9FF, v57;
	vm1 =	vlt.s32 v59, $0x9FF;
	v49 =	vld.idx.msk [tilespmem:v33+s2+$0x0], $0xffff  }
0xfb: {  	v32 =	vnsel vm1, $0x9FF, v59;
	vm1 =	vlt.s32 v60, $0x9FF;
	v51 =	vld.idx.msk [tilespmem:v31+s2+$0x0], $0xffff;
	v31 =	vadd.s32 s13, v8  }
0xfc: {  	v50 =	vld.idx.msk [tilespmem:v35+s2+$0x0], $0xffff;
	v35 =	vnsel vm0, $0x0, v61;
	v33 =	vnsel vm1, $0x9FF, v60;
	vm1 =	vlt.s32 v31, $0x9FF  }
0xfd: {  	v40 =	vld.idx.msk [tilespmem:v40+s2+$0x0], $0xffff;
	v31 =	vnsel vm1, $0x9FF, v31  }
0xfe: {  	v62 =	vadd.s32 s13, v9;
	v44 =	vld.idx.msk [tilespmem:v44+s2+$0x0], $0xffff  }
0xff: {  	v53 =	vadd.s32 s13, v6;
	vm0 =	vgt.s32 v62, $0x0;
	v52 =	vld.idx.msk [tilespmem:v36+s2+$0x0], $0xffff  }
0x100: {  	v63 =	vadd.s32 s13, v7;
	v36 =	vnsel vm0, $0x0, v62;
	v54 =	vld.idx.msk [tilespmem:v32+s2+$0x0], $0xffff;
	vm1 =	vlt.s32 v53, $0x9FF  }
0x101: {  	v56 =	vadd.s32 s13, v3;
	vm0 =	vgt.s32 v63, $0x0;
	v57 =	vld.idx.msk [tilespmem:v35+s2+$0x0], $0xffff;
	v53 =	vnsel vm1, $0x9FF, v53  }
0x102: {  	s11 =	sadd.s32 $0x10, s11;
	v55 =	vadd.s32 s13, v5;
	v32 =	vnsel vm0, $0x0, v63;
	vm0 =	vgt.s32 v56, $0x0;
	v35 =	vld.idx.msk [tilespmem:v31+s2+$0x0], $0xffff  }
0x103: {  	v58 =	vadd.s32 s13, v1;
	v59 =	vadd.s32 s13, v4;
	v56 =	vnsel vm0, $0x0, v56;
	v31 =	vld [tilespmem:s11+$0x0]  }
0x104: {  	v60 =	vadd.s32 s13, v2;
	v46 =	vld.idx.msk [tilespmem:v46+s2+$0x0], $0xffff;
	v63 =	vimm.s32 $0x0;
	vm1 =	vgt.s32 v55, $0x0  }
0x105: {  	vm0 =	vlt.s32 v59, $0x9FF;
	v55 =	vnsel vm1, $0x0, v55;
	vm1 =	vgt.s32 v58, $0x0;
	v61 =	vld.idx.msk [tilespmem:v36+s2+$0x0], $0xffff  }
0x106: {  	v58 =	vnsel vm1, $0x0, v58;
	vm1 =	vlt.s32 v60, $0x9FF;
	v36 =	vld.idx.msk [tilespmem:v53+s2+$0x0], $0xffff;
	v53 =	vadd.s32 s13, v29  }
0x107: {  	v59 =	vnsel vm0, $0x9FF, v59;
	v60 =	vnsel vm1, $0x9FF, v60;
	v62 =	vld.idx.msk [tilespmem:v32+s2+$0x0], $0xffff;
	vm0 =	vgt.s32 v53, $0x0  }
0x108: {  	v32 =	vnsel vm0, $0x0, v53;
	v53 =	vld.idx.msk [tilespmem:v56+s2+$0x0], $0xffff;
	v56 =	vimm.s32 $0x0;
	vm10 =	veq.s32 v38, v31  }
0x109: {  	vm14 =	veq.s32 v39, v31;
	vm15 =	veq.s32 v42, v31;
	vm12 =	veq.s32 v40, v31  }
0x10a: {  	vm0 =	veq.s32 v37, v31;
	v40 =	vimm.s32 $0x0;
	v42 =	vimm.s32 $0x0  }
0x10b: {  	vm1 =	veq.s32 v44, v31;
	vm3 =	veq.s32 v50, v31;
	v50 =	vimm.s32 $0x0  }
0x10c: {  	vm5 =	veq.s32 v46, v31;
	v37 =	vsel vm0, $0xFFFFFFFF, v40;
	vm0 =	veq.s32 v34, v31  }
0x10d: {  	v38 =	vld.idx.msk [tilespmem:v58+s2+$0x0], $0xffff;
	v58 =	vimm.s32 $0x0;
	[tilespmem:$0x1FE80] =	vst v37;
	v34 =	vsel vm0, $0xFFFFFFFF, v42;
	vm0 =	veq.s32 v41, v31  }
0x10e: {  	v48 =	vld.idx.msk [tilespmem:v48+s2+$0x0], $0xffff;
	vm7 =	veq.s32 v57, v31;
	[tilespmem:$0x1FE90] =	vst v34;
	v37 =	vsel vm0, $0xFFFFFFFF, v50;
	vm0 =	veq.s32 v45, v31  }
0x10f: {  	v55 =	vld.idx.msk [tilespmem:v55+s2+$0x0], $0xffff;
	vm13 =	veq.s32 v61, v31;
	[tilespmem:$0x1FEA0] =	vst v37;
	v39 =	vsel vm0, $0xFFFFFFFF, v56;
	vm0 =	veq.s32 v43, v31  }
0x110: {  	p0 =	sne.s32 s13, $0x9F0;
	v34 =	vld.idx.msk [tilespmem:v59+s2+$0x0], $0xffff;
	v59 =	vimm.s32 $0x0;
	[tilespmem:$0x1FEB0] =	vst v39;
	v39 =	vsel vm0, $0xFFFFFFFF, v58;
	vm0 =	veq.s32 v47, v31  }
.Ltmp0:
0x111: {  	v37 =	vld.idx.msk [tilespmem:v60+s2+$0x0], $0xffff;
	v60 =	vimm.s32 $0x0;
	[tilespmem:$0x1FEC0] =	vst v39;
	v39 =	vsel vm0, $0xFFFFFFFF, v59;
	vm0 =	veq.s32 v51, v31;
	(pc) =	sbr.rel @p0 .LBB2_2-.Ltmp0, $4  }
0x112: {  	v61 =	vimm.s32 $0x0;
	[tilespmem:$0x1FED0] =	vst v39;
	v39 =	vsel vm0, $0xFFFFFFFF, v60;
	vm0 =	veq.s32 v49, v31  }
0x113: {  	vm9 =	veq.s32 v48, v31;
	[tilespmem:$0x1FEE0] =	vst v39;
	v39 =	vsel vm0, $0xFFFFFFFF, v61;
	vm0 =	veq.s32 v52, v31  }
0x114: {  	v33 =	vld.idx.msk [tilespmem:v33+s2+$0x0], $0xffff;
	vm11 =	veq.s32 v62, v31;
	vm4 =	veq.s32 v54, v31;
	[tilespmem:$0x1FEF0] =	vst v39;
	v39 =	vsel vm0, $0xFFFFFFFF, v63  }
0x115: {  	s13 =	sadd.s32 $0x10, s13;
	vm8 =	veq.s32 v55, v31;
	vm6 =	veq.s32 v53, v31;
	vm0 =	veq.s32 v38, v31;
	[tilespmem:$0x1FF00] =	vst v39  }
0x116: {  	vm2 =	vcmask $0x3F2C  }
0x117: {  	vm2 =	vmand vm12, vm2;
	vm12 =	vcmask $0x3F30  }
0x118: {  	v38 =	vsel vm2, $0x1, v0;
	vm2 =	vmand vm10, vm12;
	vm10 =	vcmask $0x3F24  }
0x119: {  	vm12 =	vcmask $0x3F20;
	v39 =	vsel vm2, $0x1, v0;
	vm1 =	vmand vm1, vm10  }
0x11a: {  	v55 =	vld [tilespmem:$0x1FF10];
	vm2 =	vmand vm5, vm12;
	vm10 =	vcmask $0x3F28;
	vm12 =	vcmask $0x3F18  }
0x11b: {  	v52 =	vld [tilespmem:$0x1FF90];
	vm5 =	vcmask $0x3F14;
	v40 =	vsel vm2, $0x1, v0;
	v41 =	vsel vm1, $0x1, v0  }
0x11c: {  	v45 =	vld [tilespmem:$0x1FF20];
	vm1 =	vmand vm3, vm10;
	vm2 =	vmand vm13, vm5;
	vm10 =	vcmask $0x3F1C  }
0x11d: {  	v48 =	vld [tilespmem:$0x1FF40];
	vm13 =	veq.s32 v34, v31;
	v42 =	vsel vm1, $0x1, v0;
	vm1 =	vmand vm7, vm12  }
0x11e: {  	v43 =	vsel vm2, $0x1, v0;
	vm7 =	veq.s32 v37, v31;
	vm2 =	vmand vm9, vm10  }
0x11f: {  	v58 =	vld [tilespmem:$0x1FF30];
	vm12 =	vnez.u8 v55;
	vm9 =	vcmask $0x3F10;
	vm10 =	vcmask $0x3F0C  }
0x120: {  	v49 =	vld [tilespmem:$0x1FF60];
	vm5 =	vnez.u8 v52;
	v44 =	vsel vm1, $0x1, v0;
	vm1 =	vmand vm7, vm12  }
0x121: {  	v51 =	vld [tilespmem:$0x1FF70];
	v34 =	vsel vm2, $0x1, v0;
	vm7 =	vnez.u8 v45;
	vm2 =	vmand vm8, vm10  }
0x122: {  	v59 =	vld [tilespmem:$0x1FF50];
	vm12 =	veq.s32 v35, v31;
	vm8 =	vnez.u8 v48;
	vm10 =	vcmask $0x3F08  }
0x123: {  	v62 =	vld [tilespmem:$0x1FF80];
	v56 =	vsel vm1, $0x1, v0;
	vm1 =	vmand vm13, vm7;
	vm13 =	vcmask $0x3F04  }
0x124: {  	v63 =	vld [tilespmem:$0x1FEE0];
	vm7 =	vnez.u8 v58;
	v57 =	vsel vm1, $0x1, v0;
	vm1 =	vmand vm11, vm9  }
0x125: {  	v61 =	vld [tilespmem:$0x1FEF0];
	vm11 =	veq.s32 v36, v31;
	v36 =	vsel vm2, $0x1, v0;
	vm0 =	vmand vm0, vm13  }
0x126: {  	v55 =	vld [tilespmem:$0x1FFB0];
	vm9 =	veq.s32 v33, v31;
	vm13 =	vnez.u8 v51;
	v46 =	vsel vm1, $0x1, v0  }
0x127: {  	v60 =	vld [tilespmem:$0x1FF00];
	vm1 =	vmand vm11, vm7;
	v47 =	vsel vm0, $0x1, v0;
	vm0 =	vmand vm12, vm8  }
0x128: {  	vm11 =	vnez.u8 v49;
	vm12 =	vnez.u8 v59;
	vm7 =	vnez.u8 v62  }
0x129: {  	v58 =	vld [tilespmem:$0x1FED0];
	vm8 =	vnez.u8 v63;
	v37 =	vadd.s32 v56, v57;
	v35 =	vsel vm1, $0x1, v0  }
0x12a: {  	v48 =	vsel vm0, $0x1, v0;
	vm1 =	vmand vm6, vm10;
	vm0 =	vmand vm9, vm12  }
0x12b: {  	v56 =	vld [tilespmem:$0x1FEB0];
	vm6 =	vnez.u8 v61;
	vm9 =	vnez.u8 v55;
	v33 =	vsel vm1, $0x1, v0  }
0x12c: {  	v57 =	vld [tilespmem:$0x1FFA0];
	vm1 =	vmand vm4, vm11;
	v49 =	vsel vm0, $0x1, v0;
	vm4 =	vnez.u8 v60  }
0x12d: {  	v62 =	vld [tilespmem:$0x1FEC0];
	v35 =	vadd.s32 v35, v37;
	v50 =	vsel vm1, $0x1, v0;
	vm0 =	vmand vm4, vm13  }
0x12e: {  	v61 =	vld [tilespmem:$0x1FFC0];
	vm1 =	vmand vm8, vm7;
	vm12 =	vnez.u8 v58;
	v35 =	vadd.s32 v48, v35  }
0x12f: {  	v33 =	vadd.s32 v47, v33;
	v51 =	vsel vm0, $0x1, v0;
	vm0 =	vmand vm6, vm5  }
0x130: {  	v52 =	vsel vm1, $0x1, v0;
	v35 =	vadd.s32 v49, v35;
	v33 =	vadd.s32 v36, v33  }
0x131: {  	v32 =	vld.idx.msk [tilespmem:v32+s2+$0x0], $0xffff;
	v53 =	vsel vm0, $0x1, v0;
	vm10 =	vnez.u8 v56;
	vm11 =	vnez.u8 v57  }
0x132: {  	v48 =	vld [tilespmem:$0x1FFD0];
	vm4 =	vnez.u8 v62;
	v35 =	vadd.s32 v50, v35;
	v33 =	vadd.s32 v46, v33  }
0x133: {  	v49 =	vld [tilespmem:$0x1FEA0];
	vm0 =	vmand vm10, vm9;
	vm1 =	vmand vm12, vm11;
	vm13 =	vnez.u8 v61  }
0x134: {  	v56 =	vld [tilespmem:$0x1FFF0];
	v35 =	vadd.s32 v51, v35;
	v33 =	vadd.s32 v43, v33;
	vm11 =	vcmask $0x3F38  }
0x135: {  	v57 =	vld [tilespmem:$0x1FE90];
	vm12 =	vcmask $0x3F34;
	v59 =	vsel vm1, $0x1, v0;
	v60 =	vsel vm0, $0x1, v0  }
0x136: {  	v51 =	vld [tilespmem:$0x1FFE0];
	vm0 =	vmand vm4, vm13;
	v35 =	vadd.s32 v52, v35;
	v33 =	vadd.s32 v44, v33  }
0x137: {  	v52 =	vld [tilespmem:$0x1FE80];
	vm1 =	vmand vm14, vm12;
	vm14 =	veq.s32 v32, v31;
	v63 =	vsel vm0, $0x1, v0  }
0x138: {  	vm5 =	vnez.u8 v48;
	v35 =	vadd.s32 v53, v35;
	v33 =	vadd.s32 v34, v33  }
0x139: {  	vm6 =	vnez.u8 v49;
	v55 =	vadd.s32 v59, v35;
	v33 =	vadd.s32 v40, v33  }
0x13a: {  	vm0 =	vmand vm6, vm5;
	vm9 =	vnez.u8 v56;
	vm10 =	vnez.u8 v57  }
0x13b: {  	v34 =	vadd.s32 v60, v55;
	v33 =	vadd.s32 v41, v33;
	v60 =	vsel vm1, $0x1, v0  }
0x13c: {  	v50 =	vsel vm0, $0x1, v0;
	vm7 =	vnez.u8 v51;
	vm8 =	vnez.u8 v52  }
0x13d: {  	v34 =	vadd.s32 v63, v34;
	v33 =	vadd.s32 v42, v33;
	vm0 =	vmand vm8, vm7  }
0x13e: {  	v59 =	vld.idx.msk [tilespmem:v31+s8+$0x0], $0xffff;
	v34 =	vadd.s32 v50, v34;
	v54 =	vsel vm0, $0x1, v0;
	vm0 =	vmand vm10, vm9  }
0x13f: {  	v33 =	vadd.s32 v38, v33;
	v58 =	vsel vm0, $0xFFFFFFFF, v0;
	v34 =	vadd.s32 v54, v34  }
0x140: {  	v33 =	vadd.s32 v39, v33;
	vm0 =	vmand vm15, vm11;
	vm13 =	veq.s32 v34, v58  }
0x141: {  	v33 =	vadd.s32 v60, v33;
	vm15 =	vcmask $0x3F3C;
	v61 =	vsel vm0, $0x1, v0  }
0x142: {  	vm0 =	vmand vm14, vm15;
	v62 =	vadd.s32 v61, v33  }
0x143: {  	v63 =	vsel vm0, $0x1, v0;
	v32 =	vadd.s32 v59, v62  }
0x144: {  	s11 =	sadd.s32 $0x10, s12;
	v32 =	vadd.s32 v63, v32  }
0x145: {  	[tilespmem:s11+$0x0] =	vst v32;
	v32 =	vadd.s32 $0x1, v32  }
0x146: {  	[tilespmem:v31+s8+$0x0] =	vst.idx.msk vm13, v32  }
0x147: {  	[hbm4b:s4+s2] =	stream.linear.scatter [tilespmem:s9], [sflag:$0x1], $0xA00, $0x38;
	[tilespmem:$0x1540] =	vst v63  }
0x148: {  	s10 =	sadd.s32 $0x1, s10;
	_ =	swait.ge [sflag:s7], $0xA00  }
0x149: {  	p0 =	sne.s32 s10, s6;
	[sflag:s7] =	ssyncset.done $0x0  }
.Ltmp1:
0x14a: {  	[sflag:s7] =	ssyncadd.s32 $0xFFFFF600;
	(pc) =	sbr.rel @p0 .LBB2_1-.Ltmp1, $4  }
0x14b: {  	[hbm4b:s5+s2] =	stream.linear.scatter [tilespmem:s8], [sflag:$0x1], $0x140, $0x38;
	[tilespmem:$0x1540] =	vst v63  }
0x14c: {  	_ =	swait.ge [sflag:s7], $0x140  }
0x14d: {  	[sflag:s7] =	ssyncset.done $0x0  }
0x14e: {  	[sflag:s7] =	ssyncadd.s32 $0xFFFFFEC0  }
0x14f: {  	_ =	sfence.sel $0x180000  }
0x150: {  	[bflag:$0x0] =	sbarrier.arrive $0xFFFF  }
0x151: {  	p0 =	sne.s32 s0, $0x0;
	_ =	strace $0x90000047  }
0x152: {  	s0 =	sadd.s32 @!p0 $0x100000, s1;
	[bflag:$0x2] =	sbarrier.arrive $0xFFFF  }
0x153: {  	[sflag:s0] =	ssyncadd.tile.s32 @!p0 $0x1;
	_ =	shalt  }
.Lfunc_end2:
_tile_overlayer_lowered:
.L_overlay_start_2:
0x154: {  	(tag) =	ssettag $0x2  }
0x155: {  	s0 =	rddreg [dreg:$0x0];
	s2 =	stileid.u32  }
0x156: {  	s1 =	rddreg [dreg:$0x1];
	p0 =	sne.s32 s2, $0x0  }
0x157: {  	s3 =	rddreg [dreg:$0x2];
	[bflag:$0x3] =	sbarrier.arrive $0xFFFF;
	s2 =	simm.s32 @!p0 $0x1C01  }
0x158: {  	[timem:s3], [sflag:s2] =	dma.local @!p0 [hbm:s0], s1  }
0x159: {  	s0 =	simm.s32 @!p0 $0x1  }
0x15a: {  	_ =	swait.ge @!p0 [sflag:s0], s1  }
0x15b: {  	s1 =	ssub.s32 @!p0 $0x0, s1;
	[sflag:s0] =	ssyncset.done @!p0 $0x0  }
0x15c: {  	[sflag:s0] =	ssyncadd.s32 @!p0 s1  }
0x15d: {  	[bflag:$0x3] =	sbarrier.arrive $0xFFFF  }
0x15e: {  	_ =	shalt  }

// kernel: kernel.7.cloned.1.call-start
scs
__scs_entry_jumppad:
0x0: {  	(pc) =	sbr.rel $0x88, $3  }
0x1: {  	(tag) =	ssettag $0x0;
	lr =	simm.s32 $0x1  }
0x2: {  	[smem:$0x3F9F] =	sst lr;
	_ =	strace $0xD0000000  }
0x3: {  	_ = 	snop  }
0x4: {  	_ = 	snop  }
0x5: {  	_ = 	snop  }
0x6: {  	_ = 	snop  }
0x7: {  	_ = 	snop  }
__scs_overlays_trampoline_lowered:
0x8: {  	[smem:$0x3FAE] =	sst s0  }
0x9: {  	[smem:$0x3FAF] =	sst s1  }
0xa: {  	[smem:$0x3FB0] =	sst s2  }
0xb: {  	[smem:$0x3FB1] =	sst s3  }
0xc: {  	[smem:$0x3FB2] =	sst s4  }
0xd: {  	[smem:$0x3FB3] =	sst s5  }
0xe: {  	[smem:$0x3FB4] =	sst s6  }
0xf: {  	[smem:$0x3FB5] =	sst s7  }
0x10: {  	[smem:$0x3FB6] =	sst s8  }
0x11: {  	[smem:$0x3FB7] =	sst s9;
	s0 =	simm.s32 @!p0 $0x0  }
0x12: {  	s1 =	sld [smem:$0x3F9D];
	s0 =	simm.s32 @p0 $0x1  }
0x13: {  	[smem:$0x3FB8] =	sst s0;
	s0 =	simm.s32 @!p1 $0x0  }
0x14: {  	s2 =	sld [smem:$0x3F9C];
	s0 =	simm.s32 @p1 $0x1  }
0x15: {  	[smem:$0x3FB9] =	sst s0;
	s0 =	simm.s32 @!p2 $0x0  }
0x16: {  	s3 =	sld [smem:$0x3FDB];
	s0 =	simm.s32 @p2 $0x1  }
0x17: {  	s4 =	simm.s32 $0x1BF5;
	[smem:$0x3FBB] =	sst s0  }
0x18: {  	s0 =	sld [smem:$0x3F9E];
	_ =	swait.ge [sflag:s4], $0x0  }
0x19: {  	s7 =	sld [smem:$0x3F9F]  }
0x1a: {  	s8 =	sadd.s32 $0xFFFFE003, lr  }
0x1b: {  	s9 =	sadd.s32 $0xFFFFFEF7, lr;
	s5 =	simm.s32 $0xFFFFFFFF;
	p2 =	slt.u32 s8, $0xFFFFF086  }
0x1c: {  	p1 =	slt.u32 s9, $0xF7A;
	s5 =	simm.s32 @!p2 $0x0  }
0x1d: {  	s5 =	simm.s32 @p1 $0x1;
	p0 =	seq.s32 s7, s2  }
0x1e: {  	s7 =	smul.u32 @!p0 $0xF7A, s2;
	p2 =	seq.s32 @!p0 s5, $0x0  }
0x1f: {  	s9 =	smul.u32 $0xF7A, s1;
	s8 =	simm.s32 @!p0 $0x1BF5;
	p2 =	por !p2, p0  }
0x20: {  	[sflag:s8] =	ssyncset.s32 @!p0 $0xFFFFF086;
	s6 =	sadd.s32 @!p0 s3, s7;
	s7 =	simm.s32 @!p0 $0x108  }
0x21: {  	s3 =	sadd.s32 s3, s9;
	s6 =	sadd.s32 @!p0 $0x88, s6;
	s7 =	simm.s32 @p2 $0x1082  }
0x22: {  	[simem:s7], [sflag:s8] =	dma.local @!p0 [hbm:s6], $0xF7A  }
0x23: {  	s9 =	sor.u32 $0xD0000000, s2;
	s6 =	simm.s32 $0x108;
	_ =	swait.ge @!p0 [sflag:s8], $0x0  }
0x24: {  	s3 =	sadd.s32 $0x88, s3;
	s6 =	simm.s32 @!p1 $0x1082;
	[sflag:s4] =	ssyncset.s32 $0xFFFFF086  }
0x25: {  	[simem:s6], [sflag:s4] =	dma.local [hbm:s3], $0xF7A  }
0x26: {  	[smem:$0x3F9F] =	sst s1;
	(tag) =	ssettag s2;
	_ =	strace s9  }
0x27: {  	s1 =	sld [smem:$0x3FAF]  }
0x28: {  	s2 =	sld [smem:$0x3FB0]  }
0x29: {  	s4 =	sld [smem:$0x3FB2]  }
0x2a: {  	p0 =	seq.s32 s5, $0x0;
	s5 =	sld [smem:$0x3FB3]  }
0x2b: {  	s6 =	sld [smem:$0x3FB4]  }
0x2c: {  	s7 =	sld [smem:$0x3FB5]  }
0x2d: {  	s3 =	simm.s32 $0x108;
	s8 =	sld [smem:$0x3FB6]  }
0x2e: {  	s3 =	simm.s32 @!p0 $0x1082;
	s9 =	sld [smem:$0x3FB7]  }
0x2f: {  	lr =	sadd.s32 s0, s3;
	s0 =	sld [smem:$0x3FAE]  }
0x30: {  	s3 =	sld [smem:$0x3FB1]  }
0x31: {  	[smem:$0x3FBA] =	sst s10  }
0x32: {  	s10 =	sld [smem:$0x3FB8];
	_ =	sdelay $0x3  }
0x33: {  	p0 =	seq.s32 s10, $0x1;
	s10 =	sld [smem:$0x3FBA];
	_ =	sdelay $0x3  }
0x34: {  	[smem:$0x3FBA] =	sst s10  }
0x35: {  	s10 =	sld [smem:$0x3FB9];
	_ =	sdelay $0x3  }
0x36: {  	p1 =	seq.s32 s10, $0x1;
	s10 =	sld [smem:$0x3FBA];
	_ =	sdelay $0x3  }
0x37: {  	[smem:$0x3FBA] =	sst s10  }
0x38: {  	s10 =	sld [smem:$0x3FBB]  }
0x39: {  	_ = 	snop;
	(pc) =	sbr.ind lr, $3  }
0x3a: {  	_ = 	snop  }
0x3b: {  	_ = 	snop  }
0x3c: {  	p2 =	seq.s32 s10, $0x1;
	s10 =	sld [smem:$0x3FBA]  }
0x3d: {  	_ =	shalt  }
0x3e: {  	_ =	shalt  }
0x3f: {  	_ =	shalt  }
0x40: {  	_ =	shalt  }
0x41: {  	_ =	shalt  }
0x42: {  	_ =	shalt  }
0x43: {  	_ =	shalt  }
0x44: {  	_ =	shalt  }
0x45: {  	_ =	shalt  }
0x46: {  	_ =	shalt  }
0x47: {  	_ =	shalt  }
0x48: {  	_ =	shalt  }
0x49: {  	_ =	shalt  }
0x4a: {  	_ =	shalt  }
0x4b: {  	_ =	shalt  }
0x4c: {  	_ =	shalt  }
0x4d: {  	_ =	shalt  }
0x4e: {  	_ =	shalt  }
0x4f: {  	_ =	shalt  }
0x50: {  	_ =	shalt  }
0x51: {  	_ =	shalt  }
0x52: {  	_ =	shalt  }
0x53: {  	_ =	shalt  }
0x54: {  	_ =	shalt  }
0x55: {  	_ =	shalt  }
0x56: {  	_ =	shalt  }
0x57: {  	_ =	shalt  }
0x58: {  	_ =	shalt  }
0x59: {  	_ =	shalt  }
0x5a: {  	_ =	shalt  }
0x5b: {  	_ =	shalt  }
0x5c: {  	_ =	shalt  }
0x5d: {  	_ =	shalt  }
0x5e: {  	_ =	shalt  }
0x5f: {  	_ =	shalt  }
0x60: {  	_ =	shalt  }
0x61: {  	_ =	shalt  }
0x62: {  	_ =	shalt  }
0x63: {  	_ =	shalt  }
0x64: {  	_ =	shalt  }
0x65: {  	_ =	shalt  }
0x66: {  	_ =	shalt  }
0x67: {  	_ =	shalt  }
0x68: {  	_ =	shalt  }
0x69: {  	_ =	shalt  }
0x6a: {  	_ =	shalt  }
0x6b: {  	_ =	shalt  }
0x6c: {  	_ =	shalt  }
0x6d: {  	_ =	shalt  }
0x6e: {  	_ =	shalt  }
0x6f: {  	_ =	shalt  }
0x70: {  	_ =	shalt  }
0x71: {  	_ =	shalt  }
0x72: {  	_ =	shalt  }
0x73: {  	_ =	shalt  }
0x74: {  	_ =	shalt  }
0x75: {  	_ =	shalt  }
0x76: {  	_ =	shalt  }
0x77: {  	_ =	shalt  }
0x78: {  	_ =	shalt  }
0x79: {  	_ =	shalt  }
0x7a: {  	_ =	shalt  }
0x7b: {  	_ =	shalt  }
0x7c: {  	_ =	shalt  }
0x7d: {  	_ =	shalt  }
0x7e: {  	_ =	shalt  }
0x7f: {  	_ =	shalt  }
0x80: {  	_ =	shalt  }
0x81: {  	_ =	shalt  }
0x82: {  	_ =	shalt  }
0x83: {  	_ =	shalt  }
0x84: {  	_ =	shalt  }
0x85: {  	_ =	shalt  }
0x86: {  	_ =	shalt  }
0x87: {  	_ =	shalt  }
.Lfunc_end0:
.L_simem_size_0:
called_computation.2_lowered:
.L_overlay_start_0:
0x88: {  	s2 =	sld [smem:$0x3FD9]  }
0x89: {  	s3 =	sld [smem:$0x3FFE];
	_ =	sdelay $0x1  }
0x8a: {  	s1 =	srdreg.scid  }
0x8b: {  	s0 =	sand.u32 $0x1, s1  }
0x8c: {  	s14 =	sshll.u32 s0, $0xA;
	s2 =	sadd.s32 s3, s2  }
0x8d: {  	s2 =	sadd.s32 s2, s14  }
0x8e: {  	[smem:$0x3FC6] =	sst s2  }
0x8f: {  	_ = 	snop  }
0x90: {  	s2 =	sld [smem:$0x3FD0];
	_ =	sdelay $0x2  }
0x91: {  	s4 =	simm.s32 $0xA;
	s5 =	simm.s32 $0x10;
	s15 =	sld [smem:$0x3FC8]  }
0x92: {  	[smem:s5], [sflag:s4] =	dma.local [hbm:s2], $0x1  }
0x93: {  	_ =	swait.eq [sflag:s4], $0x1  }
0x94: {  	[sflag:s4] =	ssyncset.done $0x0  }
0x95: {  	s16 =	sld [smem:$0x10];
	[sflag:s4] =	ssyncadd.s32 $0xFFFFFFFF  }
0x96: {  	s17 =	sld [smem:$0x12];
	(tm) =	ssettm $0x1  }
0x97: {  	s18 =	sld [smem:$0x3FFB];
	_ =	sdelay $0x3  }
0x98: {  	_ =	strace s18  }
0x99: {  	s5 =	sld [smem:$0x3FFC];
	_ =	sdelay $0x3  }
0x9a: {  	_ =	strace s5  }
0x9b: {  	s5 =	sld [smem:$0x3FFD];
	_ =	sdelay $0x3  }
0x9c: {  	_ =	strace s5  }
0x9d: {  	_ =	strace $0x8FFFFFFF  }
0x9e: {  	s19 =	sld [smem:$0x3FDB];
	_ =	sdelay $0x1  }
0x9f: {  	s6 =	simm.s32 $_scs_section_size  }
0xa0: {  	s7 =	simm.s32 $_size__tile_overlayer_lowered;
	s8 =	simm.s32 $_tile_overlayer_lowered  }
0xa1: {  	s22 =	simm.s32 $0x1BFF;
	s21 =	sshll.u32 s8, $0x1;
	s5 =	sadd.s32 s6, s19  }
0xa2: {  	s9 =	simm.s32 $0x0;
	s20 =	sshll.u32 s7, $0x1;
	s7 =	sadd.s32 s21, s5  }
0xa3: {  	[timem:s9], [sflag:s22] =	dma.local [hbm:s7], s20  }
0xa4: {  	_ =	swait.ge [sflag:s22], s20  }
0xa5: {  	s6 =	ssub.s32 $0x0, s20;
	[sflag:s22] =	ssyncset.done $0x0  }
0xa6: {  	[sflag:s22] =	ssyncadd.s32 s6;
	_ =	sdelay $0x1  }
0xa7: {  	s23 =	simm.s32 $0x1B8B  }
0xa8: {  	_ =	swait.ge [sflag:s23], $0x1  }
0xa9: {  	[sflag:s23] =	ssyncset.done $0x0  }
0xaa: {  	s25 =	simm.s32 $0x1B8E;
	s24 =	sld [smem:$0x3FFE];
	[sflag:s23] =	ssyncadd.s32 $0xFFFFFFFF  }
0xab: {  	s26 =	simm.s32 $execute0_lowered;
	[smem:$0x3FD2] =	sst s25  }
0xac: {  	s7 =	sshll.u32 s26, $0x1;
	_ =	strace $0x80000049;
	[dreg:$0x1] =	wrdreg $0xFFFFFFFF  }
0xad: {  	s28 =	simm.s32 $_size_execute0_lowered;
	s5 =	sadd.s32 s5, s7;
	[dreg:$0x0] =	wrdreg $0x0  }
0xae: {  	s7 =	sshll.u32 s28, $0x1;
	[dreg:$0x2] =	wrdreg s5  }
0xaf: {  	[dreg:$0x3] =	wrdreg s7  }
0xb0: {  	[dreg:$0x4] =	wrdreg $0xC0  }
0xb1: {  	_ =	task [dreg:s9], $0x5FFFF  }
0xb2: {  	[dreg:$0x1] =	wrdreg $0xFFFFFFFF  }
0xb3: {  	[dreg:$0x0] =	wrdreg $0x60  }
0xb4: {  	[dreg:$0x2] =	wrdreg s15  }
0xb5: {  	[dreg:$0x3] =	wrdreg s24  }
0xb6: {  	[dreg:$0x4] =	wrdreg s16  }
0xb7: {  	[dreg:$0x5] =	wrdreg s17  }
0xb8: {  	[dreg:$0x6] =	wrdreg $0x9  }
0xb9: {  	_ =	task.clear_ibuf [dreg:s9], $0x7FFFF;
	_ =	strace $0x90000049  }
0xba: {  	s29 =	simm.s32 $0x9;
	_ =	strace $0x8000004B  }
0xbb: {  	_ =	swait.ge [sflag:s29], $0x1  }
0xbc: {  	[sflag:s29] =	ssyncadd.s32 $0xFFFFFFFF  }
0xbd: {  	_ =	strace $0x9000004B  }
0xbe: {  	_ =	sfence  }
0xbf: {  	s30 =	sld [smem:$0x0];
	_ =	sdelay $0x2  }
0xc0: {  	s31 =	sshll.u32 s1, $0xD;
	s1 =	sshrl.u32 s1, $0x2  }
0xc1: {  	s3 =	sand.u32 $0x4000, s31;
	s1 =	sadd.s32 s1, s30  }
0xc2: {  	s0 =	sor.u32 s3, s0;
	s1 =	sshll.u32 s1, $0x11  }
0xc3: {  	s0 =	sor.u32 s1, s0  }
0xc4: {  	s0 =	sadd.s32 $0x8F2B, s0  }
0xc5: {  	[sflag:s0] =	ssyncadd.remote.s32 $0x1  }
0xc6: {  	_ =	sfence.sel $0xFFFF  }
0xc7: {  	[dreg:$0x0] =	wrdreg $0xFFFFFFFF;
	(pc) =	sbr.abs _section_cstart, $3  }
0xc8: {  	[dreg:$0x1] =	wrdreg $0xFFFFFFFF  }
0xc9: {  	_ =	task.clear_ibuf [dreg:s9], $0x2FFFF;
	_ =	strace $0x9FFFFFFF  }
0xca: {  	(tm) =	ssettm $0x7FFFFFFF  }
0xcb: {  	_ =	shalt  }
tec
execute0_lowered:
.L_overlay_start_1:
0x0: {  	(tag) =	ssettag $0x1  }
0x1: {  	s0 =	rddreg [dreg:$0x0]  }
0x2: {  	s5 =	rddreg [dreg:$0x1]  }
0x3: {  	s1 =	srdreg.scid;
	s7 =	rddreg [dreg:$0x2]  }
0x4: {  	s13 =	stileid.u32;
	s3 =	rddreg [dreg:$0x3]  }
0x5: {  	s4 =	simm.s32 $0x0;
	s1 =	sand.u32 $0x1, s1;
	s2 =	sshll.u32 s13, $0x1  }
0x6: {  	[smem:$0x7FF] =	sst s4;
	s2 =	sor.u32 s1, s2  }
0x7: {  	s11 =	sadd.s32 $0x3C00, s5;
	s10 =	ssub.s32 $0x2, s1;
	s6 =	smul.u32 $0xA00, s2  }
0x8: {  	_ =	strace $0x8000004A;
	s25 =	smul.u32 $0x78000, s2;
	s26 =	sshrl.u32 s10, $0x1  }
0x9: {  	[dreg:$0x5] =	wrdreg s11;
	s10 =	ssub.s32 s10, s26;
	s8 =	sshrl.u32 s6, $0x3  }
0xa: {  	s12 =	sshrl.u32 s25, $0x3;
	s6 =	sadd.s32 $0x4200, s5;
	s0 =	sadd.s32 s0, s8  }
0xb: {  	s9 =	sadd.s32 s8, s5;
	s5 =	smax.u32 s10, $0x1;
	[dreg:$0x6] =	wrdreg s0  }
0xc: {  	s7 =	sadd.s32 s7, s12;
	s11 =	sadd.s32 $0x1400, s9;
	[dreg:$0x16] =	wrdreg s5  }
0xd: {  	s12 =	sadd.s32 $0xC00, s7;
	[dreg:$0x7] =	wrdreg s11  }
0xe: {  	s14 =	sadd.s32 $0x1800, s7;
	[dreg:$0x8] =	wrdreg s12  }
0xf: {  	s15 =	sadd.s32 $0x3000, s7;
	[dreg:$0x9] =	wrdreg s14  }
0x10: {  	s16 =	sadd.s32 $0x3C00, s7;
	[dreg:$0xa] =	wrdreg s15  }
0x11: {  	s17 =	sadd.s32 $0x5400, s7;
	[dreg:$0xb] =	wrdreg s16  }
0x12: {  	s18 =	sadd.s32 $0x6000, s7;
	[dreg:$0xc] =	wrdreg s17  }
0x13: {  	s20 =	sadd.s32 $0x6C00, s7;
	[dreg:$0xd] =	wrdreg s18  }
0x14: {  	s21 =	sadd.s32 $0x8400, s7;
	[dreg:$0xe] =	wrdreg s20  }
0x15: {  	s22 =	sadd.s32 $0x9000, s7;
	[dreg:$0xf] =	wrdreg s21  }
0x16: {  	s23 =	sadd.s32 $0xA800, s7;
	[dreg:$0x10] =	wrdreg s22  }
0x17: {  	s24 =	sadd.s32 $0xC000, s7;
	[dreg:$0x11] =	wrdreg s23  }
0x18: {  	s25 =	sadd.s32 $0xCC00, s7;
	[dreg:$0x12] =	wrdreg s24  }
0x19: {  	s26 =	sadd.s32 $0xD800, s7;
	[dreg:$0x13] =	wrdreg s25  }
0x1a: {  	s8 =	sadd.s32 $0x1E0C00, s7;
	[dreg:$0x14] =	wrdreg s26  }
0x1b: {  	s19 =	smul.u32 $0x1400, s13;
	s9 =	sadd.s32 $0x2400, s7;
	[dreg:$0x17] =	wrdreg s8  }
0x1c: {  	s1 =	smul.u32 $0xA00, s1;
	s10 =	sadd.s32 $0x1E1800, s7;
	[dreg:$0x18] =	wrdreg s9  }
0x1d: {  	s13 =	sadd.s32 $0x1E3C00, s7;
	[dreg:$0x19] =	wrdreg s10  }
0x1e: {  	s23 =	sadd.s32 s1, s19;
	s1 =	sadd.s32 $0x1E0000, s7;
	[dreg:$0x1c] =	wrdreg s13  }
0x1f: {  	s11 =	sadd.s32 $0x1E2400, s7;
	[dreg:$0x15] =	wrdreg s1  }
0x20: {  	s12 =	sadd.s32 $0x4800, s7;
	[dreg:$0x1a] =	wrdreg s11  }
0x21: {  	s14 =	sadd.s32 $0x1E4800, s7;
	[dreg:$0x1b] =	wrdreg s12  }
0x22: {  	s15 =	sadd.s32 $0x1E3000, s7;
	[dreg:$0x1d] =	wrdreg s14  }
0x23: {  	s28 =	simm.s32 $0x3C00;
	s16 =	sadd.s32 $0x1E5400, s7;
	[dreg:$0x1e] =	wrdreg s15  }
0x24: {  	s29 =	simm.s32 $0x3D40;
	s17 =	sadd.s32 $0x1E6000, s7;
	[dreg:$0x1f] =	wrdreg s16  }
0x25: {  	s30 =	simm.s32 $0x80;
	s18 =	sadd.s32 $0x7800, s7;
	[smem:$0x7F5] =	sst s17  }
0x26: {  	s31 =	simm.s32 $0x5B40;
	s19 =	sadd.s32 $0x1E6C00, s7;
	[smem:$0x7F6] =	sst s18  }
0x27: {  	s0 =	simm.s32 $0xBB40;
	s20 =	sadd.s32 $0x1E7800, s7;
	[smem:$0x7F7] =	sst s19  }
0x28: {  	s21 =	sadd.s32 $0x9C00, s7;
	s22 =	sadd.s32 $0x1E8400, s7;
	[smem:$0x7F8] =	sst s20  }
0x29: {  	s5 =	simm.s32 $0x2;
	s24 =	sadd.s32 $0x1E9C00, s7;
	[smem:$0x7F9] =	sst s21  }
0x2a: {  	s25 =	sadd.s32 $0xB400, s7;
	s26 =	sadd.s32 $0x1EA800, s7;
	[smem:$0x7FA] =	sst s22  }
0x2b: {  	v0 =	vlaneseq.u32;
	s8 =	simm.s32 $0x3;
	s9 =	simm.s32 $0x4;
	[smem:$0x7FB] =	sst s24  }
0x2c: {  	v1 =	vshrl.u32 v0, $0x3;
	s10 =	simm.s32 $0x0;
	[smem:$0x7FC] =	sst s25;
	s18 =	sadd.s32 $0x1EB400, s7  }
0x2d: {  	v2 =	vmul.u32 $0x8, v1;
	[smem:$0x7FD] =	sst s26;
	s19 =	sadd.s32 $0x1E9000, s7;
	s21 =	sadd.s32 $0x1ECC00, s7  }
0x2e: {  	s20 =	sadd.s32 $0x1EC000, s7;
	s22 =	sadd.s32 $0xE400, s7;
	s24 =	sadd.s32 $0x1ED800, s7  }
0x2f: {  	v3 =	vand.u32 $0x7, v0;
	v1 =	vmul.u32 $0x100, v0;
	v2 =	vor.u32 $0xA00, v2;
	s25 =	sadd.s32 $0x1EE400, s7;
	s26 =	simm.s32 $0x5;
	s1 =	simm.s32 $0x1  }
.LBB2_1:
0x30: {  	s11 =	rddreg [dreg:$0x6]  }
0x31: {  	[tilespmem:s4], [sflag:$0x5] =	stream.linear.gather [hbm4b:s11+s4], $0xA00, $0x38;
	[tilespmem:$0x11B40] =	vst v63  }
0x32: {  	_ =	swait.ge [sflag:s26], $0xA00  }
0x33: {  	[sflag:s26] =	ssyncset.done $0x0  }
0x34: {  	s12 =	simm.s32 $0xA00;
	s16 =	rddreg [dreg:$0x7];
	[sflag:s26] =	ssyncadd.s32 $0xFFFFF600  }
0x35: {  	[tilespmem:s12], [sflag:$0x5] =	stream.linear.gather [hbm4b:s16+s4], $0xA00, $0x38;
	[tilespmem:$0x11B40] =	vst v63  }
0x36: {  	_ =	swait.ge [sflag:s26], $0xA00  }
0x37: {  	[sflag:s26] =	ssyncset.done $0x0  }
0x38: {  	s11 =	simm.s32 $0x1400;
	s17 =	rddreg [dreg:$0x5];
	[sflag:s26] =	ssyncadd.s32 $0xFFFFF600  }
0x39: {  	[tilespmem:s11], [sflag:$0x5] =	stream.linear.gather [hbm4b:s17+s4], $0x2800, $0x38;
	[tilespmem:$0x11B40] =	vst v63  }
0x3a: {  	_ =	swait.ge [sflag:s26], $0x2800  }
0x3b: {  	[sflag:s26] =	ssyncset.done $0x0  }
0x3c: {  	s12 =	simm.s32 $0x0;
	[sflag:s26] =	ssyncadd.s32 $0xFFFFD800  }
.LBB2_2:
0x3d: {  	v5 =	vld [tilespmem:s11+$0x0];
	_ =	sdelay $0x1  }
0x3e: {  	s13 =	sshll.u32 s12, $0x4  }
0x3f: {  	v4 =	vmov s13  }
0x40: {  	p0 =	sgt.u32 s2, $0x0;
	v4 =	vshll.u32 v4, $0x8  }
0x41: {  	s14 =	simm.s32 $0x1;
	s15 =	sadd.s32 $0x140, s11;
	v4 =	vor.u32 v1, v4;
	v5 =	vpsel !p0, $0x0, v5  }
.LBB2_3:
0x42: {  	v6 =	vld [tilespmem:s15+$0x0];
	p0 =	sne.s32 s14, $0x1F;
	v4 =	vadd.s32 v4, v5;
	s16 =	smov.u32 s14;
	s14 =	sadd.s32 $0x1, s14  }
.Ltmp0:
0x43: {  	(pc) =	sbr.rel @p0 .LBB2_3-.Ltmp0, $3  }
0x44: {  	_ =	sdelay $0x1  }
0x45: {  	p1 =	slt.u32 s16, s2  }
0x46: {  	s15 =	sadd.s32 $0x140, s15;
	v5 =	vpsel !p1, $0x0, v6  }
0x47: {  	s12 =	sadd.s32 $0x1, s12  }
0x48: {  	p0 =	sne.s32 s12, $0x14  }
.Ltmp1:
0x49: {  	_ = 	snop;
	(pc) =	sbr.rel @p0 .LBB2_2-.Ltmp1, $3  }
0x4a: {  	_ =	sdelay $0x1  }
0x4b: {  	v4 =	vadd.s32 v4, v5  }
0x4c: {  	s11 =	sadd.s32 $0x10, s11;
	[tilespmem:s13+$0x3C00] =	vst v4  }
0x4d: {  	s11 =	simm.s32 $0x0  }
0x4e: {  	v4 =	vld [tilespmem:s11+$0x0];
	_ =	sdelay $0x2  }
0x4f: {  	s12 =	simm.s32 $0x0  }
0x50: {  	v5 =	vmov s12  }
0x51: {  	s16 =	sand.u32 $0x70, s11;
	v5 =	vshll.u32 v5, $0x7  }
0x52: {  	s13 =	simm.s32 $0xA00;
	v5 =	vor.u32 s16, v5  }
0x53: {  	v6 =	vld [tilespmem:s13+$0x0];
	v5 =	vbroadcast v5, $0x0  }
0x54: {  	v4 =	vld.idx.msk [tilespmem:v4+s28+$0x0], $0xffff  }
0x55: {  	v7 =	vor.u32 v0, v5;
	v5 =	vadd.s32 v2, v5  }
0x56: {  	v5 =	vor.u32 v3, v5;
	_ =	sdelay $0x2  }
0x57: {  	v4 =	vadd.s32 v6, v4  }
0x58: {  	s17 =	sadd.s32 $0x0, s23;
	[tilespmem:v7+s29+$0x0] =	vst.idx.msk $0xffff, v4;
	v4 =	vadd.s32 $0x14000, v4  }
0x59: {  	s12 =	simm.s32 $0x5140;
	[tilespmem:v5+s29+$0x0] =	vst.idx.msk $0xffff, v4;
	v4 =	vor.u32 s17, v0  }
0x5a: {  	s13 =	simm.s32 $0x10;
	[tilespmem:s12+$0x0] =	vst v4  }
0x5b: {  	s14 =	simm.s32 $0xA10;
	v5 =	vld [tilespmem:s13+$0x0]  }
0x5c: {  	s15 =	simm.s32 $0x1;
	s16 =	simm.s32 $0x2;
	v4 =	vld [tilespmem:s14+$0x0]  }
.LBB2_6:
0x5d: {  	p0 =	sne.s32 s16, $0x9F;
	_ =	sdelay $0x1  }
0x5e: {  	s17 =	sshrl.u32 s15, $0x3;
	s15 =	smov.u32 s16  }
0x5f: {  	s11 =	sadd.s32 $0x10, s11;
	v6 =	vmov s17  }
0x60: {  	s17 =	sand.u32 $0x70, s11;
	v6 =	vshll.u32 v6, $0x7  }
0x61: {  	v6 =	vor.u32 s17, v6  }
0x62: {  	v6 =	vbroadcast v6, $0x0;
	v5 =	vld.idx.msk [tilespmem:v5+s28+$0x0], $0xffff;
	_ =	sdelay $0x1  }
0x63: {  	v7 =	vor.u32 v0, v6;
	v6 =	vadd.s32 v2, v6  }
0x64: {  	v6 =	vor.u32 v3, v6;
	_ =	sdelay $0x2  }
0x65: {  	v4 =	vadd.s32 v4, v5  }
.Ltmp2:
0x66: {  	s17 =	sadd.s32 s11, s23;
	[tilespmem:v7+s29+$0x0] =	vst.idx.msk $0xffff, v4;
	v4 =	vadd.s32 $0x14000, v4;
	(pc) =	sbr.rel @p0 .LBB2_6-.Ltmp2, $4  }
0x67: {  	s12 =	sadd.s32 $0x10, s12;
	[tilespmem:v6+s29+$0x0] =	vst.idx.msk $0xffff, v4;
	v4 =	vor.u32 s17, v0  }
0x68: {  	s13 =	sadd.s32 $0x10, s13;
	[tilespmem:s12+$0x0] =	vst v4  }
0x69: {  	s14 =	sadd.s32 $0x10, s14;
	v5 =	vld [tilespmem:s13+$0x0]  }
0x6a: {  	s16 =	sadd.s32 $0x1, s16;
	v4 =	vld [tilespmem:s14+$0x0]  }
0x6b: {  	_ =	sdelay $0x1  }
0x6c: {  	s13 =	sshrl.u32 s15, $0x3  }
0x6d: {  	s11 =	sadd.s32 $0x10, s11;
	v6 =	vmov s13  }
0x6e: {  	s14 =	sand.u32 $0x70, s11;
	v6 =	vshll.u32 v6, $0x7  }
0x6f: {  	v6 =	vor.u32 s14, v6  }
0x70: {  	v6 =	vbroadcast v6, $0x0  }
0x71: {  	v5 =	vld.idx.msk [tilespmem:v5+s28+$0x0], $0xffff  }
0x72: {  	v7 =	vor.u32 v0, v6;
	v6 =	vadd.s32 v2, v6  }
0x73: {  	v6 =	vor.u32 v3, v6;
	_ =	sdelay $0x2  }
0x74: {  	v4 =	vadd.s32 v4, v5  }
0x75: {  	s11 =	sadd.s32 s11, s23;
	[tilespmem:v7+s29+$0x0] =	vst.idx.msk $0xffff, v4;
	v4 =	vadd.s32 $0x14000, v4  }
0x76: {  	s15 =	sadd.s32 $0x10, s12;
	[tilespmem:v6+s29+$0x0] =	vst.idx.msk $0xffff, v4;
	v4 =	vor.u32 s11, v0  }
0x77: {  	s16 =	simm.s32 $0x5140;
	s17 =	simm.s32 $0x3D40;
	[tilespmem:s15+$0x0] =	vst v4  }
0x78: {  	[hbm4b:s3+s30] =	stream.indirect.scatter [tilespmem:s16], [sflag:$0x5], $0x1, s17, s30, $0xb8;
	[tilespmem:$0x11B40] =	vst v63  }
0x79: {  	s11 =	simm.s32 $0x200;
	_ =	swait.ge [sflag:s26], $0x80  }
.LBB2_8:
0x7a: {  	s12 =	sshra.s32 s11, $0x2  }
0x7b: {  	[sflag:s26] =	ssyncset.done $0x0;
	p0 =	sne.s32 s11, $0x2600;
	s13 =	sadd.s32 $0x5140, s12  }
.Ltmp3:
0x7c: {  	s12 =	sadd.s32 $0x3D40, s12;
	[sflag:s26] =	ssyncadd.s32 $0xFFFFFF80;
	(pc) =	sbr.rel @p0 .LBB2_8-.Ltmp3, $3  }
0x7d: {  	[hbm4b:s3+s30] =	stream.indirect.scatter [tilespmem:s13], [sflag:$0x5], $0x1, s12, s30, $0xb8;
	[tilespmem:$0x11B40] =	vst v63  }
0x7e: {  	s11 =	sadd.s32 $0x200, s11;
	_ =	sdelay $0x1  }
0x7f: {  	_ =	swait.ge [sflag:s26], $0x80  }
0x80: {  	[sflag:s26] =	ssyncset.done $0x0  }
0x81: {  	[sflag:s26] =	ssyncadd.s32 $0xFFFFFF80  }
0x82: {  	[tilespmem:s31], [sflag:$0x1] =	stream.linear.gather [hbm4b:s7+s4], $0x6000, $0x38;
	[tilespmem:$0x11B40] =	vst v63  }
0x83: {  	_ =	swait.ge [sflag:s1], $0x6000  }
0x84: {  	[sflag:s1] =	ssyncset.done $0x0  }
0x85: {  	[sflag:s1] =	ssyncadd.s32 $0xFFFFA000  }
0x86: {  	[hbm4b:s6+s30] =	stream.indirect.scatter [tilespmem:s31], [sflag:$0x3], $0xC0, s29, s30, $0xb8;
	[tilespmem:$0x11B40] =	vst v63  }
0x87: {  	s11 =	rddreg [dreg:$0x8]  }
0x88: {  	[tilespmem:s0], [sflag:$0x2] =	stream.linear.gather [hbm4b:s11+s4], $0x6000, $0x38;
	[tilespmem:$0x11B40] =	vst v63  }
0x89: {  	_ =	swait.ge [sflag:s5], $0x6000  }
0x8a: {  	[sflag:s5] =	ssyncset.done $0x0  }
0x8b: {  	s13 =	simm.s32 $0x3DC0;
	[sflag:s5] =	ssyncadd.s32 $0xFFFFA000  }
0x8c: {  	[hbm4b:s6+s30] =	stream.indirect.scatter [tilespmem:s0], [sflag:$0x4], $0xC0, s13, s30, $0xb8;
	[tilespmem:$0x11B40] =	vst v63  }
0x8d: {  	_ =	swait.ge [sflag:s8], $0x6000  }
0x8e: {  	[sflag:s8] =	ssyncset.done $0x0  }
0x8f: {  	s14 =	rddreg [dreg:$0x9];
	[sflag:s8] =	ssyncadd.s32 $0xFFFFA000  }
0x90: {  	[tilespmem:s31], [sflag:$0x1] =	stream.linear.gather [hbm4b:s14+s4], $0x6000, $0x38;
	[tilespmem:$0x11B40] =	vst v63  }
0x91: {  	_ =	swait.ge [sflag:s1], $0x6000  }
0x92: {  	[sflag:s1] =	ssyncset.done $0x0  }
0x93: {  	s15 =	simm.s32 $0x3E40;
	[sflag:s1] =	ssyncadd.s32 $0xFFFFA000  }
0x94: {  	[hbm4b:s6+s30] =	stream.indirect.scatter [tilespmem:s31], [sflag:$0x3], $0xC0, s15, s30, $0xb8;
	[tilespmem:$0x11B40] =	vst v63  }
0x95: {  	_ =	swait.ge [sflag:s9], $0x6000  }
0x96: {  	[sflag:s9] =	ssyncset.done $0x0  }
0x97: {  	s16 =	rddreg [dreg:$0x18];
	[sflag:s9] =	ssyncadd.s32 $0xFFFFA000  }
0x98: {  	[tilespmem:s0], [sflag:$0x2] =	stream.linear.gather [hbm4b:s16+s4], $0x6000, $0x38;
	[tilespmem:$0x11B40] =	vst v63  }
0x99: {  	_ =	swait.ge [sflag:s5], $0x6000  }
0x9a: {  	[sflag:s5] =	ssyncset.done $0x0  }
0x9b: {  	s17 =	simm.s32 $0x3EC0;
	[sflag:s5] =	ssyncadd.s32 $0xFFFFA000  }
0x9c: {  	[hbm4b:s6+s30] =	stream.indirect.scatter [tilespmem:s0], [sflag:$0x4], $0xC0, s17, s30, $0xb8;
	[tilespmem:$0x11B40] =	vst v63  }
0x9d: {  	_ =	swait.ge [sflag:s8], $0x6000  }
0x9e: {  	[sflag:s8] =	ssyncset.done $0x0  }
0x9f: {  	s12 =	rddreg [dreg:$0xa];
	[sflag:s8] =	ssyncadd.s32 $0xFFFFA000  }
0xa0: {  	[tilespmem:s31], [sflag:$0x1] =	stream.linear.gather [hbm4b:s12+s4], $0x6000, $0x38;
	[tilespmem:$0x11B40] =	vst v63  }
0xa1: {  	_ =	swait.ge [sflag:s1], $0x6000  }
0xa2: {  	[sflag:s1] =	ssyncset.done $0x0  }
0xa3: {  	s13 =	simm.s32 $0x3F40;
	[sflag:s1] =	ssyncadd.s32 $0xFFFFA000  }
0xa4: {  	[hbm4b:s6+s30] =	stream.indirect.scatter [tilespmem:s31], [sflag:$0x3], $0xC0, s13, s30, $0xb8;
	[tilespmem:$0x11B40] =	vst v63  }
0xa5: {  	_ =	swait.ge [sflag:s9], $0x6000  }
0xa6: {  	[sflag:s9] =	ssyncset.done $0x0  }
0xa7: {  	s14 =	rddreg [dreg:$0xb];
	[sflag:s9] =	ssyncadd.s32 $0xFFFFA000  }
0xa8: {  	[tilespmem:s0], [sflag:$0x2] =	stream.linear.gather [hbm4b:s14+s4], $0x6000, $0x38;
	[tilespmem:$0x11B40] =	vst v63  }
0xa9: {  	_ =	swait.ge [sflag:s5], $0x6000  }
0xaa: {  	[sflag:s5] =	ssyncset.done $0x0  }
0xab: {  	s15 =	simm.s32 $0x3FC0;
	[sflag:s5] =	ssyncadd.s32 $0xFFFFA000  }
0xac: {  	[hbm4b:s6+s30] =	stream.indirect.scatter [tilespmem:s0], [sflag:$0x4], $0xC0, s15, s30, $0xb8;
	[tilespmem:$0x11B40] =	vst v63  }
0xad: {  	_ =	swait.ge [sflag:s8], $0x6000  }
0xae: {  	[sflag:s8] =	ssyncset.done $0x0  }
0xaf: {  	s16 =	rddreg [dreg:$0x1b];
	[sflag:s8] =	ssyncadd.s32 $0xFFFFA000  }
0xb0: {  	[tilespmem:s31], [sflag:$0x1] =	stream.linear.gather [hbm4b:s16+s4], $0x6000, $0x38;
	[tilespmem:$0x11B40] =	vst v63  }
0xb1: {  	_ =	swait.ge [sflag:s1], $0x6000  }
0xb2: {  	[sflag:s1] =	ssyncset.done $0x0  }
0xb3: {  	s17 =	simm.s32 $0x4040;
	[sflag:s1] =	ssyncadd.s32 $0xFFFFA000  }
0xb4: {  	[hbm4b:s6+s30] =	stream.indirect.scatter [tilespmem:s31], [sflag:$0x3], $0xC0, s17, s30, $0xb8;
	[tilespmem:$0x11B40] =	vst v63  }
0xb5: {  	_ =	swait.ge [sflag:s9], $0x6000  }
0xb6: {  	[sflag:s9] =	ssyncset.done $0x0  }
0xb7: {  	s12 =	rddreg [dreg:$0xc];
	[sflag:s9] =	ssyncadd.s32 $0xFFFFA000  }
0xb8: {  	[tilespmem:s0], [sflag:$0x2] =	stream.linear.gather [hbm4b:s12+s4], $0x6000, $0x38;
	[tilespmem:$0x11B40] =	vst v63  }
0xb9: {  	_ =	swait.ge [sflag:s5], $0x6000  }
0xba: {  	[sflag:s5] =	ssyncset.done $0x0  }
0xbb: {  	s13 =	simm.s32 $0x40C0;
	[sflag:s5] =	ssyncadd.s32 $0xFFFFA000  }
0xbc: {  	[hbm4b:s6+s30] =	stream.indirect.scatter [tilespmem:s0], [sflag:$0x4], $0xC0, s13, s30, $0xb8;
	[tilespmem:$0x11B40] =	vst v63  }
0xbd: {  	_ =	swait.ge [sflag:s8], $0x6000  }
0xbe: {  	[sflag:s8] =	ssyncset.done $0x0  }
0xbf: {  	s14 =	rddreg [dreg:$0xd];
	[sflag:s8] =	ssyncadd.s32 $0xFFFFA000  }
0xc0: {  	[tilespmem:s31], [sflag:$0x1] =	stream.linear.gather [hbm4b:s14+s4], $0x6000, $0x38;
	[tilespmem:$0x11B40] =	vst v63  }
0xc1: {  	_ =	swait.ge [sflag:s1], $0x6000  }
0xc2: {  	[sflag:s1] =	ssyncset.done $0x0  }
0xc3: {  	s15 =	simm.s32 $0x4140;
	[sflag:s1] =	ssyncadd.s32 $0xFFFFA000  }
0xc4: {  	[hbm4b:s6+s30] =	stream.indirect.scatter [tilespmem:s31], [sflag:$0x3], $0xC0, s15, s30, $0xb8;
	[tilespmem:$0x11B40] =	vst v63  }
0xc5: {  	_ =	swait.ge [sflag:s9], $0x6000  }
0xc6: {  	[sflag:s9] =	ssyncset.done $0x0  }
0xc7: {  	s16 =	rddreg [dreg:$0xe];
	[sflag:s9] =	ssyncadd.s32 $0xFFFFA000  }
0xc8: {  	[tilespmem:s0], [sflag:$0x2] =	stream.linear.gather [hbm4b:s16+s4], $0x6000, $0x38;
	[tilespmem:$0x11B40] =	vst v63  }
0xc9: {  	_ =	swait.ge [sflag:s5], $0x6000  }
0xca: {  	[sflag:s5] =	ssyncset.done $0x0  }
0xcb: {  	s17 =	simm.s32 $0x41C0;
	[sflag:s5] =	ssyncadd.s32 $0xFFFFA000  }
0xcc: {  	[hbm4b:s6+s30] =	stream.indirect.scatter [tilespmem:s0], [sflag:$0x4], $0xC0, s17, s30, $0xb8;
	[tilespmem:$0x11B40] =	vst v63  }
0xcd: {  	_ =	swait.ge [sflag:s8], $0x6000  }
0xce: {  	s12 =	sld [smem:$0x7F6]  }
0xcf: {  	[sflag:s8] =	ssyncset.done $0x0  }
0xd0: {  	[sflag:s8] =	ssyncadd.s32 $0xFFFFA000  }
0xd1: {  	[tilespmem:s31], [sflag:$0x1] =	stream.linear.gather [hbm4b:s12+s4], $0x6000, $0x38;
	[tilespmem:$0x11B40] =	vst v63  }
0xd2: {  	_ =	swait.ge [sflag:s1], $0x6000  }
0xd3: {  	[sflag:s1] =	ssyncset.done $0x0  }
0xd4: {  	s13 =	simm.s32 $0x4240;
	[sflag:s1] =	ssyncadd.s32 $0xFFFFA000  }
0xd5: {  	[hbm4b:s6+s30] =	stream.indirect.scatter [tilespmem:s31], [sflag:$0x3], $0xC0, s13, s30, $0xb8;
	[tilespmem:$0x11B40] =	vst v63  }
0xd6: {  	_ =	swait.ge [sflag:s9], $0x6000  }
0xd7: {  	[sflag:s9] =	ssyncset.done $0x0  }
0xd8: {  	s14 =	rddreg [dreg:$0xf];
	[sflag:s9] =	ssyncadd.s32 $0xFFFFA000  }
0xd9: {  	[tilespmem:s0], [sflag:$0x2] =	stream.linear.gather [hbm4b:s14+s4], $0x6000, $0x38;
	[tilespmem:$0x11B40] =	vst v63  }
0xda: {  	_ =	swait.ge [sflag:s5], $0x6000  }
0xdb: {  	[sflag:s5] =	ssyncset.done $0x0  }
0xdc: {  	s15 =	simm.s32 $0x42C0;
	[sflag:s5] =	ssyncadd.s32 $0xFFFFA000  }
0xdd: {  	[hbm4b:s6+s30] =	stream.indirect.scatter [tilespmem:s0], [sflag:$0x4], $0xC0, s15, s30, $0xb8;
	[tilespmem:$0x11B40] =	vst v63  }
0xde: {  	_ =	swait.ge [sflag:s8], $0x6000  }
0xdf: {  	[sflag:s8] =	ssyncset.done $0x0  }
0xe0: {  	s16 =	rddreg [dreg:$0x10];
	[sflag:s8] =	ssyncadd.s32 $0xFFFFA000  }
0xe1: {  	[tilespmem:s31], [sflag:$0x1] =	stream.linear.gather [hbm4b:s16+s4], $0x6000, $0x38;
	[tilespmem:$0x11B40] =	vst v63  }
0xe2: {  	_ =	swait.ge [sflag:s1], $0x6000  }
0xe3: {  	[sflag:s1] =	ssyncset.done $0x0  }
0xe4: {  	s17 =	simm.s32 $0x4340;
	[sflag:s1] =	ssyncadd.s32 $0xFFFFA000  }
0xe5: {  	[hbm4b:s6+s30] =	stream.indirect.scatter [tilespmem:s31], [sflag:$0x3], $0xC0, s17, s30, $0xb8;
	[tilespmem:$0x11B40] =	vst v63  }
0xe6: {  	_ =	swait.ge [sflag:s9], $0x6000  }
0xe7: {  	s12 =	sld [smem:$0x7F9]  }
0xe8: {  	[sflag:s9] =	ssyncset.done $0x0  }
0xe9: {  	[sflag:s9] =	ssyncadd.s32 $0xFFFFA000  }
0xea: {  	[tilespmem:s0], [sflag:$0x2] =	stream.linear.gather [hbm4b:s12+s4], $0x6000, $0x38;
	[tilespmem:$0x11B40] =	vst v63  }
0xeb: {  	_ =	swait.ge [sflag:s5], $0x6000  }
0xec: {  	[sflag:s5] =	ssyncset.done $0x0  }
0xed: {  	s13 =	simm.s32 $0x43C0;
	[sflag:s5] =	ssyncadd.s32 $0xFFFFA000  }
0xee: {  	[hbm4b:s6+s30] =	stream.indirect.scatter [tilespmem:s0], [sflag:$0x4], $0xC0, s13, s30, $0xb8;
	[tilespmem:$0x11B40] =	vst v63  }
0xef: {  	_ =	swait.ge [sflag:s8], $0x6000  }
0xf0: {  	[sflag:s8] =	ssyncset.done $0x0  }
0xf1: {  	s14 =	rddreg [dreg:$0x11];
	[sflag:s8] =	ssyncadd.s32 $0xFFFFA000  }
0xf2: {  	[tilespmem:s31], [sflag:$0x1] =	stream.linear.gather [hbm4b:s14+s4], $0x6000, $0x38;
	[tilespmem:$0x11B40] =	vst v63  }
0xf3: {  	_ =	swait.ge [sflag:s1], $0x6000  }
0xf4: {  	[sflag:s1] =	ssyncset.done $0x0  }
0xf5: {  	s15 =	simm.s32 $0x4440;
	[sflag:s1] =	ssyncadd.s32 $0xFFFFA000  }
0xf6: {  	[hbm4b:s6+s30] =	stream.indirect.scatter [tilespmem:s31], [sflag:$0x3], $0xC0, s15, s30, $0xb8;
	[tilespmem:$0x11B40] =	vst v63  }
0xf7: {  	_ =	swait.ge [sflag:s9], $0x6000  }
0xf8: {  	s16 =	sld [smem:$0x7FC]  }
0xf9: {  	[sflag:s9] =	ssyncset.done $0x0  }
0xfa: {  	[sflag:s9] =	ssyncadd.s32 $0xFFFFA000  }
0xfb: {  	[tilespmem:s0], [sflag:$0x2] =	stream.linear.gather [hbm4b:s16+s4], $0x6000, $0x38;
	[tilespmem:$0x11B40] =	vst v63  }
0xfc: {  	_ =	swait.ge [sflag:s5], $0x6000  }
0xfd: {  	[sflag:s5] =	ssyncset.done $0x0  }
0xfe: {  	s17 =	simm.s32 $0x44C0;
	[sflag:s5] =	ssyncadd.s32 $0xFFFFA000  }
0xff: {  	[hbm4b:s6+s30] =	stream.indirect.scatter [tilespmem:s0], [sflag:$0x4], $0xC0, s17, s30, $0xb8;
	[tilespmem:$0x11B40] =	vst v63  }
0x100: {  	_ =	swait.ge [sflag:s8], $0x6000  }
0x101: {  	[sflag:s8] =	ssyncset.done $0x0  }
0x102: {  	s12 =	rddreg [dreg:$0x12];
	[sflag:s8] =	ssyncadd.s32 $0xFFFFA000  }
0x103: {  	[tilespmem:s31], [sflag:$0x1] =	stream.linear.gather [hbm4b:s12+s4], $0x6000, $0x38;
	[tilespmem:$0x11B40] =	vst v63  }
0x104: {  	_ =	swait.ge [sflag:s1], $0x6000  }
0x105: {  	[sflag:s1] =	ssyncset.done $0x0  }
0x106: {  	s13 =	simm.s32 $0x4540;
	[sflag:s1] =	ssyncadd.s32 $0xFFFFA000  }
0x107: {  	[hbm4b:s6+s30] =	stream.indirect.scatter [tilespmem:s31], [sflag:$0x3], $0xC0, s13, s30, $0xb8;
	[tilespmem:$0x11B40] =	vst v63  }
0x108: {  	_ =	swait.ge [sflag:s9], $0x6000  }
0x109: {  	[sflag:s9] =	ssyncset.done $0x0  }
0x10a: {  	s14 =	rddreg [dreg:$0x13];
	[sflag:s9] =	ssyncadd.s32 $0xFFFFA000  }
0x10b: {  	[tilespmem:s0], [sflag:$0x2] =	stream.linear.gather [hbm4b:s14+s4], $0x6000, $0x38;
	[tilespmem:$0x11B40] =	vst v63  }
0x10c: {  	_ =	swait.ge [sflag:s5], $0x6000  }
0x10d: {  	[sflag:s5] =	ssyncset.done $0x0  }
0x10e: {  	s15 =	simm.s32 $0x45C0;
	[sflag:s5] =	ssyncadd.s32 $0xFFFFA000  }
0x10f: {  	[hbm4b:s6+s30] =	stream.indirect.scatter [tilespmem:s0], [sflag:$0x4], $0xC0, s15, s30, $0xb8;
	[tilespmem:$0x11B40] =	vst v63  }
0x110: {  	_ =	swait.ge [sflag:s8], $0x6000  }
0x111: {  	[sflag:s8] =	ssyncset.done $0x0  }
0x112: {  	s16 =	rddreg [dreg:$0x14];
	[sflag:s8] =	ssyncadd.s32 $0xFFFFA000  }
0x113: {  	[tilespmem:s31], [sflag:$0x1] =	stream.linear.gather [hbm4b:s16+s4], $0x6000, $0x38;
	[tilespmem:$0x11B40] =	vst v63  }
0x114: {  	_ =	swait.ge [sflag:s1], $0x6000  }
0x115: {  	[sflag:s1] =	ssyncset.done $0x0  }
0x116: {  	s17 =	simm.s32 $0x4640;
	[sflag:s1] =	ssyncadd.s32 $0xFFFFA000  }
0x117: {  	[hbm4b:s6+s30] =	stream.indirect.scatter [tilespmem:s31], [sflag:$0x3], $0xC0, s17, s30, $0xb8;
	[tilespmem:$0x11B40] =	vst v63  }
0x118: {  	_ =	swait.ge [sflag:s9], $0x6000  }
0x119: {  	[sflag:s9] =	ssyncset.done $0x0  }
0x11a: {  	[sflag:s9] =	ssyncadd.s32 $0xFFFFA000  }
0x11b: {  	[tilespmem:s0], [sflag:$0x2] =	stream.linear.gather [hbm4b:s22+s4], $0x6000, $0x38;
	[tilespmem:$0x11B40] =	vst v63  }
0x11c: {  	_ =	swait.ge [sflag:s5], $0x6000  }
0x11d: {  	[sflag:s5] =	ssyncset.done $0x0  }
0x11e: {  	s12 =	simm.s32 $0x46C0;
	[sflag:s5] =	ssyncadd.s32 $0xFFFFA000  }
0x11f: {  	[hbm4b:s6+s30] =	stream.indirect.scatter [tilespmem:s0], [sflag:$0x4], $0xC0, s12, s30, $0xb8;
	[tilespmem:$0x11B40] =	vst v63  }
0x120: {  	_ =	swait.ge [sflag:s8], $0x6000  }
0x121: {  	[sflag:s8] =	ssyncset.done $0x0  }
0x122: {  	s13 =	rddreg [dreg:$0x15];
	[sflag:s8] =	ssyncadd.s32 $0xFFFFA000  }
0x123: {  	[tilespmem:s31], [sflag:$0x1] =	stream.linear.gather [hbm4b:s13+s4], $0x6000, $0x38;
	[tilespmem:$0x11B40] =	vst v63  }
0x124: {  	_ =	swait.ge [sflag:s1], $0x6000  }
0x125: {  	[sflag:s1] =	ssyncset.done $0x0  }
0x126: {  	s14 =	simm.s32 $0x4740;
	[sflag:s1] =	ssyncadd.s32 $0xFFFFA000  }
0x127: {  	[hbm4b:s6+s30] =	stream.indirect.scatter [tilespmem:s31], [sflag:$0x3], $0xC0, s14, s30, $0xb8;
	[tilespmem:$0x11B40] =	vst v63  }
0x128: {  	_ =	swait.ge [sflag:s9], $0x6000  }
0x129: {  	[sflag:s9] =	ssyncset.done $0x0  }
0x12a: {  	s15 =	rddreg [dreg:$0x17];
	[sflag:s9] =	ssyncadd.s32 $0xFFFFA000  }
0x12b: {  	[tilespmem:s0], [sflag:$0x2] =	stream.linear.gather [hbm4b:s15+s4], $0x6000, $0x38;
	[tilespmem:$0x11B40] =	vst v63  }
0x12c: {  	_ =	swait.ge [sflag:s5], $0x6000  }
0x12d: {  	[sflag:s5] =	ssyncset.done $0x0  }
0x12e: {  	s16 =	simm.s32 $0x47C0;
	[sflag:s5] =	ssyncadd.s32 $0xFFFFA000  }
0x12f: {  	[hbm4b:s6+s30] =	stream.indirect.scatter [tilespmem:s0], [sflag:$0x4], $0xC0, s16, s30, $0xb8;
	[tilespmem:$0x11B40] =	vst v63  }
0x130: {  	_ =	swait.ge [sflag:s8], $0x6000  }
0x131: {  	[sflag:s8] =	ssyncset.done $0x0  }
0x132: {  	s17 =	rddreg [dreg:$0x19];
	[sflag:s8] =	ssyncadd.s32 $0xFFFFA000  }
0x133: {  	[tilespmem:s31], [sflag:$0x1] =	stream.linear.gather [hbm4b:s17+s4], $0x6000, $0x38;
	[tilespmem:$0x11B40] =	vst v63  }
0x134: {  	_ =	swait.ge [sflag:s1], $0x6000  }
0x135: {  	[sflag:s1] =	ssyncset.done $0x0  }
0x136: {  	s12 =	simm.s32 $0x4840;
	[sflag:s1] =	ssyncadd.s32 $0xFFFFA000  }
0x137: {  	[hbm4b:s6+s30] =	stream.indirect.scatter [tilespmem:s31], [sflag:$0x3], $0xC0, s12, s30, $0xb8;
	[tilespmem:$0x11B40] =	vst v63  }
0x138: {  	_ =	swait.ge [sflag:s9], $0x6000  }
0x139: {  	[sflag:s9] =	ssyncset.done $0x0  }
0x13a: {  	s13 =	rddreg [dreg:$0x1a];
	[sflag:s9] =	ssyncadd.s32 $0xFFFFA000  }
0x13b: {  	[tilespmem:s0], [sflag:$0x2] =	stream.linear.gather [hbm4b:s13+s4], $0x6000, $0x38;
	[tilespmem:$0x11B40] =	vst v63  }
0x13c: {  	_ =	swait.ge [sflag:s5], $0x6000  }
0x13d: {  	[sflag:s5] =	ssyncset.done $0x0  }
0x13e: {  	s14 =	simm.s32 $0x48C0;
	[sflag:s5] =	ssyncadd.s32 $0xFFFFA000  }
0x13f: {  	[hbm4b:s6+s30] =	stream.indirect.scatter [tilespmem:s0], [sflag:$0x4], $0xC0, s14, s30, $0xb8;
	[tilespmem:$0x11B40] =	vst v63  }
0x140: {  	_ =	swait.ge [sflag:s8], $0x6000  }
0x141: {  	[sflag:s8] =	ssyncset.done $0x0  }
0x142: {  	s15 =	rddreg [dreg:$0x1e];
	[sflag:s8] =	ssyncadd.s32 $0xFFFFA000  }
0x143: {  	[tilespmem:s31], [sflag:$0x1] =	stream.linear.gather [hbm4b:s15+s4], $0x6000, $0x38;
	[tilespmem:$0x11B40] =	vst v63  }
0x144: {  	_ =	swait.ge [sflag:s1], $0x6000  }
0x145: {  	[sflag:s1] =	ssyncset.done $0x0  }
0x146: {  	s16 =	simm.s32 $0x4940;
	[sflag:s1] =	ssyncadd.s32 $0xFFFFA000  }
0x147: {  	[hbm4b:s6+s30] =	stream.indirect.scatter [tilespmem:s31], [sflag:$0x3], $0xC0, s16, s30, $0xb8;
	[tilespmem:$0x11B40] =	vst v63  }
0x148: {  	_ =	swait.ge [sflag:s9], $0x6000  }
0x149: {  	[sflag:s9] =	ssyncset.done $0x0  }
0x14a: {  	s17 =	rddreg [dreg:$0x1c];
	[sflag:s9] =	ssyncadd.s32 $0xFFFFA000  }
0x14b: {  	[tilespmem:s0], [sflag:$0x2] =	stream.linear.gather [hbm4b:s17+s4], $0x6000, $0x38;
	[tilespmem:$0x11B40] =	vst v63  }
0x14c: {  	_ =	swait.ge [sflag:s5], $0x6000  }
0x14d: {  	[sflag:s5] =	ssyncset.done $0x0  }
0x14e: {  	s12 =	simm.s32 $0x49C0;
	[sflag:s5] =	ssyncadd.s32 $0xFFFFA000  }
0x14f: {  	[hbm4b:s6+s30] =	stream.indirect.scatter [tilespmem:s0], [sflag:$0x4], $0xC0, s12, s30, $0xb8;
	[tilespmem:$0x11B40] =	vst v63  }
0x150: {  	_ =	swait.ge [sflag:s8], $0x6000  }
0x151: {  	[sflag:s8] =	ssyncset.done $0x0  }
0x152: {  	s13 =	rddreg [dreg:$0x1d];
	[sflag:s8] =	ssyncadd.s32 $0xFFFFA000  }
0x153: {  	[tilespmem:s31], [sflag:$0x1] =	stream.linear.gather [hbm4b:s13+s4], $0x6000, $0x38;
	[tilespmem:$0x11B40] =	vst v63  }
0x154: {  	_ =	swait.ge [sflag:s1], $0x6000  }
0x155: {  	[sflag:s1] =	ssyncset.done $0x0  }
0x156: {  	s14 =	simm.s32 $0x4A40;
	[sflag:s1] =	ssyncadd.s32 $0xFFFFA000  }
0x157: {  	[hbm4b:s6+s30] =	stream.indirect.scatter [tilespmem:s31], [sflag:$0x3], $0xC0, s14, s30, $0xb8;
	[tilespmem:$0x11B40] =	vst v63  }
0x158: {  	_ =	swait.ge [sflag:s9], $0x6000  }
0x159: {  	[sflag:s9] =	ssyncset.done $0x0  }
0x15a: {  	s15 =	rddreg [dreg:$0x1f];
	[sflag:s9] =	ssyncadd.s32 $0xFFFFA000  }
0x15b: {  	[tilespmem:s0], [sflag:$0x2] =	stream.linear.gather [hbm4b:s15+s4], $0x6000, $0x38;
	[tilespmem:$0x11B40] =	vst v63  }
0x15c: {  	_ =	swait.ge [sflag:s5], $0x6000  }
0x15d: {  	[sflag:s5] =	ssyncset.done $0x0  }
0x15e: {  	s16 =	simm.s32 $0x4AC0;
	[sflag:s5] =	ssyncadd.s32 $0xFFFFA000  }
0x15f: {  	[hbm4b:s6+s30] =	stream.indirect.scatter [tilespmem:s0], [sflag:$0x4], $0xC0, s16, s30, $0xb8;
	[tilespmem:$0x11B40] =	vst v63  }
0x160: {  	_ =	swait.ge [sflag:s8], $0x6000  }
0x161: {  	s17 =	sld [smem:$0x7F5]  }
0x162: {  	[sflag:s8] =	ssyncset.done $0x0  }
0x163: {  	[sflag:s8] =	ssyncadd.s32 $0xFFFFA000  }
0x164: {  	[tilespmem:s31], [sflag:$0x1] =	stream.linear.gather [hbm4b:s17+s4], $0x6000, $0x38;
	[tilespmem:$0x11B40] =	vst v63  }
0x165: {  	_ =	swait.ge [sflag:s1], $0x6000  }
0x166: {  	[sflag:s1] =	ssyncset.done $0x0  }
0x167: {  	s12 =	simm.s32 $0x4B40;
	[sflag:s1] =	ssyncadd.s32 $0xFFFFA000  }
0x168: {  	[hbm4b:s6+s30] =	stream.indirect.scatter [tilespmem:s31], [sflag:$0x3], $0xC0, s12, s30, $0xb8;
	[tilespmem:$0x11B40] =	vst v63  }
0x169: {  	_ =	swait.ge [sflag:s9], $0x6000  }
0x16a: {  	s13 =	sld [smem:$0x7F7]  }
0x16b: {  	[sflag:s9] =	ssyncset.done $0x0  }
0x16c: {  	[sflag:s9] =	ssyncadd.s32 $0xFFFFA000  }
0x16d: {  	[tilespmem:s0], [sflag:$0x2] =	stream.linear.gather [hbm4b:s13+s4], $0x6000, $0x38;
	[tilespmem:$0x11B40] =	vst v63  }
0x16e: {  	_ =	swait.ge [sflag:s5], $0x6000  }
0x16f: {  	[sflag:s5] =	ssyncset.done $0x0  }
0x170: {  	s14 =	simm.s32 $0x4BC0;
	[sflag:s5] =	ssyncadd.s32 $0xFFFFA000  }
0x171: {  	[hbm4b:s6+s30] =	stream.indirect.scatter [tilespmem:s0], [sflag:$0x4], $0xC0, s14, s30, $0xb8;
	[tilespmem:$0x11B40] =	vst v63  }
0x172: {  	_ =	swait.ge [sflag:s8], $0x6000  }
0x173: {  	s15 =	sld [smem:$0x7F8]  }
0x174: {  	[sflag:s8] =	ssyncset.done $0x0  }
0x175: {  	[sflag:s8] =	ssyncadd.s32 $0xFFFFA000  }
0x176: {  	[tilespmem:s31], [sflag:$0x1] =	stream.linear.gather [hbm4b:s15+s4], $0x6000, $0x38;
	[tilespmem:$0x11B40] =	vst v63  }
0x177: {  	_ =	swait.ge [sflag:s1], $0x6000  }
0x178: {  	[sflag:s1] =	ssyncset.done $0x0  }
0x179: {  	s16 =	simm.s32 $0x4C40;
	[sflag:s1] =	ssyncadd.s32 $0xFFFFA000  }
0x17a: {  	[hbm4b:s6+s30] =	stream.indirect.scatter [tilespmem:s31], [sflag:$0x3], $0xC0, s16, s30, $0xb8;
	[tilespmem:$0x11B40] =	vst v63  }
0x17b: {  	_ =	swait.ge [sflag:s9], $0x6000  }
0x17c: {  	s17 =	sld [smem:$0x7FA]  }
0x17d: {  	[sflag:s9] =	ssyncset.done $0x0  }
0x17e: {  	[sflag:s9] =	ssyncadd.s32 $0xFFFFA000  }
0x17f: {  	[tilespmem:s0], [sflag:$0x2] =	stream.linear.gather [hbm4b:s17+s4], $0x6000, $0x38;
	[tilespmem:$0x11B40] =	vst v63  }
0x180: {  	_ =	swait.ge [sflag:s5], $0x6000  }
0x181: {  	[sflag:s5] =	ssyncset.done $0x0  }
0x182: {  	s12 =	simm.s32 $0x4CC0;
	[sflag:s5] =	ssyncadd.s32 $0xFFFFA000  }
0x183: {  	[hbm4b:s6+s30] =	stream.indirect.scatter [tilespmem:s0], [sflag:$0x4], $0xC0, s12, s30, $0xb8;
	[tilespmem:$0x11B40] =	vst v63  }
0x184: {  	_ =	swait.ge [sflag:s8], $0x6000  }
0x185: {  	[sflag:s8] =	ssyncset.done $0x0  }
0x186: {  	[sflag:s8] =	ssyncadd.s32 $0xFFFFA000  }
0x187: {  	[tilespmem:s31], [sflag:$0x1] =	stream.linear.gather [hbm4b:s19+s4], $0x6000, $0x38;
	[tilespmem:$0x11B40] =	vst v63  }
0x188: {  	_ =	swait.ge [sflag:s1], $0x6000  }
0x189: {  	[sflag:s1] =	ssyncset.done $0x0  }
0x18a: {  	s13 =	simm.s32 $0x4D40;
	[sflag:s1] =	ssyncadd.s32 $0xFFFFA000  }
0x18b: {  	[hbm4b:s6+s30] =	stream.indirect.scatter [tilespmem:s31], [sflag:$0x3], $0xC0, s13, s30, $0xb8;
	[tilespmem:$0x11B40] =	vst v63  }
0x18c: {  	_ =	swait.ge [sflag:s9], $0x6000  }
0x18d: {  	s14 =	sld [smem:$0x7FB]  }
0x18e: {  	[sflag:s9] =	ssyncset.done $0x0  }
0x18f: {  	[sflag:s9] =	ssyncadd.s32 $0xFFFFA000  }
0x190: {  	[tilespmem:s0], [sflag:$0x2] =	stream.linear.gather [hbm4b:s14+s4], $0x6000, $0x38;
	[tilespmem:$0x11B40] =	vst v63  }
0x191: {  	_ =	swait.ge [sflag:s5], $0x6000  }
0x192: {  	[sflag:s5] =	ssyncset.done $0x0  }
0x193: {  	s15 =	simm.s32 $0x4DC0;
	[sflag:s5] =	ssyncadd.s32 $0xFFFFA000  }
0x194: {  	[hbm4b:s6+s30] =	stream.indirect.scatter [tilespmem:s0], [sflag:$0x4], $0xC0, s15, s30, $0xb8;
	[tilespmem:$0x11B40] =	vst v63  }
0x195: {  	_ =	swait.ge [sflag:s8], $0x6000  }
0x196: {  	s16 =	sld [smem:$0x7FD]  }
0x197: {  	[sflag:s8] =	ssyncset.done $0x0  }
0x198: {  	[sflag:s8] =	ssyncadd.s32 $0xFFFFA000  }
0x199: {  	[tilespmem:s31], [sflag:$0x1] =	stream.linear.gather [hbm4b:s16+s4], $0x6000, $0x38;
	[tilespmem:$0x11B40] =	vst v63  }
0x19a: {  	_ =	swait.ge [sflag:s1], $0x6000  }
0x19b: {  	[sflag:s1] =	ssyncset.done $0x0  }
0x19c: {  	s17 =	simm.s32 $0x4E40;
	[sflag:s1] =	ssyncadd.s32 $0xFFFFA000  }
0x19d: {  	[hbm4b:s6+s30] =	stream.indirect.scatter [tilespmem:s31], [sflag:$0x3], $0xC0, s17, s30, $0xb8;
	[tilespmem:$0x11B40] =	vst v63  }
0x19e: {  	_ =	swait.ge [sflag:s9], $0x6000  }
0x19f: {  	[sflag:s9] =	ssyncset.done $0x0  }
0x1a0: {  	[sflag:s9] =	ssyncadd.s32 $0xFFFFA000  }
0x1a1: {  	[tilespmem:s0], [sflag:$0x2] =	stream.linear.gather [hbm4b:s18+s4], $0x6000, $0x38;
	[tilespmem:$0x11B40] =	vst v63  }
0x1a2: {  	_ =	swait.ge [sflag:s5], $0x6000  }
0x1a3: {  	[sflag:s5] =	ssyncset.done $0x0  }
0x1a4: {  	s12 =	simm.s32 $0x4EC0;
	[sflag:s5] =	ssyncadd.s32 $0xFFFFA000  }
0x1a5: {  	[hbm4b:s6+s30] =	stream.indirect.scatter [tilespmem:s0], [sflag:$0x4], $0xC0, s12, s30, $0xb8;
	[tilespmem:$0x11B40] =	vst v63  }
0x1a6: {  	_ =	swait.ge [sflag:s8], $0x6000  }
0x1a7: {  	[sflag:s8] =	ssyncset.done $0x0  }
0x1a8: {  	[sflag:s8] =	ssyncadd.s32 $0xFFFFA000  }
0x1a9: {  	[tilespmem:s31], [sflag:$0x1] =	stream.linear.gather [hbm4b:s20+s4], $0x6000, $0x38;
	[tilespmem:$0x11B40] =	vst v63  }
0x1aa: {  	_ =	swait.ge [sflag:s1], $0x6000  }
0x1ab: {  	[sflag:s1] =	ssyncset.done $0x0  }
0x1ac: {  	s13 =	simm.s32 $0x4F40;
	[sflag:s1] =	ssyncadd.s32 $0xFFFFA000  }
0x1ad: {  	[hbm4b:s6+s30] =	stream.indirect.scatter [tilespmem:s31], [sflag:$0x3], $0xC0, s13, s30, $0xb8;
	[tilespmem:$0x11B40] =	vst v63  }
0x1ae: {  	_ =	swait.ge [sflag:s9], $0x6000  }
0x1af: {  	[sflag:s9] =	ssyncset.done $0x0  }
0x1b0: {  	[sflag:s9] =	ssyncadd.s32 $0xFFFFA000  }
0x1b1: {  	[tilespmem:s0], [sflag:$0x2] =	stream.linear.gather [hbm4b:s21+s4], $0x6000, $0x38;
	[tilespmem:$0x11B40] =	vst v63  }
0x1b2: {  	_ =	swait.ge [sflag:s5], $0x6000  }
0x1b3: {  	[sflag:s5] =	ssyncset.done $0x0  }
0x1b4: {  	s14 =	simm.s32 $0x4FC0;
	[sflag:s5] =	ssyncadd.s32 $0xFFFFA000  }
0x1b5: {  	[hbm4b:s6+s30] =	stream.indirect.scatter [tilespmem:s0], [sflag:$0x4], $0xC0, s14, s30, $0xb8;
	[tilespmem:$0x11B40] =	vst v63  }
0x1b6: {  	_ =	swait.ge [sflag:s8], $0x6000  }
0x1b7: {  	[sflag:s8] =	ssyncset.done $0x0  }
0x1b8: {  	[sflag:s8] =	ssyncadd.s32 $0xFFFFA000  }
0x1b9: {  	[tilespmem:s31], [sflag:$0x1] =	stream.linear.gather [hbm4b:s24+s4], $0x6000, $0x38;
	[tilespmem:$0x11B40] =	vst v63  }
0x1ba: {  	_ =	swait.ge [sflag:s1], $0x6000  }
0x1bb: {  	[sflag:s1] =	ssyncset.done $0x0  }
0x1bc: {  	s15 =	simm.s32 $0x5040;
	[sflag:s1] =	ssyncadd.s32 $0xFFFFA000  }
0x1bd: {  	[hbm4b:s6+s30] =	stream.indirect.scatter [tilespmem:s31], [sflag:$0x3], $0xC0, s15, s30, $0xb8;
	[tilespmem:$0x11B40] =	vst v63  }
0x1be: {  	_ =	swait.ge [sflag:s9], $0x6000  }
0x1bf: {  	[sflag:s9] =	ssyncset.done $0x0  }
0x1c0: {  	[sflag:s9] =	ssyncadd.s32 $0xFFFFA000  }
0x1c1: {  	[tilespmem:s0], [sflag:$0x2] =	stream.linear.gather [hbm4b:s25+s4], $0x6000, $0x38;
	[tilespmem:$0x11B40] =	vst v63  }
0x1c2: {  	_ =	swait.ge [sflag:s5], $0x6000  }
0x1c3: {  	[sflag:s5] =	ssyncset.done $0x0  }
0x1c4: {  	s16 =	simm.s32 $0x50C0;
	[sflag:s5] =	ssyncadd.s32 $0xFFFFA000  }
0x1c5: {  	[hbm4b:s6+s30] =	stream.indirect.scatter [tilespmem:s0], [sflag:$0x4], $0xC0, s16, s30, $0xb8;
	[tilespmem:$0x11B40] =	vst v63  }
0x1c6: {  	_ =	swait.ge [sflag:s8], $0x6000  }
0x1c7: {  	[sflag:s8] =	ssyncset.done $0x0  }
0x1c8: {  	[sflag:s8] =	ssyncadd.s32 $0xFFFFA000  }
0x1c9: {  	_ =	swait.ge [sflag:s9], $0x6000  }
0x1ca: {  	s10 =	sadd.s32 $0x1, s10;
	s17 =	rddreg [dreg:$0x16]  }
0x1cb: {  	p0 =	sne.s32 s10, s17  }
.Ltmp4:
0x1cc: {  	_ = 	snop;
	(pc) =	sbr.rel @p0 .LBB2_1-.Ltmp4, $3  }
0x1cd: {  	_ =	sdelay $0x1  }
0x1ce: {  	[sflag:s9] =	ssyncset.done $0x0  }
0x1cf: {  	[sflag:s9] =	ssyncadd.s32 $0xFFFFA000  }
0x1d0: {  	_ =	sfence.sel $0x180000  }
0x1d1: {  	[bflag:$0x0] =	sbarrier.arrive $0xFFFF  }
0x1d2: {  	_ =	strace $0x9000004A  }
0x1d3: {  	s0 =	stileid.u32;
	[bflag:$0x2] =	sbarrier.arrive $0xFFFF  }
0x1d4: {  	p0 =	sne.s32 s0, $0x0;
	s0 =	rddreg [dreg:$0x4]  }
0x1d5: {  	s0 =	sadd.s32 @!p0 $0x100000, s0  }
0x1d6: {  	[sflag:s0] =	ssyncadd.tile.s32 @!p0 $0x1;
	_ =	shalt  }
.Lfunc_end2:
_tile_overlayer_lowered:
.L_overlay_start_2:
0x1d7: {  	(tag) =	ssettag $0x2  }
0x1d8: {  	s0 =	rddreg [dreg:$0x0];
	s2 =	stileid.u32  }
0x1d9: {  	s1 =	rddreg [dreg:$0x1];
	p0 =	sne.s32 s2, $0x0  }
0x1da: {  	s3 =	rddreg [dreg:$0x2];
	[bflag:$0x3] =	sbarrier.arrive $0xFFFF;
	s2 =	simm.s32 @!p0 $0x1C05  }
0x1db: {  	[timem:s3], [sflag:s2] =	dma.local @!p0 [hbm:s0], s1  }
0x1dc: {  	s0 =	simm.s32 @!p0 $0x5  }
0x1dd: {  	_ =	swait.ge @!p0 [sflag:s0], s1  }
0x1de: {  	s1 =	ssub.s32 @!p0 $0x0, s1;
	[sflag:s0] =	ssyncset.done @!p0 $0x0  }
0x1df: {  	[sflag:s0] =	ssyncadd.s32 @!p0 s1  }
0x1e0: {  	[bflag:$0x3] =	sbarrier.arrive $0xFFFF  }
0x1e1: {  	_ =	shalt  }

// kernel: sparse-core-data-format-call.cloned.1.call-start
scs
called_computation_lowered:
.L_overlay_start_0:
0x0: {  	s2 =	sld [smem:$0x3FD9]  }
0x1: {  	s3 =	sld [smem:$0x3FFE];
	_ =	sdelay $0x1  }
0x2: {  	s1 =	srdreg.scid  }
0x3: {  	s0 =	sand.u32 $0x1, s1  }
0x4: {  	s15 =	sshll.u32 s0, $0xA;
	s2 =	sadd.s32 s3, s2  }
0x5: {  	s2 =	sadd.s32 s2, s15  }
0x6: {  	[smem:$0x3FC6] =	sst s2  }
0x7: {  	_ = 	snop  }
0x8: {  	s2 =	sld [smem:$0x3FD0];
	_ =	sdelay $0x2  }
0x9: {  	s16 =	simm.s32 $0xA;
	s4 =	simm.s32 $0x10  }
0xa: {  	[smem:s4], [sflag:s16] =	dma.local [hbm:s2], $0x1  }
0xb: {  	_ =	swait.eq [sflag:s16], $0x1  }
0xc: {  	[sflag:s16] =	ssyncset.done $0x0  }
0xd: {  	[sflag:s16] =	ssyncadd.s32 $0xFFFFFFFF  }
0xe: {  	s17 =	sld [smem:$0x10];
	(tm) =	ssettm $0x1  }
0xf: {  	s18 =	sld [smem:$0x3FFB];
	_ =	sdelay $0x3  }
0x10: {  	_ =	strace s18  }
0x11: {  	s3 =	sld [smem:$0x3FFC];
	_ =	sdelay $0x3  }
0x12: {  	_ =	strace s3  }
0x13: {  	s3 =	sld [smem:$0x3FFD];
	_ =	sdelay $0x3  }
0x14: {  	_ =	strace s3  }
0x15: {  	_ =	strace $0x8FFFFFFF  }
0x16: {  	s19 =	sld [smem:$0x3FDB];
	_ =	sdelay $0x1  }
0x17: {  	s20 =	simm.s32 $_scs_section_size  }
0x18: {  	s5 =	simm.s32 $_size__tile_overlayer_lowered;
	s6 =	simm.s32 $_tile_overlayer_lowered  }
0x19: {  	s23 =	simm.s32 $0x1BFF;
	s22 =	sshll.u32 s6, $0x1;
	s3 =	sadd.s32 s20, s19  }
0x1a: {  	s7 =	simm.s32 $0x0;
	s21 =	sshll.u32 s5, $0x1;
	s5 =	sadd.s32 s22, s3  }
0x1b: {  	[timem:s7], [sflag:s23] =	dma.local [hbm:s5], s21  }
0x1c: {  	_ =	swait.ge [sflag:s23], s21  }
0x1d: {  	s4 =	ssub.s32 $0x0, s21;
	[sflag:s23] =	ssyncset.done $0x0  }
0x1e: {  	[sflag:s23] =	ssyncadd.s32 s4;
	_ =	sdelay $0x1  }
0x1f: {  	s24 =	simm.s32 $0x1B8B  }
0x20: {  	_ =	swait.ge [sflag:s24], $0x1  }
0x21: {  	[sflag:s24] =	ssyncset.done $0x0  }
0x22: {  	s26 =	simm.s32 $0x1B8E;
	s25 =	sld [smem:$0x3FFE];
	[sflag:s24] =	ssyncadd.s32 $0xFFFFFFFF  }
0x23: {  	s27 =	simm.s32 $execute0_lowered;
	[smem:$0x3FD2] =	sst s26  }
0x24: {  	s5 =	sshll.u32 s27, $0x1;
	_ =	strace $0x8000004C;
	[dreg:$0x1] =	wrdreg $0xFFFFFFFF  }
0x25: {  	s28 =	simm.s32 $_size_execute0_lowered;
	s3 =	sadd.s32 s3, s5;
	[dreg:$0x0] =	wrdreg $0x0  }
0x26: {  	s5 =	sshll.u32 s28, $0x1;
	[dreg:$0x2] =	wrdreg s3  }
0x27: {  	[dreg:$0x3] =	wrdreg s5  }
0x28: {  	[dreg:$0x4] =	wrdreg $0xC0  }
0x29: {  	_ =	task [dreg:s7], $0x5FFFF  }
0x2a: {  	[dreg:$0x1] =	wrdreg $0xFFFFFFFF  }
0x2b: {  	[dreg:$0x0] =	wrdreg $0x60  }
0x2c: {  	[dreg:$0x2] =	wrdreg s25  }
0x2d: {  	[dreg:$0x3] =	wrdreg s17  }
0x2e: {  	[dreg:$0x4] =	wrdreg $0x9  }
0x2f: {  	_ =	task.clear_ibuf [dreg:s7], $0x5FFFF;
	_ =	strace $0x9000004C  }
0x30: {  	s29 =	simm.s32 $0x9;
	_ =	strace $0x8000004E  }
0x31: {  	_ =	swait.ge [sflag:s29], $0x1  }
0x32: {  	[sflag:s29] =	ssyncadd.s32 $0xFFFFFFFF  }
0x33: {  	_ =	strace $0x9000004E  }
0x34: {  	_ =	sfence  }
0x35: {  	s30 =	sld [smem:$0x0];
	_ =	sdelay $0x2  }
0x36: {  	s31 =	sshll.u32 s1, $0xD;
	s1 =	sshrl.u32 s1, $0x2  }
0x37: {  	s3 =	sand.u32 $0x4000, s31;
	s1 =	sadd.s32 s1, s30  }
0x38: {  	s0 =	sor.u32 s3, s0;
	s1 =	sshll.u32 s1, $0x11  }
0x39: {  	s0 =	sor.u32 s1, s0  }
0x3a: {  	s0 =	sadd.s32 $0x8F2B, s0  }
0x3b: {  	[sflag:s0] =	ssyncadd.remote.s32 $0x1  }
0x3c: {  	_ =	sfence.sel $0xFFFF  }
0x3d: {  	[dreg:$0x0] =	wrdreg $0xFFFFFFFF;
	(pc) =	sbr.abs _section_cstart, $3  }
0x3e: {  	[dreg:$0x1] =	wrdreg $0xFFFFFFFF  }
0x3f: {  	_ =	task.clear_ibuf [dreg:s7], $0x2FFFF;
	_ =	strace $0x9FFFFFFF  }
0x40: {  	(tm) =	ssettm $0x7FFFFFFF  }
0x41: {  	_ =	shalt  }
tec
execute0_lowered:
.L_overlay_start_1:
0x0: {  	(tag) =	ssettag $0x1  }
0x1: {  	s1 =	rddreg [dreg:$0x0]  }
0x2: {  	s2 =	rddreg [dreg:$0x1]  }
0x3: {  	s0 =	rddreg [dreg:$0x2]  }
0x4: {  	s4 =	srdreg.scid;
	_ =	strace $0x8000004D;
	s6 =	simm.s32 $0x2  }
0x5: {  	s14 =	simm.s32 $0x0;
	p0 =	por $0x0, $0x0;
	s15 =	simm.s32 $0x0  }
0x6: {  	s16 =	simm.s32 $0x0;
	s7 =	simm.s32 $0x0;
	s9 =	simm.s32 $0x0  }
.Ltmp0:
0x7: {  	s10 =	simm.s32 $0x0;
	s11 =	simm.s32 $0x0;
	(pc) =	sbr.rel .LBB1_1-.Ltmp0, $4  }
0x8: {  	s12 =	simm.s32 $0x0;
	s3 =	sadd.s32 $0x3C4200, s1;
	s4 =	sshll.u32 s4, $0x4  }
0x9: {  	s1 =	stileid.u32;
	s5 =	sand.u32 $0x10, s4;
	s4 =	simm.s32 $0x1  }
0xa: {  	s8 =	simm.s32 $0x0;
	s5 =	sor.u32 s1, s5;
	[sflag:s4] =	ssyncpa.u1 $0x0  }
0xb: {  	[sflag:s6] =	ssyncpa.u1 $0x0;
	s6 =	simm.s32 $0x800;
	s13 =	smov.u32 s5  }
.LBB1_5:
0xc: {  	p1 =	slt.u32 s8, $0x2  }
0xd: {  	p2 =	sgt.s32 @!p1 s16, $0x27F  }
0xe: {  	s17 =	smov.u32 s16;
	s18 =	sshra.s32 @!p1 s16, $0x1F;
	p2 =	por !p2, p1  }
0xf: {  	s16 =	sand.u32 @!p1 s18, s16;
	s17 =	simm.s32 @p2 $0x27F  }
0x10: {  	p3 =	sgt.s32 @!p1 s15, $0x80;
	s16 =	ssub.s32 @!p1 s17, s16  }
0x11: {  	p3 =	por !p3, p1;
	s18 =	sshra.s32 @!p1 s15, $0x1F;
	s17 =	sadd.s32 @!p1 $0xFFFFFD81, s16  }
0x12: {  	s16 =	ssub.s32 @!p1 $0x280, s16;
	p2 =	sgt.s32 @!p1 s17, $0x0;
	s17 =	smov.u32 s15  }
0x13: {  	s15 =	sand.u32 @!p1 s18, s15;
	s17 =	simm.s32 @p3 $0x80;
	p3 =	sgt.s32 @!p1 s14, $0x40  }
0x14: {  	s18 =	smov.u32 s14;
	p2 =	por !p2, p1;
	p3 =	por !p3, p1  }
0x15: {  	s15 =	ssub.s32 @!p1 s17, s15;
	s17 =	sshra.s32 @!p1 s14, $0x1F;
	s16 =	simm.s32 @!p2 $0x0  }
0x16: {  	s18 =	simm.s32 @p3 $0x40;
	s14 =	sand.u32 @!p1 s17, s14;
	s17 =	sadd.s32 @!p1 $0xFFFFFF80, s15  }
0x17: {  	s15 =	ssub.s32 @!p1 $0x100, s15;
	s14 =	ssub.s32 @!p1 s18, s14;
	p2 =	sgt.s32 @!p1 s17, $0x7F  }
0x18: {  	s18 =	smov.u32 s12;
	s17 =	sadd.s32 @!p1 $0xFFFFFFC0, s14;
	p2 =	por !p2, p1  }
0x19: {  	s14 =	ssub.s32 @!p1 $0xC0, s14;
	p3 =	sgt.s32 @!p1 s17, $0x7F;
	s15 =	simm.s32 @!p2 $0x0  }
0x1a: {  	s17 =	sadd.s32 $0x80, s11;
	p2 =	por !p3, p1;
	s15 =	smul.u32 @!p1 s16, s15  }
0x1b: {  	s16 =	sadd.s32 $0x80, s12;
	s14 =	simm.s32 @!p2 $0x0;
	p2 =	sgt.s32 s17, $0xBF  }
0x1c: {  	s19 =	smov.u32 s13;
	s18 =	smov.u32 @p2 s16  }
0x1d: {  	s14 =	smul.u32 @!p1 s14, s15;
	s15 =	sadd.s32 $0x20, s13;
	p3 =	sgt.s32 s18, $0xFF  }
0x1e: {  	s8 =	sadd.s32 $0x1, s8;
	p0 =	por !p0, !p0;
	s19 =	smov.u32 @p3 s15  }
0x1f: {  	s20 =	simm.s32 @!p1 $0x2;
	s17 =	simm.s32 @p2 $0x0;
	p2 =	sgt.s32 s19, $0x27F  }
0x20: {  	s16 =	smov.u32 s10;
	s19 =	smov.u32 @p2 s5;
	p2 =	sne.s32 s8, $0x52  }
.Ltmp1:
0x21: {  	s10 =	smov.u32 s13;
	s14 =	sand.u32 @!p1 $0x3FFFFFFF, s14;
	(pc) =	sbr.rel @!p2 .LBB1_6-.Ltmp1, $4  }
0x22: {  	s18 =	simm.s32 @p3 $0x0;
	s15 =	smov.u32 s9;
	s9 =	smov.u32 s12  }
0x23: {  	_ =	swait.ge @!p1 [sflag:s20], s14;
	s21 =	ssub.s32 @!p1 $0x0, s14;
	s14 =	smov.u32 s7  }
0x24: {  	s7 =	smov.u32 s11;
	s11 =	smov.u32 s17;
	[sflag:s20] =	ssyncset.done @!p1 $0x0  }
0x25: {  	s12 =	smov.u32 s18;
	[sflag:s20] =	ssyncadd.s32 @!p1 s21;
	s13 =	smov.u32 s19  }
.LBB1_1:
0x26: {  	p1 =	sgt.u32 s8, $0x4F  }
0x27: {  	s17 =	sxor.u32 @!p1 $0xFFFFFFFF, s8  }
0x28: {  	s18 =	sshll.u32 @!p1 s12, $0x8;
	s19 =	sshll.u32 @!p1 s11, $0x3;
	s20 =	sshll.u32 @!p1 s12, $0x7  }
0x29: {  	s21 =	sand.u32 @!p1 $0x78, s11;
	s18 =	sand.u32 @!p1 $0xF800, s18;
	s19 =	sand.u32 @!p1 $0xFC00, s19  }
0x2a: {  	s17 =	sshll.u32 @!p1 s17, $0xE;
	s18 =	sadd.s32 @!p1 s18, s19;
	s19 =	sand.u32 @!p1 $0x300, s20  }
0x2b: {  	s17 =	sand.u32 @!p1 $0x4000, s17;
	s18 =	sor.u32 @!p1 s19, s18;
	s19 =	sand.u32 @!p1 $0x80, s20  }
0x2c: {  	s20 =	sshll.u32 @!p1 s13, $0xD;
	s19 =	sor.u32 @!p1 s21, s19;
	s18 =	sshrl.u32 @!p1 s18, $0x3  }
0x2d: {  	s20 =	sadd.s32 @!p1 s3, s20;
	s21 =	sand.u32 @!p1 $0x7, s11;
	s19 =	sshrl.u32 @!p1 s19, $0x3  }
0x2e: {  	s18 =	sand.u32 @!p1 $0x1FE0, s18;
	s19 =	sadd.s32 @!p1 s19, s20;
	s20 =	sshll.u32 @!p1 s21, $0x12  }
0x2f: {  	s18 =	sadd.s32 @!p1 s18, s19;
	s19 =	sor.u32 @!p1 $0x400, s20;
	s20 =	simm.s32 @!p1 $0x800  }
0x30: {  	[tilespmem:s17], [sflag:$0x1] =	stream.strided.gather @!p1 [hbm4b:s18+s19], $0x4000, s20, s19, $0x38;
	[tilespmem:$0x10100] =	vst v63  }
0x31: {  	p1 =	seq.s32 s8, $0x0  }
0x32: {  	p2 =	seq.s32 @!p1 s8, $0x51  }
0x33: {  	p1 =	por p1, p2  }
.Ltmp2:
0x34: {  	_ = 	snop;
	(pc) =	sbr.rel @p1 .LBB1_5-.Ltmp2, $1  }
0x35: {  	_ =	sdelay $0x3  }
0x36: {  	s17 =	simm.s32 $0x1  }
0x37: {  	_ =	swait.ge [sflag:s4], $0x4000;
	s17 =	simm.s32 @!p0 $0x0  }
0x38: {  	[sflag:s4] =	ssyncset.done $0x0;
	s18 =	sshll.u32 s17, $0xE  }
0x39: {  	[sflag:s4] =	ssyncadd.s32 $0xFFFFC000;
	s18 =	sor.u32 $0x40, s18  }
0x3a: {  	s17 =	smul.u32 $0x10200, s17;
	v0 =	vld [tilespmem:s18+$0x30]  }
0x3b: {  	v1 =	vld [tilespmem:s18+$0xFFFFFFD0]  }
0x3c: {  	s17 =	sshrl.u32 s17, $0x2;
	v5 =	vld [tilespmem:s18+$0xFFFFFFE0]  }
0x3d: {  	v6 =	vld [tilespmem:s18+$0xFFFFFFF0];
	s20 =	sor.u32 $0x8000, s17  }
0x3e: {  	s31 =	sand.u32 $0x1, s8;
	v4 =	vld [tilespmem:s18+$0x0];
	s19 =	sadd.s32 $0x0, s20  }
0x3f: {  	v3 =	vld [tilespmem:s18+$0x10];
	s17 =	smul.u32 $0x10200, s31;
	[tilespmem:s19+$0x3870 ss:$0x81] =	vst.msk $0xffff, v0  }
0x40: {  	v2 =	vld [tilespmem:s18+$0x20];
	[tilespmem:s19+$0x810 ss:$0x81] =	vst.msk $0xffff, v1  }
0x41: {  	s17 =	sshrl.u32 s17, $0x2;
	v1 =	vld [tilespmem:s18+$0xFFFFFFC0];
	[tilespmem:s19+$0x1020 ss:$0x81] =	vst.msk $0xffff, v5;
	s18 =	sadd.s32 $0x80, s18  }
0x42: {  	s21 =	simm.s32 $0x4;
	s22 =	simm.s32 $0x8;
	s17 =	sor.u32 $0x8000, s17;
	[tilespmem:s19+$0x1830 ss:$0x81] =	vst.msk $0xffff, v6;
	v0 =	vld [tilespmem:s18+$0x30]  }
.LBB1_3:
0x43: {  	p1 =	sne.s32 s22, $0x1FC;
	v5 =	vld [tilespmem:s18+$0xFFFFFFD0];
	[tilespmem:s19+$0x2040 ss:$0x81] =	vst.msk $0xffff, v4  }
0x44: {  	v6 =	vld [tilespmem:s18+$0xFFFFFFE0];
	[tilespmem:s19+$0x2850 ss:$0x81] =	vst.msk $0xffff, v3  }
0x45: {  	s23 =	sshra.s32 s21, $0x2;
	s21 =	smov.u32 s22;
	v7 =	vld [tilespmem:s18+$0xFFFFFFF0];
	[tilespmem:s19+$0x3060 ss:$0x81] =	vst.msk $0xffff, v2  }
.Ltmp3:
0x46: {  	v4 =	vld [tilespmem:s18+$0x0];
	[tilespmem:s19+$0x0 ss:$0x81] =	vst.msk $0xffff, v1;
	s19 =	sadd.s32 s23, s20;
	(pc) =	sbr.rel @p1 .LBB1_3-.Ltmp3, $4  }
0x47: {  	v3 =	vld [tilespmem:s18+$0x10];
	[tilespmem:s19+$0x3870 ss:$0x81] =	vst.msk $0xffff, v0  }
0x48: {  	[tilespmem:s19+$0x810 ss:$0x81] =	vst.msk $0xffff, v5;
	v2 =	vld [tilespmem:s18+$0x20]  }
0x49: {  	v1 =	vld [tilespmem:s18+$0xFFFFFFC0];
	[tilespmem:s19+$0x1020 ss:$0x81] =	vst.msk $0xffff, v6;
	s18 =	sadd.s32 $0x80, s18  }
0x4a: {  	s22 =	sadd.s32 $0x4, s22;
	v0 =	vld [tilespmem:s18+$0x30];
	[tilespmem:s19+$0x1830 ss:$0x81] =	vst.msk $0xffff, v7  }
0x4b: {  	s22 =	sshll.u32 s7, $0x8;
	s23 =	sshll.u32 s9, $0x3;
	s24 =	sshll.u32 s7, $0x7  }
0x4c: {  	s21 =	sshra.s32 s21, $0x2;
	p1 =	sgt.s32 s10, $0x27F;
	s25 =	sshra.s32 s10, $0x1F  }
0x4d: {  	p2 =	sgt.s32 s9, $0x80;
	s26 =	smov.u32 s9;
	s27 =	sshra.s32 s9, $0x1F  }
0x4e: {  	s28 =	sshra.s32 s7, $0x1F;
	s22 =	sand.u32 $0xFFFFF800, s22;
	s23 =	sand.u32 $0xFFFFFC00, s23  }
0x4f: {  	s30 =	sand.u32 $0x300, s24;
	s25 =	sand.u32 s25, s10;
	s20 =	sadd.s32 s21, s20  }
0x50: {  	s26 =	simm.s32 @!p2 $0x80;
	s31 =	sand.u32 s27, s9;
	p2 =	sgt.s32 s7, $0x40  }
0x51: {  	s27 =	smov.u32 s7;
	s22 =	sadd.s32 s23, s22;
	s23 =	smov.u32 s10  }
0x52: {  	v5 =	vld [tilespmem:s18+$0xFFFFFFD0];
	s24 =	sand.u32 $0x80, s24;
	s22 =	sor.u32 s30, s22;
	s23 =	simm.s32 @!p1 $0x27F  }
0x53: {  	[tilespmem:s19+$0x2040 ss:$0x81] =	vst.msk $0xffff, v4;
	v58 =	vld [tilespmem:s18+$0xFFFFFFE0];
	s27 =	simm.s32 @!p2 $0x40;
	s22 =	sshrl.u32 s22, $0x8;
	s23 =	ssub.s32 s23, s25  }
0x54: {  	[tilespmem:s19+$0x2850 ss:$0x81] =	vst.msk $0xffff, v3;
	s21 =	smulhi.u32 $0x1555556, s22;
	s25 =	sadd.s32 $0xFFFFFD81, s23;
	s23 =	ssub.s32 $0x280, s23  }
0x55: {  	v59 =	vld [tilespmem:s18+$0xFFFFFFF0];
	[tilespmem:s19+$0x3060 ss:$0x81] =	vst.msk $0xffff, v2;
	p1 =	sgt.s32 s25, $0x0;
	s25 =	ssub.s32 s26, s31;
	s26 =	sand.u32 s28, s7  }
0x56: {  	v60 =	vld [tilespmem:s18+$0x0];
	[tilespmem:s19+$0x0 ss:$0x81] =	vst.msk $0xffff, v1;
	s23 =	simm.s32 @p1 $0x0;
	s29 =	ssub.s32 s27, s26;
	s30 =	sadd.s32 $0xFFFFFF80, s25  }
0x57: {  	v61 =	vld [tilespmem:s18+$0x10];
	[tilespmem:s20+$0x3870 ss:$0x81] =	vst.msk $0xffff, v0;
	s25 =	ssub.s32 $0x100, s25;
	s21 =	smul.u32 $0xC0, s21;
	s26 =	sand.u32 $0x78, s9  }
0x58: {  	v62 =	vld [tilespmem:s18+$0x20];
	[tilespmem:s20+$0x810 ss:$0x81] =	vst.msk $0xffff, v5;
	s27 =	smul.u32 $0x1800, s10;
	p1 =	sgt.s32 s30, $0x7F;
	s31 =	sadd.s32 $0xFFFFFFC0, s29  }
0x59: {  	v63 =	vld [tilespmem:s18+$0xFFFFFFC0];
	[tilespmem:s20+$0x1020 ss:$0x81] =	vst.msk $0xffff, v58;
	s19 =	ssub.s32 $0xC0, s29;
	s18 =	sor.u32 s26, s24;
	s25 =	simm.s32 @p1 $0x0  }
0x5a: {  	[tilespmem:s20+$0x1830 ss:$0x81] =	vst.msk $0xffff, v59;
	s29 =	sand.u32 $0x7, s9;
	p2 =	sgt.s32 s31, $0x7F;
	s23 =	smul.u32 s23, s25  }
.Ltmp4:
0x5b: {  	[tilespmem:s20+$0x2040 ss:$0x81] =	vst.msk $0xffff, v60;
	s21 =	ssub.s32 s22, s21;
	s19 =	simm.s32 @p2 $0x0;
	(pc) =	sbr.rel .LBB1_5-.Ltmp4, $4  }
0x5c: {  	[tilespmem:s20+$0x2850 ss:$0x81] =	vst.msk $0xffff, v61;
	s18 =	sshrl.u32 s18, $0x3;
	s28 =	sadd.s32 s2, s27;
	s19 =	smul.u32 s19, s23  }
0x5d: {  	[tilespmem:s20+$0x3060 ss:$0x81] =	vst.msk $0xffff, v62;
	s30 =	sshll.u32 s29, $0x12;
	s21 =	sshll.u32 s21, $0x5;
	s18 =	sadd.s32 s18, s28  }
0x5e: {  	[tilespmem:s20+$0x0 ss:$0x81] =	vst.msk $0xffff, v63;
	s31 =	sor.u32 $0x400, s30;
	s18 =	sadd.s32 s21, s18;
	s19 =	sand.u32 $0x3FFFFFFF, s19  }
0x5f: {  	[hbm4b:s18+s31] =	stream.strided.scatter [tilespmem:s17], [sflag:$0x2], s19, s6, s31, $0x20;
	[tilespmem:$0x10100] =	vst v63  }
.LBB1_6:
0x60: {  	_ =	sfence.sel $0x180000  }
0x61: {  	s2 =	simm.s32 $0x1;
	[bflag:$0x0] =	sbarrier.arrive $0xFFFF  }
0x62: {  	s31 =	simm.s32 $0x2;
	[sflag:s2] =	ssyncpa.u1 $0x1  }
0x63: {  	[sflag:s31] =	ssyncpa.u1 $0x1  }
0x64: {  	p0 =	sne.s32 s1, $0x0;
	_ =	strace $0x9000004D  }
0x65: {  	s0 =	sadd.s32 @!p0 $0x100000, s0;
	[bflag:$0x2] =	sbarrier.arrive $0xFFFF  }
0x66: {  	[sflag:s0] =	ssyncadd.tile.s32 @!p0 $0x1;
	_ =	shalt  }
.Lfunc_end1:
_tile_overlayer_lowered:
.L_overlay_start_2:
0x67: {  	(tag) =	ssettag $0x2  }
0x68: {  	s0 =	rddreg [dreg:$0x0];
	s2 =	stileid.u32  }
0x69: {  	s1 =	rddreg [dreg:$0x1];
	p0 =	sne.s32 s2, $0x0  }
0x6a: {  	s3 =	rddreg [dreg:$0x2];
	[bflag:$0x3] =	sbarrier.arrive $0xFFFF;
	s2 =	simm.s32 @!p0 $0x1C01  }
0x6b: {  	[timem:s3], [sflag:s2] =	dma.local @!p0 [hbm:s0], s1  }
0x6c: {  	s0 =	simm.s32 @!p0 $0x1  }
0x6d: {  	_ =	swait.ge @!p0 [sflag:s0], s1  }
0x6e: {  	s1 =	ssub.s32 @!p0 $0x0, s1;
	[sflag:s0] =	ssyncset.done @!p0 $0x0  }
0x6f: {  	[sflag:s0] =	ssyncadd.s32 @!p0 s1  }
0x70: {  	[bflag:$0x3] =	sbarrier.arrive $0xFFFF  }
0x71: {  	_ =	shalt  }

</sc_bundles>
